<compile_context>
chip_gen: v7x
topology: tpu7x:2x2x1
jax: 0.10.2.dev20260603
libtpu: 0.0.44.dev20260713+nightly
codegen_flags: <defaults>
</compile_context>

<pallas_src>
import functools

import jax
import jax.numpy as jnp
from jax import lax
from jax.experimental import pallas as pl
from jax.experimental.pallas import tpu as pltpu
from jax.experimental.pallas import tpu_sc as plsc

D = 16
CROWS = 32
GRP = 128


@functools.partial(jax.jit, static_argnames=("n_rows", "n_cols"))
def _sc_embed(inp1d, sw, mask1d, aw, a0v, a1v, fkb2d, *, n_rows, n_cols):
    info = plsc.get_sparse_core_info()
    num_cores, num_subcores = info.num_cores, info.num_subcores
    num_workers = num_cores * num_subcores
    rows_w = n_rows // num_workers
    n_chunks = rows_w // CROWS
    kchunk = CROWS * n_cols
    n_grp = kchunk // GRP

    mesh = plsc.VectorSubcoreMesh(core_axis_name="c", subcore_axis_name="s")

    @functools.partial(
        pl.kernel,
        mesh=mesh,
        compiler_params=pltpu.CompilerParams(use_tc_tiling_on_sc=False),
        out_type=jax.ShapeDtypeStruct((n_rows, n_cols, D), jnp.float32),
        scratch_types=[
            pltpu.VMEM((n_grp, GRP), jnp.int32),
            pltpu.VMEM((kchunk, D), jnp.float32),
            pltpu.VMEM((kchunk, D), jnp.float32),
            pltpu.VMEM((kchunk, 2 * D), jnp.float32),
            pltpu.VMEM((kchunk,), jnp.float32),
            pltpu.VMEM((kchunk, D), jnp.float32),
            pltpu.VMEM((16,), jnp.float32),
            pltpu.VMEM((16,), jnp.float32),
            pltpu.SemaphoreType.DMA,
            pltpu.SemaphoreType.DMA,
        ],
    )
    def k(inp_hbm, sw_hbm, mask_hbm, aw_hbm, a0_hbm, a1_hbm, fkb_hbm, out_hbm,
          idx_v, sw_v, aw_v, fkb_v, msk_v, out_v, a0_v, a1_v, sem, osem):
        wid = lax.axis_index("s") * num_cores + lax.axis_index("c")
        base_row = wid * rows_w

        pltpu.sync_copy(a0_hbm, a0_v)
        pltpu.sync_copy(a1_hbm, a1_v)
        lane = lax.iota(jnp.int32, 16)
        ail = jnp.where(lane % 2 == 0, a0_v[...], a1_v[...])
        swap_idx = lane ^ 1
        evt_idx = (lane * 2) & 15
        lane_lt8 = lane < 8

        perm_dn = lax.GatherDimensionNumbers(
            offset_dims=(), collapsed_slice_dims=(0,), start_index_map=(0,))

        def _perm(x, idx):
            return lax.gather(x, idx[:, None], perm_dn, (1,),
                              mode=lax.GatherScatterMode.PROMISE_IN_BOUNDS)

        def chunk_body(c, _):
            row0 = base_row + c * CROWS
            off = row0 * n_cols
            idx_copies = [
                pltpu.async_copy(inp_hbm.at[pl.ds(off + j * GRP, GRP)],
                                 idx_v.at[j], sem)
                for j in range(n_grp)
            ]
            for cp in idx_copies:
                cp.wait()

            copies = []
            for j in range(n_grp):
                row = pl.ds(j * GRP, GRP)
                idx_j = idx_v.at[j]
                copies.append(pltpu.async_copy(sw_hbm.at[idx_j], sw_v.at[row], sem))
                copies.append(pltpu.async_copy(aw_hbm.at[idx_j], aw_v.at[row], sem))
                copies.append(pltpu.async_copy(fkb_hbm.at[idx_j], fkb_v.at[row], sem))
                copies.append(pltpu.async_copy(mask_hbm.at[idx_j], msk_v.at[row], sem))
            for cp in copies:
                cp.wait()

            def grp_body(g, _):
                sig16 = 1.0 / (1.0 + jnp.exp(-msk_v[pl.ds(g * 16, 16)]))
                base_i = g * 16
                for j in range(16):
                    i = base_i + j
                    u0 = ail * fkb_v[i, pl.ds(0, 16)]
                    u1 = ail * fkb_v[i, pl.ds(16, 16)]
                    v0 = u0 + _perm(u0, swap_idx)
                    v1 = u1 + _perm(u1, swap_idx)
                    comb = jnp.where(lane_lt8, _perm(v0, evt_idx),
                                     _perm(v1, evt_idx))
                    out_v[i] = sw_v[i] * sig16[j] + aw_v[i] + comb
                return 0

            lax.fori_loop(0, kchunk // 16, grp_body, 0)

            stores = [
                pltpu.async_copy(out_v.at[pl.ds(r * n_cols, n_cols)],
                                 out_hbm.at[row0 + r], osem)
                for r in range(CROWS)
            ]
            for cp in stores:
                cp.wait()
            return 0

        lax.fori_loop(0, n_chunks, chunk_body, 0)

    return k(inp1d, sw, mask1d, aw, a0v, a1v, fkb2d)


def kernel(input, sw, mask, aw, atten, from_kb):
    B, L = input.shape
    V = sw.shape[0]
    inp1d = input.reshape(B * L).astype(jnp.int32)
    swr = sw.reshape(-1).reshape(V, D)
    awr = aw.reshape(-1).reshape(V, D)
    fkb2d = from_kb.reshape(-1).reshape(V, 2 * D)
    a0v = jnp.full((16,), atten[0], jnp.float32)
    a1v = jnp.full((16,), atten[1], jnp.float32)
    return _sc_embed(inp1d, swr, mask, awr, a0v, a1v, fkb2d,
                     n_rows=B, n_cols=L)

# --- scband reference (transcript-rebuilt; emitter-appended) ---
"""Pipeline reference for scband-decomposed-embedding-79628693667922 (READ-ONLY COPY).

The authoritative reference and input builder live on the scoring server;
editing this copy changes nothing except your own understanding.
"""

import jax, jax.numpy as jnp
import numpy as np

V = 1000000   # in_features (vocab)
D = 16        # out_features (embed_dim)
K = 2         # knowledge-base task dim for atten/from_kb
B = 16384
L = 20


def setup_inputs(seed: int = 0) -> dict:
    key = jax.random.key(seed)
    k1, k2, k3, k4, k5, k6 = jax.random.split(key, 6)
    inp = jax.random.randint(k1, (B, L), 0, V, dtype=jnp.int64)
    bound = 1.0 / np.sqrt(V)
    sw = jax.random.uniform(k2, (V, D), dtype=jnp.float32, minval=-bound, maxval=bound)
    mask = jax.random.uniform(k3, (V,), dtype=jnp.float32, minval=-bound, maxval=bound)
    aw = jax.random.uniform(k4, (V, D), dtype=jnp.float32, minval=-bound, maxval=bound)
    atten = jax.random.uniform(k5, (K,), dtype=jnp.float32)
    from_kb = jax.random.normal(k6, (V, D, K), dtype=jnp.float32) * 0.01
    return {"input": inp, "sw": sw, "mask": mask, "aw": aw, "atten": atten, "from_kb": from_kb}


def reference(input, sw, mask, aw, atten, from_kb):
    # get_weight(): (sw.T * sigmoid(mask)).T + aw + sum(atten * from_kb, dim=-1)
    weight = sw * jax.nn.sigmoid(mask)[:, None] + aw + jnp.sum(atten * from_kb, axis=-1)
    # F.embedding(input, weight)
    return jnp.take(weight, input, axis=0)

if __name__ == "__main__":
    import jax
    _d = setup_inputs()
    print(jax.jit(kernel)(*tuple(_d.values())))

</pallas_src>

<mosaic_0001>
#map = affine_map<(d0, d1) -> (0)>
#map1 = affine_map<(d0, d1) -> (0, 0)>
#map2 = affine_map<(d0, d1) -> (0, 0, 0)>
module attributes {stable_mosaic.version = 14 : i64} {
  func.func @k(%arg0: i32, %arg1: i32, %arg2: memref<327680xi32, #tpu.memory_space<hbm>>, %arg3: memref<1000000x16xf32, #tpu.memory_space<hbm>>, %arg4: memref<1000000xf32, #tpu.memory_space<hbm>>, %arg5: memref<1000000x16xf32, #tpu.memory_space<hbm>>, %arg6: memref<16xf32, #tpu.memory_space<hbm>>, %arg7: memref<16xf32, #tpu.memory_space<hbm>>, %arg8: memref<1000000x32xf32, #tpu.memory_space<hbm>>, %arg9: memref<16384x20x16xf32, #tpu.memory_space<hbm>>, %arg10: memref<5x128xi32, #tpu.memory_space<vmem>>, %arg11: memref<640x16xf32, #tpu.memory_space<vmem>>, %arg12: memref<640x16xf32, #tpu.memory_space<vmem>>, %arg13: memref<640x32xf32, #tpu.memory_space<vmem>>, %arg14: memref<640xf32, #tpu.memory_space<vmem>>, %arg15: memref<640x16xf32, #tpu.memory_space<vmem>>, %arg16: memref<16xf32, #tpu.memory_space<vmem>>, %arg17: memref<16xf32, #tpu.memory_space<vmem>>, %arg18: memref<!tpu.dma_semaphore, #tpu.memory_space<semaphore_mem>>, %arg19: memref<!tpu.dma_semaphore, #tpu.memory_space<semaphore_mem>>) attributes {dimension_semantics = [#tpu.dimension_semantics<core_parallel>, #tpu.dimension_semantics<subcore_parallel>], iteration_bounds = array<i64: 2, 16>, scalar_prefetch = 0 : i64, scratch_operands = 10 : i64, tpu.core_type = #tpu.core_type<sc_vector_subcore>, window_params = [{transform_indices = #map}, {transform_indices = #map1}, {transform_indices = #map}, {transform_indices = #map1}, {transform_indices = #map}, {transform_indices = #map}, {transform_indices = #map1}, {transform_indices = #map2}]} {
    %mul3A = arith.constant 2 : i32
    %mul3A_0 = arith.muli %arg1, %mul3A : i32
    %add3A = arith.addi %mul3A_0, %arg0 : i32
    %mul3A_1 = arith.constant 512 : i32
    %mul3A_2 = arith.muli %add3A, %mul3A_1 : i32
    "tpu.region"() ({
      %run_scoped3A = tpu.sem_alloc : memref<!tpu.dma_semaphore, #tpu.memory_space<semaphore_mem>>
      tpu.enqueue_dma source(%arg6 : memref<16xf32, #tpu.memory_space<hbm>>) target(%arg16 : memref<16xf32, #tpu.memory_space<vmem>>) target_semaphore(%run_scoped3A : memref<!tpu.dma_semaphore, #tpu.memory_space<semaphore_mem>>)
      tpu.wait_dma2 semaphore(%run_scoped3A : memref<!tpu.dma_semaphore, #tpu.memory_space<semaphore_mem>>) src(%arg6 : memref<16xf32, #tpu.memory_space<hbm>>) dst(%arg16 : memref<16xf32, #tpu.memory_space<vmem>>)
      tpu.yield
    }) : () -> ()
    "tpu.region"() ({
      %run_scoped3A = tpu.sem_alloc : memref<!tpu.dma_semaphore, #tpu.memory_space<semaphore_mem>>
      tpu.enqueue_dma source(%arg7 : memref<16xf32, #tpu.memory_space<hbm>>) target(%arg17 : memref<16xf32, #tpu.memory_space<vmem>>) target_semaphore(%run_scoped3A : memref<!tpu.dma_semaphore, #tpu.memory_space<semaphore_mem>>)
      tpu.wait_dma2 semaphore(%run_scoped3A : memref<!tpu.dma_semaphore, #tpu.memory_space<semaphore_mem>>) src(%arg7 : memref<16xf32, #tpu.memory_space<hbm>>) dst(%arg17 : memref<16xf32, #tpu.memory_space<vmem>>)
      tpu.yield
    }) : () -> ()
    %iota3A = tpu.iota {dimensions = array<i32: 0>} : vector<16xi32>
    %jit3A = arith.constant 2 : i32
    %eq3A = arith.constant 0 : i32
    %eq3A_3 = arith.cmpi eq, %jit3A, %eq3A : i32
    %jit3A_4 = arith.constant 1 : i32
    %select_n3A = arith.select %eq3A_3, %jit3A_4, %jit3A : i32
    %rem3A = vector.broadcast %select_n3A : i32 to vector<16xi32>
    %rem3A_5 = arith.remsi %iota3A, %rem3A : vector<16xi32>
    %ne3A = arith.constant 0 : i32
    %ne3A_6 = vector.broadcast %ne3A : i32 to vector<16xi32>
    %ne3A_7 = arith.cmpi ne, %rem3A_5, %ne3A_6 : vector<16xi32>
    %lt3A = arith.constant 0 : i32
    %lt3A_8 = vector.broadcast %lt3A : i32 to vector<16xi32>
    %lt3A_9 = arith.cmpi slt, %rem3A_5, %lt3A_8 : vector<16xi32>
    %lt3A_10 = arith.constant 0 : i32
    %lt3A_11 = arith.cmpi slt, %select_n3A, %lt3A_10 : i32
    %ne3A_12 = vector.broadcast %lt3A_11 : i1 to vector<16xi1>
    %ne3A_13 = vector.broadcast %ne3A_12 : vector<16xi1> to vector<16xi1>
    %ne3A_14 = arith.xori %lt3A_9, %ne3A_13 : vector<16xi1>
    %and3A = arith.andi %ne3A_14, %ne3A_7 : vector<16xi1>
    %add3A_15 = vector.broadcast %select_n3A : i32 to vector<16xi32>
    %add3A_16 = arith.addi %rem3A_5, %add3A_15 : vector<16xi32>
    %select_n3A_17 = arith.select %and3A, %add3A_16, %rem3A_5 : vector<16xi1>, vector<16xi32>
    %eq3A_18 = arith.constant 0 : i32
    %eq3A_19 = vector.broadcast %eq3A_18 : i32 to vector<16xi32>
    %eq3A_20 = arith.cmpi eq, %select_n3A_17, %eq3A_19 : vector<16xi32>
    %get3A = arith.constant 0 : index
    %get3A_21 = tpu.vector_load %arg16[%get3A] {strides = array<i32>} : memref<16xf32, #tpu.memory_space<vmem>>, vector<16xf32>,
    %get3A_22 = vector.shape_cast %get3A_21 : vector<16xf32> to vector<16xf32>
    %get3A_23 = arith.constant 0 : index
    %get3A_24 = tpu.vector_load %arg17[%get3A_23] {strides = array<i32>} : memref<16xf32, #tpu.memory_space<vmem>>, vector<16xf32>,
    %get3A_25 = vector.shape_cast %get3A_24 : vector<16xf32> to vector<16xf32>
    %select_n3A_26 = arith.select %eq3A_20, %get3A_22, %get3A_25 : vector<16xi1>, vector<16xf32>
    %xor3A = arith.constant 1 : i32
    %xor3A_27 = vector.broadcast %xor3A : i32 to vector<16xi32>
    %xor3A_28 = arith.xori %iota3A, %xor3A_27 : vector<16xi32>
    %mul3A_29 = arith.constant 2 : i32
    %mul3A_30 = vector.broadcast %mul3A_29 : i32 to vector<16xi32>
    %mul3A_31 = arith.muli %iota3A, %mul3A_30 : vector<16xi32>
    %and3A_32 = arith.constant 15 : i32
    %and3A_33 = vector.broadcast %and3A_32 : i32 to vector<16xi32>
    %and3A_34 = arith.andi %mul3A_31, %and3A_33 : vector<16xi32>
    %lt3A_35 = arith.constant 8 : i32
    %lt3A_36 = vector.broadcast %lt3A_35 : i32 to vector<16xi32>
    %lt3A_37 = arith.cmpi slt, %iota3A, %lt3A_36 : vector<16xi32>
    %scan3A = arith.constant 0 : i32
    %scan3A_38 = arith.constant 0 : i32
    %scan3A_39 = arith.constant 16 : i32
    %scan3A_40 = arith.addi %scan3A_38, %scan3A_39 : i32
    %scan3A_41 = arith.constant 1 : i32
    %scan3A_42 = scf.for %scan3A_44 = %scan3A_38 to %scan3A_40 step %scan3A_41 iter_args(%scan3A_45 = %scan3A) -> (i32)  : i32 {
      %mul3A_46 = arith.constant 32 : i32
      %mul3A_47 = arith.muli %scan3A_44, %mul3A_46 : i32
      %add3A_48 = arith.addi %mul3A_2, %mul3A_47 : i32
      %mul3A_49 = arith.constant 20 : i32
      %mul3A_50 = arith.muli %add3A_48, %mul3A_49 : i32
      %add3A_51 = arith.constant 0 : i32
      %add3A_52 = arith.addi %mul3A_50, %add3A_51 : i32
      %dma_start3A = arith.constant 0 : i32
      %dma_start3A_53 = arith.constant 0 : i32
      %dma_start3A_54 = tpu.memref_slice %arg10[%dma_start3A, %dma_start3A_53] : memref<5x128xi32, #tpu.memory_space<vmem>> -> memref<1x128xi32, #tpu.memory_space<vmem>>
      %dma_start3A_55 = tpu.memref_squeeze %dma_start3A_54 : memref<1x128xi32, #tpu.memory_space<vmem>> -> memref<128xi32, #tpu.memory_space<vmem>>
      %dma_start3A_56 = tpu.memref_slice %arg2[%add3A_52] : memref<327680xi32, #tpu.memory_space<hbm>> -> memref<128xi32, #tpu.memory_space<hbm>>
      %dma_start3A_57 = arith.constant 0 : i32
      %dma_start3A_58 = tpu.memref_slice %arg10[%dma_start3A, %dma_start3A_57] : memref<5x128xi32, #tpu.memory_space<vmem>> -> memref<1x128xi32, #tpu.memory_space<vmem>>
      %dma_start3A_59 = tpu.memref_squeeze %dma_start3A_58 : memref<1x128xi32, #tpu.memory_space<vmem>> -> memref<128xi32, #tpu.memory_space<vmem>>
      %dma_start3A_60 = tpu.memref_slice %arg2[%add3A_52] : memref<327680xi32, #tpu.memory_space<hbm>> -> memref<128xi32, #tpu.memory_space<hbm>>
      tpu.enqueue_dma source(%dma_start3A_60 : memref<128xi32, #tpu.memory_space<hbm>>) target(%dma_start3A_59 : memref<128xi32, #tpu.memory_space<vmem>>) target_semaphore(%arg18 : memref<!tpu.dma_semaphore, #tpu.memory_space<semaphore_mem>>)
      %add3A_61 = arith.constant 128 : i32
      %add3A_62 = arith.addi %mul3A_50, %add3A_61 : i32
      %dma_start3A_63 = arith.constant 1 : i32
      %dma_start3A_64 = arith.constant 0 : i32
      %dma_start3A_65 = tpu.memref_slice %arg10[%dma_start3A_63, %dma_start3A_64] : memref<5x128xi32, #tpu.memory_space<vmem>> -> memref<1x128xi32, #tpu.memory_space<vmem>>
      %dma_start3A_66 = tpu.memref_squeeze %dma_start3A_65 : memref<1x128xi32, #tpu.memory_space<vmem>> -> memref<128xi32, #tpu.memory_space<vmem>>
      %dma_start3A_67 = tpu.memref_slice %arg2[%add3A_62] : memref<327680xi32, #tpu.memory_space<hbm>> -> memref<128xi32, #tpu.memory_space<hbm>>
      %dma_start3A_68 = arith.constant 0 : i32
      %dma_start3A_69 = tpu.memref_slice %arg10[%dma_start3A_63, %dma_start3A_68] : memref<5x128xi32, #tpu.memory_space<vmem>> -> memref<1x128xi32, #tpu.memory_space<vmem>>
      %dma_start3A_70 = tpu.memref_squeeze %dma_start3A_69 : memref<1x128xi32, #tpu.memory_space<vmem>> -> memref<128xi32, #tpu.memory_space<vmem>>
      %dma_start3A_71 = tpu.memref_slice %arg2[%add3A_62] : memref<327680xi32, #tpu.memory_space<hbm>> -> memref<128xi32, #tpu.memory_space<hbm>>
      tpu.enqueue_dma source(%dma_start3A_71 : memref<128xi32, #tpu.memory_space<hbm>>) target(%dma_start3A_70 : memref<128xi32, #tpu.memory_space<vmem>>) target_semaphore(%arg18 : memref<!tpu.dma_semaphore, #tpu.memory_space<semaphore_mem>>)
      %add3A_72 = arith.constant 256 : i32
      %add3A_73 = arith.addi %mul3A_50, %add3A_72 : i32
      %dma_start3A_74 = arith.constant 2 : i32
      %dma_start3A_75 = arith.constant 0 : i32
      %dma_start3A_76 = tpu.memref_slice %arg10[%dma_start3A_74, %dma_start3A_75] : memref<5x128xi32, #tpu.memory_space<vmem>> -> memref<1x128xi32, #tpu.memory_space<vmem>>
      %dma_start3A_77 = tpu.memref_squeeze %dma_start3A_76 : memref<1x128xi32, #tpu.memory_space<vmem>> -> memref<128xi32, #tpu.memory_space<vmem>>
      %dma_start3A_78 = tpu.memref_slice %arg2[%add3A_73] : memref<327680xi32, #tpu.memory_space<hbm>> -> memref<128xi32, #tpu.memory_space<hbm>>
      %dma_start3A_79 = arith.constant 0 : i32
      %dma_start3A_80 = tpu.memref_slice %arg10[%dma_start3A_74, %dma_start3A_79] : memref<5x128xi32, #tpu.memory_space<vmem>> -> memref<1x128xi32, #tpu.memory_space<vmem>>
      %dma_start3A_81 = tpu.memref_squeeze %dma_start3A_80 : memref<1x128xi32, #tpu.memory_space<vmem>> -> memref<128xi32, #tpu.memory_space<vmem>>
      %dma_start3A_82 = tpu.memref_slice %arg2[%add3A_73] : memref<327680xi32, #tpu.memory_space<hbm>> -> memref<128xi32, #tpu.memory_space<hbm>>
      tpu.enqueue_dma source(%dma_start3A_82 : memref<128xi32, #tpu.memory_space<hbm>>) target(%dma_start3A_81 : memref<128xi32, #tpu.memory_space<vmem>>) target_semaphore(%arg18 : memref<!tpu.dma_semaphore, #tpu.memory_space<semaphore_mem>>)
      %add3A_83 = arith.constant 384 : i32
      %add3A_84 = arith.addi %mul3A_50, %add3A_83 : i32
      %dma_start3A_85 = arith.constant 3 : i32
      %dma_start3A_86 = arith.constant 0 : i32
      %dma_start3A_87 = tpu.memref_slice %arg10[%dma_start3A_85, %dma_start3A_86] : memref<5x128xi32, #tpu.memory_space<vmem>> -> memref<1x128xi32, #tpu.memory_space<vmem>>
      %dma_start3A_88 = tpu.memref_squeeze %dma_start3A_87 : memref<1x128xi32, #tpu.memory_space<vmem>> -> memref<128xi32, #tpu.memory_space<vmem>>
      %dma_start3A_89 = tpu.memref_slice %arg2[%add3A_84] : memref<327680xi32, #tpu.memory_space<hbm>> -> memref<128xi32, #tpu.memory_space<hbm>>
      %dma_start3A_90 = arith.constant 0 : i32
      %dma_start3A_91 = tpu.memref_slice %arg10[%dma_start3A_85, %dma_start3A_90] : memref<5x128xi32, #tpu.memory_space<vmem>> -> memref<1x128xi32, #tpu.memory_space<vmem>>
      %dma_start3A_92 = tpu.memref_squeeze %dma_start3A_91 : memref<1x128xi32, #tpu.memory_space<vmem>> -> memref<128xi32, #tpu.memory_space<vmem>>
      %dma_start3A_93 = tpu.memref_slice %arg2[%add3A_84] : memref<327680xi32, #tpu.memory_space<hbm>> -> memref<128xi32, #tpu.memory_space<hbm>>
      tpu.enqueue_dma source(%dma_start3A_93 : memref<128xi32, #tpu.memory_space<hbm>>) target(%dma_start3A_92 : memref<128xi32, #tpu.memory_space<vmem>>) target_semaphore(%arg18 : memref<!tpu.dma_semaphore, #tpu.memory_space<semaphore_mem>>)
      %add3A_94 = arith.constant 512 : i32
      %add3A_95 = arith.addi %mul3A_50, %add3A_94 : i32
      %dma_start3A_96 = arith.constant 4 : i32
      %dma_start3A_97 = arith.constant 0 : i32
      %dma_start3A_98 = tpu.memref_slice %arg10[%dma_start3A_96, %dma_start3A_97] : memref<5x128xi32, #tpu.memory_space<vmem>> -> memref<1x128xi32, #tpu.memory_space<vmem>>
      %dma_start3A_99 = tpu.memref_squeeze %dma_start3A_98 : memref<1x128xi32, #tpu.memory_space<vmem>> -> memref<128xi32, #tpu.memory_space<vmem>>
      %dma_start3A_100 = tpu.memref_slice %arg2[%add3A_95] : memref<327680xi32, #tpu.memory_space<hbm>> -> memref<128xi32, #tpu.memory_space<hbm>>
      %dma_start3A_101 = arith.constant 0 : i32
      %dma_start3A_102 = tpu.memref_slice %arg10[%dma_start3A_96, %dma_start3A_101] : memref<5x128xi32, #tpu.memory_space<vmem>> -> memref<1x128xi32, #tpu.memory_space<vmem>>
      %dma_start3A_103 = tpu.memref_squeeze %dma_start3A_102 : memref<1x128xi32, #tpu.memory_space<vmem>> -> memref<128xi32, #tpu.memory_space<vmem>>
      %dma_start3A_104 = tpu.memref_slice %arg2[%add3A_95] : memref<327680xi32, #tpu.memory_space<hbm>> -> memref<128xi32, #tpu.memory_space<hbm>>
      tpu.enqueue_dma source(%dma_start3A_104 : memref<128xi32, #tpu.memory_space<hbm>>) target(%dma_start3A_103 : memref<128xi32, #tpu.memory_space<vmem>>) target_semaphore(%arg18 : memref<!tpu.dma_semaphore, #tpu.memory_space<semaphore_mem>>)
      %dma_wait3A = arith.constant 0 : i32
      %dma_wait3A_105 = arith.constant 0 : i32
      %dma_wait3A_106 = tpu.memref_slice %arg10[%dma_wait3A, %dma_wait3A_105] : memref<5x128xi32, #tpu.memory_space<vmem>> -> memref<1x128xi32, #tpu.memory_space<vmem>>
      %dma_wait3A_107 = tpu.memref_squeeze %dma_wait3A_106 : memref<1x128xi32, #tpu.memory_space<vmem>> -> memref<128xi32, #tpu.memory_space<vmem>>
      %dma_wait3A_108 = tpu.memref_slice %arg2[%add3A_52] : memref<327680xi32, #tpu.memory_space<hbm>> -> memref<128xi32, #tpu.memory_space<hbm>>
      %dma_wait3A_109 = arith.constant 0 : i32
      %dma_wait3A_110 = tpu.memref_slice %arg10[%dma_wait3A, %dma_wait3A_109] : memref<5x128xi32, #tpu.memory_space<vmem>> -> memref<1x128xi32, #tpu.memory_space<vmem>>
      %dma_wait3A_111 = tpu.memref_squeeze %dma_wait3A_110 : memref<1x128xi32, #tpu.memory_space<vmem>> -> memref<128xi32, #tpu.memory_space<vmem>>
      %dma_wait3A_112 = tpu.memref_slice %arg2[%add3A_52] : memref<327680xi32, #tpu.memory_space<hbm>> -> memref<128xi32, #tpu.memory_space<hbm>>
      tpu.wait_dma2 semaphore(%arg18 : memref<!tpu.dma_semaphore, #tpu.memory_space<semaphore_mem>>) src(%dma_wait3A_112 : memref<128xi32, #tpu.memory_space<hbm>>) dst(%dma_wait3A_111 : memref<128xi32, #tpu.memory_space<vmem>>)
      %dma_wait3A_113 = arith.constant 1 : i32
      %dma_wait3A_114 = arith.constant 0 : i32
      %dma_wait3A_115 = tpu.memref_slice %arg10[%dma_wait3A_113, %dma_wait3A_114] : memref<5x128xi32, #tpu.memory_space<vmem>> -> memref<1x128xi32, #tpu.memory_space<vmem>>
      %dma_wait3A_116 = tpu.memref_squeeze %dma_wait3A_115 : memref<1x128xi32, #tpu.memory_space<vmem>> -> memref<128xi32, #tpu.memory_space<vmem>>
      %dma_wait3A_117 = tpu.memref_slice %arg2[%add3A_62] : memref<327680xi32, #tpu.memory_space<hbm>> -> memref<128xi32, #tpu.memory_space<hbm>>
      %dma_wait3A_118 = arith.constant 0 : i32
      %dma_wait3A_119 = tpu.memref_slice %arg10[%dma_wait3A_113, %dma_wait3A_118] : memref<5x128xi32, #tpu.memory_space<vmem>> -> memref<1x128xi32, #tpu.memory_space<vmem>>
      %dma_wait3A_120 = tpu.memref_squeeze %dma_wait3A_119 : memref<1x128xi32, #tpu.memory_space<vmem>> -> memref<128xi32, #tpu.memory_space<vmem>>
      %dma_wait3A_121 = tpu.memref_slice %arg2[%add3A_62] : memref<327680xi32, #tpu.memory_space<hbm>> -> memref<128xi32, #tpu.memory_space<hbm>>
      tpu.wait_dma2 semaphore(%arg18 : memref<!tpu.dma_semaphore, #tpu.memory_space<semaphore_mem>>) src(%dma_wait3A_121 : memref<128xi32, #tpu.memory_space<hbm>>) dst(%dma_wait3A_120 : memref<128xi32, #tpu.memory_space<vmem>>)
      %dma_wait3A_122 = arith.constant 2 : i32
      %dma_wait3A_123 = arith.constant 0 : i32
      %dma_wait3A_124 = tpu.memref_slice %arg10[%dma_wait3A_122, %dma_wait3A_123] : memref<5x128xi32, #tpu.memory_space<vmem>> -> memref<1x128xi32, #tpu.memory_space<vmem>>
      %dma_wait3A_125 = tpu.memref_squeeze %dma_wait3A_124 : memref<1x128xi32, #tpu.memory_space<vmem>> -> memref<128xi32, #tpu.memory_space<vmem>>
      %dma_wait3A_126 = tpu.memref_slice %arg2[%add3A_73] : memref<327680xi32, #tpu.memory_space<hbm>> -> memref<128xi32, #tpu.memory_space<hbm>>
      %dma_wait3A_127 = arith.constant 0 : i32
      %dma_wait3A_128 = tpu.memref_slice %arg10[%dma_wait3A_122, %dma_wait3A_127] : memref<5x128xi32, #tpu.memory_space<vmem>> -> memref<1x128xi32, #tpu.memory_space<vmem>>
      %dma_wait3A_129 = tpu.memref_squeeze %dma_wait3A_128 : memref<1x128xi32, #tpu.memory_space<vmem>> -> memref<128xi32, #tpu.memory_space<vmem>>
      %dma_wait3A_130 = tpu.memref_slice %arg2[%add3A_73] : memref<327680xi32, #tpu.memory_space<hbm>> -> memref<128xi32, #tpu.memory_space<hbm>>
      tpu.wait_dma2 semaphore(%arg18 : memref<!tpu.dma_semaphore, #tpu.memory_space<semaphore_mem>>) src(%dma_wait3A_130 : memref<128xi32, #tpu.memory_space<hbm>>) dst(%dma_wait3A_129 : memref<128xi32, #tpu.memory_space<vmem>>)
      %dma_wait3A_131 = arith.constant 3 : i32
      %dma_wait3A_132 = arith.constant 0 : i32
      %dma_wait3A_133 = tpu.memref_slice %arg10[%dma_wait3A_131, %dma_wait3A_132] : memref<5x128xi32, #tpu.memory_space<vmem>> -> memref<1x128xi32, #tpu.memory_space<vmem>>
      %dma_wait3A_134 = tpu.memref_squeeze %dma_wait3A_133 : memref<1x128xi32, #tpu.memory_space<vmem>> -> memref<128xi32, #tpu.memory_space<vmem>>
      %dma_wait3A_135 = tpu.memref_slice %arg2[%add3A_84] : memref<327680xi32, #tpu.memory_space<hbm>> -> memref<128xi32, #tpu.memory_space<hbm>>
      %dma_wait3A_136 = arith.constant 0 : i32
      %dma_wait3A_137 = tpu.memref_slice %arg10[%dma_wait3A_131, %dma_wait3A_136] : memref<5x128xi32, #tpu.memory_space<vmem>> -> memref<1x128xi32, #tpu.memory_space<vmem>>
      %dma_wait3A_138 = tpu.memref_squeeze %dma_wait3A_137 : memref<1x128xi32, #tpu.memory_space<vmem>> -> memref<128xi32, #tpu.memory_space<vmem>>
      %dma_wait3A_139 = tpu.memref_slice %arg2[%add3A_84] : memref<327680xi32, #tpu.memory_space<hbm>> -> memref<128xi32, #tpu.memory_space<hbm>>
      tpu.wait_dma2 semaphore(%arg18 : memref<!tpu.dma_semaphore, #tpu.memory_space<semaphore_mem>>) src(%dma_wait3A_139 : memref<128xi32, #tpu.memory_space<hbm>>) dst(%dma_wait3A_138 : memref<128xi32, #tpu.memory_space<vmem>>)
      %dma_wait3A_140 = arith.constant 4 : i32
      %dma_wait3A_141 = arith.constant 0 : i32
      %dma_wait3A_142 = tpu.memref_slice %arg10[%dma_wait3A_140, %dma_wait3A_141] : memref<5x128xi32, #tpu.memory_space<vmem>> -> memref<1x128xi32, #tpu.memory_space<vmem>>
      %dma_wait3A_143 = tpu.memref_squeeze %dma_wait3A_142 : memref<1x128xi32, #tpu.memory_space<vmem>> -> memref<128xi32, #tpu.memory_space<vmem>>
      %dma_wait3A_144 = tpu.memref_slice %arg2[%add3A_95] : memref<327680xi32, #tpu.memory_space<hbm>> -> memref<128xi32, #tpu.memory_space<hbm>>
      %dma_wait3A_145 = arith.constant 0 : i32
      %dma_wait3A_146 = tpu.memref_slice %arg10[%dma_wait3A_140, %dma_wait3A_145] : memref<5x128xi32, #tpu.memory_space<vmem>> -> memref<1x128xi32, #tpu.memory_space<vmem>>
      %dma_wait3A_147 = tpu.memref_squeeze %dma_wait3A_146 : memref<1x128xi32, #tpu.memory_space<vmem>> -> memref<128xi32, #tpu.memory_space<vmem>>
      %dma_wait3A_148 = tpu.memref_slice %arg2[%add3A_95] : memref<327680xi32, #tpu.memory_space<hbm>> -> memref<128xi32, #tpu.memory_space<hbm>>
      tpu.wait_dma2 semaphore(%arg18 : memref<!tpu.dma_semaphore, #tpu.memory_space<semaphore_mem>>) src(%dma_wait3A_148 : memref<128xi32, #tpu.memory_space<hbm>>) dst(%dma_wait3A_147 : memref<128xi32, #tpu.memory_space<vmem>>)
      %dma_start3A_149 = arith.constant 0 : i32
      %dma_start3A_150 = arith.constant 0 : i32
      %dma_start3A_151 = arith.constant 0 : i32
      %dma_start3A_152 = tpu.memref_slice %arg11[%dma_start3A_150, %dma_start3A_151] : memref<640x16xf32, #tpu.memory_space<vmem>> -> memref<128x16xf32, #tpu.memory_space<vmem>>
      %dma_start3A_153 = arith.constant 0 : i32
      %dma_start3A_154 = tpu.memref_slice %arg10[%dma_start3A_149, %dma_start3A_153] : memref<5x128xi32, #tpu.memory_space<vmem>> -> memref<1x128xi32, #tpu.memory_space<vmem>>
      %dma_start3A_155 = tpu.memref_squeeze %dma_start3A_154 : memref<1x128xi32, #tpu.memory_space<vmem>> -> memref<128xi32, #tpu.memory_space<vmem>>
      %dma_start3A_156 = arith.constant 0 : i32
      %dma_start3A_157 = arith.constant 0 : i32
      %dma_start3A_158 = tpu.memref_slice %arg3[%dma_start3A_156, %dma_start3A_157] : memref<1000000x16xf32, #tpu.memory_space<hbm>> -> memref<1000000x16xf32, #tpu.memory_space<hbm>>
      tpu.enqueue_indirect_dma source(%dma_start3A_158 : memref<1000000x16xf32, #tpu.memory_space<hbm>>) target(%dma_start3A_152 : memref<128x16xf32, #tpu.memory_space<vmem>>) offsets(%dma_start3A_155 : memref<128xi32, #tpu.memory_space<vmem>>) semaphore(%arg18 : memref<!tpu.dma_semaphore, #tpu.memory_space<semaphore_mem>>)
      %dma_start3A_159 = arith.constant 0 : i32
      %dma_start3A_160 = arith.constant 0 : i32
      %dma_start3A_161 = arith.constant 0 : i32
      %dma_start3A_162 = tpu.memref_slice %arg12[%dma_start3A_160, %dma_start3A_161] : memref<640x16xf32, #tpu.memory_space<vmem>> -> memref<128x16xf32, #tpu.memory_space<vmem>>
      %dma_start3A_163 = arith.constant 0 : i32
      %dma_start3A_164 = tpu.memref_slice %arg10[%dma_start3A_159, %dma_start3A_163] : memref<5x128xi32, #tpu.memory_space<vmem>> -> memref<1x128xi32, #tpu.memory_space<vmem>>
      %dma_start3A_165 = tpu.memref_squeeze %dma_start3A_164 : memref<1x128xi32, #tpu.memory_space<vmem>> -> memref<128xi32, #tpu.memory_space<vmem>>
      %dma_start3A_166 = arith.constant 0 : i32
      %dma_start3A_167 = arith.constant 0 : i32
      %dma_start3A_168 = tpu.memref_slice %arg5[%dma_start3A_166, %dma_start3A_167] : memref<1000000x16xf32, #tpu.memory_space<hbm>> -> memref<1000000x16xf32, #tpu.memory_space<hbm>>
      tpu.enqueue_indirect_dma source(%dma_start3A_168 : memref<1000000x16xf32, #tpu.memory_space<hbm>>) target(%dma_start3A_162 : memref<128x16xf32, #tpu.memory_space<vmem>>) offsets(%dma_start3A_165 : memref<128xi32, #tpu.memory_space<vmem>>) semaphore(%arg18 : memref<!tpu.dma_semaphore, #tpu.memory_space<semaphore_mem>>)
      %dma_start3A_169 = arith.constant 0 : i32
      %dma_start3A_170 = arith.constant 0 : i32
      %dma_start3A_171 = arith.constant 0 : i32
      %dma_start3A_172 = tpu.memref_slice %arg13[%dma_start3A_170, %dma_start3A_171] : memref<640x32xf32, #tpu.memory_space<vmem>> -> memref<128x32xf32, #tpu.memory_space<vmem>>
      %dma_start3A_173 = arith.constant 0 : i32
      %dma_start3A_174 = tpu.memref_slice %arg10[%dma_start3A_169, %dma_start3A_173] : memref<5x128xi32, #tpu.memory_space<vmem>> -> memref<1x128xi32, #tpu.memory_space<vmem>>
      %dma_start3A_175 = tpu.memref_squeeze %dma_start3A_174 : memref<1x128xi32, #tpu.memory_space<vmem>> -> memref<128xi32, #tpu.memory_space<vmem>>
      %dma_start3A_176 = arith.constant 0 : i32
      %dma_start3A_177 = arith.constant 0 : i32
      %dma_start3A_178 = tpu.memref_slice %arg8[%dma_start3A_176, %dma_start3A_177] : memref<1000000x32xf32, #tpu.memory_space<hbm>> -> memref<1000000x32xf32, #tpu.memory_space<hbm>>
      tpu.enqueue_indirect_dma source(%dma_start3A_178 : memref<1000000x32xf32, #tpu.memory_space<hbm>>) target(%dma_start3A_172 : memref<128x32xf32, #tpu.memory_space<vmem>>) offsets(%dma_start3A_175 : memref<128xi32, #tpu.memory_space<vmem>>) semaphore(%arg18 : memref<!tpu.dma_semaphore, #tpu.memory_space<semaphore_mem>>)
      %dma_start3A_179 = arith.constant 0 : i32
      %dma_start3A_180 = arith.constant 0 : i32
      %dma_start3A_181 = tpu.memref_slice %arg14[%dma_start3A_180] : memref<640xf32, #tpu.memory_space<vmem>> -> memref<128xf32, #tpu.memory_space<vmem>>
      %dma_start3A_182 = arith.constant 0 : i32
      %dma_start3A_183 = tpu.memref_slice %arg10[%dma_start3A_179, %dma_start3A_182] : memref<5x128xi32, #tpu.memory_space<vmem>> -> memref<1x128xi32, #tpu.memory_space<vmem>>
      %dma_start3A_184 = tpu.memref_squeeze %dma_start3A_183 : memref<1x128xi32, #tpu.memory_space<vmem>> -> memref<128xi32, #tpu.memory_space<vmem>>
      %dma_start3A_185 = arith.constant 0 : i32
      %dma_start3A_186 = tpu.memref_slice %arg4[%dma_start3A_185] : memref<1000000xf32, #tpu.memory_space<hbm>> -> memref<1000000xf32, #tpu.memory_space<hbm>>
      tpu.enqueue_indirect_dma source(%dma_start3A_186 : memref<1000000xf32, #tpu.memory_space<hbm>>) target(%dma_start3A_181 : memref<128xf32, #tpu.memory_space<vmem>>) offsets(%dma_start3A_184 : memref<128xi32, #tpu.memory_space<vmem>>) semaphore(%arg18 : memref<!tpu.dma_semaphore, #tpu.memory_space<semaphore_mem>>)
      %dma_start3A_187 = arith.constant 1 : i32
      %dma_start3A_188 = arith.constant 128 : i32
      %dma_start3A_189 = arith.constant 0 : i32
      %dma_start3A_190 = tpu.memref_slice %arg11[%dma_start3A_188, %dma_start3A_189] : memref<640x16xf32, #tpu.memory_space<vmem>> -> memref<128x16xf32, #tpu.memory_space<vmem>>
      %dma_start3A_191 = arith.constant 0 : i32
      %dma_start3A_192 = tpu.memref_slice %arg10[%dma_start3A_187, %dma_start3A_191] : memref<5x128xi32, #tpu.memory_space<vmem>> -> memref<1x128xi32, #tpu.memory_space<vmem>>
      %dma_start3A_193 = tpu.memref_squeeze %dma_start3A_192 : memref<1x128xi32, #tpu.memory_space<vmem>> -> memref<128xi32, #tpu.memory_space<vmem>>
      %dma_start3A_194 = arith.constant 0 : i32
      %dma_start3A_195 = arith.constant 0 : i32
      %dma_start3A_196 = tpu.memref_slice %arg3[%dma_start3A_194, %dma_start3A_195] : memref<1000000x16xf32, #tpu.memory_space<hbm>> -> memref<1000000x16xf32, #tpu.memory_space<hbm>>
      tpu.enqueue_indirect_dma source(%dma_start3A_196 : memref<1000000x16xf32, #tpu.memory_space<hbm>>) target(%dma_start3A_190 : memref<128x16xf32, #tpu.memory_space<vmem>>) offsets(%dma_start3A_193 : memref<128xi32, #tpu.memory_space<vmem>>) semaphore(%arg18 : memref<!tpu.dma_semaphore, #tpu.memory_space<semaphore_mem>>)
      %dma_start3A_197 = arith.constant 1 : i32
      %dma_start3A_198 = arith.constant 128 : i32
      %dma_start3A_199 = arith.constant 0 : i32
      %dma_start3A_200 = tpu.memref_slice %arg12[%dma_start3A_198, %dma_start3A_199] : memref<640x16xf32, #tpu.memory_space<vmem>> -> memref<128x16xf32, #tpu.memory_space<vmem>>
      %dma_start3A_201 = arith.constant 0 : i32
      %dma_start3A_202 = tpu.memref_slice %arg10[%dma_start3A_197, %dma_start3A_201] : memref<5x128xi32, #tpu.memory_space<vmem>> -> memref<1x128xi32, #tpu.memory_space<vmem>>
      %dma_start3A_203 = tpu.memref_squeeze %dma_start3A_202 : memref<1x128xi32, #tpu.memory_space<vmem>> -> memref<128xi32, #tpu.memory_space<vmem>>
      %dma_start3A_204 = arith.constant 0 : i32
      %dma_start3A_205 = arith.constant 0 : i32
      %dma_start3A_206 = tpu.memref_slice %arg5[%dma_start3A_204, %dma_start3A_205] : memref<1000000x16xf32, #tpu.memory_space<hbm>> -> memref<1000000x16xf32, #tpu.memory_space<hbm>>
      tpu.enqueue_indirect_dma source(%dma_start3A_206 : memref<1000000x16xf32, #tpu.memory_space<hbm>>) target(%dma_start3A_200 : memref<128x16xf32, #tpu.memory_space<vmem>>) offsets(%dma_start3A_203 : memref<128xi32, #tpu.memory_space<vmem>>) semaphore(%arg18 : memref<!tpu.dma_semaphore, #tpu.memory_space<semaphore_mem>>)
      %dma_start3A_207 = arith.constant 1 : i32
      %dma_start3A_208 = arith.constant 128 : i32
      %dma_start3A_209 = arith.constant 0 : i32
      %dma_start3A_210 = tpu.memref_slice %arg13[%dma_start3A_208, %dma_start3A_209] : memref<640x32xf32, #tpu.memory_space<vmem>> -> memref<128x32xf32, #tpu.memory_space<vmem>>
      %dma_start3A_211 = arith.constant 0 : i32
      %dma_start3A_212 = tpu.memref_slice %arg10[%dma_start3A_207, %dma_start3A_211] : memref<5x128xi32, #tpu.memory_space<vmem>> -> memref<1x128xi32, #tpu.memory_space<vmem>>
      %dma_start3A_213 = tpu.memref_squeeze %dma_start3A_212 : memref<1x128xi32, #tpu.memory_space<vmem>> -> memref<128xi32, #tpu.memory_space<vmem>>
      %dma_start3A_214 = arith.constant 0 : i32
      %dma_start3A_215 = arith.constant 0 : i32
      %dma_start3A_216 = tpu.memref_slice %arg8[%dma_start3A_214, %dma_start3A_215] : memref<1000000x32xf32, #tpu.memory_space<hbm>> -> memref<1000000x32xf32, #tpu.memory_space<hbm>>
      tpu.enqueue_indirect_dma source(%dma_start3A_216 : memref<1000000x32xf32, #tpu.memory_space<hbm>>) target(%dma_start3A_210 : memref<128x32xf32, #tpu.memory_space<vmem>>) offsets(%dma_start3A_213 : memref<128xi32, #tpu.memory_space<vmem>>) semaphore(%arg18 : memref<!tpu.dma_semaphore, #tpu.memory_space<semaphore_mem>>)
      %dma_start3A_217 = arith.constant 1 : i32
      %dma_start3A_218 = arith.constant 128 : i32
      %dma_start3A_219 = tpu.memref_slice %arg14[%dma_start3A_218] : memref<640xf32, #tpu.memory_space<vmem>> -> memref<128xf32, #tpu.memory_space<vmem>>
      %dma_start3A_220 = arith.constant 0 : i32
      %dma_start3A_221 = tpu.memref_slice %arg10[%dma_start3A_217, %dma_start3A_220] : memref<5x128xi32, #tpu.memory_space<vmem>> -> memref<1x128xi32, #tpu.memory_space<vmem>>
      %dma_start3A_222 = tpu.memref_squeeze %dma_start3A_221 : memref<1x128xi32, #tpu.memory_space<vmem>> -> memref<128xi32, #tpu.memory_space<vmem>>
      %dma_start3A_223 = arith.constant 0 : i32
      %dma_start3A_224 = tpu.memref_slice %arg4[%dma_start3A_223] : memref<1000000xf32, #tpu.memory_space<hbm>> -> memref<1000000xf32, #tpu.memory_space<hbm>>
      tpu.enqueue_indirect_dma source(%dma_start3A_224 : memref<1000000xf32, #tpu.memory_space<hbm>>) target(%dma_start3A_219 : memref<128xf32, #tpu.memory_space<vmem>>) offsets(%dma_start3A_222 : memref<128xi32, #tpu.memory_space<vmem>>) semaphore(%arg18 : memref<!tpu.dma_semaphore, #tpu.memory_space<semaphore_mem>>)
      %dma_start3A_225 = arith.constant 2 : i32
      %dma_start3A_226 = arith.constant 256 : i32
      %dma_start3A_227 = arith.constant 0 : i32
      %dma_start3A_228 = tpu.memref_slice %arg11[%dma_start3A_226, %dma_start3A_227] : memref<640x16xf32, #tpu.memory_space<vmem>> -> memref<128x16xf32, #tpu.memory_space<vmem>>
      %dma_start3A_229 = arith.constant 0 : i32
      %dma_start3A_230 = tpu.memref_slice %arg10[%dma_start3A_225, %dma_start3A_229] : memref<5x128xi32, #tpu.memory_space<vmem>> -> memref<1x128xi32, #tpu.memory_space<vmem>>
      %dma_start3A_231 = tpu.memref_squeeze %dma_start3A_230 : memref<1x128xi32, #tpu.memory_space<vmem>> -> memref<128xi32, #tpu.memory_space<vmem>>
      %dma_start3A_232 = arith.constant 0 : i32
      %dma_start3A_233 = arith.constant 0 : i32
      %dma_start3A_234 = tpu.memref_slice %arg3[%dma_start3A_232, %dma_start3A_233] : memref<1000000x16xf32, #tpu.memory_space<hbm>> -> memref<1000000x16xf32, #tpu.memory_space<hbm>>
      tpu.enqueue_indirect_dma source(%dma_start3A_234 : memref<1000000x16xf32, #tpu.memory_space<hbm>>) target(%dma_start3A_228 : memref<128x16xf32, #tpu.memory_space<vmem>>) offsets(%dma_start3A_231 : memref<128xi32, #tpu.memory_space<vmem>>) semaphore(%arg18 : memref<!tpu.dma_semaphore, #tpu.memory_space<semaphore_mem>>)
      %dma_start3A_235 = arith.constant 2 : i32
      %dma_start3A_236 = arith.constant 256 : i32
      %dma_start3A_237 = arith.constant 0 : i32
      %dma_start3A_238 = tpu.memref_slice %arg12[%dma_start3A_236, %dma_start3A_237] : memref<640x16xf32, #tpu.memory_space<vmem>> -> memref<128x16xf32, #tpu.memory_space<vmem>>
      %dma_start3A_239 = arith.constant 0 : i32
      %dma_start3A_240 = tpu.memref_slice %arg10[%dma_start3A_235, %dma_start3A_239] : memref<5x128xi32, #tpu.memory_space<vmem>> -> memref<1x128xi32, #tpu.memory_space<vmem>>
      %dma_start3A_241 = tpu.memref_squeeze %dma_start3A_240 : memref<1x128xi32, #tpu.memory_space<vmem>> -> memref<128xi32, #tpu.memory_space<vmem>>
      %dma_start3A_242 = arith.constant 0 : i32
      %dma_start3A_243 = arith.constant 0 : i32
      %dma_start3A_244 = tpu.memref_slice %arg5[%dma_start3A_242, %dma_start3A_243] : memref<1000000x16xf32, #tpu.memory_space<hbm>> -> memref<1000000x16xf32, #tpu.memory_space<hbm>>
      tpu.enqueue_indirect_dma source(%dma_start3A_244 : memref<1000000x16xf32, #tpu.memory_space<hbm>>) target(%dma_start3A_238 : memref<128x16xf32, #tpu.memory_space<vmem>>) offsets(%dma_start3A_241 : memref<128xi32, #tpu.memory_space<vmem>>) semaphore(%arg18 : memref<!tpu.dma_semaphore, #tpu.memory_space<semaphore_mem>>)
      %dma_start3A_245 = arith.constant 2 : i32
      %dma_start3A_246 = arith.constant 256 : i32
      %dma_start3A_247 = arith.constant 0 : i32
      %dma_start3A_248 = tpu.memref_slice %arg13[%dma_start3A_246, %dma_start3A_247] : memref<640x32xf32, #tpu.memory_space<vmem>> -> memref<128x32xf32, #tpu.memory_space<vmem>>
      %dma_start3A_249 = arith.constant 0 : i32
      %dma_start3A_250 = tpu.memref_slice %arg10[%dma_start3A_245, %dma_start3A_249] : memref<5x128xi32, #tpu.memory_space<vmem>> -> memref<1x128xi32, #tpu.memory_space<vmem>>
      %dma_start3A_251 = tpu.memref_squeeze %dma_start3A_250 : memref<1x128xi32, #tpu.memory_space<vmem>> -> memref<128xi32, #tpu.memory_space<vmem>>
      %dma_start3A_252 = arith.constant 0 : i32
      %dma_start3A_253 = arith.constant 0 : i32
      %dma_start3A_254 = tpu.memref_slice %arg8[%dma_start3A_252, %dma_start3A_253] : memref<1000000x32xf32, #tpu.memory_space<hbm>> -> memref<1000000x32xf32, #tpu.memory_space<hbm>>
      tpu.enqueue_indirect_dma source(%dma_start3A_254 : memref<1000000x32xf32, #tpu.memory_space<hbm>>) target(%dma_start3A_248 : memref<128x32xf32, #tpu.memory_space<vmem>>) offsets(%dma_start3A_251 : memref<128xi32, #tpu.memory_space<vmem>>) semaphore(%arg18 : memref<!tpu.dma_semaphore, #tpu.memory_space<semaphore_mem>>)
      %dma_start3A_255 = arith.constant 2 : i32
      %dma_start3A_256 = arith.constant 256 : i32
      %dma_start3A_257 = tpu.memref_slice %arg14[%dma_start3A_256] : memref<640xf32, #tpu.memory_space<vmem>> -> memref<128xf32, #tpu.memory_space<vmem>>
      %dma_start3A_258 = arith.constant 0 : i32
      %dma_start3A_259 = tpu.memref_slice %arg10[%dma_start3A_255, %dma_start3A_258] : memref<5x128xi32, #tpu.memory_space<vmem>> -> memref<1x128xi32, #tpu.memory_space<vmem>>
      %dma_start3A_260 = tpu.memref_squeeze %dma_start3A_259 : memref<1x128xi32, #tpu.memory_space<vmem>> -> memref<128xi32, #tpu.memory_space<vmem>>
      %dma_start3A_261 = arith.constant 0 : i32
      %dma_start3A_262 = tpu.memref_slice %arg4[%dma_start3A_261] : memref<1000000xf32, #tpu.memory_space<hbm>> -> memref<1000000xf32, #tpu.memory_space<hbm>>
      tpu.enqueue_indirect_dma source(%dma_start3A_262 : memref<1000000xf32, #tpu.memory_space<hbm>>) target(%dma_start3A_257 : memref<128xf32, #tpu.memory_space<vmem>>) offsets(%dma_start3A_260 : memref<128xi32, #tpu.memory_space<vmem>>) semaphore(%arg18 : memref<!tpu.dma_semaphore, #tpu.memory_space<semaphore_mem>>)
      %dma_start3A_263 = arith.constant 3 : i32
      %dma_start3A_264 = arith.constant 384 : i32
      %dma_start3A_265 = arith.constant 0 : i32
      %dma_start3A_266 = tpu.memref_slice %arg11[%dma_start3A_264, %dma_start3A_265] : memref<640x16xf32, #tpu.memory_space<vmem>> -> memref<128x16xf32, #tpu.memory_space<vmem>>
      %dma_start3A_267 = arith.constant 0 : i32
      %dma_start3A_268 = tpu.memref_slice %arg10[%dma_start3A_263, %dma_start3A_267] : memref<5x128xi32, #tpu.memory_space<vmem>> -> memref<1x128xi32, #tpu.memory_space<vmem>>
      %dma_start3A_269 = tpu.memref_squeeze %dma_start3A_268 : memref<1x128xi32, #tpu.memory_space<vmem>> -> memref<128xi32, #tpu.memory_space<vmem>>
      %dma_start3A_270 = arith.constant 0 : i32
      %dma_start3A_271 = arith.constant 0 : i32
      %dma_start3A_272 = tpu.memref_slice %arg3[%dma_start3A_270, %dma_start3A_271] : memref<1000000x16xf32, #tpu.memory_space<hbm>> -> memref<1000000x16xf32, #tpu.memory_space<hbm>>
      tpu.enqueue_indirect_dma source(%dma_start3A_272 : memref<1000000x16xf32, #tpu.memory_space<hbm>>) target(%dma_start3A_266 : memref<128x16xf32, #tpu.memory_space<vmem>>) offsets(%dma_start3A_269 : memref<128xi32, #tpu.memory_space<vmem>>) semaphore(%arg18 : memref<!tpu.dma_semaphore, #tpu.memory_space<semaphore_mem>>)
      %dma_start3A_273 = arith.constant 3 : i32
      %dma_start3A_274 = arith.constant 384 : i32
      %dma_start3A_275 = arith.constant 0 : i32
      %dma_start3A_276 = tpu.memref_slice %arg12[%dma_start3A_274, %dma_start3A_275] : memref<640x16xf32, #tpu.memory_space<vmem>> -> memref<128x16xf32, #tpu.memory_space<vmem>>
      %dma_start3A_277 = arith.constant 0 : i32
      %dma_start3A_278 = tpu.memref_slice %arg10[%dma_start3A_273, %dma_start3A_277] : memref<5x128xi32, #tpu.memory_space<vmem>> -> memref<1x128xi32, #tpu.memory_space<vmem>>
      %dma_start3A_279 = tpu.memref_squeeze %dma_start3A_278 : memref<1x128xi32, #tpu.memory_space<vmem>> -> memref<128xi32, #tpu.memory_space<vmem>>
      %dma_start3A_280 = arith.constant 0 : i32
      %dma_start3A_281 = arith.constant 0 : i32
      %dma_start3A_282 = tpu.memref_slice %arg5[%dma_start3A_280, %dma_start3A_281] : memref<1000000x16xf32, #tpu.memory_space<hbm>> -> memref<1000000x16xf32, #tpu.memory_space<hbm>>
      tpu.enqueue_indirect_dma source(%dma_start3A_282 : memref<1000000x16xf32, #tpu.memory_space<hbm>>) target(%dma_start3A_276 : memref<128x16xf32, #tpu.memory_space<vmem>>) offsets(%dma_start3A_279 : memref<128xi32, #tpu.memory_space<vmem>>) semaphore(%arg18 : memref<!tpu.dma_semaphore, #tpu.memory_space<semaphore_mem>>)
      %dma_start3A_283 = arith.constant 3 : i32
      %dma_start3A_284 = arith.constant 384 : i32
      %dma_start3A_285 = arith.constant 0 : i32
      %dma_start3A_286 = tpu.memref_slice %arg13[%dma_start3A_284, %dma_start3A_285] : memref<640x32xf32, #tpu.memory_space<vmem>> -> memref<128x32xf32, #tpu.memory_space<vmem>>
      %dma_start3A_287 = arith.constant 0 : i32
      %dma_start3A_288 = tpu.memref_slice %arg10[%dma_start3A_283, %dma_start3A_287] : memref<5x128xi32, #tpu.memory_space<vmem>> -> memref<1x128xi32, #tpu.memory_space<vmem>>
      %dma_start3A_289 = tpu.memref_squeeze %dma_start3A_288 : memref<1x128xi32, #tpu.memory_space<vmem>> -> memref<128xi32, #tpu.memory_space<vmem>>
      %dma_start3A_290 = arith.constant 0 : i32
      %dma_start3A_291 = arith.constant 0 : i32
      %dma_start3A_292 = tpu.memref_slice %arg8[%dma_start3A_290, %dma_start3A_291] : memref<1000000x32xf32, #tpu.memory_space<hbm>> -> memref<1000000x32xf32, #tpu.memory_space<hbm>>
      tpu.enqueue_indirect_dma source(%dma_start3A_292 : memref<1000000x32xf32, #tpu.memory_space<hbm>>) target(%dma_start3A_286 : memref<128x32xf32, #tpu.memory_space<vmem>>) offsets(%dma_start3A_289 : memref<128xi32, #tpu.memory_space<vmem>>) semaphore(%arg18 : memref<!tpu.dma_semaphore, #tpu.memory_space<semaphore_mem>>)
      %dma_start3A_293 = arith.constant 3 : i32
      %dma_start3A_294 = arith.constant 384 : i32
      %dma_start3A_295 = tpu.memref_slice %arg14[%dma_start3A_294] : memref<640xf32, #tpu.memory_space<vmem>> -> memref<128xf32, #tpu.memory_space<vmem>>
      %dma_start3A_296 = arith.constant 0 : i32
      %dma_start3A_297 = tpu.memref_slice %arg10[%dma_start3A_293, %dma_start3A_296] : memref<5x128xi32, #tpu.memory_space<vmem>> -> memref<1x128xi32, #tpu.memory_space<vmem>>
      %dma_start3A_298 = tpu.memref_squeeze %dma_start3A_297 : memref<1x128xi32, #tpu.memory_space<vmem>> -> memref<128xi32, #tpu.memory_space<vmem>>
      %dma_start3A_299 = arith.constant 0 : i32
      %dma_start3A_300 = tpu.memref_slice %arg4[%dma_start3A_299] : memref<1000000xf32, #tpu.memory_space<hbm>> -> memref<1000000xf32, #tpu.memory_space<hbm>>
      tpu.enqueue_indirect_dma source(%dma_start3A_300 : memref<1000000xf32, #tpu.memory_space<hbm>>) target(%dma_start3A_295 : memref<128xf32, #tpu.memory_space<vmem>>) offsets(%dma_start3A_298 : memref<128xi32, #tpu.memory_space<vmem>>) semaphore(%arg18 : memref<!tpu.dma_semaphore, #tpu.memory_space<semaphore_mem>>)
      %dma_start3A_301 = arith.constant 4 : i32
      %dma_start3A_302 = arith.constant 512 : i32
      %dma_start3A_303 = arith.constant 0 : i32
      %dma_start3A_304 = tpu.memref_slice %arg11[%dma_start3A_302, %dma_start3A_303] : memref<640x16xf32, #tpu.memory_space<vmem>> -> memref<128x16xf32, #tpu.memory_space<vmem>>
      %dma_start3A_305 = arith.constant 0 : i32
      %dma_start3A_306 = tpu.memref_slice %arg10[%dma_start3A_301, %dma_start3A_305] : memref<5x128xi32, #tpu.memory_space<vmem>> -> memref<1x128xi32, #tpu.memory_space<vmem>>
      %dma_start3A_307 = tpu.memref_squeeze %dma_start3A_306 : memref<1x128xi32, #tpu.memory_space<vmem>> -> memref<128xi32, #tpu.memory_space<vmem>>
      %dma_start3A_308 = arith.constant 0 : i32
      %dma_start3A_309 = arith.constant 0 : i32
      %dma_start3A_310 = tpu.memref_slice %arg3[%dma_start3A_308, %dma_start3A_309] : memref<1000000x16xf32, #tpu.memory_space<hbm>> -> memref<1000000x16xf32, #tpu.memory_space<hbm>>
      tpu.enqueue_indirect_dma source(%dma_start3A_310 : memref<1000000x16xf32, #tpu.memory_space<hbm>>) target(%dma_start3A_304 : memref<128x16xf32, #tpu.memory_space<vmem>>) offsets(%dma_start3A_307 : memref<128xi32, #tpu.memory_space<vmem>>) semaphore(%arg18 : memref<!tpu.dma_semaphore, #tpu.memory_space<semaphore_mem>>)
      %dma_start3A_311 = arith.constant 4 : i32
      %dma_start3A_312 = arith.constant 512 : i32
      %dma_start3A_313 = arith.constant 0 : i32
      %dma_start3A_314 = tpu.memref_slice %arg12[%dma_start3A_312, %dma_start3A_313] : memref<640x16xf32, #tpu.memory_space<vmem>> -> memref<128x16xf32, #tpu.memory_space<vmem>>
      %dma_start3A_315 = arith.constant 0 : i32
      %dma_start3A_316 = tpu.memref_slice %arg10[%dma_start3A_311, %dma_start3A_315] : memref<5x128xi32, #tpu.memory_space<vmem>> -> memref<1x128xi32, #tpu.memory_space<vmem>>
      %dma_start3A_317 = tpu.memref_squeeze %dma_start3A_316 : memref<1x128xi32, #tpu.memory_space<vmem>> -> memref<128xi32, #tpu.memory_space<vmem>>
      %dma_start3A_318 = arith.constant 0 : i32
      %dma_start3A_319 = arith.constant 0 : i32
      %dma_start3A_320 = tpu.memref_slice %arg5[%dma_start3A_318, %dma_start3A_319] : memref<1000000x16xf32, #tpu.memory_space<hbm>> -> memref<1000000x16xf32, #tpu.memory_space<hbm>>
      tpu.enqueue_indirect_dma source(%dma_start3A_320 : memref<1000000x16xf32, #tpu.memory_space<hbm>>) target(%dma_start3A_314 : memref<128x16xf32, #tpu.memory_space<vmem>>) offsets(%dma_start3A_317 : memref<128xi32, #tpu.memory_space<vmem>>) semaphore(%arg18 : memref<!tpu.dma_semaphore, #tpu.memory_space<semaphore_mem>>)
      %dma_start3A_321 = arith.constant 4 : i32
      %dma_start3A_322 = arith.constant 512 : i32
      %dma_start3A_323 = arith.constant 0 : i32
      %dma_start3A_324 = tpu.memref_slice %arg13[%dma_start3A_322, %dma_start3A_323] : memref<640x32xf32, #tpu.memory_space<vmem>> -> memref<128x32xf32, #tpu.memory_space<vmem>>
      %dma_start3A_325 = arith.constant 0 : i32
      %dma_start3A_326 = tpu.memref_slice %arg10[%dma_start3A_321, %dma_start3A_325] : memref<5x128xi32, #tpu.memory_space<vmem>> -> memref<1x128xi32, #tpu.memory_space<vmem>>
      %dma_start3A_327 = tpu.memref_squeeze %dma_start3A_326 : memref<1x128xi32, #tpu.memory_space<vmem>> -> memref<128xi32, #tpu.memory_space<vmem>>
      %dma_start3A_328 = arith.constant 0 : i32
      %dma_start3A_329 = arith.constant 0 : i32
      %dma_start3A_330 = tpu.memref_slice %arg8[%dma_start3A_328, %dma_start3A_329] : memref<1000000x32xf32, #tpu.memory_space<hbm>> -> memref<1000000x32xf32, #tpu.memory_space<hbm>>
      tpu.enqueue_indirect_dma source(%dma_start3A_330 : memref<1000000x32xf32, #tpu.memory_space<hbm>>) target(%dma_start3A_324 : memref<128x32xf32, #tpu.memory_space<vmem>>) offsets(%dma_start3A_327 : memref<128xi32, #tpu.memory_space<vmem>>) semaphore(%arg18 : memref<!tpu.dma_semaphore, #tpu.memory_space<semaphore_mem>>)
      %dma_start3A_331 = arith.constant 4 : i32
      %dma_start3A_332 = arith.constant 512 : i32
      %dma_start3A_333 = tpu.memref_slice %arg14[%dma_start3A_332] : memref<640xf32, #tpu.memory_space<vmem>> -> memref<128xf32, #tpu.memory_space<vmem>>
      %dma_start3A_334 = arith.constant 0 : i32
      %dma_start3A_335 = tpu.memref_slice %arg10[%dma_start3A_331, %dma_start3A_334] : memref<5x128xi32, #tpu.memory_space<vmem>> -> memref<1x128xi32, #tpu.memory_space<vmem>>
      %dma_start3A_336 = tpu.memref_squeeze %dma_start3A_335 : memref<1x128xi32, #tpu.memory_space<vmem>> -> memref<128xi32, #tpu.memory_space<vmem>>
      %dma_start3A_337 = arith.constant 0 : i32
      %dma_start3A_338 = tpu.memref_slice %arg4[%dma_start3A_337] : memref<1000000xf32, #tpu.memory_space<hbm>> -> memref<1000000xf32, #tpu.memory_space<hbm>>
      tpu.enqueue_indirect_dma source(%dma_start3A_338 : memref<1000000xf32, #tpu.memory_space<hbm>>) target(%dma_start3A_333 : memref<128xf32, #tpu.memory_space<vmem>>) offsets(%dma_start3A_336 : memref<128xi32, #tpu.memory_space<vmem>>) semaphore(%arg18 : memref<!tpu.dma_semaphore, #tpu.memory_space<semaphore_mem>>)
      %dma_wait3A_339 = arith.constant 0 : i32
      %dma_wait3A_340 = arith.constant 0 : i32
      %dma_wait3A_341 = arith.constant 0 : i32
      %dma_wait3A_342 = tpu.memref_slice %arg11[%dma_wait3A_340, %dma_wait3A_341] : memref<640x16xf32, #tpu.memory_space<vmem>> -> memref<128x16xf32, #tpu.memory_space<vmem>>
      %dma_wait3A_343 = arith.constant 0 : i32
      %dma_wait3A_344 = tpu.memref_slice %arg10[%dma_wait3A_339, %dma_wait3A_343] : memref<5x128xi32, #tpu.memory_space<vmem>> -> memref<1x128xi32, #tpu.memory_space<vmem>>
      %dma_wait3A_345 = tpu.memref_squeeze %dma_wait3A_344 : memref<1x128xi32, #tpu.memory_space<vmem>> -> memref<128xi32, #tpu.memory_space<vmem>>
      %dma_wait3A_346 = arith.constant 0 : i32
      %dma_wait3A_347 = arith.constant 0 : i32
      %dma_wait3A_348 = tpu.memref_slice %arg3[%dma_wait3A_346, %dma_wait3A_347] : memref<1000000x16xf32, #tpu.memory_space<hbm>> -> memref<1000000x16xf32, #tpu.memory_space<hbm>>
      tpu.wait_indirect_dma semaphore(%arg18 : memref<!tpu.dma_semaphore, #tpu.memory_space<semaphore_mem>>) src(%dma_wait3A_348 : memref<1000000x16xf32, #tpu.memory_space<hbm>>) dst(%dma_wait3A_342 : memref<128x16xf32, #tpu.memory_space<vmem>>)
      %dma_wait3A_349 = arith.constant 0 : i32
      %dma_wait3A_350 = arith.constant 0 : i32
      %dma_wait3A_351 = arith.constant 0 : i32
      %dma_wait3A_352 = tpu.memref_slice %arg12[%dma_wait3A_350, %dma_wait3A_351] : memref<640x16xf32, #tpu.memory_space<vmem>> -> memref<128x16xf32, #tpu.memory_space<vmem>>
      %dma_wait3A_353 = arith.constant 0 : i32
      %dma_wait3A_354 = tpu.memref_slice %arg10[%dma_wait3A_349, %dma_wait3A_353] : memref<5x128xi32, #tpu.memory_space<vmem>> -> memref<1x128xi32, #tpu.memory_space<vmem>>
      %dma_wait3A_355 = tpu.memref_squeeze %dma_wait3A_354 : memref<1x128xi32, #tpu.memory_space<vmem>> -> memref<128xi32, #tpu.memory_space<vmem>>
      %dma_wait3A_356 = arith.constant 0 : i32
      %dma_wait3A_357 = arith.constant 0 : i32
      %dma_wait3A_358 = tpu.memref_slice %arg5[%dma_wait3A_356, %dma_wait3A_357] : memref<1000000x16xf32, #tpu.memory_space<hbm>> -> memref<1000000x16xf32, #tpu.memory_space<hbm>>
      tpu.wait_indirect_dma semaphore(%arg18 : memref<!tpu.dma_semaphore, #tpu.memory_space<semaphore_mem>>) src(%dma_wait3A_358 : memref<1000000x16xf32, #tpu.memory_space<hbm>>) dst(%dma_wait3A_352 : memref<128x16xf32, #tpu.memory_space<vmem>>)
      %dma_wait3A_359 = arith.constant 0 : i32
      %dma_wait3A_360 = arith.constant 0 : i32
      %dma_wait3A_361 = arith.constant 0 : i32
      %dma_wait3A_362 = tpu.memref_slice %arg13[%dma_wait3A_360, %dma_wait3A_361] : memref<640x32xf32, #tpu.memory_space<vmem>> -> memref<128x32xf32, #tpu.memory_space<vmem>>
      %dma_wait3A_363 = arith.constant 0 : i32
      %dma_wait3A_364 = tpu.memref_slice %arg10[%dma_wait3A_359, %dma_wait3A_363] : memref<5x128xi32, #tpu.memory_space<vmem>> -> memref<1x128xi32, #tpu.memory_space<vmem>>
      %dma_wait3A_365 = tpu.memref_squeeze %dma_wait3A_364 : memref<1x128xi32, #tpu.memory_space<vmem>> -> memref<128xi32, #tpu.memory_space<vmem>>
      %dma_wait3A_366 = arith.constant 0 : i32
      %dma_wait3A_367 = arith.constant 0 : i32
      %dma_wait3A_368 = tpu.memref_slice %arg8[%dma_wait3A_366, %dma_wait3A_367] : memref<1000000x32xf32, #tpu.memory_space<hbm>> -> memref<1000000x32xf32, #tpu.memory_space<hbm>>
      tpu.wait_indirect_dma semaphore(%arg18 : memref<!tpu.dma_semaphore, #tpu.memory_space<semaphore_mem>>) src(%dma_wait3A_368 : memref<1000000x32xf32, #tpu.memory_space<hbm>>) dst(%dma_wait3A_362 : memref<128x32xf32, #tpu.memory_space<vmem>>)
      %dma_wait3A_369 = arith.constant 0 : i32
      %dma_wait3A_370 = arith.constant 0 : i32
      %dma_wait3A_371 = tpu.memref_slice %arg14[%dma_wait3A_370] : memref<640xf32, #tpu.memory_space<vmem>> -> memref<128xf32, #tpu.memory_space<vmem>>
      %dma_wait3A_372 = arith.constant 0 : i32
      %dma_wait3A_373 = tpu.memref_slice %arg10[%dma_wait3A_369, %dma_wait3A_372] : memref<5x128xi32, #tpu.memory_space<vmem>> -> memref<1x128xi32, #tpu.memory_space<vmem>>
      %dma_wait3A_374 = tpu.memref_squeeze %dma_wait3A_373 : memref<1x128xi32, #tpu.memory_space<vmem>> -> memref<128xi32, #tpu.memory_space<vmem>>
      %dma_wait3A_375 = arith.constant 0 : i32
      %dma_wait3A_376 = tpu.memref_slice %arg4[%dma_wait3A_375] : memref<1000000xf32, #tpu.memory_space<hbm>> -> memref<1000000xf32, #tpu.memory_space<hbm>>
      tpu.wait_indirect_dma semaphore(%arg18 : memref<!tpu.dma_semaphore, #tpu.memory_space<semaphore_mem>>) src(%dma_wait3A_376 : memref<1000000xf32, #tpu.memory_space<hbm>>) dst(%dma_wait3A_371 : memref<128xf32, #tpu.memory_space<vmem>>)
      %dma_wait3A_377 = arith.constant 1 : i32
      %dma_wait3A_378 = arith.constant 128 : i32
      %dma_wait3A_379 = arith.constant 0 : i32
      %dma_wait3A_380 = tpu.memref_slice %arg11[%dma_wait3A_378, %dma_wait3A_379] : memref<640x16xf32, #tpu.memory_space<vmem>> -> memref<128x16xf32, #tpu.memory_space<vmem>>
      %dma_wait3A_381 = arith.constant 0 : i32
      %dma_wait3A_382 = tpu.memref_slice %arg10[%dma_wait3A_377, %dma_wait3A_381] : memref<5x128xi32, #tpu.memory_space<vmem>> -> memref<1x128xi32, #tpu.memory_space<vmem>>
      %dma_wait3A_383 = tpu.memref_squeeze %dma_wait3A_382 : memref<1x128xi32, #tpu.memory_space<vmem>> -> memref<128xi32, #tpu.memory_space<vmem>>
      %dma_wait3A_384 = arith.constant 0 : i32
      %dma_wait3A_385 = arith.constant 0 : i32
      %dma_wait3A_386 = tpu.memref_slice %arg3[%dma_wait3A_384, %dma_wait3A_385] : memref<1000000x16xf32, #tpu.memory_space<hbm>> -> memref<1000000x16xf32, #tpu.memory_space<hbm>>
      tpu.wait_indirect_dma semaphore(%arg18 : memref<!tpu.dma_semaphore, #tpu.memory_space<semaphore_mem>>) src(%dma_wait3A_386 : memref<1000000x16xf32, #tpu.memory_space<hbm>>) dst(%dma_wait3A_380 : memref<128x16xf32, #tpu.memory_space<vmem>>)
      %dma_wait3A_387 = arith.constant 1 : i32
      %dma_wait3A_388 = arith.constant 128 : i32
      %dma_wait3A_389 = arith.constant 0 : i32
      %dma_wait3A_390 = tpu.memref_slice %arg12[%dma_wait3A_388, %dma_wait3A_389] : memref<640x16xf32, #tpu.memory_space<vmem>> -> memref<128x16xf32, #tpu.memory_space<vmem>>
      %dma_wait3A_391 = arith.constant 0 : i32
      %dma_wait3A_392 = tpu.memref_slice %arg10[%dma_wait3A_387, %dma_wait3A_391] : memref<5x128xi32, #tpu.memory_space<vmem>> -> memref<1x128xi32, #tpu.memory_space<vmem>>
      %dma_wait3A_393 = tpu.memref_squeeze %dma_wait3A_392 : memref<1x128xi32, #tpu.memory_space<vmem>> -> memref<128xi32, #tpu.memory_space<vmem>>
      %dma_wait3A_394 = arith.constant 0 : i32
      %dma_wait3A_395 = arith.constant 0 : i32
      %dma_wait3A_396 = tpu.memref_slice %arg5[%dma_wait3A_394, %dma_wait3A_395] : memref<1000000x16xf32, #tpu.memory_space<hbm>> -> memref<1000000x16xf32, #tpu.memory_space<hbm>>
      tpu.wait_indirect_dma semaphore(%arg18 : memref<!tpu.dma_semaphore, #tpu.memory_space<semaphore_mem>>) src(%dma_wait3A_396 : memref<1000000x16xf32, #tpu.memory_space<hbm>>) dst(%dma_wait3A_390 : memref<128x16xf32, #tpu.memory_space<vmem>>)
      %dma_wait3A_397 = arith.constant 1 : i32
      %dma_wait3A_398 = arith.constant 128 : i32
      %dma_wait3A_399 = arith.constant 0 : i32
      %dma_wait3A_400 = tpu.memref_slice %arg13[%dma_wait3A_398, %dma_wait3A_399] : memref<640x32xf32, #tpu.memory_space<vmem>> -> memref<128x32xf32, #tpu.memory_space<vmem>>
      %dma_wait3A_401 = arith.constant 0 : i32
      %dma_wait3A_402 = tpu.memref_slice %arg10[%dma_wait3A_397, %dma_wait3A_401] : memref<5x128xi32, #tpu.memory_space<vmem>> -> memref<1x128xi32, #tpu.memory_space<vmem>>
      %dma_wait3A_403 = tpu.memref_squeeze %dma_wait3A_402 : memref<1x128xi32, #tpu.memory_space<vmem>> -> memref<128xi32, #tpu.memory_space<vmem>>
      %dma_wait3A_404 = arith.constant 0 : i32
      %dma_wait3A_405 = arith.constant 0 : i32
      %dma_wait3A_406 = tpu.memref_slice %arg8[%dma_wait3A_404, %dma_wait3A_405] : memref<1000000x32xf32, #tpu.memory_space<hbm>> -> memref<1000000x32xf32, #tpu.memory_space<hbm>>
      tpu.wait_indirect_dma semaphore(%arg18 : memref<!tpu.dma_semaphore, #tpu.memory_space<semaphore_mem>>) src(%dma_wait3A_406 : memref<1000000x32xf32, #tpu.memory_space<hbm>>) dst(%dma_wait3A_400 : memref<128x32xf32, #tpu.memory_space<vmem>>)
      %dma_wait3A_407 = arith.constant 1 : i32
      %dma_wait3A_408 = arith.constant 128 : i32
      %dma_wait3A_409 = tpu.memref_slice %arg14[%dma_wait3A_408] : memref<640xf32, #tpu.memory_space<vmem>> -> memref<128xf32, #tpu.memory_space<vmem>>
      %dma_wait3A_410 = arith.constant 0 : i32
      %dma_wait3A_411 = tpu.memref_slice %arg10[%dma_wait3A_407, %dma_wait3A_410] : memref<5x128xi32, #tpu.memory_space<vmem>> -> memref<1x128xi32, #tpu.memory_space<vmem>>
      %dma_wait3A_412 = tpu.memref_squeeze %dma_wait3A_411 : memref<1x128xi32, #tpu.memory_space<vmem>> -> memref<128xi32, #tpu.memory_space<vmem>>
      %dma_wait3A_413 = arith.constant 0 : i32
      %dma_wait3A_414 = tpu.memref_slice %arg4[%dma_wait3A_413] : memref<1000000xf32, #tpu.memory_space<hbm>> -> memref<1000000xf32, #tpu.memory_space<hbm>>
      tpu.wait_indirect_dma semaphore(%arg18 : memref<!tpu.dma_semaphore, #tpu.memory_space<semaphore_mem>>) src(%dma_wait3A_414 : memref<1000000xf32, #tpu.memory_space<hbm>>) dst(%dma_wait3A_409 : memref<128xf32, #tpu.memory_space<vmem>>)
      %dma_wait3A_415 = arith.constant 2 : i32
      %dma_wait3A_416 = arith.constant 256 : i32
      %dma_wait3A_417 = arith.constant 0 : i32
      %dma_wait3A_418 = tpu.memref_slice %arg11[%dma_wait3A_416, %dma_wait3A_417] : memref<640x16xf32, #tpu.memory_space<vmem>> -> memref<128x16xf32, #tpu.memory_space<vmem>>
      %dma_wait3A_419 = arith.constant 0 : i32
      %dma_wait3A_420 = tpu.memref_slice %arg10[%dma_wait3A_415, %dma_wait3A_419] : memref<5x128xi32, #tpu.memory_space<vmem>> -> memref<1x128xi32, #tpu.memory_space<vmem>>
      %dma_wait3A_421 = tpu.memref_squeeze %dma_wait3A_420 : memref<1x128xi32, #tpu.memory_space<vmem>> -> memref<128xi32, #tpu.memory_space<vmem>>
      %dma_wait3A_422 = arith.constant 0 : i32
      %dma_wait3A_423 = arith.constant 0 : i32
      %dma_wait3A_424 = tpu.memref_slice %arg3[%dma_wait3A_422, %dma_wait3A_423] : memref<1000000x16xf32, #tpu.memory_space<hbm>> -> memref<1000000x16xf32, #tpu.memory_space<hbm>>
      tpu.wait_indirect_dma semaphore(%arg18 : memref<!tpu.dma_semaphore, #tpu.memory_space<semaphore_mem>>) src(%dma_wait3A_424 : memref<1000000x16xf32, #tpu.memory_space<hbm>>) dst(%dma_wait3A_418 : memref<128x16xf32, #tpu.memory_space<vmem>>)
      %dma_wait3A_425 = arith.constant 2 : i32
      %dma_wait3A_426 = arith.constant 256 : i32
      %dma_wait3A_427 = arith.constant 0 : i32
      %dma_wait3A_428 = tpu.memref_slice %arg12[%dma_wait3A_426, %dma_wait3A_427] : memref<640x16xf32, #tpu.memory_space<vmem>> -> memref<128x16xf32, #tpu.memory_space<vmem>>
      %dma_wait3A_429 = arith.constant 0 : i32
      %dma_wait3A_430 = tpu.memref_slice %arg10[%dma_wait3A_425, %dma_wait3A_429] : memref<5x128xi32, #tpu.memory_space<vmem>> -> memref<1x128xi32, #tpu.memory_space<vmem>>
      %dma_wait3A_431 = tpu.memref_squeeze %dma_wait3A_430 : memref<1x128xi32, #tpu.memory_space<vmem>> -> memref<128xi32, #tpu.memory_space<vmem>>
      %dma_wait3A_432 = arith.constant 0 : i32
      %dma_wait3A_433 = arith.constant 0 : i32
      %dma_wait3A_434 = tpu.memref_slice %arg5[%dma_wait3A_432, %dma_wait3A_433] : memref<1000000x16xf32, #tpu.memory_space<hbm>> -> memref<1000000x16xf32, #tpu.memory_space<hbm>>
      tpu.wait_indirect_dma semaphore(%arg18 : memref<!tpu.dma_semaphore, #tpu.memory_space<semaphore_mem>>) src(%dma_wait3A_434 : memref<1000000x16xf32, #tpu.memory_space<hbm>>) dst(%dma_wait3A_428 : memref<128x16xf32, #tpu.memory_space<vmem>>)
      %dma_wait3A_435 = arith.constant 2 : i32
      %dma_wait3A_436 = arith.constant 256 : i32
      %dma_wait3A_437 = arith.constant 0 : i32
      %dma_wait3A_438 = tpu.memref_slice %arg13[%dma_wait3A_436, %dma_wait3A_437] : memref<640x32xf32, #tpu.memory_space<vmem>> -> memref<128x32xf32, #tpu.memory_space<vmem>>
      %dma_wait3A_439 = arith.constant 0 : i32
      %dma_wait3A_440 = tpu.memref_slice %arg10[%dma_wait3A_435, %dma_wait3A_439] : memref<5x128xi32, #tpu.memory_space<vmem>> -> memref<1x128xi32, #tpu.memory_space<vmem>>
      %dma_wait3A_441 = tpu.memref_squeeze %dma_wait3A_440 : memref<1x128xi32, #tpu.memory_space<vmem>> -> memref<128xi32, #tpu.memory_space<vmem>>
      %dma_wait3A_442 = arith.constant 0 : i32
      %dma_wait3A_443 = arith.constant 0 : i32
      %dma_wait3A_444 = tpu.memref_slice %arg8[%dma_wait3A_442, %dma_wait3A_443] : memref<1000000x32xf32, #tpu.memory_space<hbm>> -> memref<1000000x32xf32, #tpu.memory_space<hbm>>
      tpu.wait_indirect_dma semaphore(%arg18 : memref<!tpu.dma_semaphore, #tpu.memory_space<semaphore_mem>>) src(%dma_wait3A_444 : memref<1000000x32xf32, #tpu.memory_space<hbm>>) dst(%dma_wait3A_438 : memref<128x32xf32, #tpu.memory_space<vmem>>)
      %dma_wait3A_445 = arith.constant 2 : i32
      %dma_wait3A_446 = arith.constant 256 : i32
      %dma_wait3A_447 = tpu.memref_slice %arg14[%dma_wait3A_446] : memref<640xf32, #tpu.memory_space<vmem>> -> memref<128xf32, #tpu.memory_space<vmem>>
      %dma_wait3A_448 = arith.constant 0 : i32
      %dma_wait3A_449 = tpu.memref_slice %arg10[%dma_wait3A_445, %dma_wait3A_448] : memref<5x128xi32, #tpu.memory_space<vmem>> -> memref<1x128xi32, #tpu.memory_space<vmem>>
      %dma_wait3A_450 = tpu.memref_squeeze %dma_wait3A_449 : memref<1x128xi32, #tpu.memory_space<vmem>> -> memref<128xi32, #tpu.memory_space<vmem>>
      %dma_wait3A_451 = arith.constant 0 : i32
      %dma_wait3A_452 = tpu.memref_slice %arg4[%dma_wait3A_451] : memref<1000000xf32, #tpu.memory_space<hbm>> -> memref<1000000xf32, #tpu.memory_space<hbm>>
      tpu.wait_indirect_dma semaphore(%arg18 : memref<!tpu.dma_semaphore, #tpu.memory_space<semaphore_mem>>) src(%dma_wait3A_452 : memref<1000000xf32, #tpu.memory_space<hbm>>) dst(%dma_wait3A_447 : memref<128xf32, #tpu.memory_space<vmem>>)
      %dma_wait3A_453 = arith.constant 3 : i32
      %dma_wait3A_454 = arith.constant 384 : i32
      %dma_wait3A_455 = arith.constant 0 : i32
      %dma_wait3A_456 = tpu.memref_slice %arg11[%dma_wait3A_454, %dma_wait3A_455] : memref<640x16xf32, #tpu.memory_space<vmem>> -> memref<128x16xf32, #tpu.memory_space<vmem>>
      %dma_wait3A_457 = arith.constant 0 : i32
      %dma_wait3A_458 = tpu.memref_slice %arg10[%dma_wait3A_453, %dma_wait3A_457] : memref<5x128xi32, #tpu.memory_space<vmem>> -> memref<1x128xi32, #tpu.memory_space<vmem>>
      %dma_wait3A_459 = tpu.memref_squeeze %dma_wait3A_458 : memref<1x128xi32, #tpu.memory_space<vmem>> -> memref<128xi32, #tpu.memory_space<vmem>>
      %dma_wait3A_460 = arith.constant 0 : i32
      %dma_wait3A_461 = arith.constant 0 : i32
      %dma_wait3A_462 = tpu.memref_slice %arg3[%dma_wait3A_460, %dma_wait3A_461] : memref<1000000x16xf32, #tpu.memory_space<hbm>> -> memref<1000000x16xf32, #tpu.memory_space<hbm>>
      tpu.wait_indirect_dma semaphore(%arg18 : memref<!tpu.dma_semaphore, #tpu.memory_space<semaphore_mem>>) src(%dma_wait3A_462 : memref<1000000x16xf32, #tpu.memory_space<hbm>>) dst(%dma_wait3A_456 : memref<128x16xf32, #tpu.memory_space<vmem>>)
      %dma_wait3A_463 = arith.constant 3 : i32
      %dma_wait3A_464 = arith.constant 384 : i32
      %dma_wait3A_465 = arith.constant 0 : i32
      %dma_wait3A_466 = tpu.memref_slice %arg12[%dma_wait3A_464, %dma_wait3A_465] : memref<640x16xf32, #tpu.memory_space<vmem>> -> memref<128x16xf32, #tpu.memory_space<vmem>>
      %dma_wait3A_467 = arith.constant 0 : i32
      %dma_wait3A_468 = tpu.memref_slice %arg10[%dma_wait3A_463, %dma_wait3A_467] : memref<5x128xi32, #tpu.memory_space<vmem>> -> memref<1x128xi32, #tpu.memory_space<vmem>>
      %dma_wait3A_469 = tpu.memref_squeeze %dma_wait3A_468 : memref<1x128xi32, #tpu.memory_space<vmem>> -> memref<128xi32, #tpu.memory_space<vmem>>
      %dma_wait3A_470 = arith.constant 0 : i32
      %dma_wait3A_471 = arith.constant 0 : i32
      %dma_wait3A_472 = tpu.memref_slice %arg5[%dma_wait3A_470, %dma_wait3A_471] : memref<1000000x16xf32, #tpu.memory_space<hbm>> -> memref<1000000x16xf32, #tpu.memory_space<hbm>>
      tpu.wait_indirect_dma semaphore(%arg18 : memref<!tpu.dma_semaphore, #tpu.memory_space<semaphore_mem>>) src(%dma_wait3A_472 : memref<1000000x16xf32, #tpu.memory_space<hbm>>) dst(%dma_wait3A_466 : memref<128x16xf32, #tpu.memory_space<vmem>>)
      %dma_wait3A_473 = arith.constant 3 : i32
      %dma_wait3A_474 = arith.constant 384 : i32
      %dma_wait3A_475 = arith.constant 0 : i32
      %dma_wait3A_476 = tpu.memref_slice %arg13[%dma_wait3A_474, %dma_wait3A_475] : memref<640x32xf32, #tpu.memory_space<vmem>> -> memref<128x32xf32, #tpu.memory_space<vmem>>
      %dma_wait3A_477 = arith.constant 0 : i32
      %dma_wait3A_478 = tpu.memref_slice %arg10[%dma_wait3A_473, %dma_wait3A_477] : memref<5x128xi32, #tpu.memory_space<vmem>> -> memref<1x128xi32, #tpu.memory_space<vmem>>
      %dma_wait3A_479 = tpu.memref_squeeze %dma_wait3A_478 : memref<1x128xi32, #tpu.memory_space<vmem>> -> memref<128xi32, #tpu.memory_space<vmem>>
      %dma_wait3A_480 = arith.constant 0 : i32
      %dma_wait3A_481 = arith.constant 0 : i32
      %dma_wait3A_482 = tpu.memref_slice %arg8[%dma_wait3A_480, %dma_wait3A_481] : memref<1000000x32xf32, #tpu.memory_space<hbm>> -> memref<1000000x32xf32, #tpu.memory_space<hbm>>
      tpu.wait_indirect_dma semaphore(%arg18 : memref<!tpu.dma_semaphore, #tpu.memory_space<semaphore_mem>>) src(%dma_wait3A_482 : memref<1000000x32xf32, #tpu.memory_space<hbm>>) dst(%dma_wait3A_476 : memref<128x32xf32, #tpu.memory_space<vmem>>)
      %dma_wait3A_483 = arith.constant 3 : i32
      %dma_wait3A_484 = arith.constant 384 : i32
      %dma_wait3A_485 = tpu.memref_slice %arg14[%dma_wait3A_484] : memref<640xf32, #tpu.memory_space<vmem>> -> memref<128xf32, #tpu.memory_space<vmem>>
      %dma_wait3A_486 = arith.constant 0 : i32
      %dma_wait3A_487 = tpu.memref_slice %arg10[%dma_wait3A_483, %dma_wait3A_486] : memref<5x128xi32, #tpu.memory_space<vmem>> -> memref<1x128xi32, #tpu.memory_space<vmem>>
      %dma_wait3A_488 = tpu.memref_squeeze %dma_wait3A_487 : memref<1x128xi32, #tpu.memory_space<vmem>> -> memref<128xi32, #tpu.memory_space<vmem>>
      %dma_wait3A_489 = arith.constant 0 : i32
      %dma_wait3A_490 = tpu.memref_slice %arg4[%dma_wait3A_489] : memref<1000000xf32, #tpu.memory_space<hbm>> -> memref<1000000xf32, #tpu.memory_space<hbm>>
      tpu.wait_indirect_dma semaphore(%arg18 : memref<!tpu.dma_semaphore, #tpu.memory_space<semaphore_mem>>) src(%dma_wait3A_490 : memref<1000000xf32, #tpu.memory_space<hbm>>) dst(%dma_wait3A_485 : memref<128xf32, #tpu.memory_space<vmem>>)
      %dma_wait3A_491 = arith.constant 4 : i32
      %dma_wait3A_492 = arith.constant 512 : i32
      %dma_wait3A_493 = arith.constant 0 : i32
      %dma_wait3A_494 = tpu.memref_slice %arg11[%dma_wait3A_492, %dma_wait3A_493] : memref<640x16xf32, #tpu.memory_space<vmem>> -> memref<128x16xf32, #tpu.memory_space<vmem>>
      %dma_wait3A_495 = arith.constant 0 : i32
      %dma_wait3A_496 = tpu.memref_slice %arg10[%dma_wait3A_491, %dma_wait3A_495] : memref<5x128xi32, #tpu.memory_space<vmem>> -> memref<1x128xi32, #tpu.memory_space<vmem>>
      %dma_wait3A_497 = tpu.memref_squeeze %dma_wait3A_496 : memref<1x128xi32, #tpu.memory_space<vmem>> -> memref<128xi32, #tpu.memory_space<vmem>>
      %dma_wait3A_498 = arith.constant 0 : i32
      %dma_wait3A_499 = arith.constant 0 : i32
      %dma_wait3A_500 = tpu.memref_slice %arg3[%dma_wait3A_498, %dma_wait3A_499] : memref<1000000x16xf32, #tpu.memory_space<hbm>> -> memref<1000000x16xf32, #tpu.memory_space<hbm>>
      tpu.wait_indirect_dma semaphore(%arg18 : memref<!tpu.dma_semaphore, #tpu.memory_space<semaphore_mem>>) src(%dma_wait3A_500 : memref<1000000x16xf32, #tpu.memory_space<hbm>>) dst(%dma_wait3A_494 : memref<128x16xf32, #tpu.memory_space<vmem>>)
      %dma_wait3A_501 = arith.constant 4 : i32
      %dma_wait3A_502 = arith.constant 512 : i32
      %dma_wait3A_503 = arith.constant 0 : i32
      %dma_wait3A_504 = tpu.memref_slice %arg12[%dma_wait3A_502, %dma_wait3A_503] : memref<640x16xf32, #tpu.memory_space<vmem>> -> memref<128x16xf32, #tpu.memory_space<vmem>>
      %dma_wait3A_505 = arith.constant 0 : i32
      %dma_wait3A_506 = tpu.memref_slice %arg10[%dma_wait3A_501, %dma_wait3A_505] : memref<5x128xi32, #tpu.memory_space<vmem>> -> memref<1x128xi32, #tpu.memory_space<vmem>>
      %dma_wait3A_507 = tpu.memref_squeeze %dma_wait3A_506 : memref<1x128xi32, #tpu.memory_space<vmem>> -> memref<128xi32, #tpu.memory_space<vmem>>
      %dma_wait3A_508 = arith.constant 0 : i32
      %dma_wait3A_509 = arith.constant 0 : i32
      %dma_wait3A_510 = tpu.memref_slice %arg5[%dma_wait3A_508, %dma_wait3A_509] : memref<1000000x16xf32, #tpu.memory_space<hbm>> -> memref<1000000x16xf32, #tpu.memory_space<hbm>>
      tpu.wait_indirect_dma semaphore(%arg18 : memref<!tpu.dma_semaphore, #tpu.memory_space<semaphore_mem>>) src(%dma_wait3A_510 : memref<1000000x16xf32, #tpu.memory_space<hbm>>) dst(%dma_wait3A_504 : memref<128x16xf32, #tpu.memory_space<vmem>>)
      %dma_wait3A_511 = arith.constant 4 : i32
      %dma_wait3A_512 = arith.constant 512 : i32
      %dma_wait3A_513 = arith.constant 0 : i32
      %dma_wait3A_514 = tpu.memref_slice %arg13[%dma_wait3A_512, %dma_wait3A_513] : memref<640x32xf32, #tpu.memory_space<vmem>> -> memref<128x32xf32, #tpu.memory_space<vmem>>
      %dma_wait3A_515 = arith.constant 0 : i32
      %dma_wait3A_516 = tpu.memref_slice %arg10[%dma_wait3A_511, %dma_wait3A_515] : memref<5x128xi32, #tpu.memory_space<vmem>> -> memref<1x128xi32, #tpu.memory_space<vmem>>
      %dma_wait3A_517 = tpu.memref_squeeze %dma_wait3A_516 : memref<1x128xi32, #tpu.memory_space<vmem>> -> memref<128xi32, #tpu.memory_space<vmem>>
      %dma_wait3A_518 = arith.constant 0 : i32
      %dma_wait3A_519 = arith.constant 0 : i32
      %dma_wait3A_520 = tpu.memref_slice %arg8[%dma_wait3A_518, %dma_wait3A_519] : memref<1000000x32xf32, #tpu.memory_space<hbm>> -> memref<1000000x32xf32, #tpu.memory_space<hbm>>
      tpu.wait_indirect_dma semaphore(%arg18 : memref<!tpu.dma_semaphore, #tpu.memory_space<semaphore_mem>>) src(%dma_wait3A_520 : memref<1000000x32xf32, #tpu.memory_space<hbm>>) dst(%dma_wait3A_514 : memref<128x32xf32, #tpu.memory_space<vmem>>)
      %dma_wait3A_521 = arith.constant 4 : i32
      %dma_wait3A_522 = arith.constant 512 : i32
      %dma_wait3A_523 = tpu.memref_slice %arg14[%dma_wait3A_522] : memref<640xf32, #tpu.memory_space<vmem>> -> memref<128xf32, #tpu.memory_space<vmem>>
      %dma_wait3A_524 = arith.constant 0 : i32
      %dma_wait3A_525 = tpu.memref_slice %arg10[%dma_wait3A_521, %dma_wait3A_524] : memref<5x128xi32, #tpu.memory_space<vmem>> -> memref<1x128xi32, #tpu.memory_space<vmem>>
      %dma_wait3A_526 = tpu.memref_squeeze %dma_wait3A_525 : memref<1x128xi32, #tpu.memory_space<vmem>> -> memref<128xi32, #tpu.memory_space<vmem>>
      %dma_wait3A_527 = arith.constant 0 : i32
      %dma_wait3A_528 = tpu.memref_slice %arg4[%dma_wait3A_527] : memref<1000000xf32, #tpu.memory_space<hbm>> -> memref<1000000xf32, #tpu.memory_space<hbm>>
      tpu.wait_indirect_dma semaphore(%arg18 : memref<!tpu.dma_semaphore, #tpu.memory_space<semaphore_mem>>) src(%dma_wait3A_528 : memref<1000000xf32, #tpu.memory_space<hbm>>) dst(%dma_wait3A_523 : memref<128xf32, #tpu.memory_space<vmem>>)
      %scan3A_529 = arith.constant 0 : i32
      %scan3A_530 = arith.constant 0 : i32
      %scan3A_531 = arith.constant 40 : i32
      %scan3A_532 = arith.addi %scan3A_530, %scan3A_531 : i32
      %scan3A_533 = arith.constant 1 : i32
      %scan3A_534 = scf.for %scan3A_1497 = %scan3A_530 to %scan3A_532 step %scan3A_533 iter_args(%scan3A_1498 = %scan3A_529) -> (i32)  : i32 {
        %mul3A_1499 = arith.constant 16 : i32
        %mul3A_1500 = arith.muli %scan3A_1497, %mul3A_1499 : i32
        %get3A_1501 = arith.index_cast %mul3A_1500 : i32 to index
        %get3A_1502 = tpu.vector_load %arg14[%get3A_1501] {strides = array<i32>} : memref<640xf32, #tpu.memory_space<vmem>>, vector<16xf32>,
        %get3A_1503 = vector.shape_cast %get3A_1502 : vector<16xf32> to vector<16xf32>
        %neg3A = arith.constant 0.000000e+00 : f32
        %neg3A_1504 = vector.broadcast %neg3A : f32 to vector<16xf32>
        %neg3A_1505 = arith.subf %neg3A_1504, %get3A_1503 : vector<16xf32>
        %exp3A = math.exp %neg3A_1505 : vector<16xf32>
        %add3A_1506 = arith.constant 1.000000e+00 : f32
        %add3A_1507 = vector.broadcast %add3A_1506 : f32 to vector<16xf32>
        %add3A_1508 = arith.addf %add3A_1507, %exp3A : vector<16xf32>
        %div3A = arith.constant 1.000000e+00 : f32
        %div3A_1509 = vector.broadcast %div3A : f32 to vector<16xf32>
        %div3A_1510 = arith.divf %div3A_1509, %add3A_1508 : vector<16xf32>
        %mul3A_1511 = arith.constant 16 : i32
        %mul3A_1512 = arith.muli %scan3A_1497, %mul3A_1511 : i32
        %add3A_1513 = arith.constant 0 : i32
        %add3A_1514 = arith.addi %mul3A_1512, %add3A_1513 : i32
        %get3A_1515 = arith.index_cast %add3A_1514 : i32 to index
        %get3A_1516 = arith.constant 0 : index
        %get3A_1517 = tpu.vector_load %arg13[%get3A_1515, %get3A_1516] {strides = array<i32>} : memref<640x32xf32, #tpu.memory_space<vmem>>, vector<1x16xf32>,
        %get3A_1518 = vector.shape_cast %get3A_1517 : vector<1x16xf32> to vector<16xf32>
        %mul3A_1519 = arith.mulf %select_n3A_26, %get3A_1518 : vector<16xf32>
        %get3A_1520 = arith.index_cast %add3A_1514 : i32 to index
        %get3A_1521 = arith.constant 16 : index
        %get3A_1522 = tpu.vector_load %arg13[%get3A_1520, %get3A_1521] {strides = array<i32>} : memref<640x32xf32, #tpu.memory_space<vmem>>, vector<1x16xf32>,
        %get3A_1523 = vector.shape_cast %get3A_1522 : vector<1x16xf32> to vector<16xf32>
        %mul3A_1524 = arith.mulf %select_n3A_26, %get3A_1523 : vector<16xf32>
        %broadcast_in_dim3A = vector.shape_cast %xor3A_28 : vector<16xi32> to vector<16x1xi32>
        %gather3A = vector.shape_cast %broadcast_in_dim3A : vector<16x1xi32> to vector<16xi32>
        %gather3A_1525 = tpu.dynamic_gather %mul3A_1519[%gather3A] in [0] : vector<16xf32>, vector<16xi32> -> vector<16xf32>
        %add3A_1526 = arith.addf %mul3A_1519, %gather3A_1525 : vector<16xf32>
        %broadcast_in_dim3A_1527 = vector.shape_cast %xor3A_28 : vector<16xi32> to vector<16x1xi32>
        %gather3A_1528 = vector.shape_cast %broadcast_in_dim3A_1527 : vector<16x1xi32> to vector<16xi32>
        %gather3A_1529 = tpu.dynamic_gather %mul3A_1524[%gather3A_1528] in [0] : vector<16xf32>, vector<16xi32> -> vector<16xf32>
        %add3A_1530 = arith.addf %mul3A_1524, %gather3A_1529 : vector<16xf32>
        %broadcast_in_dim3A_1531 = vector.shape_cast %and3A_34 : vector<16xi32> to vector<16x1xi32>
        %gather3A_1532 = vector.shape_cast %broadcast_in_dim3A_1531 : vector<16x1xi32> to vector<16xi32>
        %gather3A_1533 = tpu.dynamic_gather %add3A_1526[%gather3A_1532] in [0] : vector<16xf32>, vector<16xi32> -> vector<16xf32>
        %broadcast_in_dim3A_1534 = vector.shape_cast %and3A_34 : vector<16xi32> to vector<16x1xi32>
        %gather3A_1535 = vector.shape_cast %broadcast_in_dim3A_1534 : vector<16x1xi32> to vector<16xi32>
        %gather3A_1536 = tpu.dynamic_gather %add3A_1530[%gather3A_1535] in [0] : vector<16xf32>, vector<16xi32> -> vector<16xf32>
        %select_n3A_1537 = arith.select %lt3A_37, %gather3A_1533, %gather3A_1536 : vector<16xi1>, vector<16xf32>
        %get3A_1538 = arith.index_cast %add3A_1514 : i32 to index
        %get3A_1539 = arith.constant 0 : index
        %get3A_1540 = tpu.vector_load %arg11[%get3A_1538, %get3A_1539] {strides = array<i32>} : memref<640x16xf32, #tpu.memory_space<vmem>>, vector<1x16xf32>,
        %get3A_1541 = vector.shape_cast %get3A_1540 : vector<1x16xf32> to vector<16xf32>
        %slice3A = vector.extract_strided_slice %div3A_1510 {offsets = [0], sizes = [1], strides = [1]} : vector<16xf32> to vector<1xf32>
        %squeeze3A = vector.extract %slice3A[0] : f32 from vector<1xf32>
        %mul3A_1542 = vector.broadcast %squeeze3A : f32 to vector<16xf32>
        %mul3A_1543 = arith.mulf %get3A_1541, %mul3A_1542 : vector<16xf32>
        %get3A_1544 = arith.index_cast %add3A_1514 : i32 to index
        %get3A_1545 = arith.constant 0 : index
        %get3A_1546 = tpu.vector_load %arg12[%get3A_1544, %get3A_1545] {strides = array<i32>} : memref<640x16xf32, #tpu.memory_space<vmem>>, vector<1x16xf32>,
        %get3A_1547 = vector.shape_cast %get3A_1546 : vector<1x16xf32> to vector<16xf32>
        %add3A_1548 = arith.addf %mul3A_1543, %get3A_1547 : vector<16xf32>
        %add3A_1549 = arith.addf %add3A_1548, %select_n3A_1537 : vector<16xf32>
        %swap3A = arith.index_cast %add3A_1514 : i32 to index
        %swap3A_1550 = arith.constant 0 : index
        %swap3A_1551 = tpu.vector_load %arg15[%swap3A, %swap3A_1550] {strides = array<i32>} : memref<640x16xf32, #tpu.memory_space<vmem>>, vector<1x16xf32>,
        %swap3A_1552 = vector.shape_cast %swap3A_1551 : vector<1x16xf32> to vector<16xf32>
        %swap3A_1553 = vector.shape_cast %add3A_1549 : vector<16xf32> to vector<1x16xf32>
        tpu.vector_store %arg15[%swap3A, %swap3A_1550], %swap3A_1553 {strides = array<i32>} : memref<640x16xf32, #tpu.memory_space<vmem>>, vector<1x16xf32>,
        %add3A_1554 = arith.constant 1 : i32
        %add3A_1555 = arith.addi %mul3A_1512, %add3A_1554 : i32
        %get3A_1556 = arith.index_cast %add3A_1555 : i32 to index
        %get3A_1557 = arith.constant 0 : index
        %get3A_1558 = tpu.vector_load %arg13[%get3A_1556, %get3A_1557] {strides = array<i32>} : memref<640x32xf32, #tpu.memory_space<vmem>>, vector<1x16xf32>,
        %get3A_1559 = vector.shape_cast %get3A_1558 : vector<1x16xf32> to vector<16xf32>
        %mul3A_1560 = arith.mulf %select_n3A_26, %get3A_1559 : vector<16xf32>
        %get3A_1561 = arith.index_cast %add3A_1555 : i32 to index
        %get3A_1562 = arith.constant 16 : index
        %get3A_1563 = tpu.vector_load %arg13[%get3A_1561, %get3A_1562] {strides = array<i32>} : memref<640x32xf32, #tpu.memory_space<vmem>>, vector<1x16xf32>,
        %get3A_1564 = vector.shape_cast %get3A_1563 : vector<1x16xf32> to vector<16xf32>
        %mul3A_1565 = arith.mulf %select_n3A_26, %get3A_1564 : vector<16xf32>
        %broadcast_in_dim3A_1566 = vector.shape_cast %xor3A_28 : vector<16xi32> to vector<16x1xi32>
        %gather3A_1567 = vector.shape_cast %broadcast_in_dim3A_1566 : vector<16x1xi32> to vector<16xi32>
        %gather3A_1568 = tpu.dynamic_gather %mul3A_1560[%gather3A_1567] in [0] : vector<16xf32>, vector<16xi32> -> vector<16xf32>
        %add3A_1569 = arith.addf %mul3A_1560, %gather3A_1568 : vector<16xf32>
        %broadcast_in_dim3A_1570 = vector.shape_cast %xor3A_28 : vector<16xi32> to vector<16x1xi32>
        %gather3A_1571 = vector.shape_cast %broadcast_in_dim3A_1570 : vector<16x1xi32> to vector<16xi32>
        %gather3A_1572 = tpu.dynamic_gather %mul3A_1565[%gather3A_1571] in [0] : vector<16xf32>, vector<16xi32> -> vector<16xf32>
        %add3A_1573 = arith.addf %mul3A_1565, %gather3A_1572 : vector<16xf32>
        %broadcast_in_dim3A_1574 = vector.shape_cast %and3A_34 : vector<16xi32> to vector<16x1xi32>
        %gather3A_1575 = vector.shape_cast %broadcast_in_dim3A_1574 : vector<16x1xi32> to vector<16xi32>
        %gather3A_1576 = tpu.dynamic_gather %add3A_1569[%gather3A_1575] in [0] : vector<16xf32>, vector<16xi32> -> vector<16xf32>
        %broadcast_in_dim3A_1577 = vector.shape_cast %and3A_34 : vector<16xi32> to vector<16x1xi32>
        %gather3A_1578 = vector.shape_cast %broadcast_in_dim3A_1577 : vector<16x1xi32> to vector<16xi32>
        %gather3A_1579 = tpu.dynamic_gather %add3A_1573[%gather3A_1578] in [0] : vector<16xf32>, vector<16xi32> -> vector<16xf32>
        %select_n3A_1580 = arith.select %lt3A_37, %gather3A_1576, %gather3A_1579 : vector<16xi1>, vector<16xf32>
        %get3A_1581 = arith.index_cast %add3A_1555 : i32 to index
        %get3A_1582 = arith.constant 0 : index
        %get3A_1583 = tpu.vector_load %arg11[%get3A_1581, %get3A_1582] {strides = array<i32>} : memref<640x16xf32, #tpu.memory_space<vmem>>, vector<1x16xf32>,
        %get3A_1584 = vector.shape_cast %get3A_1583 : vector<1x16xf32> to vector<16xf32>
        %slice3A_1585 = vector.extract_strided_slice %div3A_1510 {offsets = [1], sizes = [1], strides = [1]} : vector<16xf32> to vector<1xf32>
        %squeeze3A_1586 = vector.extract %slice3A_1585[0] : f32 from vector<1xf32>
        %mul3A_1587 = vector.broadcast %squeeze3A_1586 : f32 to vector<16xf32>
        %mul3A_1588 = arith.mulf %get3A_1584, %mul3A_1587 : vector<16xf32>
        %get3A_1589 = arith.index_cast %add3A_1555 : i32 to index
        %get3A_1590 = arith.constant 0 : index
        %get3A_1591 = tpu.vector_load %arg12[%get3A_1589, %get3A_1590] {strides = array<i32>} : memref<640x16xf32, #tpu.memory_space<vmem>>, vector<1x16xf32>,
        %get3A_1592 = vector.shape_cast %get3A_1591 : vector<1x16xf32> to vector<16xf32>
        %add3A_1593 = arith.addf %mul3A_1588, %get3A_1592 : vector<16xf32>
        %add3A_1594 = arith.addf %add3A_1593, %select_n3A_1580 : vector<16xf32>
        %swap3A_1595 = arith.index_cast %add3A_1555 : i32 to index
        %swap3A_1596 = arith.constant 0 : index
        %swap3A_1597 = tpu.vector_load %arg15[%swap3A_1595, %swap3A_1596] {strides = array<i32>} : memref<640x16xf32, #tpu.memory_space<vmem>>, vector<1x16xf32>,
        %swap3A_1598 = vector.shape_cast %swap3A_1597 : vector<1x16xf32> to vector<16xf32>
        %swap3A_1599 = vector.shape_cast %add3A_1594 : vector<16xf32> to vector<1x16xf32>
        tpu.vector_store %arg15[%swap3A_1595, %swap3A_1596], %swap3A_1599 {strides = array<i32>} : memref<640x16xf32, #tpu.memory_space<vmem>>, vector<1x16xf32>,
        %add3A_1600 = arith.constant 2 : i32
        %add3A_1601 = arith.addi %mul3A_1512, %add3A_1600 : i32
        %get3A_1602 = arith.index_cast %add3A_1601 : i32 to index
        %get3A_1603 = arith.constant 0 : index
        %get3A_1604 = tpu.vector_load %arg13[%get3A_1602, %get3A_1603] {strides = array<i32>} : memref<640x32xf32, #tpu.memory_space<vmem>>, vector<1x16xf32>,
        %get3A_1605 = vector.shape_cast %get3A_1604 : vector<1x16xf32> to vector<16xf32>
        %mul3A_1606 = arith.mulf %select_n3A_26, %get3A_1605 : vector<16xf32>
        %get3A_1607 = arith.index_cast %add3A_1601 : i32 to index
        %get3A_1608 = arith.constant 16 : index
        %get3A_1609 = tpu.vector_load %arg13[%get3A_1607, %get3A_1608] {strides = array<i32>} : memref<640x32xf32, #tpu.memory_space<vmem>>, vector<1x16xf32>,
        %get3A_1610 = vector.shape_cast %get3A_1609 : vector<1x16xf32> to vector<16xf32>
        %mul3A_1611 = arith.mulf %select_n3A_26, %get3A_1610 : vector<16xf32>
        %broadcast_in_dim3A_1612 = vector.shape_cast %xor3A_28 : vector<16xi32> to vector<16x1xi32>
        %gather3A_1613 = vector.shape_cast %broadcast_in_dim3A_1612 : vector<16x1xi32> to vector<16xi32>
        %gather3A_1614 = tpu.dynamic_gather %mul3A_1606[%gather3A_1613] in [0] : vector<16xf32>, vector<16xi32> -> vector<16xf32>
        %add3A_1615 = arith.addf %mul3A_1606, %gather3A_1614 : vector<16xf32>
        %broadcast_in_dim3A_1616 = vector.shape_cast %xor3A_28 : vector<16xi32> to vector<16x1xi32>
        %gather3A_1617 = vector.shape_cast %broadcast_in_dim3A_1616 : vector<16x1xi32> to vector<16xi32>
        %gather3A_1618 = tpu.dynamic_gather %mul3A_1611[%gather3A_1617] in [0] : vector<16xf32>, vector<16xi32> -> vector<16xf32>
        %add3A_1619 = arith.addf %mul3A_1611, %gather3A_1618 : vector<16xf32>
        %broadcast_in_dim3A_1620 = vector.shape_cast %and3A_34 : vector<16xi32> to vector<16x1xi32>
        %gather3A_1621 = vector.shape_cast %broadcast_in_dim3A_1620 : vector<16x1xi32> to vector<16xi32>
        %gather3A_1622 = tpu.dynamic_gather %add3A_1615[%gather3A_1621] in [0] : vector<16xf32>, vector<16xi32> -> vector<16xf32>
        %broadcast_in_dim3A_1623 = vector.shape_cast %and3A_34 : vector<16xi32> to vector<16x1xi32>
        %gather3A_1624 = vector.shape_cast %broadcast_in_dim3A_1623 : vector<16x1xi32> to vector<16xi32>
        %gather3A_1625 = tpu.dynamic_gather %add3A_1619[%gather3A_1624] in [0] : vector<16xf32>, vector<16xi32> -> vector<16xf32>
        %select_n3A_1626 = arith.select %lt3A_37, %gather3A_1622, %gather3A_1625 : vector<16xi1>, vector<16xf32>
        %get3A_1627 = arith.index_cast %add3A_1601 : i32 to index
        %get3A_1628 = arith.constant 0 : index
        %get3A_1629 = tpu.vector_load %arg11[%get3A_1627, %get3A_1628] {strides = array<i32>} : memref<640x16xf32, #tpu.memory_space<vmem>>, vector<1x16xf32>,
        %get3A_1630 = vector.shape_cast %get3A_1629 : vector<1x16xf32> to vector<16xf32>
        %slice3A_1631 = vector.extract_strided_slice %div3A_1510 {offsets = [2], sizes = [1], strides = [1]} : vector<16xf32> to vector<1xf32>
        %squeeze3A_1632 = vector.extract %slice3A_1631[0] : f32 from vector<1xf32>
        %mul3A_1633 = vector.broadcast %squeeze3A_1632 : f32 to vector<16xf32>
        %mul3A_1634 = arith.mulf %get3A_1630, %mul3A_1633 : vector<16xf32>
        %get3A_1635 = arith.index_cast %add3A_1601 : i32 to index
        %get3A_1636 = arith.constant 0 : index
        %get3A_1637 = tpu.vector_load %arg12[%get3A_1635, %get3A_1636] {strides = array<i32>} : memref<640x16xf32, #tpu.memory_space<vmem>>, vector<1x16xf32>,
        %get3A_1638 = vector.shape_cast %get3A_1637 : vector<1x16xf32> to vector<16xf32>
        %add3A_1639 = arith.addf %mul3A_1634, %get3A_1638 : vector<16xf32>
        %add3A_1640 = arith.addf %add3A_1639, %select_n3A_1626 : vector<16xf32>
        %swap3A_1641 = arith.index_cast %add3A_1601 : i32 to index
        %swap3A_1642 = arith.constant 0 : index
        %swap3A_1643 = tpu.vector_load %arg15[%swap3A_1641, %swap3A_1642] {strides = array<i32>} : memref<640x16xf32, #tpu.memory_space<vmem>>, vector<1x16xf32>,
        %swap3A_1644 = vector.shape_cast %swap3A_1643 : vector<1x16xf32> to vector<16xf32>
        %swap3A_1645 = vector.shape_cast %add3A_1640 : vector<16xf32> to vector<1x16xf32>
        tpu.vector_store %arg15[%swap3A_1641, %swap3A_1642], %swap3A_1645 {strides = array<i32>} : memref<640x16xf32, #tpu.memory_space<vmem>>, vector<1x16xf32>,
        %add3A_1646 = arith.constant 3 : i32
        %add3A_1647 = arith.addi %mul3A_1512, %add3A_1646 : i32
        %get3A_1648 = arith.index_cast %add3A_1647 : i32 to index
        %get3A_1649 = arith.constant 0 : index
        %get3A_1650 = tpu.vector_load %arg13[%get3A_1648, %get3A_1649] {strides = array<i32>} : memref<640x32xf32, #tpu.memory_space<vmem>>, vector<1x16xf32>,
        %get3A_1651 = vector.shape_cast %get3A_1650 : vector<1x16xf32> to vector<16xf32>
        %mul3A_1652 = arith.mulf %select_n3A_26, %get3A_1651 : vector<16xf32>
        %get3A_1653 = arith.index_cast %add3A_1647 : i32 to index
        %get3A_1654 = arith.constant 16 : index
        %get3A_1655 = tpu.vector_load %arg13[%get3A_1653, %get3A_1654] {strides = array<i32>} : memref<640x32xf32, #tpu.memory_space<vmem>>, vector<1x16xf32>,
        %get3A_1656 = vector.shape_cast %get3A_1655 : vector<1x16xf32> to vector<16xf32>
        %mul3A_1657 = arith.mulf %select_n3A_26, %get3A_1656 : vector<16xf32>
        %broadcast_in_dim3A_1658 = vector.shape_cast %xor3A_28 : vector<16xi32> to vector<16x1xi32>
        %gather3A_1659 = vector.shape_cast %broadcast_in_dim3A_1658 : vector<16x1xi32> to vector<16xi32>
        %gather3A_1660 = tpu.dynamic_gather %mul3A_1652[%gather3A_1659] in [0] : vector<16xf32>, vector<16xi32> -> vector<16xf32>
        %add3A_1661 = arith.addf %mul3A_1652, %gather3A_1660 : vector<16xf32>
        %broadcast_in_dim3A_1662 = vector.shape_cast %xor3A_28 : vector<16xi32> to vector<16x1xi32>
        %gather3A_1663 = vector.shape_cast %broadcast_in_dim3A_1662 : vector<16x1xi32> to vector<16xi32>
        %gather3A_1664 = tpu.dynamic_gather %mul3A_1657[%gather3A_1663] in [0] : vector<16xf32>, vector<16xi32> -> vector<16xf32>
        %add3A_1665 = arith.addf %mul3A_1657, %gather3A_1664 : vector<16xf32>
        %broadcast_in_dim3A_1666 = vector.shape_cast %and3A_34 : vector<16xi32> to vector<16x1xi32>
        %gather3A_1667 = vector.shape_cast %broadcast_in_dim3A_1666 : vector<16x1xi32> to vector<16xi32>
        %gather3A_1668 = tpu.dynamic_gather %add3A_1661[%gather3A_1667] in [0] : vector<16xf32>, vector<16xi32> -> vector<16xf32>
        %broadcast_in_dim3A_1669 = vector.shape_cast %and3A_34 : vector<16xi32> to vector<16x1xi32>
        %gather3A_1670 = vector.shape_cast %broadcast_in_dim3A_1669 : vector<16x1xi32> to vector<16xi32>
        %gather3A_1671 = tpu.dynamic_gather %add3A_1665[%gather3A_1670] in [0] : vector<16xf32>, vector<16xi32> -> vector<16xf32>
        %select_n3A_1672 = arith.select %lt3A_37, %gather3A_1668, %gather3A_1671 : vector<16xi1>, vector<16xf32>
        %get3A_1673 = arith.index_cast %add3A_1647 : i32 to index
        %get3A_1674 = arith.constant 0 : index
        %get3A_1675 = tpu.vector_load %arg11[%get3A_1673, %get3A_1674] {strides = array<i32>} : memref<640x16xf32, #tpu.memory_space<vmem>>, vector<1x16xf32>,
        %get3A_1676 = vector.shape_cast %get3A_1675 : vector<1x16xf32> to vector<16xf32>
        %slice3A_1677 = vector.extract_strided_slice %div3A_1510 {offsets = [3], sizes = [1], strides = [1]} : vector<16xf32> to vector<1xf32>
        %squeeze3A_1678 = vector.extract %slice3A_1677[0] : f32 from vector<1xf32>
        %mul3A_1679 = vector.broadcast %squeeze3A_1678 : f32 to vector<16xf32>
        %mul3A_1680 = arith.mulf %get3A_1676, %mul3A_1679 : vector<16xf32>
        %get3A_1681 = arith.index_cast %add3A_1647 : i32 to index
        %get3A_1682 = arith.constant 0 : index
        %get3A_1683 = tpu.vector_load %arg12[%get3A_1681, %get3A_1682] {strides = array<i32>} : memref<640x16xf32, #tpu.memory_space<vmem>>, vector<1x16xf32>,
        %get3A_1684 = vector.shape_cast %get3A_1683 : vector<1x16xf32> to vector<16xf32>
        %add3A_1685 = arith.addf %mul3A_1680, %get3A_1684 : vector<16xf32>
        %add3A_1686 = arith.addf %add3A_1685, %select_n3A_1672 : vector<16xf32>
        %swap3A_1687 = arith.index_cast %add3A_1647 : i32 to index
        %swap3A_1688 = arith.constant 0 : index
        %swap3A_1689 = tpu.vector_load %arg15[%swap3A_1687, %swap3A_1688] {strides = array<i32>} : memref<640x16xf32, #tpu.memory_space<vmem>>, vector<1x16xf32>,
        %swap3A_1690 = vector.shape_cast %swap3A_1689 : vector<1x16xf32> to vector<16xf32>
        %swap3A_1691 = vector.shape_cast %add3A_1686 : vector<16xf32> to vector<1x16xf32>
        tpu.vector_store %arg15[%swap3A_1687, %swap3A_1688], %swap3A_1691 {strides = array<i32>} : memref<640x16xf32, #tpu.memory_space<vmem>>, vector<1x16xf32>,
        %add3A_1692 = arith.constant 4 : i32
        %add3A_1693 = arith.addi %mul3A_1512, %add3A_1692 : i32
        %get3A_1694 = arith.index_cast %add3A_1693 : i32 to index
        %get3A_1695 = arith.constant 0 : index
        %get3A_1696 = tpu.vector_load %arg13[%get3A_1694, %get3A_1695] {strides = array<i32>} : memref<640x32xf32, #tpu.memory_space<vmem>>, vector<1x16xf32>,
        %get3A_1697 = vector.shape_cast %get3A_1696 : vector<1x16xf32> to vector<16xf32>
        %mul3A_1698 = arith.mulf %select_n3A_26, %get3A_1697 : vector<16xf32>
        %get3A_1699 = arith.index_cast %add3A_1693 : i32 to index
        %get3A_1700 = arith.constant 16 : index
        %get3A_1701 = tpu.vector_load %arg13[%get3A_1699, %get3A_1700] {strides = array<i32>} : memref<640x32xf32, #tpu.memory_space<vmem>>, vector<1x16xf32>,
        %get3A_1702 = vector.shape_cast %get3A_1701 : vector<1x16xf32> to vector<16xf32>
        %mul3A_1703 = arith.mulf %select_n3A_26, %get3A_1702 : vector<16xf32>
        %broadcast_in_dim3A_1704 = vector.shape_cast %xor3A_28 : vector<16xi32> to vector<16x1xi32>
        %gather3A_1705 = vector.shape_cast %broadcast_in_dim3A_1704 : vector<16x1xi32> to vector<16xi32>
        %gather3A_1706 = tpu.dynamic_gather %mul3A_1698[%gather3A_1705] in [0] : vector<16xf32>, vector<16xi32> -> vector<16xf32>
        %add3A_1707 = arith.addf %mul3A_1698, %gather3A_1706 : vector<16xf32>
        %broadcast_in_dim3A_1708 = vector.shape_cast %xor3A_28 : vector<16xi32> to vector<16x1xi32>
        %gather3A_1709 = vector.shape_cast %broadcast_in_dim3A_1708 : vector<16x1xi32> to vector<16xi32>
        %gather3A_1710 = tpu.dynamic_gather %mul3A_1703[%gather3A_1709] in [0] : vector<16xf32>, vector<16xi32> -> vector<16xf32>
        %add3A_1711 = arith.addf %mul3A_1703, %gather3A_1710 : vector<16xf32>
        %broadcast_in_dim3A_1712 = vector.shape_cast %and3A_34 : vector<16xi32> to vector<16x1xi32>
        %gather3A_1713 = vector.shape_cast %broadcast_in_dim3A_1712 : vector<16x1xi32> to vector<16xi32>
        %gather3A_1714 = tpu.dynamic_gather %add3A_1707[%gather3A_1713] in [0] : vector<16xf32>, vector<16xi32> -> vector<16xf32>
        %broadcast_in_dim3A_1715 = vector.shape_cast %and3A_34 : vector<16xi32> to vector<16x1xi32>
        %gather3A_1716 = vector.shape_cast %broadcast_in_dim3A_1715 : vector<16x1xi32> to vector<16xi32>
        %gather3A_1717 = tpu.dynamic_gather %add3A_1711[%gather3A_1716] in [0] : vector<16xf32>, vector<16xi32> -> vector<16xf32>
        %select_n3A_1718 = arith.select %lt3A_37, %gather3A_1714, %gather3A_1717 : vector<16xi1>, vector<16xf32>
        %get3A_1719 = arith.index_cast %add3A_1693 : i32 to index
        %get3A_1720 = arith.constant 0 : index
        %get3A_1721 = tpu.vector_load %arg11[%get3A_1719, %get3A_1720] {strides = array<i32>} : memref<640x16xf32, #tpu.memory_space<vmem>>, vector<1x16xf32>,
        %get3A_1722 = vector.shape_cast %get3A_1721 : vector<1x16xf32> to vector<16xf32>
        %slice3A_1723 = vector.extract_strided_slice %div3A_1510 {offsets = [4], sizes = [1], strides = [1]} : vector<16xf32> to vector<1xf32>
        %squeeze3A_1724 = vector.extract %slice3A_1723[0] : f32 from vector<1xf32>
        %mul3A_1725 = vector.broadcast %squeeze3A_1724 : f32 to vector<16xf32>
        %mul3A_1726 = arith.mulf %get3A_1722, %mul3A_1725 : vector<16xf32>
        %get3A_1727 = arith.index_cast %add3A_1693 : i32 to index
        %get3A_1728 = arith.constant 0 : index
        %get3A_1729 = tpu.vector_load %arg12[%get3A_1727, %get3A_1728] {strides = array<i32>} : memref<640x16xf32, #tpu.memory_space<vmem>>, vector<1x16xf32>,
        %get3A_1730 = vector.shape_cast %get3A_1729 : vector<1x16xf32> to vector<16xf32>
        %add3A_1731 = arith.addf %mul3A_1726, %get3A_1730 : vector<16xf32>
        %add3A_1732 = arith.addf %add3A_1731, %select_n3A_1718 : vector<16xf32>
        %swap3A_1733 = arith.index_cast %add3A_1693 : i32 to index
        %swap3A_1734 = arith.constant 0 : index
        %swap3A_1735 = tpu.vector_load %arg15[%swap3A_1733, %swap3A_1734] {strides = array<i32>} : memref<640x16xf32, #tpu.memory_space<vmem>>, vector<1x16xf32>,
        %swap3A_1736 = vector.shape_cast %swap3A_1735 : vector<1x16xf32> to vector<16xf32>
        %swap3A_1737 = vector.shape_cast %add3A_1732 : vector<16xf32> to vector<1x16xf32>
        tpu.vector_store %arg15[%swap3A_1733, %swap3A_1734], %swap3A_1737 {strides = array<i32>} : memref<640x16xf32, #tpu.memory_space<vmem>>, vector<1x16xf32>,
        %add3A_1738 = arith.constant 5 : i32
        %add3A_1739 = arith.addi %mul3A_1512, %add3A_1738 : i32
        %get3A_1740 = arith.index_cast %add3A_1739 : i32 to index
        %get3A_1741 = arith.constant 0 : index
        %get3A_1742 = tpu.vector_load %arg13[%get3A_1740, %get3A_1741] {strides = array<i32>} : memref<640x32xf32, #tpu.memory_space<vmem>>, vector<1x16xf32>,
        %get3A_1743 = vector.shape_cast %get3A_1742 : vector<1x16xf32> to vector<16xf32>
        %mul3A_1744 = arith.mulf %select_n3A_26, %get3A_1743 : vector<16xf32>
        %get3A_1745 = arith.index_cast %add3A_1739 : i32 to index
        %get3A_1746 = arith.constant 16 : index
        %get3A_1747 = tpu.vector_load %arg13[%get3A_1745, %get3A_1746] {strides = array<i32>} : memref<640x32xf32, #tpu.memory_space<vmem>>, vector<1x16xf32>,
        %get3A_1748 = vector.shape_cast %get3A_1747 : vector<1x16xf32> to vector<16xf32>
        %mul3A_1749 = arith.mulf %select_n3A_26, %get3A_1748 : vector<16xf32>
        %broadcast_in_dim3A_1750 = vector.shape_cast %xor3A_28 : vector<16xi32> to vector<16x1xi32>
        %gather3A_1751 = vector.shape_cast %broadcast_in_dim3A_1750 : vector<16x1xi32> to vector<16xi32>
        %gather3A_1752 = tpu.dynamic_gather %mul3A_1744[%gather3A_1751] in [0] : vector<16xf32>, vector<16xi32> -> vector<16xf32>
        %add3A_1753 = arith.addf %mul3A_1744, %gather3A_1752 : vector<16xf32>
        %broadcast_in_dim3A_1754 = vector.shape_cast %xor3A_28 : vector<16xi32> to vector<16x1xi32>
        %gather3A_1755 = vector.shape_cast %broadcast_in_dim3A_1754 : vector<16x1xi32> to vector<16xi32>
        %gather3A_1756 = tpu.dynamic_gather %mul3A_1749[%gather3A_1755] in [0] : vector<16xf32>, vector<16xi32> -> vector<16xf32>
        %add3A_1757 = arith.addf %mul3A_1749, %gather3A_1756 : vector<16xf32>
        %broadcast_in_dim3A_1758 = vector.shape_cast %and3A_34 : vector<16xi32> to vector<16x1xi32>
        %gather3A_1759 = vector.shape_cast %broadcast_in_dim3A_1758 : vector<16x1xi32> to vector<16xi32>
        %gather3A_1760 = tpu.dynamic_gather %add3A_1753[%gather3A_1759] in [0] : vector<16xf32>, vector<16xi32> -> vector<16xf32>
        %broadcast_in_dim3A_1761 = vector.shape_cast %and3A_34 : vector<16xi32> to vector<16x1xi32>
        %gather3A_1762 = vector.shape_cast %broadcast_in_dim3A_1761 : vector<16x1xi32> to vector<16xi32>
        %gather3A_1763 = tpu.dynamic_gather %add3A_1757[%gather3A_1762] in [0] : vector<16xf32>, vector<16xi32> -> vector<16xf32>
        %select_n3A_1764 = arith.select %lt3A_37, %gather3A_1760, %gather3A_1763 : vector<16xi1>, vector<16xf32>
        %get3A_1765 = arith.index_cast %add3A_1739 : i32 to index
        %get3A_1766 = arith.constant 0 : index
        %get3A_1767 = tpu.vector_load %arg11[%get3A_1765, %get3A_1766] {strides = array<i32>} : memref<640x16xf32, #tpu.memory_space<vmem>>, vector<1x16xf32>,
        %get3A_1768 = vector.shape_cast %get3A_1767 : vector<1x16xf32> to vector<16xf32>
        %slice3A_1769 = vector.extract_strided_slice %div3A_1510 {offsets = [5], sizes = [1], strides = [1]} : vector<16xf32> to vector<1xf32>
        %squeeze3A_1770 = vector.extract %slice3A_1769[0] : f32 from vector<1xf32>
        %mul3A_1771 = vector.broadcast %squeeze3A_1770 : f32 to vector<16xf32>
        %mul3A_1772 = arith.mulf %get3A_1768, %mul3A_1771 : vector<16xf32>
        %get3A_1773 = arith.index_cast %add3A_1739 : i32 to index
        %get3A_1774 = arith.constant 0 : index
        %get3A_1775 = tpu.vector_load %arg12[%get3A_1773, %get3A_1774] {strides = array<i32>} : memref<640x16xf32, #tpu.memory_space<vmem>>, vector<1x16xf32>,
        %get3A_1776 = vector.shape_cast %get3A_1775 : vector<1x16xf32> to vector<16xf32>
        %add3A_1777 = arith.addf %mul3A_1772, %get3A_1776 : vector<16xf32>
        %add3A_1778 = arith.addf %add3A_1777, %select_n3A_1764 : vector<16xf32>
        %swap3A_1779 = arith.index_cast %add3A_1739 : i32 to index
        %swap3A_1780 = arith.constant 0 : index
        %swap3A_1781 = tpu.vector_load %arg15[%swap3A_1779, %swap3A_1780] {strides = array<i32>} : memref<640x16xf32, #tpu.memory_space<vmem>>, vector<1x16xf32>,
        %swap3A_1782 = vector.shape_cast %swap3A_1781 : vector<1x16xf32> to vector<16xf32>
        %swap3A_1783 = vector.shape_cast %add3A_1778 : vector<16xf32> to vector<1x16xf32>
        tpu.vector_store %arg15[%swap3A_1779, %swap3A_1780], %swap3A_1783 {strides = array<i32>} : memref<640x16xf32, #tpu.memory_space<vmem>>, vector<1x16xf32>,
        %add3A_1784 = arith.constant 6 : i32
        %add3A_1785 = arith.addi %mul3A_1512, %add3A_1784 : i32
        %get3A_1786 = arith.index_cast %add3A_1785 : i32 to index
        %get3A_1787 = arith.constant 0 : index
        %get3A_1788 = tpu.vector_load %arg13[%get3A_1786, %get3A_1787] {strides = array<i32>} : memref<640x32xf32, #tpu.memory_space<vmem>>, vector<1x16xf32>,
        %get3A_1789 = vector.shape_cast %get3A_1788 : vector<1x16xf32> to vector<16xf32>
        %mul3A_1790 = arith.mulf %select_n3A_26, %get3A_1789 : vector<16xf32>
        %get3A_1791 = arith.index_cast %add3A_1785 : i32 to index
        %get3A_1792 = arith.constant 16 : index
        %get3A_1793 = tpu.vector_load %arg13[%get3A_1791, %get3A_1792] {strides = array<i32>} : memref<640x32xf32, #tpu.memory_space<vmem>>, vector<1x16xf32>,
        %get3A_1794 = vector.shape_cast %get3A_1793 : vector<1x16xf32> to vector<16xf32>
        %mul3A_1795 = arith.mulf %select_n3A_26, %get3A_1794 : vector<16xf32>
        %broadcast_in_dim3A_1796 = vector.shape_cast %xor3A_28 : vector<16xi32> to vector<16x1xi32>
        %gather3A_1797 = vector.shape_cast %broadcast_in_dim3A_1796 : vector<16x1xi32> to vector<16xi32>
        %gather3A_1798 = tpu.dynamic_gather %mul3A_1790[%gather3A_1797] in [0] : vector<16xf32>, vector<16xi32> -> vector<16xf32>
        %add3A_1799 = arith.addf %mul3A_1790, %gather3A_1798 : vector<16xf32>
        %broadcast_in_dim3A_1800 = vector.shape_cast %xor3A_28 : vector<16xi32> to vector<16x1xi32>
        %gather3A_1801 = vector.shape_cast %broadcast_in_dim3A_1800 : vector<16x1xi32> to vector<16xi32>
        %gather3A_1802 = tpu.dynamic_gather %mul3A_1795[%gather3A_1801] in [0] : vector<16xf32>, vector<16xi32> -> vector<16xf32>
        %add3A_1803 = arith.addf %mul3A_1795, %gather3A_1802 : vector<16xf32>
        %broadcast_in_dim3A_1804 = vector.shape_cast %and3A_34 : vector<16xi32> to vector<16x1xi32>
        %gather3A_1805 = vector.shape_cast %broadcast_in_dim3A_1804 : vector<16x1xi32> to vector<16xi32>
        %gather3A_1806 = tpu.dynamic_gather %add3A_1799[%gather3A_1805] in [0] : vector<16xf32>, vector<16xi32> -> vector<16xf32>
        %broadcast_in_dim3A_1807 = vector.shape_cast %and3A_34 : vector<16xi32> to vector<16x1xi32>
        %gather3A_1808 = vector.shape_cast %broadcast_in_dim3A_1807 : vector<16x1xi32> to vector<16xi32>
        %gather3A_1809 = tpu.dynamic_gather %add3A_1803[%gather3A_1808] in [0] : vector<16xf32>, vector<16xi32> -> vector<16xf32>
        %select_n3A_1810 = arith.select %lt3A_37, %gather3A_1806, %gather3A_1809 : vector<16xi1>, vector<16xf32>
        %get3A_1811 = arith.index_cast %add3A_1785 : i32 to index
        %get3A_1812 = arith.constant 0 : index
        %get3A_1813 = tpu.vector_load %arg11[%get3A_1811, %get3A_1812] {strides = array<i32>} : memref<640x16xf32, #tpu.memory_space<vmem>>, vector<1x16xf32>,
        %get3A_1814 = vector.shape_cast %get3A_1813 : vector<1x16xf32> to vector<16xf32>
        %slice3A_1815 = vector.extract_strided_slice %div3A_1510 {offsets = [6], sizes = [1], strides = [1]} : vector<16xf32> to vector<1xf32>
        %squeeze3A_1816 = vector.extract %slice3A_1815[0] : f32 from vector<1xf32>
        %mul3A_1817 = vector.broadcast %squeeze3A_1816 : f32 to vector<16xf32>
        %mul3A_1818 = arith.mulf %get3A_1814, %mul3A_1817 : vector<16xf32>
        %get3A_1819 = arith.index_cast %add3A_1785 : i32 to index
        %get3A_1820 = arith.constant 0 : index
        %get3A_1821 = tpu.vector_load %arg12[%get3A_1819, %get3A_1820] {strides = array<i32>} : memref<640x16xf32, #tpu.memory_space<vmem>>, vector<1x16xf32>,
        %get3A_1822 = vector.shape_cast %get3A_1821 : vector<1x16xf32> to vector<16xf32>
        %add3A_1823 = arith.addf %mul3A_1818, %get3A_1822 : vector<16xf32>
        %add3A_1824 = arith.addf %add3A_1823, %select_n3A_1810 : vector<16xf32>
        %swap3A_1825 = arith.index_cast %add3A_1785 : i32 to index
        %swap3A_1826 = arith.constant 0 : index
        %swap3A_1827 = tpu.vector_load %arg15[%swap3A_1825, %swap3A_1826] {strides = array<i32>} : memref<640x16xf32, #tpu.memory_space<vmem>>, vector<1x16xf32>,
        %swap3A_1828 = vector.shape_cast %swap3A_1827 : vector<1x16xf32> to vector<16xf32>
        %swap3A_1829 = vector.shape_cast %add3A_1824 : vector<16xf32> to vector<1x16xf32>
        tpu.vector_store %arg15[%swap3A_1825, %swap3A_1826], %swap3A_1829 {strides = array<i32>} : memref<640x16xf32, #tpu.memory_space<vmem>>, vector<1x16xf32>,
        %add3A_1830 = arith.constant 7 : i32
        %add3A_1831 = arith.addi %mul3A_1512, %add3A_1830 : i32
        %get3A_1832 = arith.index_cast %add3A_1831 : i32 to index
        %get3A_1833 = arith.constant 0 : index
        %get3A_1834 = tpu.vector_load %arg13[%get3A_1832, %get3A_1833] {strides = array<i32>} : memref<640x32xf32, #tpu.memory_space<vmem>>, vector<1x16xf32>,
        %get3A_1835 = vector.shape_cast %get3A_1834 : vector<1x16xf32> to vector<16xf32>
        %mul3A_1836 = arith.mulf %select_n3A_26, %get3A_1835 : vector<16xf32>
        %get3A_1837 = arith.index_cast %add3A_1831 : i32 to index
        %get3A_1838 = arith.constant 16 : index
        %get3A_1839 = tpu.vector_load %arg13[%get3A_1837, %get3A_1838] {strides = array<i32>} : memref<640x32xf32, #tpu.memory_space<vmem>>, vector<1x16xf32>,
        %get3A_1840 = vector.shape_cast %get3A_1839 : vector<1x16xf32> to vector<16xf32>
        %mul3A_1841 = arith.mulf %select_n3A_26, %get3A_1840 : vector<16xf32>
        %broadcast_in_dim3A_1842 = vector.shape_cast %xor3A_28 : vector<16xi32> to vector<16x1xi32>
        %gather3A_1843 = vector.shape_cast %broadcast_in_dim3A_1842 : vector<16x1xi32> to vector<16xi32>
        %gather3A_1844 = tpu.dynamic_gather %mul3A_1836[%gather3A_1843] in [0] : vector<16xf32>, vector<16xi32> -> vector<16xf32>
        %add3A_1845 = arith.addf %mul3A_1836, %gather3A_1844 : vector<16xf32>
        %broadcast_in_dim3A_1846 = vector.shape_cast %xor3A_28 : vector<16xi32> to vector<16x1xi32>
        %gather3A_1847 = vector.shape_cast %broadcast_in_dim3A_1846 : vector<16x1xi32> to vector<16xi32>
        %gather3A_1848 = tpu.dynamic_gather %mul3A_1841[%gather3A_1847] in [0] : vector<16xf32>, vector<16xi32> -> vector<16xf32>
        %add3A_1849 = arith.addf %mul3A_1841, %gather3A_1848 : vector<16xf32>
        %broadcast_in_dim3A_1850 = vector.shape_cast %and3A_34 : vector<16xi32> to vector<16x1xi32>
        %gather3A_1851 = vector.shape_cast %broadcast_in_dim3A_1850 : vector<16x1xi32> to vector<16xi32>
        %gather3A_1852 = tpu.dynamic_gather %add3A_1845[%gather3A_1851] in [0] : vector<16xf32>, vector<16xi32> -> vector<16xf32>
        %broadcast_in_dim3A_1853 = vector.shape_cast %and3A_34 : vector<16xi32> to vector<16x1xi32>
        %gather3A_1854 = vector.shape_cast %broadcast_in_dim3A_1853 : vector<16x1xi32> to vector<16xi32>
        %gather3A_1855 = tpu.dynamic_gather %add3A_1849[%gather3A_1854] in [0] : vector<16xf32>, vector<16xi32> -> vector<16xf32>
        %select_n3A_1856 = arith.select %lt3A_37, %gather3A_1852, %gather3A_1855 : vector<16xi1>, vector<16xf32>
        %get3A_1857 = arith.index_cast %add3A_1831 : i32 to index
        %get3A_1858 = arith.constant 0 : index
        %get3A_1859 = tpu.vector_load %arg11[%get3A_1857, %get3A_1858] {strides = array<i32>} : memref<640x16xf32, #tpu.memory_space<vmem>>, vector<1x16xf32>,
        %get3A_1860 = vector.shape_cast %get3A_1859 : vector<1x16xf32> to vector<16xf32>
        %slice3A_1861 = vector.extract_strided_slice %div3A_1510 {offsets = [7], sizes = [1], strides = [1]} : vector<16xf32> to vector<1xf32>
        %squeeze3A_1862 = vector.extract %slice3A_1861[0] : f32 from vector<1xf32>
        %mul3A_1863 = vector.broadcast %squeeze3A_1862 : f32 to vector<16xf32>
        %mul3A_1864 = arith.mulf %get3A_1860, %mul3A_1863 : vector<16xf32>
        %get3A_1865 = arith.index_cast %add3A_1831 : i32 to index
        %get3A_1866 = arith.constant 0 : index
        %get3A_1867 = tpu.vector_load %arg12[%get3A_1865, %get3A_1866] {strides = array<i32>} : memref<640x16xf32, #tpu.memory_space<vmem>>, vector<1x16xf32>,
        %get3A_1868 = vector.shape_cast %get3A_1867 : vector<1x16xf32> to vector<16xf32>
        %add3A_1869 = arith.addf %mul3A_1864, %get3A_1868 : vector<16xf32>
        %add3A_1870 = arith.addf %add3A_1869, %select_n3A_1856 : vector<16xf32>
        %swap3A_1871 = arith.index_cast %add3A_1831 : i32 to index
        %swap3A_1872 = arith.constant 0 : index
        %swap3A_1873 = tpu.vector_load %arg15[%swap3A_1871, %swap3A_1872] {strides = array<i32>} : memref<640x16xf32, #tpu.memory_space<vmem>>, vector<1x16xf32>,
        %swap3A_1874 = vector.shape_cast %swap3A_1873 : vector<1x16xf32> to vector<16xf32>
        %swap3A_1875 = vector.shape_cast %add3A_1870 : vector<16xf32> to vector<1x16xf32>
        tpu.vector_store %arg15[%swap3A_1871, %swap3A_1872], %swap3A_1875 {strides = array<i32>} : memref<640x16xf32, #tpu.memory_space<vmem>>, vector<1x16xf32>,
        %add3A_1876 = arith.constant 8 : i32
        %add3A_1877 = arith.addi %mul3A_1512, %add3A_1876 : i32
        %get3A_1878 = arith.index_cast %add3A_1877 : i32 to index
        %get3A_1879 = arith.constant 0 : index
        %get3A_1880 = tpu.vector_load %arg13[%get3A_1878, %get3A_1879] {strides = array<i32>} : memref<640x32xf32, #tpu.memory_space<vmem>>, vector<1x16xf32>,
        %get3A_1881 = vector.shape_cast %get3A_1880 : vector<1x16xf32> to vector<16xf32>
        %mul3A_1882 = arith.mulf %select_n3A_26, %get3A_1881 : vector<16xf32>
        %get3A_1883 = arith.index_cast %add3A_1877 : i32 to index
        %get3A_1884 = arith.constant 16 : index
        %get3A_1885 = tpu.vector_load %arg13[%get3A_1883, %get3A_1884] {strides = array<i32>} : memref<640x32xf32, #tpu.memory_space<vmem>>, vector<1x16xf32>,
        %get3A_1886 = vector.shape_cast %get3A_1885 : vector<1x16xf32> to vector<16xf32>
        %mul3A_1887 = arith.mulf %select_n3A_26, %get3A_1886 : vector<16xf32>
        %broadcast_in_dim3A_1888 = vector.shape_cast %xor3A_28 : vector<16xi32> to vector<16x1xi32>
        %gather3A_1889 = vector.shape_cast %broadcast_in_dim3A_1888 : vector<16x1xi32> to vector<16xi32>
        %gather3A_1890 = tpu.dynamic_gather %mul3A_1882[%gather3A_1889] in [0] : vector<16xf32>, vector<16xi32> -> vector<16xf32>
        %add3A_1891 = arith.addf %mul3A_1882, %gather3A_1890 : vector<16xf32>
        %broadcast_in_dim3A_1892 = vector.shape_cast %xor3A_28 : vector<16xi32> to vector<16x1xi32>
        %gather3A_1893 = vector.shape_cast %broadcast_in_dim3A_1892 : vector<16x1xi32> to vector<16xi32>
        %gather3A_1894 = tpu.dynamic_gather %mul3A_1887[%gather3A_1893] in [0] : vector<16xf32>, vector<16xi32> -> vector<16xf32>
        %add3A_1895 = arith.addf %mul3A_1887, %gather3A_1894 : vector<16xf32>
        %broadcast_in_dim3A_1896 = vector.shape_cast %and3A_34 : vector<16xi32> to vector<16x1xi32>
        %gather3A_1897 = vector.shape_cast %broadcast_in_dim3A_1896 : vector<16x1xi32> to vector<16xi32>
        %gather3A_1898 = tpu.dynamic_gather %add3A_1891[%gather3A_1897] in [0] : vector<16xf32>, vector<16xi32> -> vector<16xf32>
        %broadcast_in_dim3A_1899 = vector.shape_cast %and3A_34 : vector<16xi32> to vector<16x1xi32>
        %gather3A_1900 = vector.shape_cast %broadcast_in_dim3A_1899 : vector<16x1xi32> to vector<16xi32>
        %gather3A_1901 = tpu.dynamic_gather %add3A_1895[%gather3A_1900] in [0] : vector<16xf32>, vector<16xi32> -> vector<16xf32>
        %select_n3A_1902 = arith.select %lt3A_37, %gather3A_1898, %gather3A_1901 : vector<16xi1>, vector<16xf32>
        %get3A_1903 = arith.index_cast %add3A_1877 : i32 to index
        %get3A_1904 = arith.constant 0 : index
        %get3A_1905 = tpu.vector_load %arg11[%get3A_1903, %get3A_1904] {strides = array<i32>} : memref<640x16xf32, #tpu.memory_space<vmem>>, vector<1x16xf32>,
        %get3A_1906 = vector.shape_cast %get3A_1905 : vector<1x16xf32> to vector<16xf32>
        %slice3A_1907 = vector.extract_strided_slice %div3A_1510 {offsets = [8], sizes = [1], strides = [1]} : vector<16xf32> to vector<1xf32>
        %squeeze3A_1908 = vector.extract %slice3A_1907[0] : f32 from vector<1xf32>
        %mul3A_1909 = vector.broadcast %squeeze3A_1908 : f32 to vector<16xf32>
        %mul3A_1910 = arith.mulf %get3A_1906, %mul3A_1909 : vector<16xf32>
        %get3A_1911 = arith.index_cast %add3A_1877 : i32 to index
        %get3A_1912 = arith.constant 0 : index
        %get3A_1913 = tpu.vector_load %arg12[%get3A_1911, %get3A_1912] {strides = array<i32>} : memref<640x16xf32, #tpu.memory_space<vmem>>, vector<1x16xf32>,
        %get3A_1914 = vector.shape_cast %get3A_1913 : vector<1x16xf32> to vector<16xf32>
        %add3A_1915 = arith.addf %mul3A_1910, %get3A_1914 : vector<16xf32>
        %add3A_1916 = arith.addf %add3A_1915, %select_n3A_1902 : vector<16xf32>
        %swap3A_1917 = arith.index_cast %add3A_1877 : i32 to index
        %swap3A_1918 = arith.constant 0 : index
        %swap3A_1919 = tpu.vector_load %arg15[%swap3A_1917, %swap3A_1918] {strides = array<i32>} : memref<640x16xf32, #tpu.memory_space<vmem>>, vector<1x16xf32>,
        %swap3A_1920 = vector.shape_cast %swap3A_1919 : vector<1x16xf32> to vector<16xf32>
        %swap3A_1921 = vector.shape_cast %add3A_1916 : vector<16xf32> to vector<1x16xf32>
        tpu.vector_store %arg15[%swap3A_1917, %swap3A_1918], %swap3A_1921 {strides = array<i32>} : memref<640x16xf32, #tpu.memory_space<vmem>>, vector<1x16xf32>,
        %add3A_1922 = arith.constant 9 : i32
        %add3A_1923 = arith.addi %mul3A_1512, %add3A_1922 : i32
        %get3A_1924 = arith.index_cast %add3A_1923 : i32 to index
        %get3A_1925 = arith.constant 0 : index
        %get3A_1926 = tpu.vector_load %arg13[%get3A_1924, %get3A_1925] {strides = array<i32>} : memref<640x32xf32, #tpu.memory_space<vmem>>, vector<1x16xf32>,
        %get3A_1927 = vector.shape_cast %get3A_1926 : vector<1x16xf32> to vector<16xf32>
        %mul3A_1928 = arith.mulf %select_n3A_26, %get3A_1927 : vector<16xf32>
        %get3A_1929 = arith.index_cast %add3A_1923 : i32 to index
        %get3A_1930 = arith.constant 16 : index
        %get3A_1931 = tpu.vector_load %arg13[%get3A_1929, %get3A_1930] {strides = array<i32>} : memref<640x32xf32, #tpu.memory_space<vmem>>, vector<1x16xf32>,
        %get3A_1932 = vector.shape_cast %get3A_1931 : vector<1x16xf32> to vector<16xf32>
        %mul3A_1933 = arith.mulf %select_n3A_26, %get3A_1932 : vector<16xf32>
        %broadcast_in_dim3A_1934 = vector.shape_cast %xor3A_28 : vector<16xi32> to vector<16x1xi32>
        %gather3A_1935 = vector.shape_cast %broadcast_in_dim3A_1934 : vector<16x1xi32> to vector<16xi32>
        %gather3A_1936 = tpu.dynamic_gather %mul3A_1928[%gather3A_1935] in [0] : vector<16xf32>, vector<16xi32> -> vector<16xf32>
        %add3A_1937 = arith.addf %mul3A_1928, %gather3A_1936 : vector<16xf32>
        %broadcast_in_dim3A_1938 = vector.shape_cast %xor3A_28 : vector<16xi32> to vector<16x1xi32>
        %gather3A_1939 = vector.shape_cast %broadcast_in_dim3A_1938 : vector<16x1xi32> to vector<16xi32>
        %gather3A_1940 = tpu.dynamic_gather %mul3A_1933[%gather3A_1939] in [0] : vector<16xf32>, vector<16xi32> -> vector<16xf32>
        %add3A_1941 = arith.addf %mul3A_1933, %gather3A_1940 : vector<16xf32>
        %broadcast_in_dim3A_1942 = vector.shape_cast %and3A_34 : vector<16xi32> to vector<16x1xi32>
        %gather3A_1943 = vector.shape_cast %broadcast_in_dim3A_1942 : vector<16x1xi32> to vector<16xi32>
        %gather3A_1944 = tpu.dynamic_gather %add3A_1937[%gather3A_1943] in [0] : vector<16xf32>, vector<16xi32> -> vector<16xf32>
        %broadcast_in_dim3A_1945 = vector.shape_cast %and3A_34 : vector<16xi32> to vector<16x1xi32>
        %gather3A_1946 = vector.shape_cast %broadcast_in_dim3A_1945 : vector<16x1xi32> to vector<16xi32>
        %gather3A_1947 = tpu.dynamic_gather %add3A_1941[%gather3A_1946] in [0] : vector<16xf32>, vector<16xi32> -> vector<16xf32>
        %select_n3A_1948 = arith.select %lt3A_37, %gather3A_1944, %gather3A_1947 : vector<16xi1>, vector<16xf32>
        %get3A_1949 = arith.index_cast %add3A_1923 : i32 to index
        %get3A_1950 = arith.constant 0 : index
        %get3A_1951 = tpu.vector_load %arg11[%get3A_1949, %get3A_1950] {strides = array<i32>} : memref<640x16xf32, #tpu.memory_space<vmem>>, vector<1x16xf32>,
        %get3A_1952 = vector.shape_cast %get3A_1951 : vector<1x16xf32> to vector<16xf32>
        %slice3A_1953 = vector.extract_strided_slice %div3A_1510 {offsets = [9], sizes = [1], strides = [1]} : vector<16xf32> to vector<1xf32>
        %squeeze3A_1954 = vector.extract %slice3A_1953[0] : f32 from vector<1xf32>
        %mul3A_1955 = vector.broadcast %squeeze3A_1954 : f32 to vector<16xf32>
        %mul3A_1956 = arith.mulf %get3A_1952, %mul3A_1955 : vector<16xf32>
        %get3A_1957 = arith.index_cast %add3A_1923 : i32 to index
        %get3A_1958 = arith.constant 0 : index
        %get3A_1959 = tpu.vector_load %arg12[%get3A_1957, %get3A_1958] {strides = array<i32>} : memref<640x16xf32, #tpu.memory_space<vmem>>, vector<1x16xf32>,
        %get3A_1960 = vector.shape_cast %get3A_1959 : vector<1x16xf32> to vector<16xf32>
        %add3A_1961 = arith.addf %mul3A_1956, %get3A_1960 : vector<16xf32>
        %add3A_1962 = arith.addf %add3A_1961, %select_n3A_1948 : vector<16xf32>
        %swap3A_1963 = arith.index_cast %add3A_1923 : i32 to index
        %swap3A_1964 = arith.constant 0 : index
        %swap3A_1965 = tpu.vector_load %arg15[%swap3A_1963, %swap3A_1964] {strides = array<i32>} : memref<640x16xf32, #tpu.memory_space<vmem>>, vector<1x16xf32>,
        %swap3A_1966 = vector.shape_cast %swap3A_1965 : vector<1x16xf32> to vector<16xf32>
        %swap3A_1967 = vector.shape_cast %add3A_1962 : vector<16xf32> to vector<1x16xf32>
        tpu.vector_store %arg15[%swap3A_1963, %swap3A_1964], %swap3A_1967 {strides = array<i32>} : memref<640x16xf32, #tpu.memory_space<vmem>>, vector<1x16xf32>,
        %add3A_1968 = arith.constant 10 : i32
        %add3A_1969 = arith.addi %mul3A_1512, %add3A_1968 : i32
        %get3A_1970 = arith.index_cast %add3A_1969 : i32 to index
        %get3A_1971 = arith.constant 0 : index
        %get3A_1972 = tpu.vector_load %arg13[%get3A_1970, %get3A_1971] {strides = array<i32>} : memref<640x32xf32, #tpu.memory_space<vmem>>, vector<1x16xf32>,
        %get3A_1973 = vector.shape_cast %get3A_1972 : vector<1x16xf32> to vector<16xf32>
        %mul3A_1974 = arith.mulf %select_n3A_26, %get3A_1973 : vector<16xf32>
        %get3A_1975 = arith.index_cast %add3A_1969 : i32 to index
        %get3A_1976 = arith.constant 16 : index
        %get3A_1977 = tpu.vector_load %arg13[%get3A_1975, %get3A_1976] {strides = array<i32>} : memref<640x32xf32, #tpu.memory_space<vmem>>, vector<1x16xf32>,
        %get3A_1978 = vector.shape_cast %get3A_1977 : vector<1x16xf32> to vector<16xf32>
        %mul3A_1979 = arith.mulf %select_n3A_26, %get3A_1978 : vector<16xf32>
        %broadcast_in_dim3A_1980 = vector.shape_cast %xor3A_28 : vector<16xi32> to vector<16x1xi32>
        %gather3A_1981 = vector.shape_cast %broadcast_in_dim3A_1980 : vector<16x1xi32> to vector<16xi32>
        %gather3A_1982 = tpu.dynamic_gather %mul3A_1974[%gather3A_1981] in [0] : vector<16xf32>, vector<16xi32> -> vector<16xf32>
        %add3A_1983 = arith.addf %mul3A_1974, %gather3A_1982 : vector<16xf32>
        %broadcast_in_dim3A_1984 = vector.shape_cast %xor3A_28 : vector<16xi32> to vector<16x1xi32>
        %gather3A_1985 = vector.shape_cast %broadcast_in_dim3A_1984 : vector<16x1xi32> to vector<16xi32>
        %gather3A_1986 = tpu.dynamic_gather %mul3A_1979[%gather3A_1985] in [0] : vector<16xf32>, vector<16xi32> -> vector<16xf32>
        %add3A_1987 = arith.addf %mul3A_1979, %gather3A_1986 : vector<16xf32>
        %broadcast_in_dim3A_1988 = vector.shape_cast %and3A_34 : vector<16xi32> to vector<16x1xi32>
        %gather3A_1989 = vector.shape_cast %broadcast_in_dim3A_1988 : vector<16x1xi32> to vector<16xi32>
        %gather3A_1990 = tpu.dynamic_gather %add3A_1983[%gather3A_1989] in [0] : vector<16xf32>, vector<16xi32> -> vector<16xf32>
        %broadcast_in_dim3A_1991 = vector.shape_cast %and3A_34 : vector<16xi32> to vector<16x1xi32>
        %gather3A_1992 = vector.shape_cast %broadcast_in_dim3A_1991 : vector<16x1xi32> to vector<16xi32>
        %gather3A_1993 = tpu.dynamic_gather %add3A_1987[%gather3A_1992] in [0] : vector<16xf32>, vector<16xi32> -> vector<16xf32>
        %select_n3A_1994 = arith.select %lt3A_37, %gather3A_1990, %gather3A_1993 : vector<16xi1>, vector<16xf32>
        %get3A_1995 = arith.index_cast %add3A_1969 : i32 to index
        %get3A_1996 = arith.constant 0 : index
        %get3A_1997 = tpu.vector_load %arg11[%get3A_1995, %get3A_1996] {strides = array<i32>} : memref<640x16xf32, #tpu.memory_space<vmem>>, vector<1x16xf32>,
        %get3A_1998 = vector.shape_cast %get3A_1997 : vector<1x16xf32> to vector<16xf32>
        %slice3A_1999 = vector.extract_strided_slice %div3A_1510 {offsets = [10], sizes = [1], strides = [1]} : vector<16xf32> to vector<1xf32>
        %squeeze3A_2000 = vector.extract %slice3A_1999[0] : f32 from vector<1xf32>
        %mul3A_2001 = vector.broadcast %squeeze3A_2000 : f32 to vector<16xf32>
        %mul3A_2002 = arith.mulf %get3A_1998, %mul3A_2001 : vector<16xf32>
        %get3A_2003 = arith.index_cast %add3A_1969 : i32 to index
        %get3A_2004 = arith.constant 0 : index
        %get3A_2005 = tpu.vector_load %arg12[%get3A_2003, %get3A_2004] {strides = array<i32>} : memref<640x16xf32, #tpu.memory_space<vmem>>, vector<1x16xf32>,
        %get3A_2006 = vector.shape_cast %get3A_2005 : vector<1x16xf32> to vector<16xf32>
        %add3A_2007 = arith.addf %mul3A_2002, %get3A_2006 : vector<16xf32>
        %add3A_2008 = arith.addf %add3A_2007, %select_n3A_1994 : vector<16xf32>
        %swap3A_2009 = arith.index_cast %add3A_1969 : i32 to index
        %swap3A_2010 = arith.constant 0 : index
        %swap3A_2011 = tpu.vector_load %arg15[%swap3A_2009, %swap3A_2010] {strides = array<i32>} : memref<640x16xf32, #tpu.memory_space<vmem>>, vector<1x16xf32>,
        %swap3A_2012 = vector.shape_cast %swap3A_2011 : vector<1x16xf32> to vector<16xf32>
        %swap3A_2013 = vector.shape_cast %add3A_2008 : vector<16xf32> to vector<1x16xf32>
        tpu.vector_store %arg15[%swap3A_2009, %swap3A_2010], %swap3A_2013 {strides = array<i32>} : memref<640x16xf32, #tpu.memory_space<vmem>>, vector<1x16xf32>,
        %add3A_2014 = arith.constant 11 : i32
        %add3A_2015 = arith.addi %mul3A_1512, %add3A_2014 : i32
        %get3A_2016 = arith.index_cast %add3A_2015 : i32 to index
        %get3A_2017 = arith.constant 0 : index
        %get3A_2018 = tpu.vector_load %arg13[%get3A_2016, %get3A_2017] {strides = array<i32>} : memref<640x32xf32, #tpu.memory_space<vmem>>, vector<1x16xf32>,
        %get3A_2019 = vector.shape_cast %get3A_2018 : vector<1x16xf32> to vector<16xf32>
        %mul3A_2020 = arith.mulf %select_n3A_26, %get3A_2019 : vector<16xf32>
        %get3A_2021 = arith.index_cast %add3A_2015 : i32 to index
        %get3A_2022 = arith.constant 16 : index
        %get3A_2023 = tpu.vector_load %arg13[%get3A_2021, %get3A_2022] {strides = array<i32>} : memref<640x32xf32, #tpu.memory_space<vmem>>, vector<1x16xf32>,
        %get3A_2024 = vector.shape_cast %get3A_2023 : vector<1x16xf32> to vector<16xf32>
        %mul3A_2025 = arith.mulf %select_n3A_26, %get3A_2024 : vector<16xf32>
        %broadcast_in_dim3A_2026 = vector.shape_cast %xor3A_28 : vector<16xi32> to vector<16x1xi32>
        %gather3A_2027 = vector.shape_cast %broadcast_in_dim3A_2026 : vector<16x1xi32> to vector<16xi32>
        %gather3A_2028 = tpu.dynamic_gather %mul3A_2020[%gather3A_2027] in [0] : vector<16xf32>, vector<16xi32> -> vector<16xf32>
        %add3A_2029 = arith.addf %mul3A_2020, %gather3A_2028 : vector<16xf32>
        %broadcast_in_dim3A_2030 = vector.shape_cast %xor3A_28 : vector<16xi32> to vector<16x1xi32>
        %gather3A_2031 = vector.shape_cast %broadcast_in_dim3A_2030 : vector<16x1xi32> to vector<16xi32>
        %gather3A_2032 = tpu.dynamic_gather %mul3A_2025[%gather3A_2031] in [0] : vector<16xf32>, vector<16xi32> -> vector<16xf32>
        %add3A_2033 = arith.addf %mul3A_2025, %gather3A_2032 : vector<16xf32>
        %broadcast_in_dim3A_2034 = vector.shape_cast %and3A_34 : vector<16xi32> to vector<16x1xi32>
        %gather3A_2035 = vector.shape_cast %broadcast_in_dim3A_2034 : vector<16x1xi32> to vector<16xi32>
        %gather3A_2036 = tpu.dynamic_gather %add3A_2029[%gather3A_2035] in [0] : vector<16xf32>, vector<16xi32> -> vector<16xf32>
        %broadcast_in_dim3A_2037 = vector.shape_cast %and3A_34 : vector<16xi32> to vector<16x1xi32>
        %gather3A_2038 = vector.shape_cast %broadcast_in_dim3A_2037 : vector<16x1xi32> to vector<16xi32>
        %gather3A_2039 = tpu.dynamic_gather %add3A_2033[%gather3A_2038] in [0] : vector<16xf32>, vector<16xi32> -> vector<16xf32>
        %select_n3A_2040 = arith.select %lt3A_37, %gather3A_2036, %gather3A_2039 : vector<16xi1>, vector<16xf32>
        %get3A_2041 = arith.index_cast %add3A_2015 : i32 to index
        %get3A_2042 = arith.constant 0 : index
        %get3A_2043 = tpu.vector_load %arg11[%get3A_2041, %get3A_2042] {strides = array<i32>} : memref<640x16xf32, #tpu.memory_space<vmem>>, vector<1x16xf32>,
        %get3A_2044 = vector.shape_cast %get3A_2043 : vector<1x16xf32> to vector<16xf32>
        %slice3A_2045 = vector.extract_strided_slice %div3A_1510 {offsets = [11], sizes = [1], strides = [1]} : vector<16xf32> to vector<1xf32>
        %squeeze3A_2046 = vector.extract %slice3A_2045[0] : f32 from vector<1xf32>
        %mul3A_2047 = vector.broadcast %squeeze3A_2046 : f32 to vector<16xf32>
        %mul3A_2048 = arith.mulf %get3A_2044, %mul3A_2047 : vector<16xf32>
        %get3A_2049 = arith.index_cast %add3A_2015 : i32 to index
        %get3A_2050 = arith.constant 0 : index
        %get3A_2051 = tpu.vector_load %arg12[%get3A_2049, %get3A_2050] {strides = array<i32>} : memref<640x16xf32, #tpu.memory_space<vmem>>, vector<1x16xf32>,
        %get3A_2052 = vector.shape_cast %get3A_2051 : vector<1x16xf32> to vector<16xf32>
        %add3A_2053 = arith.addf %mul3A_2048, %get3A_2052 : vector<16xf32>
        %add3A_2054 = arith.addf %add3A_2053, %select_n3A_2040 : vector<16xf32>
        %swap3A_2055 = arith.index_cast %add3A_2015 : i32 to index
        %swap3A_2056 = arith.constant 0 : index
        %swap3A_2057 = tpu.vector_load %arg15[%swap3A_2055, %swap3A_2056] {strides = array<i32>} : memref<640x16xf32, #tpu.memory_space<vmem>>, vector<1x16xf32>,
        %swap3A_2058 = vector.shape_cast %swap3A_2057 : vector<1x16xf32> to vector<16xf32>
        %swap3A_2059 = vector.shape_cast %add3A_2054 : vector<16xf32> to vector<1x16xf32>
        tpu.vector_store %arg15[%swap3A_2055, %swap3A_2056], %swap3A_2059 {strides = array<i32>} : memref<640x16xf32, #tpu.memory_space<vmem>>, vector<1x16xf32>,
        %add3A_2060 = arith.constant 12 : i32
        %add3A_2061 = arith.addi %mul3A_1512, %add3A_2060 : i32
        %get3A_2062 = arith.index_cast %add3A_2061 : i32 to index
        %get3A_2063 = arith.constant 0 : index
        %get3A_2064 = tpu.vector_load %arg13[%get3A_2062, %get3A_2063] {strides = array<i32>} : memref<640x32xf32, #tpu.memory_space<vmem>>, vector<1x16xf32>,
        %get3A_2065 = vector.shape_cast %get3A_2064 : vector<1x16xf32> to vector<16xf32>
        %mul3A_2066 = arith.mulf %select_n3A_26, %get3A_2065 : vector<16xf32>
        %get3A_2067 = arith.index_cast %add3A_2061 : i32 to index
        %get3A_2068 = arith.constant 16 : index
        %get3A_2069 = tpu.vector_load %arg13[%get3A_2067, %get3A_2068] {strides = array<i32>} : memref<640x32xf32, #tpu.memory_space<vmem>>, vector<1x16xf32>,
        %get3A_2070 = vector.shape_cast %get3A_2069 : vector<1x16xf32> to vector<16xf32>
        %mul3A_2071 = arith.mulf %select_n3A_26, %get3A_2070 : vector<16xf32>
        %broadcast_in_dim3A_2072 = vector.shape_cast %xor3A_28 : vector<16xi32> to vector<16x1xi32>
        %gather3A_2073 = vector.shape_cast %broadcast_in_dim3A_2072 : vector<16x1xi32> to vector<16xi32>
        %gather3A_2074 = tpu.dynamic_gather %mul3A_2066[%gather3A_2073] in [0] : vector<16xf32>, vector<16xi32> -> vector<16xf32>
        %add3A_2075 = arith.addf %mul3A_2066, %gather3A_2074 : vector<16xf32>
        %broadcast_in_dim3A_2076 = vector.shape_cast %xor3A_28 : vector<16xi32> to vector<16x1xi32>
        %gather3A_2077 = vector.shape_cast %broadcast_in_dim3A_2076 : vector<16x1xi32> to vector<16xi32>
        %gather3A_2078 = tpu.dynamic_gather %mul3A_2071[%gather3A_2077] in [0] : vector<16xf32>, vector<16xi32> -> vector<16xf32>
        %add3A_2079 = arith.addf %mul3A_2071, %gather3A_2078 : vector<16xf32>
        %broadcast_in_dim3A_2080 = vector.shape_cast %and3A_34 : vector<16xi32> to vector<16x1xi32>
        %gather3A_2081 = vector.shape_cast %broadcast_in_dim3A_2080 : vector<16x1xi32> to vector<16xi32>
        %gather3A_2082 = tpu.dynamic_gather %add3A_2075[%gather3A_2081] in [0] : vector<16xf32>, vector<16xi32> -> vector<16xf32>
        %broadcast_in_dim3A_2083 = vector.shape_cast %and3A_34 : vector<16xi32> to vector<16x1xi32>
        %gather3A_2084 = vector.shape_cast %broadcast_in_dim3A_2083 : vector<16x1xi32> to vector<16xi32>
        %gather3A_2085 = tpu.dynamic_gather %add3A_2079[%gather3A_2084] in [0] : vector<16xf32>, vector<16xi32> -> vector<16xf32>
        %select_n3A_2086 = arith.select %lt3A_37, %gather3A_2082, %gather3A_2085 : vector<16xi1>, vector<16xf32>
        %get3A_2087 = arith.index_cast %add3A_2061 : i32 to index
        %get3A_2088 = arith.constant 0 : index
        %get3A_2089 = tpu.vector_load %arg11[%get3A_2087, %get3A_2088] {strides = array<i32>} : memref<640x16xf32, #tpu.memory_space<vmem>>, vector<1x16xf32>,
        %get3A_2090 = vector.shape_cast %get3A_2089 : vector<1x16xf32> to vector<16xf32>
        %slice3A_2091 = vector.extract_strided_slice %div3A_1510 {offsets = [12], sizes = [1], strides = [1]} : vector<16xf32> to vector<1xf32>
        %squeeze3A_2092 = vector.extract %slice3A_2091[0] : f32 from vector<1xf32>
        %mul3A_2093 = vector.broadcast %squeeze3A_2092 : f32 to vector<16xf32>
        %mul3A_2094 = arith.mulf %get3A_2090, %mul3A_2093 : vector<16xf32>
        %get3A_2095 = arith.index_cast %add3A_2061 : i32 to index
        %get3A_2096 = arith.constant 0 : index
        %get3A_2097 = tpu.vector_load %arg12[%get3A_2095, %get3A_2096] {strides = array<i32>} : memref<640x16xf32, #tpu.memory_space<vmem>>, vector<1x16xf32>,
        %get3A_2098 = vector.shape_cast %get3A_2097 : vector<1x16xf32> to vector<16xf32>
        %add3A_2099 = arith.addf %mul3A_2094, %get3A_2098 : vector<16xf32>
        %add3A_2100 = arith.addf %add3A_2099, %select_n3A_2086 : vector<16xf32>
        %swap3A_2101 = arith.index_cast %add3A_2061 : i32 to index
        %swap3A_2102 = arith.constant 0 : index
        %swap3A_2103 = tpu.vector_load %arg15[%swap3A_2101, %swap3A_2102] {strides = array<i32>} : memref<640x16xf32, #tpu.memory_space<vmem>>, vector<1x16xf32>,
        %swap3A_2104 = vector.shape_cast %swap3A_2103 : vector<1x16xf32> to vector<16xf32>
        %swap3A_2105 = vector.shape_cast %add3A_2100 : vector<16xf32> to vector<1x16xf32>
        tpu.vector_store %arg15[%swap3A_2101, %swap3A_2102], %swap3A_2105 {strides = array<i32>} : memref<640x16xf32, #tpu.memory_space<vmem>>, vector<1x16xf32>,
        %add3A_2106 = arith.constant 13 : i32
        %add3A_2107 = arith.addi %mul3A_1512, %add3A_2106 : i32
        %get3A_2108 = arith.index_cast %add3A_2107 : i32 to index
        %get3A_2109 = arith.constant 0 : index
        %get3A_2110 = tpu.vector_load %arg13[%get3A_2108, %get3A_2109] {strides = array<i32>} : memref<640x32xf32, #tpu.memory_space<vmem>>, vector<1x16xf32>,
        %get3A_2111 = vector.shape_cast %get3A_2110 : vector<1x16xf32> to vector<16xf32>
        %mul3A_2112 = arith.mulf %select_n3A_26, %get3A_2111 : vector<16xf32>
        %get3A_2113 = arith.index_cast %add3A_2107 : i32 to index
        %get3A_2114 = arith.constant 16 : index
        %get3A_2115 = tpu.vector_load %arg13[%get3A_2113, %get3A_2114] {strides = array<i32>} : memref<640x32xf32, #tpu.memory_space<vmem>>, vector<1x16xf32>,
        %get3A_2116 = vector.shape_cast %get3A_2115 : vector<1x16xf32> to vector<16xf32>
        %mul3A_2117 = arith.mulf %select_n3A_26, %get3A_2116 : vector<16xf32>
        %broadcast_in_dim3A_2118 = vector.shape_cast %xor3A_28 : vector<16xi32> to vector<16x1xi32>
        %gather3A_2119 = vector.shape_cast %broadcast_in_dim3A_2118 : vector<16x1xi32> to vector<16xi32>
        %gather3A_2120 = tpu.dynamic_gather %mul3A_2112[%gather3A_2119] in [0] : vector<16xf32>, vector<16xi32> -> vector<16xf32>
        %add3A_2121 = arith.addf %mul3A_2112, %gather3A_2120 : vector<16xf32>
        %broadcast_in_dim3A_2122 = vector.shape_cast %xor3A_28 : vector<16xi32> to vector<16x1xi32>
        %gather3A_2123 = vector.shape_cast %broadcast_in_dim3A_2122 : vector<16x1xi32> to vector<16xi32>
        %gather3A_2124 = tpu.dynamic_gather %mul3A_2117[%gather3A_2123] in [0] : vector<16xf32>, vector<16xi32> -> vector<16xf32>
        %add3A_2125 = arith.addf %mul3A_2117, %gather3A_2124 : vector<16xf32>
        %broadcast_in_dim3A_2126 = vector.shape_cast %and3A_34 : vector<16xi32> to vector<16x1xi32>
        %gather3A_2127 = vector.shape_cast %broadcast_in_dim3A_2126 : vector<16x1xi32> to vector<16xi32>
        %gather3A_2128 = tpu.dynamic_gather %add3A_2121[%gather3A_2127] in [0] : vector<16xf32>, vector<16xi32> -> vector<16xf32>
        %broadcast_in_dim3A_2129 = vector.shape_cast %and3A_34 : vector<16xi32> to vector<16x1xi32>
        %gather3A_2130 = vector.shape_cast %broadcast_in_dim3A_2129 : vector<16x1xi32> to vector<16xi32>
        %gather3A_2131 = tpu.dynamic_gather %add3A_2125[%gather3A_2130] in [0] : vector<16xf32>, vector<16xi32> -> vector<16xf32>
        %select_n3A_2132 = arith.select %lt3A_37, %gather3A_2128, %gather3A_2131 : vector<16xi1>, vector<16xf32>
        %get3A_2133 = arith.index_cast %add3A_2107 : i32 to index
        %get3A_2134 = arith.constant 0 : index
        %get3A_2135 = tpu.vector_load %arg11[%get3A_2133, %get3A_2134] {strides = array<i32>} : memref<640x16xf32, #tpu.memory_space<vmem>>, vector<1x16xf32>,
        %get3A_2136 = vector.shape_cast %get3A_2135 : vector<1x16xf32> to vector<16xf32>
        %slice3A_2137 = vector.extract_strided_slice %div3A_1510 {offsets = [13], sizes = [1], strides = [1]} : vector<16xf32> to vector<1xf32>
        %squeeze3A_2138 = vector.extract %slice3A_2137[0] : f32 from vector<1xf32>
        %mul3A_2139 = vector.broadcast %squeeze3A_2138 : f32 to vector<16xf32>
        %mul3A_2140 = arith.mulf %get3A_2136, %mul3A_2139 : vector<16xf32>
        %get3A_2141 = arith.index_cast %add3A_2107 : i32 to index
        %get3A_2142 = arith.constant 0 : index
        %get3A_2143 = tpu.vector_load %arg12[%get3A_2141, %get3A_2142] {strides = array<i32>} : memref<640x16xf32, #tpu.memory_space<vmem>>, vector<1x16xf32>,
        %get3A_2144 = vector.shape_cast %get3A_2143 : vector<1x16xf32> to vector<16xf32>
        %add3A_2145 = arith.addf %mul3A_2140, %get3A_2144 : vector<16xf32>
        %add3A_2146 = arith.addf %add3A_2145, %select_n3A_2132 : vector<16xf32>
        %swap3A_2147 = arith.index_cast %add3A_2107 : i32 to index
        %swap3A_2148 = arith.constant 0 : index
        %swap3A_2149 = tpu.vector_load %arg15[%swap3A_2147, %swap3A_2148] {strides = array<i32>} : memref<640x16xf32, #tpu.memory_space<vmem>>, vector<1x16xf32>,
        %swap3A_2150 = vector.shape_cast %swap3A_2149 : vector<1x16xf32> to vector<16xf32>
        %swap3A_2151 = vector.shape_cast %add3A_2146 : vector<16xf32> to vector<1x16xf32>
        tpu.vector_store %arg15[%swap3A_2147, %swap3A_2148], %swap3A_2151 {strides = array<i32>} : memref<640x16xf32, #tpu.memory_space<vmem>>, vector<1x16xf32>,
        %add3A_2152 = arith.constant 14 : i32
        %add3A_2153 = arith.addi %mul3A_1512, %add3A_2152 : i32
        %get3A_2154 = arith.index_cast %add3A_2153 : i32 to index
        %get3A_2155 = arith.constant 0 : index
        %get3A_2156 = tpu.vector_load %arg13[%get3A_2154, %get3A_2155] {strides = array<i32>} : memref<640x32xf32, #tpu.memory_space<vmem>>, vector<1x16xf32>,
        %get3A_2157 = vector.shape_cast %get3A_2156 : vector<1x16xf32> to vector<16xf32>
        %mul3A_2158 = arith.mulf %select_n3A_26, %get3A_2157 : vector<16xf32>
        %get3A_2159 = arith.index_cast %add3A_2153 : i32 to index
        %get3A_2160 = arith.constant 16 : index
        %get3A_2161 = tpu.vector_load %arg13[%get3A_2159, %get3A_2160] {strides = array<i32>} : memref<640x32xf32, #tpu.memory_space<vmem>>, vector<1x16xf32>,
        %get3A_2162 = vector.shape_cast %get3A_2161 : vector<1x16xf32> to vector<16xf32>
        %mul3A_2163 = arith.mulf %select_n3A_26, %get3A_2162 : vector<16xf32>
        %broadcast_in_dim3A_2164 = vector.shape_cast %xor3A_28 : vector<16xi32> to vector<16x1xi32>
        %gather3A_2165 = vector.shape_cast %broadcast_in_dim3A_2164 : vector<16x1xi32> to vector<16xi32>
        %gather3A_2166 = tpu.dynamic_gather %mul3A_2158[%gather3A_2165] in [0] : vector<16xf32>, vector<16xi32> -> vector<16xf32>
        %add3A_2167 = arith.addf %mul3A_2158, %gather3A_2166 : vector<16xf32>
        %broadcast_in_dim3A_2168 = vector.shape_cast %xor3A_28 : vector<16xi32> to vector<16x1xi32>
        %gather3A_2169 = vector.shape_cast %broadcast_in_dim3A_2168 : vector<16x1xi32> to vector<16xi32>
        %gather3A_2170 = tpu.dynamic_gather %mul3A_2163[%gather3A_2169] in [0] : vector<16xf32>, vector<16xi32> -> vector<16xf32>
        %add3A_2171 = arith.addf %mul3A_2163, %gather3A_2170 : vector<16xf32>
        %broadcast_in_dim3A_2172 = vector.shape_cast %and3A_34 : vector<16xi32> to vector<16x1xi32>
        %gather3A_2173 = vector.shape_cast %broadcast_in_dim3A_2172 : vector<16x1xi32> to vector<16xi32>
        %gather3A_2174 = tpu.dynamic_gather %add3A_2167[%gather3A_2173] in [0] : vector<16xf32>, vector<16xi32> -> vector<16xf32>
        %broadcast_in_dim3A_2175 = vector.shape_cast %and3A_34 : vector<16xi32> to vector<16x1xi32>
        %gather3A_2176 = vector.shape_cast %broadcast_in_dim3A_2175 : vector<16x1xi32> to vector<16xi32>
        %gather3A_2177 = tpu.dynamic_gather %add3A_2171[%gather3A_2176] in [0] : vector<16xf32>, vector<16xi32> -> vector<16xf32>
        %select_n3A_2178 = arith.select %lt3A_37, %gather3A_2174, %gather3A_2177 : vector<16xi1>, vector<16xf32>
        %get3A_2179 = arith.index_cast %add3A_2153 : i32 to index
        %get3A_2180 = arith.constant 0 : index
        %get3A_2181 = tpu.vector_load %arg11[%get3A_2179, %get3A_2180] {strides = array<i32>} : memref<640x16xf32, #tpu.memory_space<vmem>>, vector<1x16xf32>,
        %get3A_2182 = vector.shape_cast %get3A_2181 : vector<1x16xf32> to vector<16xf32>
        %slice3A_2183 = vector.extract_strided_slice %div3A_1510 {offsets = [14], sizes = [1], strides = [1]} : vector<16xf32> to vector<1xf32>
        %squeeze3A_2184 = vector.extract %slice3A_2183[0] : f32 from vector<1xf32>
        %mul3A_2185 = vector.broadcast %squeeze3A_2184 : f32 to vector<16xf32>
        %mul3A_2186 = arith.mulf %get3A_2182, %mul3A_2185 : vector<16xf32>
        %get3A_2187 = arith.index_cast %add3A_2153 : i32 to index
        %get3A_2188 = arith.constant 0 : index
        %get3A_2189 = tpu.vector_load %arg12[%get3A_2187, %get3A_2188] {strides = array<i32>} : memref<640x16xf32, #tpu.memory_space<vmem>>, vector<1x16xf32>,
        %get3A_2190 = vector.shape_cast %get3A_2189 : vector<1x16xf32> to vector<16xf32>
        %add3A_2191 = arith.addf %mul3A_2186, %get3A_2190 : vector<16xf32>
        %add3A_2192 = arith.addf %add3A_2191, %select_n3A_2178 : vector<16xf32>
        %swap3A_2193 = arith.index_cast %add3A_2153 : i32 to index
        %swap3A_2194 = arith.constant 0 : index
        %swap3A_2195 = tpu.vector_load %arg15[%swap3A_2193, %swap3A_2194] {strides = array<i32>} : memref<640x16xf32, #tpu.memory_space<vmem>>, vector<1x16xf32>,
        %swap3A_2196 = vector.shape_cast %swap3A_2195 : vector<1x16xf32> to vector<16xf32>
        %swap3A_2197 = vector.shape_cast %add3A_2192 : vector<16xf32> to vector<1x16xf32>
        tpu.vector_store %arg15[%swap3A_2193, %swap3A_2194], %swap3A_2197 {strides = array<i32>} : memref<640x16xf32, #tpu.memory_space<vmem>>, vector<1x16xf32>,
        %add3A_2198 = arith.constant 15 : i32
        %add3A_2199 = arith.addi %mul3A_1512, %add3A_2198 : i32
        %get3A_2200 = arith.index_cast %add3A_2199 : i32 to index
        %get3A_2201 = arith.constant 0 : index
        %get3A_2202 = tpu.vector_load %arg13[%get3A_2200, %get3A_2201] {strides = array<i32>} : memref<640x32xf32, #tpu.memory_space<vmem>>, vector<1x16xf32>,
        %get3A_2203 = vector.shape_cast %get3A_2202 : vector<1x16xf32> to vector<16xf32>
        %mul3A_2204 = arith.mulf %select_n3A_26, %get3A_2203 : vector<16xf32>
        %get3A_2205 = arith.index_cast %add3A_2199 : i32 to index
        %get3A_2206 = arith.constant 16 : index
        %get3A_2207 = tpu.vector_load %arg13[%get3A_2205, %get3A_2206] {strides = array<i32>} : memref<640x32xf32, #tpu.memory_space<vmem>>, vector<1x16xf32>,
        %get3A_2208 = vector.shape_cast %get3A_2207 : vector<1x16xf32> to vector<16xf32>
        %mul3A_2209 = arith.mulf %select_n3A_26, %get3A_2208 : vector<16xf32>
        %broadcast_in_dim3A_2210 = vector.shape_cast %xor3A_28 : vector<16xi32> to vector<16x1xi32>
        %gather3A_2211 = vector.shape_cast %broadcast_in_dim3A_2210 : vector<16x1xi32> to vector<16xi32>
        %gather3A_2212 = tpu.dynamic_gather %mul3A_2204[%gather3A_2211] in [0] : vector<16xf32>, vector<16xi32> -> vector<16xf32>
        %add3A_2213 = arith.addf %mul3A_2204, %gather3A_2212 : vector<16xf32>
        %broadcast_in_dim3A_2214 = vector.shape_cast %xor3A_28 : vector<16xi32> to vector<16x1xi32>
        %gather3A_2215 = vector.shape_cast %broadcast_in_dim3A_2214 : vector<16x1xi32> to vector<16xi32>
        %gather3A_2216 = tpu.dynamic_gather %mul3A_2209[%gather3A_2215] in [0] : vector<16xf32>, vector<16xi32> -> vector<16xf32>
        %add3A_2217 = arith.addf %mul3A_2209, %gather3A_2216 : vector<16xf32>
        %broadcast_in_dim3A_2218 = vector.shape_cast %and3A_34 : vector<16xi32> to vector<16x1xi32>
        %gather3A_2219 = vector.shape_cast %broadcast_in_dim3A_2218 : vector<16x1xi32> to vector<16xi32>
        %gather3A_2220 = tpu.dynamic_gather %add3A_2213[%gather3A_2219] in [0] : vector<16xf32>, vector<16xi32> -> vector<16xf32>
        %broadcast_in_dim3A_2221 = vector.shape_cast %and3A_34 : vector<16xi32> to vector<16x1xi32>
        %gather3A_2222 = vector.shape_cast %broadcast_in_dim3A_2221 : vector<16x1xi32> to vector<16xi32>
        %gather3A_2223 = tpu.dynamic_gather %add3A_2217[%gather3A_2222] in [0] : vector<16xf32>, vector<16xi32> -> vector<16xf32>
        %select_n3A_2224 = arith.select %lt3A_37, %gather3A_2220, %gather3A_2223 : vector<16xi1>, vector<16xf32>
        %get3A_2225 = arith.index_cast %add3A_2199 : i32 to index
        %get3A_2226 = arith.constant 0 : index
        %get3A_2227 = tpu.vector_load %arg11[%get3A_2225, %get3A_2226] {strides = array<i32>} : memref<640x16xf32, #tpu.memory_space<vmem>>, vector<1x16xf32>,
        %get3A_2228 = vector.shape_cast %get3A_2227 : vector<1x16xf32> to vector<16xf32>
        %slice3A_2229 = vector.extract_strided_slice %div3A_1510 {offsets = [15], sizes = [1], strides = [1]} : vector<16xf32> to vector<1xf32>
        %squeeze3A_2230 = vector.extract %slice3A_2229[0] : f32 from vector<1xf32>
        %mul3A_2231 = vector.broadcast %squeeze3A_2230 : f32 to vector<16xf32>
        %mul3A_2232 = arith.mulf %get3A_2228, %mul3A_2231 : vector<16xf32>
        %get3A_2233 = arith.index_cast %add3A_2199 : i32 to index
        %get3A_2234 = arith.constant 0 : index
        %get3A_2235 = tpu.vector_load %arg12[%get3A_2233, %get3A_2234] {strides = array<i32>} : memref<640x16xf32, #tpu.memory_space<vmem>>, vector<1x16xf32>,
        %get3A_2236 = vector.shape_cast %get3A_2235 : vector<1x16xf32> to vector<16xf32>
        %add3A_2237 = arith.addf %mul3A_2232, %get3A_2236 : vector<16xf32>
        %add3A_2238 = arith.addf %add3A_2237, %select_n3A_2224 : vector<16xf32>
        %swap3A_2239 = arith.index_cast %add3A_2199 : i32 to index
        %swap3A_2240 = arith.constant 0 : index
        %swap3A_2241 = tpu.vector_load %arg15[%swap3A_2239, %swap3A_2240] {strides = array<i32>} : memref<640x16xf32, #tpu.memory_space<vmem>>, vector<1x16xf32>,
        %swap3A_2242 = vector.shape_cast %swap3A_2241 : vector<1x16xf32> to vector<16xf32>
        %swap3A_2243 = vector.shape_cast %add3A_2238 : vector<16xf32> to vector<1x16xf32>
        tpu.vector_store %arg15[%swap3A_2239, %swap3A_2240], %swap3A_2243 {strides = array<i32>} : memref<640x16xf32, #tpu.memory_space<vmem>>, vector<1x16xf32>,
        %scan3A_2244 = arith.constant 0 : i32
        scf.yield %scan3A_2244 : i32
      }
      %scan3A_535 = arith.constant 40 : i32
      %add3A_536 = arith.constant 0 : i32
      %add3A_537 = arith.addi %add3A_48, %add3A_536 : i32
      %dma_start3A_538 = arith.constant 0 : i32
      %dma_start3A_539 = arith.constant 0 : i32
      %dma_start3A_540 = tpu.memref_slice %arg15[%dma_start3A_538, %dma_start3A_539] : memref<640x16xf32, #tpu.memory_space<vmem>> -> memref<20x16xf32, #tpu.memory_space<vmem>>
      %dma_start3A_541 = arith.constant 0 : i32
      %dma_start3A_542 = arith.constant 0 : i32
      %dma_start3A_543 = tpu.memref_slice %arg9[%add3A_537, %dma_start3A_541, %dma_start3A_542] : memref<16384x20x16xf32, #tpu.memory_space<hbm>> -> memref<1x20x16xf32, #tpu.memory_space<hbm>>
      %dma_start3A_544 = tpu.memref_squeeze %dma_start3A_543 : memref<1x20x16xf32, #tpu.memory_space<hbm>> -> memref<20x16xf32, #tpu.memory_space<hbm>>
      %dma_start3A_545 = arith.constant 0 : i32
      %dma_start3A_546 = arith.constant 0 : i32
      %dma_start3A_547 = tpu.memref_slice %arg9[%add3A_537, %dma_start3A_545, %dma_start3A_546] : memref<16384x20x16xf32, #tpu.memory_space<hbm>> -> memref<1x20x16xf32, #tpu.memory_space<hbm>>
      %dma_start3A_548 = tpu.memref_squeeze %dma_start3A_547 : memref<1x20x16xf32, #tpu.memory_space<hbm>> -> memref<20x16xf32, #tpu.memory_space<hbm>>
      %dma_start3A_549 = arith.constant 0 : i32
      %dma_start3A_550 = arith.constant 0 : i32
      %dma_start3A_551 = tpu.memref_slice %arg15[%dma_start3A_549, %dma_start3A_550] : memref<640x16xf32, #tpu.memory_space<vmem>> -> memref<20x16xf32, #tpu.memory_space<vmem>>
      tpu.enqueue_dma source(%dma_start3A_551 : memref<20x16xf32, #tpu.memory_space<vmem>>) target(%dma_start3A_548 : memref<20x16xf32, #tpu.memory_space<hbm>>) target_semaphore(%arg19 : memref<!tpu.dma_semaphore, #tpu.memory_space<semaphore_mem>>)
      %add3A_552 = arith.constant 1 : i32
      %add3A_553 = arith.addi %add3A_48, %add3A_552 : i32
      %dma_start3A_554 = arith.constant 20 : i32
      %dma_start3A_555 = arith.constant 0 : i32
      %dma_start3A_556 = tpu.memref_slice %arg15[%dma_start3A_554, %dma_start3A_555] : memref<640x16xf32, #tpu.memory_space<vmem>> -> memref<20x16xf32, #tpu.memory_space<vmem>>
      %dma_start3A_557 = arith.constant 0 : i32
      %dma_start3A_558 = arith.constant 0 : i32
      %dma_start3A_559 = tpu.memref_slice %arg9[%add3A_553, %dma_start3A_557, %dma_start3A_558] : memref<16384x20x16xf32, #tpu.memory_space<hbm>> -> memref<1x20x16xf32, #tpu.memory_space<hbm>>
      %dma_start3A_560 = tpu.memref_squeeze %dma_start3A_559 : memref<1x20x16xf32, #tpu.memory_space<hbm>> -> memref<20x16xf32, #tpu.memory_space<hbm>>
      %dma_start3A_561 = arith.constant 0 : i32
      %dma_start3A_562 = arith.constant 0 : i32
      %dma_start3A_563 = tpu.memref_slice %arg9[%add3A_553, %dma_start3A_561, %dma_start3A_562] : memref<16384x20x16xf32, #tpu.memory_space<hbm>> -> memref<1x20x16xf32, #tpu.memory_space<hbm>>
      %dma_start3A_564 = tpu.memref_squeeze %dma_start3A_563 : memref<1x20x16xf32, #tpu.memory_space<hbm>> -> memref<20x16xf32, #tpu.memory_space<hbm>>
      %dma_start3A_565 = arith.constant 20 : i32
      %dma_start3A_566 = arith.constant 0 : i32
      %dma_start3A_567 = tpu.memref_slice %arg15[%dma_start3A_565, %dma_start3A_566] : memref<640x16xf32, #tpu.memory_space<vmem>> -> memref<20x16xf32, #tpu.memory_space<vmem>>
      tpu.enqueue_dma source(%dma_start3A_567 : memref<20x16xf32, #tpu.memory_space<vmem>>) target(%dma_start3A_564 : memref<20x16xf32, #tpu.memory_space<hbm>>) target_semaphore(%arg19 : memref<!tpu.dma_semaphore, #tpu.memory_space<semaphore_mem>>)
      %add3A_568 = arith.constant 2 : i32
      %add3A_569 = arith.addi %add3A_48, %add3A_568 : i32
      %dma_start3A_570 = arith.constant 40 : i32
      %dma_start3A_571 = arith.constant 0 : i32
      %dma_start3A_572 = tpu.memref_slice %arg15[%dma_start3A_570, %dma_start3A_571] : memref<640x16xf32, #tpu.memory_space<vmem>> -> memref<20x16xf32, #tpu.memory_space<vmem>>
      %dma_start3A_573 = arith.constant 0 : i32
      %dma_start3A_574 = arith.constant 0 : i32
      %dma_start3A_575 = tpu.memref_slice %arg9[%add3A_569, %dma_start3A_573, %dma_start3A_574] : memref<16384x20x16xf32, #tpu.memory_space<hbm>> -> memref<1x20x16xf32, #tpu.memory_space<hbm>>
      %dma_start3A_576 = tpu.memref_squeeze %dma_start3A_575 : memref<1x20x16xf32, #tpu.memory_space<hbm>> -> memref<20x16xf32, #tpu.memory_space<hbm>>
      %dma_start3A_577 = arith.constant 0 : i32
      %dma_start3A_578 = arith.constant 0 : i32
      %dma_start3A_579 = tpu.memref_slice %arg9[%add3A_569, %dma_start3A_577, %dma_start3A_578] : memref<16384x20x16xf32, #tpu.memory_space<hbm>> -> memref<1x20x16xf32, #tpu.memory_space<hbm>>
      %dma_start3A_580 = tpu.memref_squeeze %dma_start3A_579 : memref<1x20x16xf32, #tpu.memory_space<hbm>> -> memref<20x16xf32, #tpu.memory_space<hbm>>
      %dma_start3A_581 = arith.constant 40 : i32
      %dma_start3A_582 = arith.constant 0 : i32
      %dma_start3A_583 = tpu.memref_slice %arg15[%dma_start3A_581, %dma_start3A_582] : memref<640x16xf32, #tpu.memory_space<vmem>> -> memref<20x16xf32, #tpu.memory_space<vmem>>
      tpu.enqueue_dma source(%dma_start3A_583 : memref<20x16xf32, #tpu.memory_space<vmem>>) target(%dma_start3A_580 : memref<20x16xf32, #tpu.memory_space<hbm>>) target_semaphore(%arg19 : memref<!tpu.dma_semaphore, #tpu.memory_space<semaphore_mem>>)
      %add3A_584 = arith.constant 3 : i32
      %add3A_585 = arith.addi %add3A_48, %add3A_584 : i32
      %dma_start3A_586 = arith.constant 60 : i32
      %dma_start3A_587 = arith.constant 0 : i32
      %dma_start3A_588 = tpu.memref_slice %arg15[%dma_start3A_586, %dma_start3A_587] : memref<640x16xf32, #tpu.memory_space<vmem>> -> memref<20x16xf32, #tpu.memory_space<vmem>>
      %dma_start3A_589 = arith.constant 0 : i32
      %dma_start3A_590 = arith.constant 0 : i32
      %dma_start3A_591 = tpu.memref_slice %arg9[%add3A_585, %dma_start3A_589, %dma_start3A_590] : memref<16384x20x16xf32, #tpu.memory_space<hbm>> -> memref<1x20x16xf32, #tpu.memory_space<hbm>>
      %dma_start3A_592 = tpu.memref_squeeze %dma_start3A_591 : memref<1x20x16xf32, #tpu.memory_space<hbm>> -> memref<20x16xf32, #tpu.memory_space<hbm>>
      %dma_start3A_593 = arith.constant 0 : i32
      %dma_start3A_594 = arith.constant 0 : i32
      %dma_start3A_595 = tpu.memref_slice %arg9[%add3A_585, %dma_start3A_593, %dma_start3A_594] : memref<16384x20x16xf32, #tpu.memory_space<hbm>> -> memref<1x20x16xf32, #tpu.memory_space<hbm>>
      %dma_start3A_596 = tpu.memref_squeeze %dma_start3A_595 : memref<1x20x16xf32, #tpu.memory_space<hbm>> -> memref<20x16xf32, #tpu.memory_space<hbm>>
      %dma_start3A_597 = arith.constant 60 : i32
      %dma_start3A_598 = arith.constant 0 : i32
      %dma_start3A_599 = tpu.memref_slice %arg15[%dma_start3A_597, %dma_start3A_598] : memref<640x16xf32, #tpu.memory_space<vmem>> -> memref<20x16xf32, #tpu.memory_space<vmem>>
      tpu.enqueue_dma source(%dma_start3A_599 : memref<20x16xf32, #tpu.memory_space<vmem>>) target(%dma_start3A_596 : memref<20x16xf32, #tpu.memory_space<hbm>>) target_semaphore(%arg19 : memref<!tpu.dma_semaphore, #tpu.memory_space<semaphore_mem>>)
      %add3A_600 = arith.constant 4 : i32
      %add3A_601 = arith.addi %add3A_48, %add3A_600 : i32
      %dma_start3A_602 = arith.constant 80 : i32
      %dma_start3A_603 = arith.constant 0 : i32
      %dma_start3A_604 = tpu.memref_slice %arg15[%dma_start3A_602, %dma_start3A_603] : memref<640x16xf32, #tpu.memory_space<vmem>> -> memref<20x16xf32, #tpu.memory_space<vmem>>
      %dma_start3A_605 = arith.constant 0 : i32
      %dma_start3A_606 = arith.constant 0 : i32
      %dma_start3A_607 = tpu.memref_slice %arg9[%add3A_601, %dma_start3A_605, %dma_start3A_606] : memref<16384x20x16xf32, #tpu.memory_space<hbm>> -> memref<1x20x16xf32, #tpu.memory_space<hbm>>
      %dma_start3A_608 = tpu.memref_squeeze %dma_start3A_607 : memref<1x20x16xf32, #tpu.memory_space<hbm>> -> memref<20x16xf32, #tpu.memory_space<hbm>>
      %dma_start3A_609 = arith.constant 0 : i32
      %dma_start3A_610 = arith.constant 0 : i32
      %dma_start3A_611 = tpu.memref_slice %arg9[%add3A_601, %dma_start3A_609, %dma_start3A_610] : memref<16384x20x16xf32, #tpu.memory_space<hbm>> -> memref<1x20x16xf32, #tpu.memory_space<hbm>>
      %dma_start3A_612 = tpu.memref_squeeze %dma_start3A_611 : memref<1x20x16xf32, #tpu.memory_space<hbm>> -> memref<20x16xf32, #tpu.memory_space<hbm>>
      %dma_start3A_613 = arith.constant 80 : i32
      %dma_start3A_614 = arith.constant 0 : i32
      %dma_start3A_615 = tpu.memref_slice %arg15[%dma_start3A_613, %dma_start3A_614] : memref<640x16xf32, #tpu.memory_space<vmem>> -> memref<20x16xf32, #tpu.memory_space<vmem>>
      tpu.enqueue_dma source(%dma_start3A_615 : memref<20x16xf32, #tpu.memory_space<vmem>>) target(%dma_start3A_612 : memref<20x16xf32, #tpu.memory_space<hbm>>) target_semaphore(%arg19 : memref<!tpu.dma_semaphore, #tpu.memory_space<semaphore_mem>>)
      %add3A_616 = arith.constant 5 : i32
      %add3A_617 = arith.addi %add3A_48, %add3A_616 : i32
      %dma_start3A_618 = arith.constant 100 : i32
      %dma_start3A_619 = arith.constant 0 : i32
      %dma_start3A_620 = tpu.memref_slice %arg15[%dma_start3A_618, %dma_start3A_619] : memref<640x16xf32, #tpu.memory_space<vmem>> -> memref<20x16xf32, #tpu.memory_space<vmem>>
      %dma_start3A_621 = arith.constant 0 : i32
      %dma_start3A_622 = arith.constant 0 : i32
      %dma_start3A_623 = tpu.memref_slice %arg9[%add3A_617, %dma_start3A_621, %dma_start3A_622] : memref<16384x20x16xf32, #tpu.memory_space<hbm>> -> memref<1x20x16xf32, #tpu.memory_space<hbm>>
      %dma_start3A_624 = tpu.memref_squeeze %dma_start3A_623 : memref<1x20x16xf32, #tpu.memory_space<hbm>> -> memref<20x16xf32, #tpu.memory_space<hbm>>
      %dma_start3A_625 = arith.constant 0 : i32
      %dma_start3A_626 = arith.constant 0 : i32
      %dma_start3A_627 = tpu.memref_slice %arg9[%add3A_617, %dma_start3A_625, %dma_start3A_626] : memref<16384x20x16xf32, #tpu.memory_space<hbm>> -> memref<1x20x16xf32, #tpu.memory_space<hbm>>
      %dma_start3A_628 = tpu.memref_squeeze %dma_start3A_627 : memref<1x20x16xf32, #tpu.memory_space<hbm>> -> memref<20x16xf32, #tpu.memory_space<hbm>>
      %dma_start3A_629 = arith.constant 100 : i32
      %dma_start3A_630 = arith.constant 0 : i32
      %dma_start3A_631 = tpu.memref_slice %arg15[%dma_start3A_629, %dma_start3A_630] : memref<640x16xf32, #tpu.memory_space<vmem>> -> memref<20x16xf32, #tpu.memory_space<vmem>>
      tpu.enqueue_dma source(%dma_start3A_631 : memref<20x16xf32, #tpu.memory_space<vmem>>) target(%dma_start3A_628 : memref<20x16xf32, #tpu.memory_space<hbm>>) target_semaphore(%arg19 : memref<!tpu.dma_semaphore, #tpu.memory_space<semaphore_mem>>)
      %add3A_632 = arith.constant 6 : i32
      %add3A_633 = arith.addi %add3A_48, %add3A_632 : i32
      %dma_start3A_634 = arith.constant 120 : i32
      %dma_start3A_635 = arith.constant 0 : i32
      %dma_start3A_636 = tpu.memref_slice %arg15[%dma_start3A_634, %dma_start3A_635] : memref<640x16xf32, #tpu.memory_space<vmem>> -> memref<20x16xf32, #tpu.memory_space<vmem>>
      %dma_start3A_637 = arith.constant 0 : i32
      %dma_start3A_638 = arith.constant 0 : i32
      %dma_start3A_639 = tpu.memref_slice %arg9[%add3A_633, %dma_start3A_637, %dma_start3A_638] : memref<16384x20x16xf32, #tpu.memory_space<hbm>> -> memref<1x20x16xf32, #tpu.memory_space<hbm>>
      %dma_start3A_640 = tpu.memref_squeeze %dma_start3A_639 : memref<1x20x16xf32, #tpu.memory_space<hbm>> -> memref<20x16xf32, #tpu.memory_space<hbm>>
      %dma_start3A_641 = arith.constant 0 : i32
      %dma_start3A_642 = arith.constant 0 : i32
      %dma_start3A_643 = tpu.memref_slice %arg9[%add3A_633, %dma_start3A_641, %dma_start3A_642] : memref<16384x20x16xf32, #tpu.memory_space<hbm>> -> memref<1x20x16xf32, #tpu.memory_space<hbm>>
      %dma_start3A_644 = tpu.memref_squeeze %dma_start3A_643 : memref<1x20x16xf32, #tpu.memory_space<hbm>> -> memref<20x16xf32, #tpu.memory_space<hbm>>
      %dma_start3A_645 = arith.constant 120 : i32
      %dma_start3A_646 = arith.constant 0 : i32
      %dma_start3A_647 = tpu.memref_slice %arg15[%dma_start3A_645, %dma_start3A_646] : memref<640x16xf32, #tpu.memory_space<vmem>> -> memref<20x16xf32, #tpu.memory_space<vmem>>
      tpu.enqueue_dma source(%dma_start3A_647 : memref<20x16xf32, #tpu.memory_space<vmem>>) target(%dma_start3A_644 : memref<20x16xf32, #tpu.memory_space<hbm>>) target_semaphore(%arg19 : memref<!tpu.dma_semaphore, #tpu.memory_space<semaphore_mem>>)
      %add3A_648 = arith.constant 7 : i32
      %add3A_649 = arith.addi %add3A_48, %add3A_648 : i32
      %dma_start3A_650 = arith.constant 140 : i32
      %dma_start3A_651 = arith.constant 0 : i32
      %dma_start3A_652 = tpu.memref_slice %arg15[%dma_start3A_650, %dma_start3A_651] : memref<640x16xf32, #tpu.memory_space<vmem>> -> memref<20x16xf32, #tpu.memory_space<vmem>>
      %dma_start3A_653 = arith.constant 0 : i32
      %dma_start3A_654 = arith.constant 0 : i32
      %dma_start3A_655 = tpu.memref_slice %arg9[%add3A_649, %dma_start3A_653, %dma_start3A_654] : memref<16384x20x16xf32, #tpu.memory_space<hbm>> -> memref<1x20x16xf32, #tpu.memory_space<hbm>>
      %dma_start3A_656 = tpu.memref_squeeze %dma_start3A_655 : memref<1x20x16xf32, #tpu.memory_space<hbm>> -> memref<20x16xf32, #tpu.memory_space<hbm>>
      %dma_start3A_657 = arith.constant 0 : i32
      %dma_start3A_658 = arith.constant 0 : i32
      %dma_start3A_659 = tpu.memref_slice %arg9[%add3A_649, %dma_start3A_657, %dma_start3A_658] : memref<16384x20x16xf32, #tpu.memory_space<hbm>> -> memref<1x20x16xf32, #tpu.memory_space<hbm>>
      %dma_start3A_660 = tpu.memref_squeeze %dma_start3A_659 : memref<1x20x16xf32, #tpu.memory_space<hbm>> -> memref<20x16xf32, #tpu.memory_space<hbm>>
      %dma_start3A_661 = arith.constant 140 : i32
      %dma_start3A_662 = arith.constant 0 : i32
      %dma_start3A_663 = tpu.memref_slice %arg15[%dma_start3A_661, %dma_start3A_662] : memref<640x16xf32, #tpu.memory_space<vmem>> -> memref<20x16xf32, #tpu.memory_space<vmem>>
      tpu.enqueue_dma source(%dma_start3A_663 : memref<20x16xf32, #tpu.memory_space<vmem>>) target(%dma_start3A_660 : memref<20x16xf32, #tpu.memory_space<hbm>>) target_semaphore(%arg19 : memref<!tpu.dma_semaphore, #tpu.memory_space<semaphore_mem>>)
      %add3A_664 = arith.constant 8 : i32
      %add3A_665 = arith.addi %add3A_48, %add3A_664 : i32
      %dma_start3A_666 = arith.constant 160 : i32
      %dma_start3A_667 = arith.constant 0 : i32
      %dma_start3A_668 = tpu.memref_slice %arg15[%dma_start3A_666, %dma_start3A_667] : memref<640x16xf32, #tpu.memory_space<vmem>> -> memref<20x16xf32, #tpu.memory_space<vmem>>
      %dma_start3A_669 = arith.constant 0 : i32
      %dma_start3A_670 = arith.constant 0 : i32
      %dma_start3A_671 = tpu.memref_slice %arg9[%add3A_665, %dma_start3A_669, %dma_start3A_670] : memref<16384x20x16xf32, #tpu.memory_space<hbm>> -> memref<1x20x16xf32, #tpu.memory_space<hbm>>
      %dma_start3A_672 = tpu.memref_squeeze %dma_start3A_671 : memref<1x20x16xf32, #tpu.memory_space<hbm>> -> memref<20x16xf32, #tpu.memory_space<hbm>>
      %dma_start3A_673 = arith.constant 0 : i32
      %dma_start3A_674 = arith.constant 0 : i32
      %dma_start3A_675 = tpu.memref_slice %arg9[%add3A_665, %dma_start3A_673, %dma_start3A_674] : memref<16384x20x16xf32, #tpu.memory_space<hbm>> -> memref<1x20x16xf32, #tpu.memory_space<hbm>>
      %dma_start3A_676 = tpu.memref_squeeze %dma_start3A_675 : memref<1x20x16xf32, #tpu.memory_space<hbm>> -> memref<20x16xf32, #tpu.memory_space<hbm>>
      %dma_start3A_677 = arith.constant 160 : i32
      %dma_start3A_678 = arith.constant 0 : i32
      %dma_start3A_679 = tpu.memref_slice %arg15[%dma_start3A_677, %dma_start3A_678] : memref<640x16xf32, #tpu.memory_space<vmem>> -> memref<20x16xf32, #tpu.memory_space<vmem>>
      tpu.enqueue_dma source(%dma_start3A_679 : memref<20x16xf32, #tpu.memory_space<vmem>>) target(%dma_start3A_676 : memref<20x16xf32, #tpu.memory_space<hbm>>) target_semaphore(%arg19 : memref<!tpu.dma_semaphore, #tpu.memory_space<semaphore_mem>>)
      %add3A_680 = arith.constant 9 : i32
      %add3A_681 = arith.addi %add3A_48, %add3A_680 : i32
      %dma_start3A_682 = arith.constant 180 : i32
      %dma_start3A_683 = arith.constant 0 : i32
      %dma_start3A_684 = tpu.memref_slice %arg15[%dma_start3A_682, %dma_start3A_683] : memref<640x16xf32, #tpu.memory_space<vmem>> -> memref<20x16xf32, #tpu.memory_space<vmem>>
      %dma_start3A_685 = arith.constant 0 : i32
      %dma_start3A_686 = arith.constant 0 : i32
      %dma_start3A_687 = tpu.memref_slice %arg9[%add3A_681, %dma_start3A_685, %dma_start3A_686] : memref<16384x20x16xf32, #tpu.memory_space<hbm>> -> memref<1x20x16xf32, #tpu.memory_space<hbm>>
      %dma_start3A_688 = tpu.memref_squeeze %dma_start3A_687 : memref<1x20x16xf32, #tpu.memory_space<hbm>> -> memref<20x16xf32, #tpu.memory_space<hbm>>
      %dma_start3A_689 = arith.constant 0 : i32
      %dma_start3A_690 = arith.constant 0 : i32
      %dma_start3A_691 = tpu.memref_slice %arg9[%add3A_681, %dma_start3A_689, %dma_start3A_690] : memref<16384x20x16xf32, #tpu.memory_space<hbm>> -> memref<1x20x16xf32, #tpu.memory_space<hbm>>
      %dma_start3A_692 = tpu.memref_squeeze %dma_start3A_691 : memref<1x20x16xf32, #tpu.memory_space<hbm>> -> memref<20x16xf32, #tpu.memory_space<hbm>>
      %dma_start3A_693 = arith.constant 180 : i32
      %dma_start3A_694 = arith.constant 0 : i32
      %dma_start3A_695 = tpu.memref_slice %arg15[%dma_start3A_693, %dma_start3A_694] : memref<640x16xf32, #tpu.memory_space<vmem>> -> memref<20x16xf32, #tpu.memory_space<vmem>>
      tpu.enqueue_dma source(%dma_start3A_695 : memref<20x16xf32, #tpu.memory_space<vmem>>) target(%dma_start3A_692 : memref<20x16xf32, #tpu.memory_space<hbm>>) target_semaphore(%arg19 : memref<!tpu.dma_semaphore, #tpu.memory_space<semaphore_mem>>)
      %add3A_696 = arith.constant 10 : i32
      %add3A_697 = arith.addi %add3A_48, %add3A_696 : i32
      %dma_start3A_698 = arith.constant 200 : i32
      %dma_start3A_699 = arith.constant 0 : i32
      %dma_start3A_700 = tpu.memref_slice %arg15[%dma_start3A_698, %dma_start3A_699] : memref<640x16xf32, #tpu.memory_space<vmem>> -> memref<20x16xf32, #tpu.memory_space<vmem>>
      %dma_start3A_701 = arith.constant 0 : i32
      %dma_start3A_702 = arith.constant 0 : i32
      %dma_start3A_703 = tpu.memref_slice %arg9[%add3A_697, %dma_start3A_701, %dma_start3A_702] : memref<16384x20x16xf32, #tpu.memory_space<hbm>> -> memref<1x20x16xf32, #tpu.memory_space<hbm>>
      %dma_start3A_704 = tpu.memref_squeeze %dma_start3A_703 : memref<1x20x16xf32, #tpu.memory_space<hbm>> -> memref<20x16xf32, #tpu.memory_space<hbm>>
      %dma_start3A_705 = arith.constant 0 : i32
      %dma_start3A_706 = arith.constant 0 : i32
      %dma_start3A_707 = tpu.memref_slice %arg9[%add3A_697, %dma_start3A_705, %dma_start3A_706] : memref<16384x20x16xf32, #tpu.memory_space<hbm>> -> memref<1x20x16xf32, #tpu.memory_space<hbm>>
      %dma_start3A_708 = tpu.memref_squeeze %dma_start3A_707 : memref<1x20x16xf32, #tpu.memory_space<hbm>> -> memref<20x16xf32, #tpu.memory_space<hbm>>
      %dma_start3A_709 = arith.constant 200 : i32
      %dma_start3A_710 = arith.constant 0 : i32
      %dma_start3A_711 = tpu.memref_slice %arg15[%dma_start3A_709, %dma_start3A_710] : memref<640x16xf32, #tpu.memory_space<vmem>> -> memref<20x16xf32, #tpu.memory_space<vmem>>
      tpu.enqueue_dma source(%dma_start3A_711 : memref<20x16xf32, #tpu.memory_space<vmem>>) target(%dma_start3A_708 : memref<20x16xf32, #tpu.memory_space<hbm>>) target_semaphore(%arg19 : memref<!tpu.dma_semaphore, #tpu.memory_space<semaphore_mem>>)
      %add3A_712 = arith.constant 11 : i32
      %add3A_713 = arith.addi %add3A_48, %add3A_712 : i32
      %dma_start3A_714 = arith.constant 220 : i32
      %dma_start3A_715 = arith.constant 0 : i32
      %dma_start3A_716 = tpu.memref_slice %arg15[%dma_start3A_714, %dma_start3A_715] : memref<640x16xf32, #tpu.memory_space<vmem>> -> memref<20x16xf32, #tpu.memory_space<vmem>>
      %dma_start3A_717 = arith.constant 0 : i32
      %dma_start3A_718 = arith.constant 0 : i32
      %dma_start3A_719 = tpu.memref_slice %arg9[%add3A_713, %dma_start3A_717, %dma_start3A_718] : memref<16384x20x16xf32, #tpu.memory_space<hbm>> -> memref<1x20x16xf32, #tpu.memory_space<hbm>>
      %dma_start3A_720 = tpu.memref_squeeze %dma_start3A_719 : memref<1x20x16xf32, #tpu.memory_space<hbm>> -> memref<20x16xf32, #tpu.memory_space<hbm>>
      %dma_start3A_721 = arith.constant 0 : i32
      %dma_start3A_722 = arith.constant 0 : i32
      %dma_start3A_723 = tpu.memref_slice %arg9[%add3A_713, %dma_start3A_721, %dma_start3A_722] : memref<16384x20x16xf32, #tpu.memory_space<hbm>> -> memref<1x20x16xf32, #tpu.memory_space<hbm>>
      %dma_start3A_724 = tpu.memref_squeeze %dma_start3A_723 : memref<1x20x16xf32, #tpu.memory_space<hbm>> -> memref<20x16xf32, #tpu.memory_space<hbm>>
      %dma_start3A_725 = arith.constant 220 : i32
      %dma_start3A_726 = arith.constant 0 : i32
      %dma_start3A_727 = tpu.memref_slice %arg15[%dma_start3A_725, %dma_start3A_726] : memref<640x16xf32, #tpu.memory_space<vmem>> -> memref<20x16xf32, #tpu.memory_space<vmem>>
      tpu.enqueue_dma source(%dma_start3A_727 : memref<20x16xf32, #tpu.memory_space<vmem>>) target(%dma_start3A_724 : memref<20x16xf32, #tpu.memory_space<hbm>>) target_semaphore(%arg19 : memref<!tpu.dma_semaphore, #tpu.memory_space<semaphore_mem>>)
      %add3A_728 = arith.constant 12 : i32
      %add3A_729 = arith.addi %add3A_48, %add3A_728 : i32
      %dma_start3A_730 = arith.constant 240 : i32
      %dma_start3A_731 = arith.constant 0 : i32
      %dma_start3A_732 = tpu.memref_slice %arg15[%dma_start3A_730, %dma_start3A_731] : memref<640x16xf32, #tpu.memory_space<vmem>> -> memref<20x16xf32, #tpu.memory_space<vmem>>
      %dma_start3A_733 = arith.constant 0 : i32
      %dma_start3A_734 = arith.constant 0 : i32
      %dma_start3A_735 = tpu.memref_slice %arg9[%add3A_729, %dma_start3A_733, %dma_start3A_734] : memref<16384x20x16xf32, #tpu.memory_space<hbm>> -> memref<1x20x16xf32, #tpu.memory_space<hbm>>
      %dma_start3A_736 = tpu.memref_squeeze %dma_start3A_735 : memref<1x20x16xf32, #tpu.memory_space<hbm>> -> memref<20x16xf32, #tpu.memory_space<hbm>>
      %dma_start3A_737 = arith.constant 0 : i32
      %dma_start3A_738 = arith.constant 0 : i32
      %dma_start3A_739 = tpu.memref_slice %arg9[%add3A_729, %dma_start3A_737, %dma_start3A_738] : memref<16384x20x16xf32, #tpu.memory_space<hbm>> -> memref<1x20x16xf32, #tpu.memory_space<hbm>>
      %dma_start3A_740 = tpu.memref_squeeze %dma_start3A_739 : memref<1x20x16xf32, #tpu.memory_space<hbm>> -> memref<20x16xf32, #tpu.memory_space<hbm>>
      %dma_start3A_741 = arith.constant 240 : i32
      %dma_start3A_742 = arith.constant 0 : i32
      %dma_start3A_743 = tpu.memref_slice %arg15[%dma_start3A_741, %dma_start3A_742] : memref<640x16xf32, #tpu.memory_space<vmem>> -> memref<20x16xf32, #tpu.memory_space<vmem>>
      tpu.enqueue_dma source(%dma_start3A_743 : memref<20x16xf32, #tpu.memory_space<vmem>>) target(%dma_start3A_740 : memref<20x16xf32, #tpu.memory_space<hbm>>) target_semaphore(%arg19 : memref<!tpu.dma_semaphore, #tpu.memory_space<semaphore_mem>>)
      %add3A_744 = arith.constant 13 : i32
      %add3A_745 = arith.addi %add3A_48, %add3A_744 : i32
      %dma_start3A_746 = arith.constant 260 : i32
      %dma_start3A_747 = arith.constant 0 : i32
      %dma_start3A_748 = tpu.memref_slice %arg15[%dma_start3A_746, %dma_start3A_747] : memref<640x16xf32, #tpu.memory_space<vmem>> -> memref<20x16xf32, #tpu.memory_space<vmem>>
      %dma_start3A_749 = arith.constant 0 : i32
      %dma_start3A_750 = arith.constant 0 : i32
      %dma_start3A_751 = tpu.memref_slice %arg9[%add3A_745, %dma_start3A_749, %dma_start3A_750] : memref<16384x20x16xf32, #tpu.memory_space<hbm>> -> memref<1x20x16xf32, #tpu.memory_space<hbm>>
      %dma_start3A_752 = tpu.memref_squeeze %dma_start3A_751 : memref<1x20x16xf32, #tpu.memory_space<hbm>> -> memref<20x16xf32, #tpu.memory_space<hbm>>
      %dma_start3A_753 = arith.constant 0 : i32
      %dma_start3A_754 = arith.constant 0 : i32
      %dma_start3A_755 = tpu.memref_slice %arg9[%add3A_745, %dma_start3A_753, %dma_start3A_754] : memref<16384x20x16xf32, #tpu.memory_space<hbm>> -> memref<1x20x16xf32, #tpu.memory_space<hbm>>
      %dma_start3A_756 = tpu.memref_squeeze %dma_start3A_755 : memref<1x20x16xf32, #tpu.memory_space<hbm>> -> memref<20x16xf32, #tpu.memory_space<hbm>>
      %dma_start3A_757 = arith.constant 260 : i32
      %dma_start3A_758 = arith.constant 0 : i32
      %dma_start3A_759 = tpu.memref_slice %arg15[%dma_start3A_757, %dma_start3A_758] : memref<640x16xf32, #tpu.memory_space<vmem>> -> memref<20x16xf32, #tpu.memory_space<vmem>>
      tpu.enqueue_dma source(%dma_start3A_759 : memref<20x16xf32, #tpu.memory_space<vmem>>) target(%dma_start3A_756 : memref<20x16xf32, #tpu.memory_space<hbm>>) target_semaphore(%arg19 : memref<!tpu.dma_semaphore, #tpu.memory_space<semaphore_mem>>)
      %add3A_760 = arith.constant 14 : i32
      %add3A_761 = arith.addi %add3A_48, %add3A_760 : i32
      %dma_start3A_762 = arith.constant 280 : i32
      %dma_start3A_763 = arith.constant 0 : i32
      %dma_start3A_764 = tpu.memref_slice %arg15[%dma_start3A_762, %dma_start3A_763] : memref<640x16xf32, #tpu.memory_space<vmem>> -> memref<20x16xf32, #tpu.memory_space<vmem>>
      %dma_start3A_765 = arith.constant 0 : i32
      %dma_start3A_766 = arith.constant 0 : i32
      %dma_start3A_767 = tpu.memref_slice %arg9[%add3A_761, %dma_start3A_765, %dma_start3A_766] : memref<16384x20x16xf32, #tpu.memory_space<hbm>> -> memref<1x20x16xf32, #tpu.memory_space<hbm>>
      %dma_start3A_768 = tpu.memref_squeeze %dma_start3A_767 : memref<1x20x16xf32, #tpu.memory_space<hbm>> -> memref<20x16xf32, #tpu.memory_space<hbm>>
      %dma_start3A_769 = arith.constant 0 : i32
      %dma_start3A_770 = arith.constant 0 : i32
      %dma_start3A_771 = tpu.memref_slice %arg9[%add3A_761, %dma_start3A_769, %dma_start3A_770] : memref<16384x20x16xf32, #tpu.memory_space<hbm>> -> memref<1x20x16xf32, #tpu.memory_space<hbm>>
      %dma_start3A_772 = tpu.memref_squeeze %dma_start3A_771 : memref<1x20x16xf32, #tpu.memory_space<hbm>> -> memref<20x16xf32, #tpu.memory_space<hbm>>
      %dma_start3A_773 = arith.constant 280 : i32
      %dma_start3A_774 = arith.constant 0 : i32
      %dma_start3A_775 = tpu.memref_slice %arg15[%dma_start3A_773, %dma_start3A_774] : memref<640x16xf32, #tpu.memory_space<vmem>> -> memref<20x16xf32, #tpu.memory_space<vmem>>
      tpu.enqueue_dma source(%dma_start3A_775 : memref<20x16xf32, #tpu.memory_space<vmem>>) target(%dma_start3A_772 : memref<20x16xf32, #tpu.memory_space<hbm>>) target_semaphore(%arg19 : memref<!tpu.dma_semaphore, #tpu.memory_space<semaphore_mem>>)
      %add3A_776 = arith.constant 15 : i32
      %add3A_777 = arith.addi %add3A_48, %add3A_776 : i32
      %dma_start3A_778 = arith.constant 300 : i32
      %dma_start3A_779 = arith.constant 0 : i32
      %dma_start3A_780 = tpu.memref_slice %arg15[%dma_start3A_778, %dma_start3A_779] : memref<640x16xf32, #tpu.memory_space<vmem>> -> memref<20x16xf32, #tpu.memory_space<vmem>>
      %dma_start3A_781 = arith.constant 0 : i32
      %dma_start3A_782 = arith.constant 0 : i32
      %dma_start3A_783 = tpu.memref_slice %arg9[%add3A_777, %dma_start3A_781, %dma_start3A_782] : memref<16384x20x16xf32, #tpu.memory_space<hbm>> -> memref<1x20x16xf32, #tpu.memory_space<hbm>>
      %dma_start3A_784 = tpu.memref_squeeze %dma_start3A_783 : memref<1x20x16xf32, #tpu.memory_space<hbm>> -> memref<20x16xf32, #tpu.memory_space<hbm>>
      %dma_start3A_785 = arith.constant 0 : i32
      %dma_start3A_786 = arith.constant 0 : i32
      %dma_start3A_787 = tpu.memref_slice %arg9[%add3A_777, %dma_start3A_785, %dma_start3A_786] : memref<16384x20x16xf32, #tpu.memory_space<hbm>> -> memref<1x20x16xf32, #tpu.memory_space<hbm>>
      %dma_start3A_788 = tpu.memref_squeeze %dma_start3A_787 : memref<1x20x16xf32, #tpu.memory_space<hbm>> -> memref<20x16xf32, #tpu.memory_space<hbm>>
      %dma_start3A_789 = arith.constant 300 : i32
      %dma_start3A_790 = arith.constant 0 : i32
      %dma_start3A_791 = tpu.memref_slice %arg15[%dma_start3A_789, %dma_start3A_790] : memref<640x16xf32, #tpu.memory_space<vmem>> -> memref<20x16xf32, #tpu.memory_space<vmem>>
      tpu.enqueue_dma source(%dma_start3A_791 : memref<20x16xf32, #tpu.memory_space<vmem>>) target(%dma_start3A_788 : memref<20x16xf32, #tpu.memory_space<hbm>>) target_semaphore(%arg19 : memref<!tpu.dma_semaphore, #tpu.memory_space<semaphore_mem>>)
      %add3A_792 = arith.constant 16 : i32
      %add3A_793 = arith.addi %add3A_48, %add3A_792 : i32
      %dma_start3A_794 = arith.constant 320 : i32
      %dma_start3A_795 = arith.constant 0 : i32
      %dma_start3A_796 = tpu.memref_slice %arg15[%dma_start3A_794, %dma_start3A_795] : memref<640x16xf32, #tpu.memory_space<vmem>> -> memref<20x16xf32, #tpu.memory_space<vmem>>
      %dma_start3A_797 = arith.constant 0 : i32
      %dma_start3A_798 = arith.constant 0 : i32
      %dma_start3A_799 = tpu.memref_slice %arg9[%add3A_793, %dma_start3A_797, %dma_start3A_798] : memref<16384x20x16xf32, #tpu.memory_space<hbm>> -> memref<1x20x16xf32, #tpu.memory_space<hbm>>
      %dma_start3A_800 = tpu.memref_squeeze %dma_start3A_799 : memref<1x20x16xf32, #tpu.memory_space<hbm>> -> memref<20x16xf32, #tpu.memory_space<hbm>>
      %dma_start3A_801 = arith.constant 0 : i32
      %dma_start3A_802 = arith.constant 0 : i32
      %dma_start3A_803 = tpu.memref_slice %arg9[%add3A_793, %dma_start3A_801, %dma_start3A_802] : memref<16384x20x16xf32, #tpu.memory_space<hbm>> -> memref<1x20x16xf32, #tpu.memory_space<hbm>>
      %dma_start3A_804 = tpu.memref_squeeze %dma_start3A_803 : memref<1x20x16xf32, #tpu.memory_space<hbm>> -> memref<20x16xf32, #tpu.memory_space<hbm>>
      %dma_start3A_805 = arith.constant 320 : i32
      %dma_start3A_806 = arith.constant 0 : i32
      %dma_start3A_807 = tpu.memref_slice %arg15[%dma_start3A_805, %dma_start3A_806] : memref<640x16xf32, #tpu.memory_space<vmem>> -> memref<20x16xf32, #tpu.memory_space<vmem>>
      tpu.enqueue_dma source(%dma_start3A_807 : memref<20x16xf32, #tpu.memory_space<vmem>>) target(%dma_start3A_804 : memref<20x16xf32, #tpu.memory_space<hbm>>) target_semaphore(%arg19 : memref<!tpu.dma_semaphore, #tpu.memory_space<semaphore_mem>>)
      %add3A_808 = arith.constant 17 : i32
      %add3A_809 = arith.addi %add3A_48, %add3A_808 : i32
      %dma_start3A_810 = arith.constant 340 : i32
      %dma_start3A_811 = arith.constant 0 : i32
      %dma_start3A_812 = tpu.memref_slice %arg15[%dma_start3A_810, %dma_start3A_811] : memref<640x16xf32, #tpu.memory_space<vmem>> -> memref<20x16xf32, #tpu.memory_space<vmem>>
      %dma_start3A_813 = arith.constant 0 : i32
      %dma_start3A_814 = arith.constant 0 : i32
      %dma_start3A_815 = tpu.memref_slice %arg9[%add3A_809, %dma_start3A_813, %dma_start3A_814] : memref<16384x20x16xf32, #tpu.memory_space<hbm>> -> memref<1x20x16xf32, #tpu.memory_space<hbm>>
      %dma_start3A_816 = tpu.memref_squeeze %dma_start3A_815 : memref<1x20x16xf32, #tpu.memory_space<hbm>> -> memref<20x16xf32, #tpu.memory_space<hbm>>
      %dma_start3A_817 = arith.constant 0 : i32
      %dma_start3A_818 = arith.constant 0 : i32
      %dma_start3A_819 = tpu.memref_slice %arg9[%add3A_809, %dma_start3A_817, %dma_start3A_818] : memref<16384x20x16xf32, #tpu.memory_space<hbm>> -> memref<1x20x16xf32, #tpu.memory_space<hbm>>
      %dma_start3A_820 = tpu.memref_squeeze %dma_start3A_819 : memref<1x20x16xf32, #tpu.memory_space<hbm>> -> memref<20x16xf32, #tpu.memory_space<hbm>>
      %dma_start3A_821 = arith.constant 340 : i32
      %dma_start3A_822 = arith.constant 0 : i32
      %dma_start3A_823 = tpu.memref_slice %arg15[%dma_start3A_821, %dma_start3A_822] : memref<640x16xf32, #tpu.memory_space<vmem>> -> memref<20x16xf32, #tpu.memory_space<vmem>>
      tpu.enqueue_dma source(%dma_start3A_823 : memref<20x16xf32, #tpu.memory_space<vmem>>) target(%dma_start3A_820 : memref<20x16xf32, #tpu.memory_space<hbm>>) target_semaphore(%arg19 : memref<!tpu.dma_semaphore, #tpu.memory_space<semaphore_mem>>)
      %add3A_824 = arith.constant 18 : i32
      %add3A_825 = arith.addi %add3A_48, %add3A_824 : i32
      %dma_start3A_826 = arith.constant 360 : i32
      %dma_start3A_827 = arith.constant 0 : i32
      %dma_start3A_828 = tpu.memref_slice %arg15[%dma_start3A_826, %dma_start3A_827] : memref<640x16xf32, #tpu.memory_space<vmem>> -> memref<20x16xf32, #tpu.memory_space<vmem>>
      %dma_start3A_829 = arith.constant 0 : i32
      %dma_start3A_830 = arith.constant 0 : i32
      %dma_start3A_831 = tpu.memref_slice %arg9[%add3A_825, %dma_start3A_829, %dma_start3A_830] : memref<16384x20x16xf32, #tpu.memory_space<hbm>> -> memref<1x20x16xf32, #tpu.memory_space<hbm>>
      %dma_start3A_832 = tpu.memref_squeeze %dma_start3A_831 : memref<1x20x16xf32, #tpu.memory_space<hbm>> -> memref<20x16xf32, #tpu.memory_space<hbm>>
      %dma_start3A_833 = arith.constant 0 : i32
      %dma_start3A_834 = arith.constant 0 : i32
      %dma_start3A_835 = tpu.memref_slice %arg9[%add3A_825, %dma_start3A_833, %dma_start3A_834] : memref<16384x20x16xf32, #tpu.memory_space<hbm>> -> memref<1x20x16xf32, #tpu.memory_space<hbm>>
      %dma_start3A_836 = tpu.memref_squeeze %dma_start3A_835 : memref<1x20x16xf32, #tpu.memory_space<hbm>> -> memref<20x16xf32, #tpu.memory_space<hbm>>
      %dma_start3A_837 = arith.constant 360 : i32
      %dma_start3A_838 = arith.constant 0 : i32
      %dma_start3A_839 = tpu.memref_slice %arg15[%dma_start3A_837, %dma_start3A_838] : memref<640x16xf32, #tpu.memory_space<vmem>> -> memref<20x16xf32, #tpu.memory_space<vmem>>
      tpu.enqueue_dma source(%dma_start3A_839 : memref<20x16xf32, #tpu.memory_space<vmem>>) target(%dma_start3A_836 : memref<20x16xf32, #tpu.memory_space<hbm>>) target_semaphore(%arg19 : memref<!tpu.dma_semaphore, #tpu.memory_space<semaphore_mem>>)
      %add3A_840 = arith.constant 19 : i32
      %add3A_841 = arith.addi %add3A_48, %add3A_840 : i32
      %dma_start3A_842 = arith.constant 380 : i32
      %dma_start3A_843 = arith.constant 0 : i32
      %dma_start3A_844 = tpu.memref_slice %arg15[%dma_start3A_842, %dma_start3A_843] : memref<640x16xf32, #tpu.memory_space<vmem>> -> memref<20x16xf32, #tpu.memory_space<vmem>>
      %dma_start3A_845 = arith.constant 0 : i32
      %dma_start3A_846 = arith.constant 0 : i32
      %dma_start3A_847 = tpu.memref_slice %arg9[%add3A_841, %dma_start3A_845, %dma_start3A_846] : memref<16384x20x16xf32, #tpu.memory_space<hbm>> -> memref<1x20x16xf32, #tpu.memory_space<hbm>>
      %dma_start3A_848 = tpu.memref_squeeze %dma_start3A_847 : memref<1x20x16xf32, #tpu.memory_space<hbm>> -> memref<20x16xf32, #tpu.memory_space<hbm>>
      %dma_start3A_849 = arith.constant 0 : i32
      %dma_start3A_850 = arith.constant 0 : i32
      %dma_start3A_851 = tpu.memref_slice %arg9[%add3A_841, %dma_start3A_849, %dma_start3A_850] : memref<16384x20x16xf32, #tpu.memory_space<hbm>> -> memref<1x20x16xf32, #tpu.memory_space<hbm>>
      %dma_start3A_852 = tpu.memref_squeeze %dma_start3A_851 : memref<1x20x16xf32, #tpu.memory_space<hbm>> -> memref<20x16xf32, #tpu.memory_space<hbm>>
      %dma_start3A_853 = arith.constant 380 : i32
      %dma_start3A_854 = arith.constant 0 : i32
      %dma_start3A_855 = tpu.memref_slice %arg15[%dma_start3A_853, %dma_start3A_854] : memref<640x16xf32, #tpu.memory_space<vmem>> -> memref<20x16xf32, #tpu.memory_space<vmem>>
      tpu.enqueue_dma source(%dma_start3A_855 : memref<20x16xf32, #tpu.memory_space<vmem>>) target(%dma_start3A_852 : memref<20x16xf32, #tpu.memory_space<hbm>>) target_semaphore(%arg19 : memref<!tpu.dma_semaphore, #tpu.memory_space<semaphore_mem>>)
      %add3A_856 = arith.constant 20 : i32
      %add3A_857 = arith.addi %add3A_48, %add3A_856 : i32
      %dma_start3A_858 = arith.constant 400 : i32
      %dma_start3A_859 = arith.constant 0 : i32
      %dma_start3A_860 = tpu.memref_slice %arg15[%dma_start3A_858, %dma_start3A_859] : memref<640x16xf32, #tpu.memory_space<vmem>> -> memref<20x16xf32, #tpu.memory_space<vmem>>
      %dma_start3A_861 = arith.constant 0 : i32
      %dma_start3A_862 = arith.constant 0 : i32
      %dma_start3A_863 = tpu.memref_slice %arg9[%add3A_857, %dma_start3A_861, %dma_start3A_862] : memref<16384x20x16xf32, #tpu.memory_space<hbm>> -> memref<1x20x16xf32, #tpu.memory_space<hbm>>
      %dma_start3A_864 = tpu.memref_squeeze %dma_start3A_863 : memref<1x20x16xf32, #tpu.memory_space<hbm>> -> memref<20x16xf32, #tpu.memory_space<hbm>>
      %dma_start3A_865 = arith.constant 0 : i32
      %dma_start3A_866 = arith.constant 0 : i32
      %dma_start3A_867 = tpu.memref_slice %arg9[%add3A_857, %dma_start3A_865, %dma_start3A_866] : memref<16384x20x16xf32, #tpu.memory_space<hbm>> -> memref<1x20x16xf32, #tpu.memory_space<hbm>>
      %dma_start3A_868 = tpu.memref_squeeze %dma_start3A_867 : memref<1x20x16xf32, #tpu.memory_space<hbm>> -> memref<20x16xf32, #tpu.memory_space<hbm>>
      %dma_start3A_869 = arith.constant 400 : i32
      %dma_start3A_870 = arith.constant 0 : i32
      %dma_start3A_871 = tpu.memref_slice %arg15[%dma_start3A_869, %dma_start3A_870] : memref<640x16xf32, #tpu.memory_space<vmem>> -> memref<20x16xf32, #tpu.memory_space<vmem>>
      tpu.enqueue_dma source(%dma_start3A_871 : memref<20x16xf32, #tpu.memory_space<vmem>>) target(%dma_start3A_868 : memref<20x16xf32, #tpu.memory_space<hbm>>) target_semaphore(%arg19 : memref<!tpu.dma_semaphore, #tpu.memory_space<semaphore_mem>>)
      %add3A_872 = arith.constant 21 : i32
      %add3A_873 = arith.addi %add3A_48, %add3A_872 : i32
      %dma_start3A_874 = arith.constant 420 : i32
      %dma_start3A_875 = arith.constant 0 : i32
      %dma_start3A_876 = tpu.memref_slice %arg15[%dma_start3A_874, %dma_start3A_875] : memref<640x16xf32, #tpu.memory_space<vmem>> -> memref<20x16xf32, #tpu.memory_space<vmem>>
      %dma_start3A_877 = arith.constant 0 : i32
      %dma_start3A_878 = arith.constant 0 : i32
      %dma_start3A_879 = tpu.memref_slice %arg9[%add3A_873, %dma_start3A_877, %dma_start3A_878] : memref<16384x20x16xf32, #tpu.memory_space<hbm>> -> memref<1x20x16xf32, #tpu.memory_space<hbm>>
      %dma_start3A_880 = tpu.memref_squeeze %dma_start3A_879 : memref<1x20x16xf32, #tpu.memory_space<hbm>> -> memref<20x16xf32, #tpu.memory_space<hbm>>
      %dma_start3A_881 = arith.constant 0 : i32
      %dma_start3A_882 = arith.constant 0 : i32
      %dma_start3A_883 = tpu.memref_slice %arg9[%add3A_873, %dma_start3A_881, %dma_start3A_882] : memref<16384x20x16xf32, #tpu.memory_space<hbm>> -> memref<1x20x16xf32, #tpu.memory_space<hbm>>
      %dma_start3A_884 = tpu.memref_squeeze %dma_start3A_883 : memref<1x20x16xf32, #tpu.memory_space<hbm>> -> memref<20x16xf32, #tpu.memory_space<hbm>>
      %dma_start3A_885 = arith.constant 420 : i32
      %dma_start3A_886 = arith.constant 0 : i32
      %dma_start3A_887 = tpu.memref_slice %arg15[%dma_start3A_885, %dma_start3A_886] : memref<640x16xf32, #tpu.memory_space<vmem>> -> memref<20x16xf32, #tpu.memory_space<vmem>>
      tpu.enqueue_dma source(%dma_start3A_887 : memref<20x16xf32, #tpu.memory_space<vmem>>) target(%dma_start3A_884 : memref<20x16xf32, #tpu.memory_space<hbm>>) target_semaphore(%arg19 : memref<!tpu.dma_semaphore, #tpu.memory_space<semaphore_mem>>)
      %add3A_888 = arith.constant 22 : i32
      %add3A_889 = arith.addi %add3A_48, %add3A_888 : i32
      %dma_start3A_890 = arith.constant 440 : i32
      %dma_start3A_891 = arith.constant 0 : i32
      %dma_start3A_892 = tpu.memref_slice %arg15[%dma_start3A_890, %dma_start3A_891] : memref<640x16xf32, #tpu.memory_space<vmem>> -> memref<20x16xf32, #tpu.memory_space<vmem>>
      %dma_start3A_893 = arith.constant 0 : i32
      %dma_start3A_894 = arith.constant 0 : i32
      %dma_start3A_895 = tpu.memref_slice %arg9[%add3A_889, %dma_start3A_893, %dma_start3A_894] : memref<16384x20x16xf32, #tpu.memory_space<hbm>> -> memref<1x20x16xf32, #tpu.memory_space<hbm>>
      %dma_start3A_896 = tpu.memref_squeeze %dma_start3A_895 : memref<1x20x16xf32, #tpu.memory_space<hbm>> -> memref<20x16xf32, #tpu.memory_space<hbm>>
      %dma_start3A_897 = arith.constant 0 : i32
      %dma_start3A_898 = arith.constant 0 : i32
      %dma_start3A_899 = tpu.memref_slice %arg9[%add3A_889, %dma_start3A_897, %dma_start3A_898] : memref<16384x20x16xf32, #tpu.memory_space<hbm>> -> memref<1x20x16xf32, #tpu.memory_space<hbm>>
      %dma_start3A_900 = tpu.memref_squeeze %dma_start3A_899 : memref<1x20x16xf32, #tpu.memory_space<hbm>> -> memref<20x16xf32, #tpu.memory_space<hbm>>
      %dma_start3A_901 = arith.constant 440 : i32
      %dma_start3A_902 = arith.constant 0 : i32
      %dma_start3A_903 = tpu.memref_slice %arg15[%dma_start3A_901, %dma_start3A_902] : memref<640x16xf32, #tpu.memory_space<vmem>> -> memref<20x16xf32, #tpu.memory_space<vmem>>
      tpu.enqueue_dma source(%dma_start3A_903 : memref<20x16xf32, #tpu.memory_space<vmem>>) target(%dma_start3A_900 : memref<20x16xf32, #tpu.memory_space<hbm>>) target_semaphore(%arg19 : memref<!tpu.dma_semaphore, #tpu.memory_space<semaphore_mem>>)
      %add3A_904 = arith.constant 23 : i32
      %add3A_905 = arith.addi %add3A_48, %add3A_904 : i32
      %dma_start3A_906 = arith.constant 460 : i32
      %dma_start3A_907 = arith.constant 0 : i32
      %dma_start3A_908 = tpu.memref_slice %arg15[%dma_start3A_906, %dma_start3A_907] : memref<640x16xf32, #tpu.memory_space<vmem>> -> memref<20x16xf32, #tpu.memory_space<vmem>>
      %dma_start3A_909 = arith.constant 0 : i32
      %dma_start3A_910 = arith.constant 0 : i32
      %dma_start3A_911 = tpu.memref_slice %arg9[%add3A_905, %dma_start3A_909, %dma_start3A_910] : memref<16384x20x16xf32, #tpu.memory_space<hbm>> -> memref<1x20x16xf32, #tpu.memory_space<hbm>>
      %dma_start3A_912 = tpu.memref_squeeze %dma_start3A_911 : memref<1x20x16xf32, #tpu.memory_space<hbm>> -> memref<20x16xf32, #tpu.memory_space<hbm>>
      %dma_start3A_913 = arith.constant 0 : i32
      %dma_start3A_914 = arith.constant 0 : i32
      %dma_start3A_915 = tpu.memref_slice %arg9[%add3A_905, %dma_start3A_913, %dma_start3A_914] : memref<16384x20x16xf32, #tpu.memory_space<hbm>> -> memref<1x20x16xf32, #tpu.memory_space<hbm>>
      %dma_start3A_916 = tpu.memref_squeeze %dma_start3A_915 : memref<1x20x16xf32, #tpu.memory_space<hbm>> -> memref<20x16xf32, #tpu.memory_space<hbm>>
      %dma_start3A_917 = arith.constant 460 : i32
      %dma_start3A_918 = arith.constant 0 : i32
      %dma_start3A_919 = tpu.memref_slice %arg15[%dma_start3A_917, %dma_start3A_918] : memref<640x16xf32, #tpu.memory_space<vmem>> -> memref<20x16xf32, #tpu.memory_space<vmem>>
      tpu.enqueue_dma source(%dma_start3A_919 : memref<20x16xf32, #tpu.memory_space<vmem>>) target(%dma_start3A_916 : memref<20x16xf32, #tpu.memory_space<hbm>>) target_semaphore(%arg19 : memref<!tpu.dma_semaphore, #tpu.memory_space<semaphore_mem>>)
      %add3A_920 = arith.constant 24 : i32
      %add3A_921 = arith.addi %add3A_48, %add3A_920 : i32
      %dma_start3A_922 = arith.constant 480 : i32
      %dma_start3A_923 = arith.constant 0 : i32
      %dma_start3A_924 = tpu.memref_slice %arg15[%dma_start3A_922, %dma_start3A_923] : memref<640x16xf32, #tpu.memory_space<vmem>> -> memref<20x16xf32, #tpu.memory_space<vmem>>
      %dma_start3A_925 = arith.constant 0 : i32
      %dma_start3A_926 = arith.constant 0 : i32
      %dma_start3A_927 = tpu.memref_slice %arg9[%add3A_921, %dma_start3A_925, %dma_start3A_926] : memref<16384x20x16xf32, #tpu.memory_space<hbm>> -> memref<1x20x16xf32, #tpu.memory_space<hbm>>
      %dma_start3A_928 = tpu.memref_squeeze %dma_start3A_927 : memref<1x20x16xf32, #tpu.memory_space<hbm>> -> memref<20x16xf32, #tpu.memory_space<hbm>>
      %dma_start3A_929 = arith.constant 0 : i32
      %dma_start3A_930 = arith.constant 0 : i32
      %dma_start3A_931 = tpu.memref_slice %arg9[%add3A_921, %dma_start3A_929, %dma_start3A_930] : memref<16384x20x16xf32, #tpu.memory_space<hbm>> -> memref<1x20x16xf32, #tpu.memory_space<hbm>>
      %dma_start3A_932 = tpu.memref_squeeze %dma_start3A_931 : memref<1x20x16xf32, #tpu.memory_space<hbm>> -> memref<20x16xf32, #tpu.memory_space<hbm>>
      %dma_start3A_933 = arith.constant 480 : i32
      %dma_start3A_934 = arith.constant 0 : i32
      %dma_start3A_935 = tpu.memref_slice %arg15[%dma_start3A_933, %dma_start3A_934] : memref<640x16xf32, #tpu.memory_space<vmem>> -> memref<20x16xf32, #tpu.memory_space<vmem>>
      tpu.enqueue_dma source(%dma_start3A_935 : memref<20x16xf32, #tpu.memory_space<vmem>>) target(%dma_start3A_932 : memref<20x16xf32, #tpu.memory_space<hbm>>) target_semaphore(%arg19 : memref<!tpu.dma_semaphore, #tpu.memory_space<semaphore_mem>>)
      %add3A_936 = arith.constant 25 : i32
      %add3A_937 = arith.addi %add3A_48, %add3A_936 : i32
      %dma_start3A_938 = arith.constant 500 : i32
      %dma_start3A_939 = arith.constant 0 : i32
      %dma_start3A_940 = tpu.memref_slice %arg15[%dma_start3A_938, %dma_start3A_939] : memref<640x16xf32, #tpu.memory_space<vmem>> -> memref<20x16xf32, #tpu.memory_space<vmem>>
      %dma_start3A_941 = arith.constant 0 : i32
      %dma_start3A_942 = arith.constant 0 : i32
      %dma_start3A_943 = tpu.memref_slice %arg9[%add3A_937, %dma_start3A_941, %dma_start3A_942] : memref<16384x20x16xf32, #tpu.memory_space<hbm>> -> memref<1x20x16xf32, #tpu.memory_space<hbm>>
      %dma_start3A_944 = tpu.memref_squeeze %dma_start3A_943 : memref<1x20x16xf32, #tpu.memory_space<hbm>> -> memref<20x16xf32, #tpu.memory_space<hbm>>
      %dma_start3A_945 = arith.constant 0 : i32
      %dma_start3A_946 = arith.constant 0 : i32
      %dma_start3A_947 = tpu.memref_slice %arg9[%add3A_937, %dma_start3A_945, %dma_start3A_946] : memref<16384x20x16xf32, #tpu.memory_space<hbm>> -> memref<1x20x16xf32, #tpu.memory_space<hbm>>
      %dma_start3A_948 = tpu.memref_squeeze %dma_start3A_947 : memref<1x20x16xf32, #tpu.memory_space<hbm>> -> memref<20x16xf32, #tpu.memory_space<hbm>>
      %dma_start3A_949 = arith.constant 500 : i32
      %dma_start3A_950 = arith.constant 0 : i32
      %dma_start3A_951 = tpu.memref_slice %arg15[%dma_start3A_949, %dma_start3A_950] : memref<640x16xf32, #tpu.memory_space<vmem>> -> memref<20x16xf32, #tpu.memory_space<vmem>>
      tpu.enqueue_dma source(%dma_start3A_951 : memref<20x16xf32, #tpu.memory_space<vmem>>) target(%dma_start3A_948 : memref<20x16xf32, #tpu.memory_space<hbm>>) target_semaphore(%arg19 : memref<!tpu.dma_semaphore, #tpu.memory_space<semaphore_mem>>)
      %add3A_952 = arith.constant 26 : i32
      %add3A_953 = arith.addi %add3A_48, %add3A_952 : i32
      %dma_start3A_954 = arith.constant 520 : i32
      %dma_start3A_955 = arith.constant 0 : i32
      %dma_start3A_956 = tpu.memref_slice %arg15[%dma_start3A_954, %dma_start3A_955] : memref<640x16xf32, #tpu.memory_space<vmem>> -> memref<20x16xf32, #tpu.memory_space<vmem>>
      %dma_start3A_957 = arith.constant 0 : i32
      %dma_start3A_958 = arith.constant 0 : i32
      %dma_start3A_959 = tpu.memref_slice %arg9[%add3A_953, %dma_start3A_957, %dma_start3A_958] : memref<16384x20x16xf32, #tpu.memory_space<hbm>> -> memref<1x20x16xf32, #tpu.memory_space<hbm>>
      %dma_start3A_960 = tpu.memref_squeeze %dma_start3A_959 : memref<1x20x16xf32, #tpu.memory_space<hbm>> -> memref<20x16xf32, #tpu.memory_space<hbm>>
      %dma_start3A_961 = arith.constant 0 : i32
      %dma_start3A_962 = arith.constant 0 : i32
      %dma_start3A_963 = tpu.memref_slice %arg9[%add3A_953, %dma_start3A_961, %dma_start3A_962] : memref<16384x20x16xf32, #tpu.memory_space<hbm>> -> memref<1x20x16xf32, #tpu.memory_space<hbm>>
      %dma_start3A_964 = tpu.memref_squeeze %dma_start3A_963 : memref<1x20x16xf32, #tpu.memory_space<hbm>> -> memref<20x16xf32, #tpu.memory_space<hbm>>
      %dma_start3A_965 = arith.constant 520 : i32
      %dma_start3A_966 = arith.constant 0 : i32
      %dma_start3A_967 = tpu.memref_slice %arg15[%dma_start3A_965, %dma_start3A_966] : memref<640x16xf32, #tpu.memory_space<vmem>> -> memref<20x16xf32, #tpu.memory_space<vmem>>
      tpu.enqueue_dma source(%dma_start3A_967 : memref<20x16xf32, #tpu.memory_space<vmem>>) target(%dma_start3A_964 : memref<20x16xf32, #tpu.memory_space<hbm>>) target_semaphore(%arg19 : memref<!tpu.dma_semaphore, #tpu.memory_space<semaphore_mem>>)
      %add3A_968 = arith.constant 27 : i32
      %add3A_969 = arith.addi %add3A_48, %add3A_968 : i32
      %dma_start3A_970 = arith.constant 540 : i32
      %dma_start3A_971 = arith.constant 0 : i32
      %dma_start3A_972 = tpu.memref_slice %arg15[%dma_start3A_970, %dma_start3A_971] : memref<640x16xf32, #tpu.memory_space<vmem>> -> memref<20x16xf32, #tpu.memory_space<vmem>>
      %dma_start3A_973 = arith.constant 0 : i32
      %dma_start3A_974 = arith.constant 0 : i32
      %dma_start3A_975 = tpu.memref_slice %arg9[%add3A_969, %dma_start3A_973, %dma_start3A_974] : memref<16384x20x16xf32, #tpu.memory_space<hbm>> -> memref<1x20x16xf32, #tpu.memory_space<hbm>>
      %dma_start3A_976 = tpu.memref_squeeze %dma_start3A_975 : memref<1x20x16xf32, #tpu.memory_space<hbm>> -> memref<20x16xf32, #tpu.memory_space<hbm>>
      %dma_start3A_977 = arith.constant 0 : i32
      %dma_start3A_978 = arith.constant 0 : i32
      %dma_start3A_979 = tpu.memref_slice %arg9[%add3A_969, %dma_start3A_977, %dma_start3A_978] : memref<16384x20x16xf32, #tpu.memory_space<hbm>> -> memref<1x20x16xf32, #tpu.memory_space<hbm>>
      %dma_start3A_980 = tpu.memref_squeeze %dma_start3A_979 : memref<1x20x16xf32, #tpu.memory_space<hbm>> -> memref<20x16xf32, #tpu.memory_space<hbm>>
      %dma_start3A_981 = arith.constant 540 : i32
      %dma_start3A_982 = arith.constant 0 : i32
      %dma_start3A_983 = tpu.memref_slice %arg15[%dma_start3A_981, %dma_start3A_982] : memref<640x16xf32, #tpu.memory_space<vmem>> -> memref<20x16xf32, #tpu.memory_space<vmem>>
      tpu.enqueue_dma source(%dma_start3A_983 : memref<20x16xf32, #tpu.memory_space<vmem>>) target(%dma_start3A_980 : memref<20x16xf32, #tpu.memory_space<hbm>>) target_semaphore(%arg19 : memref<!tpu.dma_semaphore, #tpu.memory_space<semaphore_mem>>)
      %add3A_984 = arith.constant 28 : i32
      %add3A_985 = arith.addi %add3A_48, %add3A_984 : i32
      %dma_start3A_986 = arith.constant 560 : i32
      %dma_start3A_987 = arith.constant 0 : i32
      %dma_start3A_988 = tpu.memref_slice %arg15[%dma_start3A_986, %dma_start3A_987] : memref<640x16xf32, #tpu.memory_space<vmem>> -> memref<20x16xf32, #tpu.memory_space<vmem>>
      %dma_start3A_989 = arith.constant 0 : i32
      %dma_start3A_990 = arith.constant 0 : i32
      %dma_start3A_991 = tpu.memref_slice %arg9[%add3A_985, %dma_start3A_989, %dma_start3A_990] : memref<16384x20x16xf32, #tpu.memory_space<hbm>> -> memref<1x20x16xf32, #tpu.memory_space<hbm>>
      %dma_start3A_992 = tpu.memref_squeeze %dma_start3A_991 : memref<1x20x16xf32, #tpu.memory_space<hbm>> -> memref<20x16xf32, #tpu.memory_space<hbm>>
      %dma_start3A_993 = arith.constant 0 : i32
      %dma_start3A_994 = arith.constant 0 : i32
      %dma_start3A_995 = tpu.memref_slice %arg9[%add3A_985, %dma_start3A_993, %dma_start3A_994] : memref<16384x20x16xf32, #tpu.memory_space<hbm>> -> memref<1x20x16xf32, #tpu.memory_space<hbm>>
      %dma_start3A_996 = tpu.memref_squeeze %dma_start3A_995 : memref<1x20x16xf32, #tpu.memory_space<hbm>> -> memref<20x16xf32, #tpu.memory_space<hbm>>
      %dma_start3A_997 = arith.constant 560 : i32
      %dma_start3A_998 = arith.constant 0 : i32
      %dma_start3A_999 = tpu.memref_slice %arg15[%dma_start3A_997, %dma_start3A_998] : memref<640x16xf32, #tpu.memory_space<vmem>> -> memref<20x16xf32, #tpu.memory_space<vmem>>
      tpu.enqueue_dma source(%dma_start3A_999 : memref<20x16xf32, #tpu.memory_space<vmem>>) target(%dma_start3A_996 : memref<20x16xf32, #tpu.memory_space<hbm>>) target_semaphore(%arg19 : memref<!tpu.dma_semaphore, #tpu.memory_space<semaphore_mem>>)
      %add3A_1000 = arith.constant 29 : i32
      %add3A_1001 = arith.addi %add3A_48, %add3A_1000 : i32
      %dma_start3A_1002 = arith.constant 580 : i32
      %dma_start3A_1003 = arith.constant 0 : i32
      %dma_start3A_1004 = tpu.memref_slice %arg15[%dma_start3A_1002, %dma_start3A_1003] : memref<640x16xf32, #tpu.memory_space<vmem>> -> memref<20x16xf32, #tpu.memory_space<vmem>>
      %dma_start3A_1005 = arith.constant 0 : i32
      %dma_start3A_1006 = arith.constant 0 : i32
      %dma_start3A_1007 = tpu.memref_slice %arg9[%add3A_1001, %dma_start3A_1005, %dma_start3A_1006] : memref<16384x20x16xf32, #tpu.memory_space<hbm>> -> memref<1x20x16xf32, #tpu.memory_space<hbm>>
      %dma_start3A_1008 = tpu.memref_squeeze %dma_start3A_1007 : memref<1x20x16xf32, #tpu.memory_space<hbm>> -> memref<20x16xf32, #tpu.memory_space<hbm>>
      %dma_start3A_1009 = arith.constant 0 : i32
      %dma_start3A_1010 = arith.constant 0 : i32
      %dma_start3A_1011 = tpu.memref_slice %arg9[%add3A_1001, %dma_start3A_1009, %dma_start3A_1010] : memref<16384x20x16xf32, #tpu.memory_space<hbm>> -> memref<1x20x16xf32, #tpu.memory_space<hbm>>
      %dma_start3A_1012 = tpu.memref_squeeze %dma_start3A_1011 : memref<1x20x16xf32, #tpu.memory_space<hbm>> -> memref<20x16xf32, #tpu.memory_space<hbm>>
      %dma_start3A_1013 = arith.constant 580 : i32
      %dma_start3A_1014 = arith.constant 0 : i32
      %dma_start3A_1015 = tpu.memref_slice %arg15[%dma_start3A_1013, %dma_start3A_1014] : memref<640x16xf32, #tpu.memory_space<vmem>> -> memref<20x16xf32, #tpu.memory_space<vmem>>
      tpu.enqueue_dma source(%dma_start3A_1015 : memref<20x16xf32, #tpu.memory_space<vmem>>) target(%dma_start3A_1012 : memref<20x16xf32, #tpu.memory_space<hbm>>) target_semaphore(%arg19 : memref<!tpu.dma_semaphore, #tpu.memory_space<semaphore_mem>>)
      %add3A_1016 = arith.constant 30 : i32
      %add3A_1017 = arith.addi %add3A_48, %add3A_1016 : i32
      %dma_start3A_1018 = arith.constant 600 : i32
      %dma_start3A_1019 = arith.constant 0 : i32
      %dma_start3A_1020 = tpu.memref_slice %arg15[%dma_start3A_1018, %dma_start3A_1019] : memref<640x16xf32, #tpu.memory_space<vmem>> -> memref<20x16xf32, #tpu.memory_space<vmem>>
      %dma_start3A_1021 = arith.constant 0 : i32
      %dma_start3A_1022 = arith.constant 0 : i32
      %dma_start3A_1023 = tpu.memref_slice %arg9[%add3A_1017, %dma_start3A_1021, %dma_start3A_1022] : memref<16384x20x16xf32, #tpu.memory_space<hbm>> -> memref<1x20x16xf32, #tpu.memory_space<hbm>>
      %dma_start3A_1024 = tpu.memref_squeeze %dma_start3A_1023 : memref<1x20x16xf32, #tpu.memory_space<hbm>> -> memref<20x16xf32, #tpu.memory_space<hbm>>
      %dma_start3A_1025 = arith.constant 0 : i32
      %dma_start3A_1026 = arith.constant 0 : i32
      %dma_start3A_1027 = tpu.memref_slice %arg9[%add3A_1017, %dma_start3A_1025, %dma_start3A_1026] : memref<16384x20x16xf32, #tpu.memory_space<hbm>> -> memref<1x20x16xf32, #tpu.memory_space<hbm>>
      %dma_start3A_1028 = tpu.memref_squeeze %dma_start3A_1027 : memref<1x20x16xf32, #tpu.memory_space<hbm>> -> memref<20x16xf32, #tpu.memory_space<hbm>>
      %dma_start3A_1029 = arith.constant 600 : i32
      %dma_start3A_1030 = arith.constant 0 : i32
      %dma_start3A_1031 = tpu.memref_slice %arg15[%dma_start3A_1029, %dma_start3A_1030] : memref<640x16xf32, #tpu.memory_space<vmem>> -> memref<20x16xf32, #tpu.memory_space<vmem>>
      tpu.enqueue_dma source(%dma_start3A_1031 : memref<20x16xf32, #tpu.memory_space<vmem>>) target(%dma_start3A_1028 : memref<20x16xf32, #tpu.memory_space<hbm>>) target_semaphore(%arg19 : memref<!tpu.dma_semaphore, #tpu.memory_space<semaphore_mem>>)
      %add3A_1032 = arith.constant 31 : i32
      %add3A_1033 = arith.addi %add3A_48, %add3A_1032 : i32
      %dma_start3A_1034 = arith.constant 620 : i32
      %dma_start3A_1035 = arith.constant 0 : i32
      %dma_start3A_1036 = tpu.memref_slice %arg15[%dma_start3A_1034, %dma_start3A_1035] : memref<640x16xf32, #tpu.memory_space<vmem>> -> memref<20x16xf32, #tpu.memory_space<vmem>>
      %dma_start3A_1037 = arith.constant 0 : i32
      %dma_start3A_1038 = arith.constant 0 : i32
      %dma_start3A_1039 = tpu.memref_slice %arg9[%add3A_1033, %dma_start3A_1037, %dma_start3A_1038] : memref<16384x20x16xf32, #tpu.memory_space<hbm>> -> memref<1x20x16xf32, #tpu.memory_space<hbm>>
      %dma_start3A_1040 = tpu.memref_squeeze %dma_start3A_1039 : memref<1x20x16xf32, #tpu.memory_space<hbm>> -> memref<20x16xf32, #tpu.memory_space<hbm>>
      %dma_start3A_1041 = arith.constant 0 : i32
      %dma_start3A_1042 = arith.constant 0 : i32
      %dma_start3A_1043 = tpu.memref_slice %arg9[%add3A_1033, %dma_start3A_1041, %dma_start3A_1042] : memref<16384x20x16xf32, #tpu.memory_space<hbm>> -> memref<1x20x16xf32, #tpu.memory_space<hbm>>
      %dma_start3A_1044 = tpu.memref_squeeze %dma_start3A_1043 : memref<1x20x16xf32, #tpu.memory_space<hbm>> -> memref<20x16xf32, #tpu.memory_space<hbm>>
      %dma_start3A_1045 = arith.constant 620 : i32
      %dma_start3A_1046 = arith.constant 0 : i32
      %dma_start3A_1047 = tpu.memref_slice %arg15[%dma_start3A_1045, %dma_start3A_1046] : memref<640x16xf32, #tpu.memory_space<vmem>> -> memref<20x16xf32, #tpu.memory_space<vmem>>
      tpu.enqueue_dma source(%dma_start3A_1047 : memref<20x16xf32, #tpu.memory_space<vmem>>) target(%dma_start3A_1044 : memref<20x16xf32, #tpu.memory_space<hbm>>) target_semaphore(%arg19 : memref<!tpu.dma_semaphore, #tpu.memory_space<semaphore_mem>>)
      %dma_wait3A_1048 = arith.constant 0 : i32
      %dma_wait3A_1049 = arith.constant 0 : i32
      %dma_wait3A_1050 = tpu.memref_slice %arg15[%dma_wait3A_1048, %dma_wait3A_1049] : memref<640x16xf32, #tpu.memory_space<vmem>> -> memref<20x16xf32, #tpu.memory_space<vmem>>
      %dma_wait3A_1051 = arith.constant 0 : i32
      %dma_wait3A_1052 = arith.constant 0 : i32
      %dma_wait3A_1053 = tpu.memref_slice %arg9[%add3A_537, %dma_wait3A_1051, %dma_wait3A_1052] : memref<16384x20x16xf32, #tpu.memory_space<hbm>> -> memref<1x20x16xf32, #tpu.memory_space<hbm>>
      %dma_wait3A_1054 = tpu.memref_squeeze %dma_wait3A_1053 : memref<1x20x16xf32, #tpu.memory_space<hbm>> -> memref<20x16xf32, #tpu.memory_space<hbm>>
      %dma_wait3A_1055 = arith.constant 0 : i32
      %dma_wait3A_1056 = arith.constant 0 : i32
      %dma_wait3A_1057 = tpu.memref_slice %arg9[%add3A_537, %dma_wait3A_1055, %dma_wait3A_1056] : memref<16384x20x16xf32, #tpu.memory_space<hbm>> -> memref<1x20x16xf32, #tpu.memory_space<hbm>>
      %dma_wait3A_1058 = tpu.memref_squeeze %dma_wait3A_1057 : memref<1x20x16xf32, #tpu.memory_space<hbm>> -> memref<20x16xf32, #tpu.memory_space<hbm>>
      %dma_wait3A_1059 = arith.constant 0 : i32
      %dma_wait3A_1060 = arith.constant 0 : i32
      %dma_wait3A_1061 = tpu.memref_slice %arg15[%dma_wait3A_1059, %dma_wait3A_1060] : memref<640x16xf32, #tpu.memory_space<vmem>> -> memref<20x16xf32, #tpu.memory_space<vmem>>
      tpu.wait_dma2 semaphore(%arg19 : memref<!tpu.dma_semaphore, #tpu.memory_space<semaphore_mem>>) src(%dma_wait3A_1061 : memref<20x16xf32, #tpu.memory_space<vmem>>) dst(%dma_wait3A_1058 : memref<20x16xf32, #tpu.memory_space<hbm>>)
      %dma_wait3A_1062 = arith.constant 20 : i32
      %dma_wait3A_1063 = arith.constant 0 : i32
      %dma_wait3A_1064 = tpu.memref_slice %arg15[%dma_wait3A_1062, %dma_wait3A_1063] : memref<640x16xf32, #tpu.memory_space<vmem>> -> memref<20x16xf32, #tpu.memory_space<vmem>>
      %dma_wait3A_1065 = arith.constant 0 : i32
      %dma_wait3A_1066 = arith.constant 0 : i32
      %dma_wait3A_1067 = tpu.memref_slice %arg9[%add3A_553, %dma_wait3A_1065, %dma_wait3A_1066] : memref<16384x20x16xf32, #tpu.memory_space<hbm>> -> memref<1x20x16xf32, #tpu.memory_space<hbm>>
      %dma_wait3A_1068 = tpu.memref_squeeze %dma_wait3A_1067 : memref<1x20x16xf32, #tpu.memory_space<hbm>> -> memref<20x16xf32, #tpu.memory_space<hbm>>
      %dma_wait3A_1069 = arith.constant 0 : i32
      %dma_wait3A_1070 = arith.constant 0 : i32
      %dma_wait3A_1071 = tpu.memref_slice %arg9[%add3A_553, %dma_wait3A_1069, %dma_wait3A_1070] : memref<16384x20x16xf32, #tpu.memory_space<hbm>> -> memref<1x20x16xf32, #tpu.memory_space<hbm>>
      %dma_wait3A_1072 = tpu.memref_squeeze %dma_wait3A_1071 : memref<1x20x16xf32, #tpu.memory_space<hbm>> -> memref<20x16xf32, #tpu.memory_space<hbm>>
      %dma_wait3A_1073 = arith.constant 20 : i32
      %dma_wait3A_1074 = arith.constant 0 : i32
      %dma_wait3A_1075 = tpu.memref_slice %arg15[%dma_wait3A_1073, %dma_wait3A_1074] : memref<640x16xf32, #tpu.memory_space<vmem>> -> memref<20x16xf32, #tpu.memory_space<vmem>>
      tpu.wait_dma2 semaphore(%arg19 : memref<!tpu.dma_semaphore, #tpu.memory_space<semaphore_mem>>) src(%dma_wait3A_1075 : memref<20x16xf32, #tpu.memory_space<vmem>>) dst(%dma_wait3A_1072 : memref<20x16xf32, #tpu.memory_space<hbm>>)
      %dma_wait3A_1076 = arith.constant 40 : i32
      %dma_wait3A_1077 = arith.constant 0 : i32
      %dma_wait3A_1078 = tpu.memref_slice %arg15[%dma_wait3A_1076, %dma_wait3A_1077] : memref<640x16xf32, #tpu.memory_space<vmem>> -> memref<20x16xf32, #tpu.memory_space<vmem>>
      %dma_wait3A_1079 = arith.constant 0 : i32
      %dma_wait3A_1080 = arith.constant 0 : i32
      %dma_wait3A_1081 = tpu.memref_slice %arg9[%add3A_569, %dma_wait3A_1079, %dma_wait3A_1080] : memref<16384x20x16xf32, #tpu.memory_space<hbm>> -> memref<1x20x16xf32, #tpu.memory_space<hbm>>
      %dma_wait3A_1082 = tpu.memref_squeeze %dma_wait3A_1081 : memref<1x20x16xf32, #tpu.memory_space<hbm>> -> memref<20x16xf32, #tpu.memory_space<hbm>>
      %dma_wait3A_1083 = arith.constant 0 : i32
      %dma_wait3A_1084 = arith.constant 0 : i32
      %dma_wait3A_1085 = tpu.memref_slice %arg9[%add3A_569, %dma_wait3A_1083, %dma_wait3A_1084] : memref<16384x20x16xf32, #tpu.memory_space<hbm>> -> memref<1x20x16xf32, #tpu.memory_space<hbm>>
      %dma_wait3A_1086 = tpu.memref_squeeze %dma_wait3A_1085 : memref<1x20x16xf32, #tpu.memory_space<hbm>> -> memref<20x16xf32, #tpu.memory_space<hbm>>
      %dma_wait3A_1087 = arith.constant 40 : i32
      %dma_wait3A_1088 = arith.constant 0 : i32
      %dma_wait3A_1089 = tpu.memref_slice %arg15[%dma_wait3A_1087, %dma_wait3A_1088] : memref<640x16xf32, #tpu.memory_space<vmem>> -> memref<20x16xf32, #tpu.memory_space<vmem>>
      tpu.wait_dma2 semaphore(%arg19 : memref<!tpu.dma_semaphore, #tpu.memory_space<semaphore_mem>>) src(%dma_wait3A_1089 : memref<20x16xf32, #tpu.memory_space<vmem>>) dst(%dma_wait3A_1086 : memref<20x16xf32, #tpu.memory_space<hbm>>)
      %dma_wait3A_1090 = arith.constant 60 : i32
      %dma_wait3A_1091 = arith.constant 0 : i32
      %dma_wait3A_1092 = tpu.memref_slice %arg15[%dma_wait3A_1090, %dma_wait3A_1091] : memref<640x16xf32, #tpu.memory_space<vmem>> -> memref<20x16xf32, #tpu.memory_space<vmem>>
      %dma_wait3A_1093 = arith.constant 0 : i32
      %dma_wait3A_1094 = arith.constant 0 : i32
      %dma_wait3A_1095 = tpu.memref_slice %arg9[%add3A_585, %dma_wait3A_1093, %dma_wait3A_1094] : memref<16384x20x16xf32, #tpu.memory_space<hbm>> -> memref<1x20x16xf32, #tpu.memory_space<hbm>>
      %dma_wait3A_1096 = tpu.memref_squeeze %dma_wait3A_1095 : memref<1x20x16xf32, #tpu.memory_space<hbm>> -> memref<20x16xf32, #tpu.memory_space<hbm>>
      %dma_wait3A_1097 = arith.constant 0 : i32
      %dma_wait3A_1098 = arith.constant 0 : i32
      %dma_wait3A_1099 = tpu.memref_slice %arg9[%add3A_585, %dma_wait3A_1097, %dma_wait3A_1098] : memref<16384x20x16xf32, #tpu.memory_space<hbm>> -> memref<1x20x16xf32, #tpu.memory_space<hbm>>
      %dma_wait3A_1100 = tpu.memref_squeeze %dma_wait3A_1099 : memref<1x20x16xf32, #tpu.memory_space<hbm>> -> memref<20x16xf32, #tpu.memory_space<hbm>>
      %dma_wait3A_1101 = arith.constant 60 : i32
      %dma_wait3A_1102 = arith.constant 0 : i32
      %dma_wait3A_1103 = tpu.memref_slice %arg15[%dma_wait3A_1101, %dma_wait3A_1102] : memref<640x16xf32, #tpu.memory_space<vmem>> -> memref<20x16xf32, #tpu.memory_space<vmem>>
      tpu.wait_dma2 semaphore(%arg19 : memref<!tpu.dma_semaphore, #tpu.memory_space<semaphore_mem>>) src(%dma_wait3A_1103 : memref<20x16xf32, #tpu.memory_space<vmem>>) dst(%dma_wait3A_1100 : memref<20x16xf32, #tpu.memory_space<hbm>>)
      %dma_wait3A_1104 = arith.constant 80 : i32
      %dma_wait3A_1105 = arith.constant 0 : i32
      %dma_wait3A_1106 = tpu.memref_slice %arg15[%dma_wait3A_1104, %dma_wait3A_1105] : memref<640x16xf32, #tpu.memory_space<vmem>> -> memref<20x16xf32, #tpu.memory_space<vmem>>
      %dma_wait3A_1107 = arith.constant 0 : i32
      %dma_wait3A_1108 = arith.constant 0 : i32
      %dma_wait3A_1109 = tpu.memref_slice %arg9[%add3A_601, %dma_wait3A_1107, %dma_wait3A_1108] : memref<16384x20x16xf32, #tpu.memory_space<hbm>> -> memref<1x20x16xf32, #tpu.memory_space<hbm>>
      %dma_wait3A_1110 = tpu.memref_squeeze %dma_wait3A_1109 : memref<1x20x16xf32, #tpu.memory_space<hbm>> -> memref<20x16xf32, #tpu.memory_space<hbm>>
      %dma_wait3A_1111 = arith.constant 0 : i32
      %dma_wait3A_1112 = arith.constant 0 : i32
      %dma_wait3A_1113 = tpu.memref_slice %arg9[%add3A_601, %dma_wait3A_1111, %dma_wait3A_1112] : memref<16384x20x16xf32, #tpu.memory_space<hbm>> -> memref<1x20x16xf32, #tpu.memory_space<hbm>>
      %dma_wait3A_1114 = tpu.memref_squeeze %dma_wait3A_1113 : memref<1x20x16xf32, #tpu.memory_space<hbm>> -> memref<20x16xf32, #tpu.memory_space<hbm>>
      %dma_wait3A_1115 = arith.constant 80 : i32
      %dma_wait3A_1116 = arith.constant 0 : i32
      %dma_wait3A_1117 = tpu.memref_slice %arg15[%dma_wait3A_1115, %dma_wait3A_1116] : memref<640x16xf32, #tpu.memory_space<vmem>> -> memref<20x16xf32, #tpu.memory_space<vmem>>
      tpu.wait_dma2 semaphore(%arg19 : memref<!tpu.dma_semaphore, #tpu.memory_space<semaphore_mem>>) src(%dma_wait3A_1117 : memref<20x16xf32, #tpu.memory_space<vmem>>) dst(%dma_wait3A_1114 : memref<20x16xf32, #tpu.memory_space<hbm>>)
      %dma_wait3A_1118 = arith.constant 100 : i32
      %dma_wait3A_1119 = arith.constant 0 : i32
      %dma_wait3A_1120 = tpu.memref_slice %arg15[%dma_wait3A_1118, %dma_wait3A_1119] : memref<640x16xf32, #tpu.memory_space<vmem>> -> memref<20x16xf32, #tpu.memory_space<vmem>>
      %dma_wait3A_1121 = arith.constant 0 : i32
      %dma_wait3A_1122 = arith.constant 0 : i32
      %dma_wait3A_1123 = tpu.memref_slice %arg9[%add3A_617, %dma_wait3A_1121, %dma_wait3A_1122] : memref<16384x20x16xf32, #tpu.memory_space<hbm>> -> memref<1x20x16xf32, #tpu.memory_space<hbm>>
      %dma_wait3A_1124 = tpu.memref_squeeze %dma_wait3A_1123 : memref<1x20x16xf32, #tpu.memory_space<hbm>> -> memref<20x16xf32, #tpu.memory_space<hbm>>
      %dma_wait3A_1125 = arith.constant 0 : i32
      %dma_wait3A_1126 = arith.constant 0 : i32
      %dma_wait3A_1127 = tpu.memref_slice %arg9[%add3A_617, %dma_wait3A_1125, %dma_wait3A_1126] : memref<16384x20x16xf32, #tpu.memory_space<hbm>> -> memref<1x20x16xf32, #tpu.memory_space<hbm>>
      %dma_wait3A_1128 = tpu.memref_squeeze %dma_wait3A_1127 : memref<1x20x16xf32, #tpu.memory_space<hbm>> -> memref<20x16xf32, #tpu.memory_space<hbm>>
      %dma_wait3A_1129 = arith.constant 100 : i32
      %dma_wait3A_1130 = arith.constant 0 : i32
      %dma_wait3A_1131 = tpu.memref_slice %arg15[%dma_wait3A_1129, %dma_wait3A_1130] : memref<640x16xf32, #tpu.memory_space<vmem>> -> memref<20x16xf32, #tpu.memory_space<vmem>>
      tpu.wait_dma2 semaphore(%arg19 : memref<!tpu.dma_semaphore, #tpu.memory_space<semaphore_mem>>) src(%dma_wait3A_1131 : memref<20x16xf32, #tpu.memory_space<vmem>>) dst(%dma_wait3A_1128 : memref<20x16xf32, #tpu.memory_space<hbm>>)
      %dma_wait3A_1132 = arith.constant 120 : i32
      %dma_wait3A_1133 = arith.constant 0 : i32
      %dma_wait3A_1134 = tpu.memref_slice %arg15[%dma_wait3A_1132, %dma_wait3A_1133] : memref<640x16xf32, #tpu.memory_space<vmem>> -> memref<20x16xf32, #tpu.memory_space<vmem>>
      %dma_wait3A_1135 = arith.constant 0 : i32
      %dma_wait3A_1136 = arith.constant 0 : i32
      %dma_wait3A_1137 = tpu.memref_slice %arg9[%add3A_633, %dma_wait3A_1135, %dma_wait3A_1136] : memref<16384x20x16xf32, #tpu.memory_space<hbm>> -> memref<1x20x16xf32, #tpu.memory_space<hbm>>
      %dma_wait3A_1138 = tpu.memref_squeeze %dma_wait3A_1137 : memref<1x20x16xf32, #tpu.memory_space<hbm>> -> memref<20x16xf32, #tpu.memory_space<hbm>>
      %dma_wait3A_1139 = arith.constant 0 : i32
      %dma_wait3A_1140 = arith.constant 0 : i32
      %dma_wait3A_1141 = tpu.memref_slice %arg9[%add3A_633, %dma_wait3A_1139, %dma_wait3A_1140] : memref<16384x20x16xf32, #tpu.memory_space<hbm>> -> memref<1x20x16xf32, #tpu.memory_space<hbm>>
      %dma_wait3A_1142 = tpu.memref_squeeze %dma_wait3A_1141 : memref<1x20x16xf32, #tpu.memory_space<hbm>> -> memref<20x16xf32, #tpu.memory_space<hbm>>
      %dma_wait3A_1143 = arith.constant 120 : i32
      %dma_wait3A_1144 = arith.constant 0 : i32
      %dma_wait3A_1145 = tpu.memref_slice %arg15[%dma_wait3A_1143, %dma_wait3A_1144] : memref<640x16xf32, #tpu.memory_space<vmem>> -> memref<20x16xf32, #tpu.memory_space<vmem>>
      tpu.wait_dma2 semaphore(%arg19 : memref<!tpu.dma_semaphore, #tpu.memory_space<semaphore_mem>>) src(%dma_wait3A_1145 : memref<20x16xf32, #tpu.memory_space<vmem>>) dst(%dma_wait3A_1142 : memref<20x16xf32, #tpu.memory_space<hbm>>)
      %dma_wait3A_1146 = arith.constant 140 : i32
      %dma_wait3A_1147 = arith.constant 0 : i32
      %dma_wait3A_1148 = tpu.memref_slice %arg15[%dma_wait3A_1146, %dma_wait3A_1147] : memref<640x16xf32, #tpu.memory_space<vmem>> -> memref<20x16xf32, #tpu.memory_space<vmem>>
      %dma_wait3A_1149 = arith.constant 0 : i32
      %dma_wait3A_1150 = arith.constant 0 : i32
      %dma_wait3A_1151 = tpu.memref_slice %arg9[%add3A_649, %dma_wait3A_1149, %dma_wait3A_1150] : memref<16384x20x16xf32, #tpu.memory_space<hbm>> -> memref<1x20x16xf32, #tpu.memory_space<hbm>>
      %dma_wait3A_1152 = tpu.memref_squeeze %dma_wait3A_1151 : memref<1x20x16xf32, #tpu.memory_space<hbm>> -> memref<20x16xf32, #tpu.memory_space<hbm>>
      %dma_wait3A_1153 = arith.constant 0 : i32
      %dma_wait3A_1154 = arith.constant 0 : i32
      %dma_wait3A_1155 = tpu.memref_slice %arg9[%add3A_649, %dma_wait3A_1153, %dma_wait3A_1154] : memref<16384x20x16xf32, #tpu.memory_space<hbm>> -> memref<1x20x16xf32, #tpu.memory_space<hbm>>
      %dma_wait3A_1156 = tpu.memref_squeeze %dma_wait3A_1155 : memref<1x20x16xf32, #tpu.memory_space<hbm>> -> memref<20x16xf32, #tpu.memory_space<hbm>>
      %dma_wait3A_1157 = arith.constant 140 : i32
      %dma_wait3A_1158 = arith.constant 0 : i32
      %dma_wait3A_1159 = tpu.memref_slice %arg15[%dma_wait3A_1157, %dma_wait3A_1158] : memref<640x16xf32, #tpu.memory_space<vmem>> -> memref<20x16xf32, #tpu.memory_space<vmem>>
      tpu.wait_dma2 semaphore(%arg19 : memref<!tpu.dma_semaphore, #tpu.memory_space<semaphore_mem>>) src(%dma_wait3A_1159 : memref<20x16xf32, #tpu.memory_space<vmem>>) dst(%dma_wait3A_1156 : memref<20x16xf32, #tpu.memory_space<hbm>>)
      %dma_wait3A_1160 = arith.constant 160 : i32
      %dma_wait3A_1161 = arith.constant 0 : i32
      %dma_wait3A_1162 = tpu.memref_slice %arg15[%dma_wait3A_1160, %dma_wait3A_1161] : memref<640x16xf32, #tpu.memory_space<vmem>> -> memref<20x16xf32, #tpu.memory_space<vmem>>
      %dma_wait3A_1163 = arith.constant 0 : i32
      %dma_wait3A_1164 = arith.constant 0 : i32
      %dma_wait3A_1165 = tpu.memref_slice %arg9[%add3A_665, %dma_wait3A_1163, %dma_wait3A_1164] : memref<16384x20x16xf32, #tpu.memory_space<hbm>> -> memref<1x20x16xf32, #tpu.memory_space<hbm>>
      %dma_wait3A_1166 = tpu.memref_squeeze %dma_wait3A_1165 : memref<1x20x16xf32, #tpu.memory_space<hbm>> -> memref<20x16xf32, #tpu.memory_space<hbm>>
      %dma_wait3A_1167 = arith.constant 0 : i32
      %dma_wait3A_1168 = arith.constant 0 : i32
      %dma_wait3A_1169 = tpu.memref_slice %arg9[%add3A_665, %dma_wait3A_1167, %dma_wait3A_1168] : memref<16384x20x16xf32, #tpu.memory_space<hbm>> -> memref<1x20x16xf32, #tpu.memory_space<hbm>>
      %dma_wait3A_1170 = tpu.memref_squeeze %dma_wait3A_1169 : memref<1x20x16xf32, #tpu.memory_space<hbm>> -> memref<20x16xf32, #tpu.memory_space<hbm>>
      %dma_wait3A_1171 = arith.constant 160 : i32
      %dma_wait3A_1172 = arith.constant 0 : i32
      %dma_wait3A_1173 = tpu.memref_slice %arg15[%dma_wait3A_1171, %dma_wait3A_1172] : memref<640x16xf32, #tpu.memory_space<vmem>> -> memref<20x16xf32, #tpu.memory_space<vmem>>
      tpu.wait_dma2 semaphore(%arg19 : memref<!tpu.dma_semaphore, #tpu.memory_space<semaphore_mem>>) src(%dma_wait3A_1173 : memref<20x16xf32, #tpu.memory_space<vmem>>) dst(%dma_wait3A_1170 : memref<20x16xf32, #tpu.memory_space<hbm>>)
      %dma_wait3A_1174 = arith.constant 180 : i32
      %dma_wait3A_1175 = arith.constant 0 : i32
      %dma_wait3A_1176 = tpu.memref_slice %arg15[%dma_wait3A_1174, %dma_wait3A_1175] : memref<640x16xf32, #tpu.memory_space<vmem>> -> memref<20x16xf32, #tpu.memory_space<vmem>>
      %dma_wait3A_1177 = arith.constant 0 : i32
      %dma_wait3A_1178 = arith.constant 0 : i32
      %dma_wait3A_1179 = tpu.memref_slice %arg9[%add3A_681, %dma_wait3A_1177, %dma_wait3A_1178] : memref<16384x20x16xf32, #tpu.memory_space<hbm>> -> memref<1x20x16xf32, #tpu.memory_space<hbm>>
      %dma_wait3A_1180 = tpu.memref_squeeze %dma_wait3A_1179 : memref<1x20x16xf32, #tpu.memory_space<hbm>> -> memref<20x16xf32, #tpu.memory_space<hbm>>
      %dma_wait3A_1181 = arith.constant 0 : i32
      %dma_wait3A_1182 = arith.constant 0 : i32
      %dma_wait3A_1183 = tpu.memref_slice %arg9[%add3A_681, %dma_wait3A_1181, %dma_wait3A_1182] : memref<16384x20x16xf32, #tpu.memory_space<hbm>> -> memref<1x20x16xf32, #tpu.memory_space<hbm>>
      %dma_wait3A_1184 = tpu.memref_squeeze %dma_wait3A_1183 : memref<1x20x16xf32, #tpu.memory_space<hbm>> -> memref<20x16xf32, #tpu.memory_space<hbm>>
      %dma_wait3A_1185 = arith.constant 180 : i32
      %dma_wait3A_1186 = arith.constant 0 : i32
      %dma_wait3A_1187 = tpu.memref_slice %arg15[%dma_wait3A_1185, %dma_wait3A_1186] : memref<640x16xf32, #tpu.memory_space<vmem>> -> memref<20x16xf32, #tpu.memory_space<vmem>>
      tpu.wait_dma2 semaphore(%arg19 : memref<!tpu.dma_semaphore, #tpu.memory_space<semaphore_mem>>) src(%dma_wait3A_1187 : memref<20x16xf32, #tpu.memory_space<vmem>>) dst(%dma_wait3A_1184 : memref<20x16xf32, #tpu.memory_space<hbm>>)
      %dma_wait3A_1188 = arith.constant 200 : i32
      %dma_wait3A_1189 = arith.constant 0 : i32
      %dma_wait3A_1190 = tpu.memref_slice %arg15[%dma_wait3A_1188, %dma_wait3A_1189] : memref<640x16xf32, #tpu.memory_space<vmem>> -> memref<20x16xf32, #tpu.memory_space<vmem>>
      %dma_wait3A_1191 = arith.constant 0 : i32
      %dma_wait3A_1192 = arith.constant 0 : i32
      %dma_wait3A_1193 = tpu.memref_slice %arg9[%add3A_697, %dma_wait3A_1191, %dma_wait3A_1192] : memref<16384x20x16xf32, #tpu.memory_space<hbm>> -> memref<1x20x16xf32, #tpu.memory_space<hbm>>
      %dma_wait3A_1194 = tpu.memref_squeeze %dma_wait3A_1193 : memref<1x20x16xf32, #tpu.memory_space<hbm>> -> memref<20x16xf32, #tpu.memory_space<hbm>>
      %dma_wait3A_1195 = arith.constant 0 : i32
      %dma_wait3A_1196 = arith.constant 0 : i32
      %dma_wait3A_1197 = tpu.memref_slice %arg9[%add3A_697, %dma_wait3A_1195, %dma_wait3A_1196] : memref<16384x20x16xf32, #tpu.memory_space<hbm>> -> memref<1x20x16xf32, #tpu.memory_space<hbm>>
      %dma_wait3A_1198 = tpu.memref_squeeze %dma_wait3A_1197 : memref<1x20x16xf32, #tpu.memory_space<hbm>> -> memref<20x16xf32, #tpu.memory_space<hbm>>
      %dma_wait3A_1199 = arith.constant 200 : i32
      %dma_wait3A_1200 = arith.constant 0 : i32
      %dma_wait3A_1201 = tpu.memref_slice %arg15[%dma_wait3A_1199, %dma_wait3A_1200] : memref<640x16xf32, #tpu.memory_space<vmem>> -> memref<20x16xf32, #tpu.memory_space<vmem>>
      tpu.wait_dma2 semaphore(%arg19 : memref<!tpu.dma_semaphore, #tpu.memory_space<semaphore_mem>>) src(%dma_wait3A_1201 : memref<20x16xf32, #tpu.memory_space<vmem>>) dst(%dma_wait3A_1198 : memref<20x16xf32, #tpu.memory_space<hbm>>)
      %dma_wait3A_1202 = arith.constant 220 : i32
      %dma_wait3A_1203 = arith.constant 0 : i32
      %dma_wait3A_1204 = tpu.memref_slice %arg15[%dma_wait3A_1202, %dma_wait3A_1203] : memref<640x16xf32, #tpu.memory_space<vmem>> -> memref<20x16xf32, #tpu.memory_space<vmem>>
      %dma_wait3A_1205 = arith.constant 0 : i32
      %dma_wait3A_1206 = arith.constant 0 : i32
      %dma_wait3A_1207 = tpu.memref_slice %arg9[%add3A_713, %dma_wait3A_1205, %dma_wait3A_1206] : memref<16384x20x16xf32, #tpu.memory_space<hbm>> -> memref<1x20x16xf32, #tpu.memory_space<hbm>>
      %dma_wait3A_1208 = tpu.memref_squeeze %dma_wait3A_1207 : memref<1x20x16xf32, #tpu.memory_space<hbm>> -> memref<20x16xf32, #tpu.memory_space<hbm>>
      %dma_wait3A_1209 = arith.constant 0 : i32
      %dma_wait3A_1210 = arith.constant 0 : i32
      %dma_wait3A_1211 = tpu.memref_slice %arg9[%add3A_713, %dma_wait3A_1209, %dma_wait3A_1210] : memref<16384x20x16xf32, #tpu.memory_space<hbm>> -> memref<1x20x16xf32, #tpu.memory_space<hbm>>
      %dma_wait3A_1212 = tpu.memref_squeeze %dma_wait3A_1211 : memref<1x20x16xf32, #tpu.memory_space<hbm>> -> memref<20x16xf32, #tpu.memory_space<hbm>>
      %dma_wait3A_1213 = arith.constant 220 : i32
      %dma_wait3A_1214 = arith.constant 0 : i32
      %dma_wait3A_1215 = tpu.memref_slice %arg15[%dma_wait3A_1213, %dma_wait3A_1214] : memref<640x16xf32, #tpu.memory_space<vmem>> -> memref<20x16xf32, #tpu.memory_space<vmem>>
      tpu.wait_dma2 semaphore(%arg19 : memref<!tpu.dma_semaphore, #tpu.memory_space<semaphore_mem>>) src(%dma_wait3A_1215 : memref<20x16xf32, #tpu.memory_space<vmem>>) dst(%dma_wait3A_1212 : memref<20x16xf32, #tpu.memory_space<hbm>>)
      %dma_wait3A_1216 = arith.constant 240 : i32
      %dma_wait3A_1217 = arith.constant 0 : i32
      %dma_wait3A_1218 = tpu.memref_slice %arg15[%dma_wait3A_1216, %dma_wait3A_1217] : memref<640x16xf32, #tpu.memory_space<vmem>> -> memref<20x16xf32, #tpu.memory_space<vmem>>
      %dma_wait3A_1219 = arith.constant 0 : i32
      %dma_wait3A_1220 = arith.constant 0 : i32
      %dma_wait3A_1221 = tpu.memref_slice %arg9[%add3A_729, %dma_wait3A_1219, %dma_wait3A_1220] : memref<16384x20x16xf32, #tpu.memory_space<hbm>> -> memref<1x20x16xf32, #tpu.memory_space<hbm>>
      %dma_wait3A_1222 = tpu.memref_squeeze %dma_wait3A_1221 : memref<1x20x16xf32, #tpu.memory_space<hbm>> -> memref<20x16xf32, #tpu.memory_space<hbm>>
      %dma_wait3A_1223 = arith.constant 0 : i32
      %dma_wait3A_1224 = arith.constant 0 : i32
      %dma_wait3A_1225 = tpu.memref_slice %arg9[%add3A_729, %dma_wait3A_1223, %dma_wait3A_1224] : memref<16384x20x16xf32, #tpu.memory_space<hbm>> -> memref<1x20x16xf32, #tpu.memory_space<hbm>>
      %dma_wait3A_1226 = tpu.memref_squeeze %dma_wait3A_1225 : memref<1x20x16xf32, #tpu.memory_space<hbm>> -> memref<20x16xf32, #tpu.memory_space<hbm>>
      %dma_wait3A_1227 = arith.constant 240 : i32
      %dma_wait3A_1228 = arith.constant 0 : i32
      %dma_wait3A_1229 = tpu.memref_slice %arg15[%dma_wait3A_1227, %dma_wait3A_1228] : memref<640x16xf32, #tpu.memory_space<vmem>> -> memref<20x16xf32, #tpu.memory_space<vmem>>
      tpu.wait_dma2 semaphore(%arg19 : memref<!tpu.dma_semaphore, #tpu.memory_space<semaphore_mem>>) src(%dma_wait3A_1229 : memref<20x16xf32, #tpu.memory_space<vmem>>) dst(%dma_wait3A_1226 : memref<20x16xf32, #tpu.memory_space<hbm>>)
      %dma_wait3A_1230 = arith.constant 260 : i32
      %dma_wait3A_1231 = arith.constant 0 : i32
      %dma_wait3A_1232 = tpu.memref_slice %arg15[%dma_wait3A_1230, %dma_wait3A_1231] : memref<640x16xf32, #tpu.memory_space<vmem>> -> memref<20x16xf32, #tpu.memory_space<vmem>>
      %dma_wait3A_1233 = arith.constant 0 : i32
      %dma_wait3A_1234 = arith.constant 0 : i32
      %dma_wait3A_1235 = tpu.memref_slice %arg9[%add3A_745, %dma_wait3A_1233, %dma_wait3A_1234] : memref<16384x20x16xf32, #tpu.memory_space<hbm>> -> memref<1x20x16xf32, #tpu.memory_space<hbm>>
      %dma_wait3A_1236 = tpu.memref_squeeze %dma_wait3A_1235 : memref<1x20x16xf32, #tpu.memory_space<hbm>> -> memref<20x16xf32, #tpu.memory_space<hbm>>
      %dma_wait3A_1237 = arith.constant 0 : i32
      %dma_wait3A_1238 = arith.constant 0 : i32
      %dma_wait3A_1239 = tpu.memref_slice %arg9[%add3A_745, %dma_wait3A_1237, %dma_wait3A_1238] : memref<16384x20x16xf32, #tpu.memory_space<hbm>> -> memref<1x20x16xf32, #tpu.memory_space<hbm>>
      %dma_wait3A_1240 = tpu.memref_squeeze %dma_wait3A_1239 : memref<1x20x16xf32, #tpu.memory_space<hbm>> -> memref<20x16xf32, #tpu.memory_space<hbm>>
      %dma_wait3A_1241 = arith.constant 260 : i32
      %dma_wait3A_1242 = arith.constant 0 : i32
      %dma_wait3A_1243 = tpu.memref_slice %arg15[%dma_wait3A_1241, %dma_wait3A_1242] : memref<640x16xf32, #tpu.memory_space<vmem>> -> memref<20x16xf32, #tpu.memory_space<vmem>>
      tpu.wait_dma2 semaphore(%arg19 : memref<!tpu.dma_semaphore, #tpu.memory_space<semaphore_mem>>) src(%dma_wait3A_1243 : memref<20x16xf32, #tpu.memory_space<vmem>>) dst(%dma_wait3A_1240 : memref<20x16xf32, #tpu.memory_space<hbm>>)
      %dma_wait3A_1244 = arith.constant 280 : i32
      %dma_wait3A_1245 = arith.constant 0 : i32
      %dma_wait3A_1246 = tpu.memref_slice %arg15[%dma_wait3A_1244, %dma_wait3A_1245] : memref<640x16xf32, #tpu.memory_space<vmem>> -> memref<20x16xf32, #tpu.memory_space<vmem>>
      %dma_wait3A_1247 = arith.constant 0 : i32
      %dma_wait3A_1248 = arith.constant 0 : i32
      %dma_wait3A_1249 = tpu.memref_slice %arg9[%add3A_761, %dma_wait3A_1247, %dma_wait3A_1248] : memref<16384x20x16xf32, #tpu.memory_space<hbm>> -> memref<1x20x16xf32, #tpu.memory_space<hbm>>
      %dma_wait3A_1250 = tpu.memref_squeeze %dma_wait3A_1249 : memref<1x20x16xf32, #tpu.memory_space<hbm>> -> memref<20x16xf32, #tpu.memory_space<hbm>>
      %dma_wait3A_1251 = arith.constant 0 : i32
      %dma_wait3A_1252 = arith.constant 0 : i32
      %dma_wait3A_1253 = tpu.memref_slice %arg9[%add3A_761, %dma_wait3A_1251, %dma_wait3A_1252] : memref<16384x20x16xf32, #tpu.memory_space<hbm>> -> memref<1x20x16xf32, #tpu.memory_space<hbm>>
      %dma_wait3A_1254 = tpu.memref_squeeze %dma_wait3A_1253 : memref<1x20x16xf32, #tpu.memory_space<hbm>> -> memref<20x16xf32, #tpu.memory_space<hbm>>
      %dma_wait3A_1255 = arith.constant 280 : i32
      %dma_wait3A_1256 = arith.constant 0 : i32
      %dma_wait3A_1257 = tpu.memref_slice %arg15[%dma_wait3A_1255, %dma_wait3A_1256] : memref<640x16xf32, #tpu.memory_space<vmem>> -> memref<20x16xf32, #tpu.memory_space<vmem>>
      tpu.wait_dma2 semaphore(%arg19 : memref<!tpu.dma_semaphore, #tpu.memory_space<semaphore_mem>>) src(%dma_wait3A_1257 : memref<20x16xf32, #tpu.memory_space<vmem>>) dst(%dma_wait3A_1254 : memref<20x16xf32, #tpu.memory_space<hbm>>)
      %dma_wait3A_1258 = arith.constant 300 : i32
      %dma_wait3A_1259 = arith.constant 0 : i32
      %dma_wait3A_1260 = tpu.memref_slice %arg15[%dma_wait3A_1258, %dma_wait3A_1259] : memref<640x16xf32, #tpu.memory_space<vmem>> -> memref<20x16xf32, #tpu.memory_space<vmem>>
      %dma_wait3A_1261 = arith.constant 0 : i32
      %dma_wait3A_1262 = arith.constant 0 : i32
      %dma_wait3A_1263 = tpu.memref_slice %arg9[%add3A_777, %dma_wait3A_1261, %dma_wait3A_1262] : memref<16384x20x16xf32, #tpu.memory_space<hbm>> -> memref<1x20x16xf32, #tpu.memory_space<hbm>>
      %dma_wait3A_1264 = tpu.memref_squeeze %dma_wait3A_1263 : memref<1x20x16xf32, #tpu.memory_space<hbm>> -> memref<20x16xf32, #tpu.memory_space<hbm>>
      %dma_wait3A_1265 = arith.constant 0 : i32
      %dma_wait3A_1266 = arith.constant 0 : i32
      %dma_wait3A_1267 = tpu.memref_slice %arg9[%add3A_777, %dma_wait3A_1265, %dma_wait3A_1266] : memref<16384x20x16xf32, #tpu.memory_space<hbm>> -> memref<1x20x16xf32, #tpu.memory_space<hbm>>
      %dma_wait3A_1268 = tpu.memref_squeeze %dma_wait3A_1267 : memref<1x20x16xf32, #tpu.memory_space<hbm>> -> memref<20x16xf32, #tpu.memory_space<hbm>>
      %dma_wait3A_1269 = arith.constant 300 : i32
      %dma_wait3A_1270 = arith.constant 0 : i32
      %dma_wait3A_1271 = tpu.memref_slice %arg15[%dma_wait3A_1269, %dma_wait3A_1270] : memref<640x16xf32, #tpu.memory_space<vmem>> -> memref<20x16xf32, #tpu.memory_space<vmem>>
      tpu.wait_dma2 semaphore(%arg19 : memref<!tpu.dma_semaphore, #tpu.memory_space<semaphore_mem>>) src(%dma_wait3A_1271 : memref<20x16xf32, #tpu.memory_space<vmem>>) dst(%dma_wait3A_1268 : memref<20x16xf32, #tpu.memory_space<hbm>>)
      %dma_wait3A_1272 = arith.constant 320 : i32
      %dma_wait3A_1273 = arith.constant 0 : i32
      %dma_wait3A_1274 = tpu.memref_slice %arg15[%dma_wait3A_1272, %dma_wait3A_1273] : memref<640x16xf32, #tpu.memory_space<vmem>> -> memref<20x16xf32, #tpu.memory_space<vmem>>
      %dma_wait3A_1275 = arith.constant 0 : i32
      %dma_wait3A_1276 = arith.constant 0 : i32
      %dma_wait3A_1277 = tpu.memref_slice %arg9[%add3A_793, %dma_wait3A_1275, %dma_wait3A_1276] : memref<16384x20x16xf32, #tpu.memory_space<hbm>> -> memref<1x20x16xf32, #tpu.memory_space<hbm>>
      %dma_wait3A_1278 = tpu.memref_squeeze %dma_wait3A_1277 : memref<1x20x16xf32, #tpu.memory_space<hbm>> -> memref<20x16xf32, #tpu.memory_space<hbm>>
      %dma_wait3A_1279 = arith.constant 0 : i32
      %dma_wait3A_1280 = arith.constant 0 : i32
      %dma_wait3A_1281 = tpu.memref_slice %arg9[%add3A_793, %dma_wait3A_1279, %dma_wait3A_1280] : memref<16384x20x16xf32, #tpu.memory_space<hbm>> -> memref<1x20x16xf32, #tpu.memory_space<hbm>>
      %dma_wait3A_1282 = tpu.memref_squeeze %dma_wait3A_1281 : memref<1x20x16xf32, #tpu.memory_space<hbm>> -> memref<20x16xf32, #tpu.memory_space<hbm>>
      %dma_wait3A_1283 = arith.constant 320 : i32
      %dma_wait3A_1284 = arith.constant 0 : i32
      %dma_wait3A_1285 = tpu.memref_slice %arg15[%dma_wait3A_1283, %dma_wait3A_1284] : memref<640x16xf32, #tpu.memory_space<vmem>> -> memref<20x16xf32, #tpu.memory_space<vmem>>
      tpu.wait_dma2 semaphore(%arg19 : memref<!tpu.dma_semaphore, #tpu.memory_space<semaphore_mem>>) src(%dma_wait3A_1285 : memref<20x16xf32, #tpu.memory_space<vmem>>) dst(%dma_wait3A_1282 : memref<20x16xf32, #tpu.memory_space<hbm>>)
      %dma_wait3A_1286 = arith.constant 340 : i32
      %dma_wait3A_1287 = arith.constant 0 : i32
      %dma_wait3A_1288 = tpu.memref_slice %arg15[%dma_wait3A_1286, %dma_wait3A_1287] : memref<640x16xf32, #tpu.memory_space<vmem>> -> memref<20x16xf32, #tpu.memory_space<vmem>>
      %dma_wait3A_1289 = arith.constant 0 : i32
      %dma_wait3A_1290 = arith.constant 0 : i32
      %dma_wait3A_1291 = tpu.memref_slice %arg9[%add3A_809, %dma_wait3A_1289, %dma_wait3A_1290] : memref<16384x20x16xf32, #tpu.memory_space<hbm>> -> memref<1x20x16xf32, #tpu.memory_space<hbm>>
      %dma_wait3A_1292 = tpu.memref_squeeze %dma_wait3A_1291 : memref<1x20x16xf32, #tpu.memory_space<hbm>> -> memref<20x16xf32, #tpu.memory_space<hbm>>
      %dma_wait3A_1293 = arith.constant 0 : i32
      %dma_wait3A_1294 = arith.constant 0 : i32
      %dma_wait3A_1295 = tpu.memref_slice %arg9[%add3A_809, %dma_wait3A_1293, %dma_wait3A_1294] : memref<16384x20x16xf32, #tpu.memory_space<hbm>> -> memref<1x20x16xf32, #tpu.memory_space<hbm>>
      %dma_wait3A_1296 = tpu.memref_squeeze %dma_wait3A_1295 : memref<1x20x16xf32, #tpu.memory_space<hbm>> -> memref<20x16xf32, #tpu.memory_space<hbm>>
      %dma_wait3A_1297 = arith.constant 340 : i32
      %dma_wait3A_1298 = arith.constant 0 : i32
      %dma_wait3A_1299 = tpu.memref_slice %arg15[%dma_wait3A_1297, %dma_wait3A_1298] : memref<640x16xf32, #tpu.memory_space<vmem>> -> memref<20x16xf32, #tpu.memory_space<vmem>>
      tpu.wait_dma2 semaphore(%arg19 : memref<!tpu.dma_semaphore, #tpu.memory_space<semaphore_mem>>) src(%dma_wait3A_1299 : memref<20x16xf32, #tpu.memory_space<vmem>>) dst(%dma_wait3A_1296 : memref<20x16xf32, #tpu.memory_space<hbm>>)
      %dma_wait3A_1300 = arith.constant 360 : i32
      %dma_wait3A_1301 = arith.constant 0 : i32
      %dma_wait3A_1302 = tpu.memref_slice %arg15[%dma_wait3A_1300, %dma_wait3A_1301] : memref<640x16xf32, #tpu.memory_space<vmem>> -> memref<20x16xf32, #tpu.memory_space<vmem>>
      %dma_wait3A_1303 = arith.constant 0 : i32
      %dma_wait3A_1304 = arith.constant 0 : i32
      %dma_wait3A_1305 = tpu.memref_slice %arg9[%add3A_825, %dma_wait3A_1303, %dma_wait3A_1304] : memref<16384x20x16xf32, #tpu.memory_space<hbm>> -> memref<1x20x16xf32, #tpu.memory_space<hbm>>
      %dma_wait3A_1306 = tpu.memref_squeeze %dma_wait3A_1305 : memref<1x20x16xf32, #tpu.memory_space<hbm>> -> memref<20x16xf32, #tpu.memory_space<hbm>>
      %dma_wait3A_1307 = arith.constant 0 : i32
      %dma_wait3A_1308 = arith.constant 0 : i32
      %dma_wait3A_1309 = tpu.memref_slice %arg9[%add3A_825, %dma_wait3A_1307, %dma_wait3A_1308] : memref<16384x20x16xf32, #tpu.memory_space<hbm>> -> memref<1x20x16xf32, #tpu.memory_space<hbm>>
      %dma_wait3A_1310 = tpu.memref_squeeze %dma_wait3A_1309 : memref<1x20x16xf32, #tpu.memory_space<hbm>> -> memref<20x16xf32, #tpu.memory_space<hbm>>
      %dma_wait3A_1311 = arith.constant 360 : i32
      %dma_wait3A_1312 = arith.constant 0 : i32
      %dma_wait3A_1313 = tpu.memref_slice %arg15[%dma_wait3A_1311, %dma_wait3A_1312] : memref<640x16xf32, #tpu.memory_space<vmem>> -> memref<20x16xf32, #tpu.memory_space<vmem>>
      tpu.wait_dma2 semaphore(%arg19 : memref<!tpu.dma_semaphore, #tpu.memory_space<semaphore_mem>>) src(%dma_wait3A_1313 : memref<20x16xf32, #tpu.memory_space<vmem>>) dst(%dma_wait3A_1310 : memref<20x16xf32, #tpu.memory_space<hbm>>)
      %dma_wait3A_1314 = arith.constant 380 : i32
      %dma_wait3A_1315 = arith.constant 0 : i32
      %dma_wait3A_1316 = tpu.memref_slice %arg15[%dma_wait3A_1314, %dma_wait3A_1315] : memref<640x16xf32, #tpu.memory_space<vmem>> -> memref<20x16xf32, #tpu.memory_space<vmem>>
      %dma_wait3A_1317 = arith.constant 0 : i32
      %dma_wait3A_1318 = arith.constant 0 : i32
      %dma_wait3A_1319 = tpu.memref_slice %arg9[%add3A_841, %dma_wait3A_1317, %dma_wait3A_1318] : memref<16384x20x16xf32, #tpu.memory_space<hbm>> -> memref<1x20x16xf32, #tpu.memory_space<hbm>>
      %dma_wait3A_1320 = tpu.memref_squeeze %dma_wait3A_1319 : memref<1x20x16xf32, #tpu.memory_space<hbm>> -> memref<20x16xf32, #tpu.memory_space<hbm>>
      %dma_wait3A_1321 = arith.constant 0 : i32
      %dma_wait3A_1322 = arith.constant 0 : i32
      %dma_wait3A_1323 = tpu.memref_slice %arg9[%add3A_841, %dma_wait3A_1321, %dma_wait3A_1322] : memref<16384x20x16xf32, #tpu.memory_space<hbm>> -> memref<1x20x16xf32, #tpu.memory_space<hbm>>
      %dma_wait3A_1324 = tpu.memref_squeeze %dma_wait3A_1323 : memref<1x20x16xf32, #tpu.memory_space<hbm>> -> memref<20x16xf32, #tpu.memory_space<hbm>>
      %dma_wait3A_1325 = arith.constant 380 : i32
      %dma_wait3A_1326 = arith.constant 0 : i32
      %dma_wait3A_1327 = tpu.memref_slice %arg15[%dma_wait3A_1325, %dma_wait3A_1326] : memref<640x16xf32, #tpu.memory_space<vmem>> -> memref<20x16xf32, #tpu.memory_space<vmem>>
      tpu.wait_dma2 semaphore(%arg19 : memref<!tpu.dma_semaphore, #tpu.memory_space<semaphore_mem>>) src(%dma_wait3A_1327 : memref<20x16xf32, #tpu.memory_space<vmem>>) dst(%dma_wait3A_1324 : memref<20x16xf32, #tpu.memory_space<hbm>>)
      %dma_wait3A_1328 = arith.constant 400 : i32
      %dma_wait3A_1329 = arith.constant 0 : i32
      %dma_wait3A_1330 = tpu.memref_slice %arg15[%dma_wait3A_1328, %dma_wait3A_1329] : memref<640x16xf32, #tpu.memory_space<vmem>> -> memref<20x16xf32, #tpu.memory_space<vmem>>
      %dma_wait3A_1331 = arith.constant 0 : i32
      %dma_wait3A_1332 = arith.constant 0 : i32
      %dma_wait3A_1333 = tpu.memref_slice %arg9[%add3A_857, %dma_wait3A_1331, %dma_wait3A_1332] : memref<16384x20x16xf32, #tpu.memory_space<hbm>> -> memref<1x20x16xf32, #tpu.memory_space<hbm>>
      %dma_wait3A_1334 = tpu.memref_squeeze %dma_wait3A_1333 : memref<1x20x16xf32, #tpu.memory_space<hbm>> -> memref<20x16xf32, #tpu.memory_space<hbm>>
      %dma_wait3A_1335 = arith.constant 0 : i32
      %dma_wait3A_1336 = arith.constant 0 : i32
      %dma_wait3A_1337 = tpu.memref_slice %arg9[%add3A_857, %dma_wait3A_1335, %dma_wait3A_1336] : memref<16384x20x16xf32, #tpu.memory_space<hbm>> -> memref<1x20x16xf32, #tpu.memory_space<hbm>>
      %dma_wait3A_1338 = tpu.memref_squeeze %dma_wait3A_1337 : memref<1x20x16xf32, #tpu.memory_space<hbm>> -> memref<20x16xf32, #tpu.memory_space<hbm>>
      %dma_wait3A_1339 = arith.constant 400 : i32
      %dma_wait3A_1340 = arith.constant 0 : i32
      %dma_wait3A_1341 = tpu.memref_slice %arg15[%dma_wait3A_1339, %dma_wait3A_1340] : memref<640x16xf32, #tpu.memory_space<vmem>> -> memref<20x16xf32, #tpu.memory_space<vmem>>
      tpu.wait_dma2 semaphore(%arg19 : memref<!tpu.dma_semaphore, #tpu.memory_space<semaphore_mem>>) src(%dma_wait3A_1341 : memref<20x16xf32, #tpu.memory_space<vmem>>) dst(%dma_wait3A_1338 : memref<20x16xf32, #tpu.memory_space<hbm>>)
      %dma_wait3A_1342 = arith.constant 420 : i32
      %dma_wait3A_1343 = arith.constant 0 : i32
      %dma_wait3A_1344 = tpu.memref_slice %arg15[%dma_wait3A_1342, %dma_wait3A_1343] : memref<640x16xf32, #tpu.memory_space<vmem>> -> memref<20x16xf32, #tpu.memory_space<vmem>>
      %dma_wait3A_1345 = arith.constant 0 : i32
      %dma_wait3A_1346 = arith.constant 0 : i32
      %dma_wait3A_1347 = tpu.memref_slice %arg9[%add3A_873, %dma_wait3A_1345, %dma_wait3A_1346] : memref<16384x20x16xf32, #tpu.memory_space<hbm>> -> memref<1x20x16xf32, #tpu.memory_space<hbm>>
      %dma_wait3A_1348 = tpu.memref_squeeze %dma_wait3A_1347 : memref<1x20x16xf32, #tpu.memory_space<hbm>> -> memref<20x16xf32, #tpu.memory_space<hbm>>
      %dma_wait3A_1349 = arith.constant 0 : i32
      %dma_wait3A_1350 = arith.constant 0 : i32
      %dma_wait3A_1351 = tpu.memref_slice %arg9[%add3A_873, %dma_wait3A_1349, %dma_wait3A_1350] : memref<16384x20x16xf32, #tpu.memory_space<hbm>> -> memref<1x20x16xf32, #tpu.memory_space<hbm>>
      %dma_wait3A_1352 = tpu.memref_squeeze %dma_wait3A_1351 : memref<1x20x16xf32, #tpu.memory_space<hbm>> -> memref<20x16xf32, #tpu.memory_space<hbm>>
      %dma_wait3A_1353 = arith.constant 420 : i32
      %dma_wait3A_1354 = arith.constant 0 : i32
      %dma_wait3A_1355 = tpu.memref_slice %arg15[%dma_wait3A_1353, %dma_wait3A_1354] : memref<640x16xf32, #tpu.memory_space<vmem>> -> memref<20x16xf32, #tpu.memory_space<vmem>>
      tpu.wait_dma2 semaphore(%arg19 : memref<!tpu.dma_semaphore, #tpu.memory_space<semaphore_mem>>) src(%dma_wait3A_1355 : memref<20x16xf32, #tpu.memory_space<vmem>>) dst(%dma_wait3A_1352 : memref<20x16xf32, #tpu.memory_space<hbm>>)
      %dma_wait3A_1356 = arith.constant 440 : i32
      %dma_wait3A_1357 = arith.constant 0 : i32
      %dma_wait3A_1358 = tpu.memref_slice %arg15[%dma_wait3A_1356, %dma_wait3A_1357] : memref<640x16xf32, #tpu.memory_space<vmem>> -> memref<20x16xf32, #tpu.memory_space<vmem>>
      %dma_wait3A_1359 = arith.constant 0 : i32
      %dma_wait3A_1360 = arith.constant 0 : i32
      %dma_wait3A_1361 = tpu.memref_slice %arg9[%add3A_889, %dma_wait3A_1359, %dma_wait3A_1360] : memref<16384x20x16xf32, #tpu.memory_space<hbm>> -> memref<1x20x16xf32, #tpu.memory_space<hbm>>
      %dma_wait3A_1362 = tpu.memref_squeeze %dma_wait3A_1361 : memref<1x20x16xf32, #tpu.memory_space<hbm>> -> memref<20x16xf32, #tpu.memory_space<hbm>>
      %dma_wait3A_1363 = arith.constant 0 : i32
      %dma_wait3A_1364 = arith.constant 0 : i32
      %dma_wait3A_1365 = tpu.memref_slice %arg9[%add3A_889, %dma_wait3A_1363, %dma_wait3A_1364] : memref<16384x20x16xf32, #tpu.memory_space<hbm>> -> memref<1x20x16xf32, #tpu.memory_space<hbm>>
      %dma_wait3A_1366 = tpu.memref_squeeze %dma_wait3A_1365 : memref<1x20x16xf32, #tpu.memory_space<hbm>> -> memref<20x16xf32, #tpu.memory_space<hbm>>
      %dma_wait3A_1367 = arith.constant 440 : i32
      %dma_wait3A_1368 = arith.constant 0 : i32
      %dma_wait3A_1369 = tpu.memref_slice %arg15[%dma_wait3A_1367, %dma_wait3A_1368] : memref<640x16xf32, #tpu.memory_space<vmem>> -> memref<20x16xf32, #tpu.memory_space<vmem>>
      tpu.wait_dma2 semaphore(%arg19 : memref<!tpu.dma_semaphore, #tpu.memory_space<semaphore_mem>>) src(%dma_wait3A_1369 : memref<20x16xf32, #tpu.memory_space<vmem>>) dst(%dma_wait3A_1366 : memref<20x16xf32, #tpu.memory_space<hbm>>)
      %dma_wait3A_1370 = arith.constant 460 : i32
      %dma_wait3A_1371 = arith.constant 0 : i32
      %dma_wait3A_1372 = tpu.memref_slice %arg15[%dma_wait3A_1370, %dma_wait3A_1371] : memref<640x16xf32, #tpu.memory_space<vmem>> -> memref<20x16xf32, #tpu.memory_space<vmem>>
      %dma_wait3A_1373 = arith.constant 0 : i32
      %dma_wait3A_1374 = arith.constant 0 : i32
      %dma_wait3A_1375 = tpu.memref_slice %arg9[%add3A_905, %dma_wait3A_1373, %dma_wait3A_1374] : memref<16384x20x16xf32, #tpu.memory_space<hbm>> -> memref<1x20x16xf32, #tpu.memory_space<hbm>>
      %dma_wait3A_1376 = tpu.memref_squeeze %dma_wait3A_1375 : memref<1x20x16xf32, #tpu.memory_space<hbm>> -> memref<20x16xf32, #tpu.memory_space<hbm>>
      %dma_wait3A_1377 = arith.constant 0 : i32
      %dma_wait3A_1378 = arith.constant 0 : i32
      %dma_wait3A_1379 = tpu.memref_slice %arg9[%add3A_905, %dma_wait3A_1377, %dma_wait3A_1378] : memref<16384x20x16xf32, #tpu.memory_space<hbm>> -> memref<1x20x16xf32, #tpu.memory_space<hbm>>
      %dma_wait3A_1380 = tpu.memref_squeeze %dma_wait3A_1379 : memref<1x20x16xf32, #tpu.memory_space<hbm>> -> memref<20x16xf32, #tpu.memory_space<hbm>>
      %dma_wait3A_1381 = arith.constant 460 : i32
      %dma_wait3A_1382 = arith.constant 0 : i32
      %dma_wait3A_1383 = tpu.memref_slice %arg15[%dma_wait3A_1381, %dma_wait3A_1382] : memref<640x16xf32, #tpu.memory_space<vmem>> -> memref<20x16xf32, #tpu.memory_space<vmem>>
      tpu.wait_dma2 semaphore(%arg19 : memref<!tpu.dma_semaphore, #tpu.memory_space<semaphore_mem>>) src(%dma_wait3A_1383 : memref<20x16xf32, #tpu.memory_space<vmem>>) dst(%dma_wait3A_1380 : memref<20x16xf32, #tpu.memory_space<hbm>>)
      %dma_wait3A_1384 = arith.constant 480 : i32
      %dma_wait3A_1385 = arith.constant 0 : i32
      %dma_wait3A_1386 = tpu.memref_slice %arg15[%dma_wait3A_1384, %dma_wait3A_1385] : memref<640x16xf32, #tpu.memory_space<vmem>> -> memref<20x16xf32, #tpu.memory_space<vmem>>
      %dma_wait3A_1387 = arith.constant 0 : i32
      %dma_wait3A_1388 = arith.constant 0 : i32
      %dma_wait3A_1389 = tpu.memref_slice %arg9[%add3A_921, %dma_wait3A_1387, %dma_wait3A_1388] : memref<16384x20x16xf32, #tpu.memory_space<hbm>> -> memref<1x20x16xf32, #tpu.memory_space<hbm>>
      %dma_wait3A_1390 = tpu.memref_squeeze %dma_wait3A_1389 : memref<1x20x16xf32, #tpu.memory_space<hbm>> -> memref<20x16xf32, #tpu.memory_space<hbm>>
      %dma_wait3A_1391 = arith.constant 0 : i32
      %dma_wait3A_1392 = arith.constant 0 : i32
      %dma_wait3A_1393 = tpu.memref_slice %arg9[%add3A_921, %dma_wait3A_1391, %dma_wait3A_1392] : memref<16384x20x16xf32, #tpu.memory_space<hbm>> -> memref<1x20x16xf32, #tpu.memory_space<hbm>>
      %dma_wait3A_1394 = tpu.memref_squeeze %dma_wait3A_1393 : memref<1x20x16xf32, #tpu.memory_space<hbm>> -> memref<20x16xf32, #tpu.memory_space<hbm>>
      %dma_wait3A_1395 = arith.constant 480 : i32
      %dma_wait3A_1396 = arith.constant 0 : i32
      %dma_wait3A_1397 = tpu.memref_slice %arg15[%dma_wait3A_1395, %dma_wait3A_1396] : memref<640x16xf32, #tpu.memory_space<vmem>> -> memref<20x16xf32, #tpu.memory_space<vmem>>
      tpu.wait_dma2 semaphore(%arg19 : memref<!tpu.dma_semaphore, #tpu.memory_space<semaphore_mem>>) src(%dma_wait3A_1397 : memref<20x16xf32, #tpu.memory_space<vmem>>) dst(%dma_wait3A_1394 : memref<20x16xf32, #tpu.memory_space<hbm>>)
      %dma_wait3A_1398 = arith.constant 500 : i32
      %dma_wait3A_1399 = arith.constant 0 : i32
      %dma_wait3A_1400 = tpu.memref_slice %arg15[%dma_wait3A_1398, %dma_wait3A_1399] : memref<640x16xf32, #tpu.memory_space<vmem>> -> memref<20x16xf32, #tpu.memory_space<vmem>>
      %dma_wait3A_1401 = arith.constant 0 : i32
      %dma_wait3A_1402 = arith.constant 0 : i32
      %dma_wait3A_1403 = tpu.memref_slice %arg9[%add3A_937, %dma_wait3A_1401, %dma_wait3A_1402] : memref<16384x20x16xf32, #tpu.memory_space<hbm>> -> memref<1x20x16xf32, #tpu.memory_space<hbm>>
      %dma_wait3A_1404 = tpu.memref_squeeze %dma_wait3A_1403 : memref<1x20x16xf32, #tpu.memory_space<hbm>> -> memref<20x16xf32, #tpu.memory_space<hbm>>
      %dma_wait3A_1405 = arith.constant 0 : i32
      %dma_wait3A_1406 = arith.constant 0 : i32
      %dma_wait3A_1407 = tpu.memref_slice %arg9[%add3A_937, %dma_wait3A_1405, %dma_wait3A_1406] : memref<16384x20x16xf32, #tpu.memory_space<hbm>> -> memref<1x20x16xf32, #tpu.memory_space<hbm>>
      %dma_wait3A_1408 = tpu.memref_squeeze %dma_wait3A_1407 : memref<1x20x16xf32, #tpu.memory_space<hbm>> -> memref<20x16xf32, #tpu.memory_space<hbm>>
      %dma_wait3A_1409 = arith.constant 500 : i32
      %dma_wait3A_1410 = arith.constant 0 : i32
      %dma_wait3A_1411 = tpu.memref_slice %arg15[%dma_wait3A_1409, %dma_wait3A_1410] : memref<640x16xf32, #tpu.memory_space<vmem>> -> memref<20x16xf32, #tpu.memory_space<vmem>>
      tpu.wait_dma2 semaphore(%arg19 : memref<!tpu.dma_semaphore, #tpu.memory_space<semaphore_mem>>) src(%dma_wait3A_1411 : memref<20x16xf32, #tpu.memory_space<vmem>>) dst(%dma_wait3A_1408 : memref<20x16xf32, #tpu.memory_space<hbm>>)
      %dma_wait3A_1412 = arith.constant 520 : i32
      %dma_wait3A_1413 = arith.constant 0 : i32
      %dma_wait3A_1414 = tpu.memref_slice %arg15[%dma_wait3A_1412, %dma_wait3A_1413] : memref<640x16xf32, #tpu.memory_space<vmem>> -> memref<20x16xf32, #tpu.memory_space<vmem>>
      %dma_wait3A_1415 = arith.constant 0 : i32
      %dma_wait3A_1416 = arith.constant 0 : i32
      %dma_wait3A_1417 = tpu.memref_slice %arg9[%add3A_953, %dma_wait3A_1415, %dma_wait3A_1416] : memref<16384x20x16xf32, #tpu.memory_space<hbm>> -> memref<1x20x16xf32, #tpu.memory_space<hbm>>
      %dma_wait3A_1418 = tpu.memref_squeeze %dma_wait3A_1417 : memref<1x20x16xf32, #tpu.memory_space<hbm>> -> memref<20x16xf32, #tpu.memory_space<hbm>>
      %dma_wait3A_1419 = arith.constant 0 : i32
      %dma_wait3A_1420 = arith.constant 0 : i32
      %dma_wait3A_1421 = tpu.memref_slice %arg9[%add3A_953, %dma_wait3A_1419, %dma_wait3A_1420] : memref<16384x20x16xf32, #tpu.memory_space<hbm>> -> memref<1x20x16xf32, #tpu.memory_space<hbm>>
      %dma_wait3A_1422 = tpu.memref_squeeze %dma_wait3A_1421 : memref<1x20x16xf32, #tpu.memory_space<hbm>> -> memref<20x16xf32, #tpu.memory_space<hbm>>
      %dma_wait3A_1423 = arith.constant 520 : i32
      %dma_wait3A_1424 = arith.constant 0 : i32
      %dma_wait3A_1425 = tpu.memref_slice %arg15[%dma_wait3A_1423, %dma_wait3A_1424] : memref<640x16xf32, #tpu.memory_space<vmem>> -> memref<20x16xf32, #tpu.memory_space<vmem>>
      tpu.wait_dma2 semaphore(%arg19 : memref<!tpu.dma_semaphore, #tpu.memory_space<semaphore_mem>>) src(%dma_wait3A_1425 : memref<20x16xf32, #tpu.memory_space<vmem>>) dst(%dma_wait3A_1422 : memref<20x16xf32, #tpu.memory_space<hbm>>)
      %dma_wait3A_1426 = arith.constant 540 : i32
      %dma_wait3A_1427 = arith.constant 0 : i32
      %dma_wait3A_1428 = tpu.memref_slice %arg15[%dma_wait3A_1426, %dma_wait3A_1427] : memref<640x16xf32, #tpu.memory_space<vmem>> -> memref<20x16xf32, #tpu.memory_space<vmem>>
      %dma_wait3A_1429 = arith.constant 0 : i32
      %dma_wait3A_1430 = arith.constant 0 : i32
      %dma_wait3A_1431 = tpu.memref_slice %arg9[%add3A_969, %dma_wait3A_1429, %dma_wait3A_1430] : memref<16384x20x16xf32, #tpu.memory_space<hbm>> -> memref<1x20x16xf32, #tpu.memory_space<hbm>>
      %dma_wait3A_1432 = tpu.memref_squeeze %dma_wait3A_1431 : memref<1x20x16xf32, #tpu.memory_space<hbm>> -> memref<20x16xf32, #tpu.memory_space<hbm>>
      %dma_wait3A_1433 = arith.constant 0 : i32
      %dma_wait3A_1434 = arith.constant 0 : i32
      %dma_wait3A_1435 = tpu.memref_slice %arg9[%add3A_969, %dma_wait3A_1433, %dma_wait3A_1434] : memref<16384x20x16xf32, #tpu.memory_space<hbm>> -> memref<1x20x16xf32, #tpu.memory_space<hbm>>
      %dma_wait3A_1436 = tpu.memref_squeeze %dma_wait3A_1435 : memref<1x20x16xf32, #tpu.memory_space<hbm>> -> memref<20x16xf32, #tpu.memory_space<hbm>>
      %dma_wait3A_1437 = arith.constant 540 : i32
      %dma_wait3A_1438 = arith.constant 0 : i32
      %dma_wait3A_1439 = tpu.memref_slice %arg15[%dma_wait3A_1437, %dma_wait3A_1438] : memref<640x16xf32, #tpu.memory_space<vmem>> -> memref<20x16xf32, #tpu.memory_space<vmem>>
      tpu.wait_dma2 semaphore(%arg19 : memref<!tpu.dma_semaphore, #tpu.memory_space<semaphore_mem>>) src(%dma_wait3A_1439 : memref<20x16xf32, #tpu.memory_space<vmem>>) dst(%dma_wait3A_1436 : memref<20x16xf32, #tpu.memory_space<hbm>>)
      %dma_wait3A_1440 = arith.constant 560 : i32
      %dma_wait3A_1441 = arith.constant 0 : i32
      %dma_wait3A_1442 = tpu.memref_slice %arg15[%dma_wait3A_1440, %dma_wait3A_1441] : memref<640x16xf32, #tpu.memory_space<vmem>> -> memref<20x16xf32, #tpu.memory_space<vmem>>
      %dma_wait3A_1443 = arith.constant 0 : i32
      %dma_wait3A_1444 = arith.constant 0 : i32
      %dma_wait3A_1445 = tpu.memref_slice %arg9[%add3A_985, %dma_wait3A_1443, %dma_wait3A_1444] : memref<16384x20x16xf32, #tpu.memory_space<hbm>> -> memref<1x20x16xf32, #tpu.memory_space<hbm>>
      %dma_wait3A_1446 = tpu.memref_squeeze %dma_wait3A_1445 : memref<1x20x16xf32, #tpu.memory_space<hbm>> -> memref<20x16xf32, #tpu.memory_space<hbm>>
      %dma_wait3A_1447 = arith.constant 0 : i32
      %dma_wait3A_1448 = arith.constant 0 : i32
      %dma_wait3A_1449 = tpu.memref_slice %arg9[%add3A_985, %dma_wait3A_1447, %dma_wait3A_1448] : memref<16384x20x16xf32, #tpu.memory_space<hbm>> -> memref<1x20x16xf32, #tpu.memory_space<hbm>>
      %dma_wait3A_1450 = tpu.memref_squeeze %dma_wait3A_1449 : memref<1x20x16xf32, #tpu.memory_space<hbm>> -> memref<20x16xf32, #tpu.memory_space<hbm>>
      %dma_wait3A_1451 = arith.constant 560 : i32
      %dma_wait3A_1452 = arith.constant 0 : i32
      %dma_wait3A_1453 = tpu.memref_slice %arg15[%dma_wait3A_1451, %dma_wait3A_1452] : memref<640x16xf32, #tpu.memory_space<vmem>> -> memref<20x16xf32, #tpu.memory_space<vmem>>
      tpu.wait_dma2 semaphore(%arg19 : memref<!tpu.dma_semaphore, #tpu.memory_space<semaphore_mem>>) src(%dma_wait3A_1453 : memref<20x16xf32, #tpu.memory_space<vmem>>) dst(%dma_wait3A_1450 : memref<20x16xf32, #tpu.memory_space<hbm>>)
      %dma_wait3A_1454 = arith.constant 580 : i32
      %dma_wait3A_1455 = arith.constant 0 : i32
      %dma_wait3A_1456 = tpu.memref_slice %arg15[%dma_wait3A_1454, %dma_wait3A_1455] : memref<640x16xf32, #tpu.memory_space<vmem>> -> memref<20x16xf32, #tpu.memory_space<vmem>>
      %dma_wait3A_1457 = arith.constant 0 : i32
      %dma_wait3A_1458 = arith.constant 0 : i32
      %dma_wait3A_1459 = tpu.memref_slice %arg9[%add3A_1001, %dma_wait3A_1457, %dma_wait3A_1458] : memref<16384x20x16xf32, #tpu.memory_space<hbm>> -> memref<1x20x16xf32, #tpu.memory_space<hbm>>
      %dma_wait3A_1460 = tpu.memref_squeeze %dma_wait3A_1459 : memref<1x20x16xf32, #tpu.memory_space<hbm>> -> memref<20x16xf32, #tpu.memory_space<hbm>>
      %dma_wait3A_1461 = arith.constant 0 : i32
      %dma_wait3A_1462 = arith.constant 0 : i32
      %dma_wait3A_1463 = tpu.memref_slice %arg9[%add3A_1001, %dma_wait3A_1461, %dma_wait3A_1462] : memref<16384x20x16xf32, #tpu.memory_space<hbm>> -> memref<1x20x16xf32, #tpu.memory_space<hbm>>
      %dma_wait3A_1464 = tpu.memref_squeeze %dma_wait3A_1463 : memref<1x20x16xf32, #tpu.memory_space<hbm>> -> memref<20x16xf32, #tpu.memory_space<hbm>>
      %dma_wait3A_1465 = arith.constant 580 : i32
      %dma_wait3A_1466 = arith.constant 0 : i32
      %dma_wait3A_1467 = tpu.memref_slice %arg15[%dma_wait3A_1465, %dma_wait3A_1466] : memref<640x16xf32, #tpu.memory_space<vmem>> -> memref<20x16xf32, #tpu.memory_space<vmem>>
      tpu.wait_dma2 semaphore(%arg19 : memref<!tpu.dma_semaphore, #tpu.memory_space<semaphore_mem>>) src(%dma_wait3A_1467 : memref<20x16xf32, #tpu.memory_space<vmem>>) dst(%dma_wait3A_1464 : memref<20x16xf32, #tpu.memory_space<hbm>>)
      %dma_wait3A_1468 = arith.constant 600 : i32
      %dma_wait3A_1469 = arith.constant 0 : i32
      %dma_wait3A_1470 = tpu.memref_slice %arg15[%dma_wait3A_1468, %dma_wait3A_1469] : memref<640x16xf32, #tpu.memory_space<vmem>> -> memref<20x16xf32, #tpu.memory_space<vmem>>
      %dma_wait3A_1471 = arith.constant 0 : i32
      %dma_wait3A_1472 = arith.constant 0 : i32
      %dma_wait3A_1473 = tpu.memref_slice %arg9[%add3A_1017, %dma_wait3A_1471, %dma_wait3A_1472] : memref<16384x20x16xf32, #tpu.memory_space<hbm>> -> memref<1x20x16xf32, #tpu.memory_space<hbm>>
      %dma_wait3A_1474 = tpu.memref_squeeze %dma_wait3A_1473 : memref<1x20x16xf32, #tpu.memory_space<hbm>> -> memref<20x16xf32, #tpu.memory_space<hbm>>
      %dma_wait3A_1475 = arith.constant 0 : i32
      %dma_wait3A_1476 = arith.constant 0 : i32
      %dma_wait3A_1477 = tpu.memref_slice %arg9[%add3A_1017, %dma_wait3A_1475, %dma_wait3A_1476] : memref<16384x20x16xf32, #tpu.memory_space<hbm>> -> memref<1x20x16xf32, #tpu.memory_space<hbm>>
      %dma_wait3A_1478 = tpu.memref_squeeze %dma_wait3A_1477 : memref<1x20x16xf32, #tpu.memory_space<hbm>> -> memref<20x16xf32, #tpu.memory_space<hbm>>
      %dma_wait3A_1479 = arith.constant 600 : i32
      %dma_wait3A_1480 = arith.constant 0 : i32
      %dma_wait3A_1481 = tpu.memref_slice %arg15[%dma_wait3A_1479, %dma_wait3A_1480] : memref<640x16xf32, #tpu.memory_space<vmem>> -> memref<20x16xf32, #tpu.memory_space<vmem>>
      tpu.wait_dma2 semaphore(%arg19 : memref<!tpu.dma_semaphore, #tpu.memory_space<semaphore_mem>>) src(%dma_wait3A_1481 : memref<20x16xf32, #tpu.memory_space<vmem>>) dst(%dma_wait3A_1478 : memref<20x16xf32, #tpu.memory_space<hbm>>)
      %dma_wait3A_1482 = arith.constant 620 : i32
      %dma_wait3A_1483 = arith.constant 0 : i32
      %dma_wait3A_1484 = tpu.memref_slice %arg15[%dma_wait3A_1482, %dma_wait3A_1483] : memref<640x16xf32, #tpu.memory_space<vmem>> -> memref<20x16xf32, #tpu.memory_space<vmem>>
      %dma_wait3A_1485 = arith.constant 0 : i32
      %dma_wait3A_1486 = arith.constant 0 : i32
      %dma_wait3A_1487 = tpu.memref_slice %arg9[%add3A_1033, %dma_wait3A_1485, %dma_wait3A_1486] : memref<16384x20x16xf32, #tpu.memory_space<hbm>> -> memref<1x20x16xf32, #tpu.memory_space<hbm>>
      %dma_wait3A_1488 = tpu.memref_squeeze %dma_wait3A_1487 : memref<1x20x16xf32, #tpu.memory_space<hbm>> -> memref<20x16xf32, #tpu.memory_space<hbm>>
      %dma_wait3A_1489 = arith.constant 0 : i32
      %dma_wait3A_1490 = arith.constant 0 : i32
      %dma_wait3A_1491 = tpu.memref_slice %arg9[%add3A_1033, %dma_wait3A_1489, %dma_wait3A_1490] : memref<16384x20x16xf32, #tpu.memory_space<hbm>> -> memref<1x20x16xf32, #tpu.memory_space<hbm>>
      %dma_wait3A_1492 = tpu.memref_squeeze %dma_wait3A_1491 : memref<1x20x16xf32, #tpu.memory_space<hbm>> -> memref<20x16xf32, #tpu.memory_space<hbm>>
      %dma_wait3A_1493 = arith.constant 620 : i32
      %dma_wait3A_1494 = arith.constant 0 : i32
      %dma_wait3A_1495 = tpu.memref_slice %arg15[%dma_wait3A_1493, %dma_wait3A_1494] : memref<640x16xf32, #tpu.memory_space<vmem>> -> memref<20x16xf32, #tpu.memory_space<vmem>>
      tpu.wait_dma2 semaphore(%arg19 : memref<!tpu.dma_semaphore, #tpu.memory_space<semaphore_mem>>) src(%dma_wait3A_1495 : memref<20x16xf32, #tpu.memory_space<vmem>>) dst(%dma_wait3A_1492 : memref<20x16xf32, #tpu.memory_space<hbm>>)
      %scan3A_1496 = arith.constant 0 : i32
      scf.yield %scan3A_1496 : i32
    }
    %scan3A_43 = arith.constant 16 : i32
    return
  }
}

</mosaic_0001>

<sc_bundles>
// kernel: _sc_embed.3.cloned.1.call-start
scs
__scs_entry_jumppad:
0x0: {  	(pc) =	sbr.rel $0x88, $3  }
0x1: {  	(tag) =	ssettag $0x0;
	lr =	simm.s32 $0x1  }
0x2: {  	[smem:$0x3F9A] =	sst lr;
	_ =	strace $0xD0000000  }
0x3: {  	_ = 	snop  }
0x4: {  	_ = 	snop  }
0x5: {  	_ = 	snop  }
0x6: {  	_ = 	snop  }
0x7: {  	_ = 	snop  }
__scs_overlays_trampoline_lowered:
0x8: {  	[smem:$0x3FA9] =	sst s0  }
0x9: {  	[smem:$0x3FAA] =	sst s1  }
0xa: {  	[smem:$0x3FAB] =	sst s2  }
0xb: {  	[smem:$0x3FAC] =	sst s3  }
0xc: {  	[smem:$0x3FAD] =	sst s4  }
0xd: {  	[smem:$0x3FAE] =	sst s5  }
0xe: {  	[smem:$0x3FAF] =	sst s6  }
0xf: {  	[smem:$0x3FB0] =	sst s7  }
0x10: {  	[smem:$0x3FB1] =	sst s8  }
0x11: {  	[smem:$0x3FB2] =	sst s9;
	s0 =	simm.s32 @!p0 $0x0  }
0x12: {  	s1 =	sld [smem:$0x3F98];
	s0 =	simm.s32 @p0 $0x1  }
0x13: {  	[smem:$0x3FB3] =	sst s0;
	s0 =	simm.s32 @!p1 $0x0  }
0x14: {  	s2 =	sld [smem:$0x3F97];
	s0 =	simm.s32 @p1 $0x1  }
0x15: {  	[smem:$0x3FB4] =	sst s0;
	s0 =	simm.s32 @!p2 $0x0  }
0x16: {  	s3 =	sld [smem:$0x3FDB];
	s0 =	simm.s32 @p2 $0x1  }
0x17: {  	s4 =	simm.s32 $0x1BF5;
	[smem:$0x3FB6] =	sst s0  }
0x18: {  	s0 =	sld [smem:$0x3F99];
	_ =	swait.ge [sflag:s4], $0x0  }
0x19: {  	s7 =	sld [smem:$0x3F9A]  }
0x1a: {  	s8 =	sadd.s32 $0xFFFFE003, lr  }
0x1b: {  	s9 =	sadd.s32 $0xFFFFFEF7, lr;
	s5 =	simm.s32 $0xFFFFFFFF;
	p2 =	slt.u32 s8, $0xFFFFF086  }
0x1c: {  	p1 =	slt.u32 s9, $0xF7A;
	s5 =	simm.s32 @!p2 $0x0  }
0x1d: {  	s5 =	simm.s32 @p1 $0x1;
	p0 =	seq.s32 s7, s2  }
0x1e: {  	s7 =	smul.u32 @!p0 $0xF7A, s2;
	p2 =	seq.s32 @!p0 s5, $0x0  }
0x1f: {  	s9 =	smul.u32 $0xF7A, s1;
	s8 =	simm.s32 @!p0 $0x1BF5;
	p2 =	por !p2, p0  }
0x20: {  	[sflag:s8] =	ssyncset.s32 @!p0 $0xFFFFF086;
	s6 =	sadd.s32 @!p0 s3, s7;
	s7 =	simm.s32 @!p0 $0x108  }
0x21: {  	s3 =	sadd.s32 s3, s9;
	s6 =	sadd.s32 @!p0 $0x88, s6;
	s7 =	simm.s32 @p2 $0x1082  }
0x22: {  	[simem:s7], [sflag:s8] =	dma.local @!p0 [hbm:s6], $0xF7A  }
0x23: {  	s9 =	sor.u32 $0xD0000000, s2;
	s6 =	simm.s32 $0x108;
	_ =	swait.ge @!p0 [sflag:s8], $0x0  }
0x24: {  	s3 =	sadd.s32 $0x88, s3;
	s6 =	simm.s32 @!p1 $0x1082;
	[sflag:s4] =	ssyncset.s32 $0xFFFFF086  }
0x25: {  	[simem:s6], [sflag:s4] =	dma.local [hbm:s3], $0xF7A  }
0x26: {  	[smem:$0x3F9A] =	sst s1;
	(tag) =	ssettag s2;
	_ =	strace s9  }
0x27: {  	s1 =	sld [smem:$0x3FAA]  }
0x28: {  	s2 =	sld [smem:$0x3FAB]  }
0x29: {  	s4 =	sld [smem:$0x3FAD]  }
0x2a: {  	p0 =	seq.s32 s5, $0x0;
	s5 =	sld [smem:$0x3FAE]  }
0x2b: {  	s6 =	sld [smem:$0x3FAF]  }
0x2c: {  	s7 =	sld [smem:$0x3FB0]  }
0x2d: {  	s3 =	simm.s32 $0x108;
	s8 =	sld [smem:$0x3FB1]  }
0x2e: {  	s3 =	simm.s32 @!p0 $0x1082;
	s9 =	sld [smem:$0x3FB2]  }
0x2f: {  	lr =	sadd.s32 s0, s3;
	s0 =	sld [smem:$0x3FA9]  }
0x30: {  	s3 =	sld [smem:$0x3FAC]  }
0x31: {  	[smem:$0x3FB5] =	sst s10  }
0x32: {  	s10 =	sld [smem:$0x3FB3];
	_ =	sdelay $0x3  }
0x33: {  	p0 =	seq.s32 s10, $0x1;
	s10 =	sld [smem:$0x3FB5];
	_ =	sdelay $0x3  }
0x34: {  	[smem:$0x3FB5] =	sst s10  }
0x35: {  	s10 =	sld [smem:$0x3FB4];
	_ =	sdelay $0x3  }
0x36: {  	p1 =	seq.s32 s10, $0x1;
	s10 =	sld [smem:$0x3FB5];
	_ =	sdelay $0x3  }
0x37: {  	[smem:$0x3FB5] =	sst s10  }
0x38: {  	s10 =	sld [smem:$0x3FB6]  }
0x39: {  	_ = 	snop;
	(pc) =	sbr.ind lr, $3  }
0x3a: {  	_ = 	snop  }
0x3b: {  	_ = 	snop  }
0x3c: {  	p2 =	seq.s32 s10, $0x1;
	s10 =	sld [smem:$0x3FB5]  }
0x3d: {  	_ =	shalt  }
0x3e: {  	_ =	shalt  }
0x3f: {  	_ =	shalt  }
0x40: {  	_ =	shalt  }
0x41: {  	_ =	shalt  }
0x42: {  	_ =	shalt  }
0x43: {  	_ =	shalt  }
0x44: {  	_ =	shalt  }
0x45: {  	_ =	shalt  }
0x46: {  	_ =	shalt  }
0x47: {  	_ =	shalt  }
0x48: {  	_ =	shalt  }
0x49: {  	_ =	shalt  }
0x4a: {  	_ =	shalt  }
0x4b: {  	_ =	shalt  }
0x4c: {  	_ =	shalt  }
0x4d: {  	_ =	shalt  }
0x4e: {  	_ =	shalt  }
0x4f: {  	_ =	shalt  }
0x50: {  	_ =	shalt  }
0x51: {  	_ =	shalt  }
0x52: {  	_ =	shalt  }
0x53: {  	_ =	shalt  }
0x54: {  	_ =	shalt  }
0x55: {  	_ =	shalt  }
0x56: {  	_ =	shalt  }
0x57: {  	_ =	shalt  }
0x58: {  	_ =	shalt  }
0x59: {  	_ =	shalt  }
0x5a: {  	_ =	shalt  }
0x5b: {  	_ =	shalt  }
0x5c: {  	_ =	shalt  }
0x5d: {  	_ =	shalt  }
0x5e: {  	_ =	shalt  }
0x5f: {  	_ =	shalt  }
0x60: {  	_ =	shalt  }
0x61: {  	_ =	shalt  }
0x62: {  	_ =	shalt  }
0x63: {  	_ =	shalt  }
0x64: {  	_ =	shalt  }
0x65: {  	_ =	shalt  }
0x66: {  	_ =	shalt  }
0x67: {  	_ =	shalt  }
0x68: {  	_ =	shalt  }
0x69: {  	_ =	shalt  }
0x6a: {  	_ =	shalt  }
0x6b: {  	_ =	shalt  }
0x6c: {  	_ =	shalt  }
0x6d: {  	_ =	shalt  }
0x6e: {  	_ =	shalt  }
0x6f: {  	_ =	shalt  }
0x70: {  	_ =	shalt  }
0x71: {  	_ =	shalt  }
0x72: {  	_ =	shalt  }
0x73: {  	_ =	shalt  }
0x74: {  	_ =	shalt  }
0x75: {  	_ =	shalt  }
0x76: {  	_ =	shalt  }
0x77: {  	_ =	shalt  }
0x78: {  	_ =	shalt  }
0x79: {  	_ =	shalt  }
0x7a: {  	_ =	shalt  }
0x7b: {  	_ =	shalt  }
0x7c: {  	_ =	shalt  }
0x7d: {  	_ =	shalt  }
0x7e: {  	_ =	shalt  }
0x7f: {  	_ =	shalt  }
0x80: {  	_ =	shalt  }
0x81: {  	_ =	shalt  }
0x82: {  	_ =	shalt  }
0x83: {  	_ =	shalt  }
0x84: {  	_ =	shalt  }
0x85: {  	_ =	shalt  }
0x86: {  	_ =	shalt  }
0x87: {  	_ =	shalt  }
.Lfunc_end0:
.L_simem_size_0:
called_computation_lowered:
.L_overlay_start_0:
0x88: {  	s2 =	sld [smem:$0x3FD9]  }
0x89: {  	s3 =	sld [smem:$0x3FFE];
	_ =	sdelay $0x1  }
0x8a: {  	s1 =	srdreg.scid  }
0x8b: {  	s0 =	sand.u32 $0x1, s1  }
0x8c: {  	s17 =	sshll.u32 s0, $0xA;
	s2 =	sadd.s32 s3, s2  }
0x8d: {  	s2 =	sadd.s32 s2, s17  }
0x8e: {  	[smem:$0x3FC1] =	sst s2  }
0x8f: {  	_ = 	snop  }
0x90: {  	s2 =	sld [smem:$0x3FC9]  }
0x91: {  	s18 =	sld [smem:$0x3FC7]  }
0x92: {  	s4 =	sld [smem:$0x3FC5]  }
0x93: {  	s5 =	sld [smem:$0x3FC4]  }
0x94: {  	s6 =	sld [smem:$0x3FD0];
	(tm) =	ssettm $0x1  }
0x95: {  	s7 =	sld [smem:$0x3FFB];
	_ =	sdelay $0x3  }
0x96: {  	_ =	strace s7  }
0x97: {  	s7 =	sld [smem:$0x3FFC];
	_ =	sdelay $0x3  }
0x98: {  	_ =	strace s7  }
0x99: {  	s7 =	sld [smem:$0x3FFD];
	_ =	sdelay $0x3  }
0x9a: {  	_ =	strace s7  }
0x9b: {  	_ =	strace $0x8FFFFFFF  }
0x9c: {  	s19 =	sld [smem:$0x3FDB];
	_ =	sdelay $0x1  }
0x9d: {  	s8 =	simm.s32 $_scs_section_size  }
0x9e: {  	s9 =	simm.s32 $_size__tile_overlayer_lowered;
	s10 =	simm.s32 $_tile_overlayer_lowered  }
0x9f: {  	s22 =	simm.s32 $0x1BFF;
	s21 =	sshll.u32 s10, $0x1;
	s7 =	sadd.s32 s8, s19  }
0xa0: {  	s11 =	simm.s32 $0x0;
	s20 =	sshll.u32 s9, $0x1;
	s9 =	sadd.s32 s21, s7  }
0xa1: {  	[timem:s11], [sflag:s22] =	dma.local [hbm:s9], s20  }
0xa2: {  	_ =	swait.ge [sflag:s22], s20  }
0xa3: {  	s8 =	ssub.s32 $0x0, s20;
	[sflag:s22] =	ssyncset.done $0x0  }
0xa4: {  	[sflag:s22] =	ssyncadd.s32 s8;
	_ =	sdelay $0x1  }
0xa5: {  	s23 =	simm.s32 $0x1B8B  }
0xa6: {  	_ =	swait.ge [sflag:s23], $0x1  }
0xa7: {  	[sflag:s23] =	ssyncset.done $0x0  }
0xa8: {  	s25 =	simm.s32 $0x1B8E;
	s24 =	sld [smem:$0x3FFE];
	[sflag:s23] =	ssyncadd.s32 $0xFFFFFFFF  }
0xa9: {  	s26 =	simm.s32 $execute0_lowered;
	[smem:$0x3FD2] =	sst s25  }
0xaa: {  	s9 =	sshll.u32 s26, $0x1;
	_ =	strace $0x80000046;
	[dreg:$0x1] =	wrdreg $0xFFFFFFFF  }
0xab: {  	s28 =	simm.s32 $_size_execute0_lowered;
	s7 =	sadd.s32 s7, s9;
	[dreg:$0x0] =	wrdreg $0x0  }
0xac: {  	s9 =	sshll.u32 s28, $0x1;
	[dreg:$0x2] =	wrdreg s7  }
0xad: {  	[dreg:$0x3] =	wrdreg s9  }
0xae: {  	[dreg:$0x4] =	wrdreg $0xC0  }
0xaf: {  	_ =	task [dreg:s11], $0x5FFFF  }
0xb0: {  	[dreg:$0x1] =	wrdreg $0xFFFFFFFF  }
0xb1: {  	[dreg:$0x0] =	wrdreg $0x60  }
0xb2: {  	[dreg:$0x2] =	wrdreg s2  }
0xb3: {  	[dreg:$0x3] =	wrdreg s24  }
0xb4: {  	[dreg:$0x4] =	wrdreg s18  }
0xb5: {  	[dreg:$0x5] =	wrdreg s4  }
0xb6: {  	[dreg:$0x6] =	wrdreg s5  }
0xb7: {  	[dreg:$0x7] =	wrdreg s6  }
0xb8: {  	[dreg:$0x8] =	wrdreg $0x9  }
0xb9: {  	_ =	task.clear_ibuf [dreg:s11], $0x9FFFF;
	_ =	strace $0x90000046  }
0xba: {  	s29 =	simm.s32 $0x9;
	_ =	strace $0x80000048  }
0xbb: {  	_ =	swait.ge [sflag:s29], $0x1  }
0xbc: {  	[sflag:s29] =	ssyncadd.s32 $0xFFFFFFFF  }
0xbd: {  	_ =	strace $0x90000048  }
0xbe: {  	_ =	sfence  }
0xbf: {  	s30 =	sld [smem:$0x0];
	_ =	sdelay $0x2  }
0xc0: {  	s31 =	sshll.u32 s1, $0xD;
	s1 =	sshrl.u32 s1, $0x2  }
0xc1: {  	s3 =	sand.u32 $0x4000, s31;
	s1 =	sadd.s32 s1, s30  }
0xc2: {  	s0 =	sor.u32 s3, s0;
	s1 =	sshll.u32 s1, $0x11  }
0xc3: {  	s0 =	sor.u32 s1, s0  }
0xc4: {  	s0 =	sadd.s32 $0x8F2B, s0  }
0xc5: {  	[sflag:s0] =	ssyncadd.remote.s32 $0x1  }
0xc6: {  	_ =	sfence.sel $0xFFFF  }
0xc7: {  	[dreg:$0x0] =	wrdreg $0xFFFFFFFF;
	(pc) =	sbr.abs _section_cstart, $3  }
0xc8: {  	[dreg:$0x1] =	wrdreg $0xFFFFFFFF  }
0xc9: {  	_ =	task.clear_ibuf [dreg:s11], $0x2FFFF;
	_ =	strace $0x9FFFFFFF  }
0xca: {  	(tm) =	ssettm $0x7FFFFFFF  }
0xcb: {  	_ =	shalt  }
tec
execute0_lowered:
.L_overlay_start_1:
0x0: {  	(tag) =	ssettag $0x1  }
0x1: {  	s0 =	rddreg [dreg:$0x1]  }
0x2: {  	s2 =	rddreg [dreg:$0x2]  }
0x3: {  	s5 =	rddreg [dreg:$0x5];
	s6 =	simm.s32 $0x0  }
0x4: {  	s1 =	srdreg.scid;
	s4 =	stileid.u32;
	s24 =	simm.s32 $0x180;
	vm0 =	vcmask $0xB08  }
0x5: {  	s22 =	simm.s32 $0x80;
	s23 =	simm.s32 $0x100;
	s25 =	simm.s32 $0x200;
	vm1 =	vcmask $0x300;
	v0 =	vimm.s32 $0xEFCDAB89;
	v1 =	vimm.s32 $0x67452301  }
0x6: {  	s26 =	simm.s32 $0x1;
	s19 =	simm.s32 $0xC800;
	s21 =	simm.s32 $0xC940;
	vm0 =	vmor vm1, vm0;
	vm1 =	vcmask $0x1310;
	v0 =	vunpack.c.l.s4.s8 v0  }
0x7: {  	s18 =	simm.s32 $0xCA80;
	s20 =	simm.s32 $0xCBC0;
	[smem:$0x7FF] =	sst s6;
	v1 =	vunpack.c.l.s4.s8 v1;
	vm0 =	vmor vm0, vm1;
	vm1 =	vcmask $0x1B18  }
0x8: {  	s1 =	sand.u32 $0x1, s1;
	s8 =	sadd.s32 $0xF42800, s0;
	s9 =	sadd.s32 $0x112AE00, s0;
	vm0 =	vmor vm0, vm1  }
0x9: {  	s10 =	sadd.s32 $0x1313400, s0;
	s31 =	sshll.u32 s4, $0xA;
	s12 =	sadd.s32 $0x28, s5;
	vm1 =	vcmask $0x2320;
	v0 =	vunpack.c.0.s8.s32 v0;
	v1 =	vunpack.c.0.s8.s32 v1  }
0xa: {  	s13 =	sadd.s32 $0x50, s5;
	s14 =	sadd.s32 $0x78, s5;
	s3 =	ssub.s32 $0x2, s1;
	vm0 =	vmor vm0, vm1;
	vm1 =	vcmask $0x2B28  }
0xb: {  	s15 =	sadd.s32 $0xA0, s5;
	s16 =	sadd.s32 $0xC8, s5;
	s30 =	sshrl.u32 s3, $0x1;
	vm0 =	vmor vm0, vm1;
	vm1 =	vcmask $0x3330;
	v0 =	vcombine.low v1, v0  }
0xc: {  	s17 =	sadd.s32 $0xF0, s5;
	s1 =	sshll.u32 s1, $0x9;
	s0 =	ssub.s32 s3, s30;
	v1 =	vlaneseq.u32;
	vm0 =	vmor vm0, vm1;
	vm1 =	vcmask $0x3B38  }
0xd: {  	_ =	strace $0x80000047;
	s11 =	sor.u32 s1, s31;
	s0 =	smax.u32 s0, $0x1;
	v1 =	vand.u32 $0x7, v1;
	vm0 =	vmor vm0, vm1  }
0xe: {  	s1 =	simm.s32 $0x2;
	s3 =	simm.s32 $0x0;
	[dreg:$0x7] =	wrdreg s0;
	v0 =	vand.u32 $0xF, v0;
	v1 =	vmul.u32 $0x2, v1;
	vm1 =	vmmov $0xff  }
.LBB2_1:
0xf: {  	[dreg:$0x8] =	wrdreg s3  }
0x10: {  	s0 =	rddreg [dreg:$0x3];
	s29 =	simm.s32 $0xCD00;
	s30 =	simm.s32 $0x3  }
0x11: {  	[tilespmem:s29], [sflag:$0x3] =	stream.linear.gather [hbm4b:s0+s6], $0x10, $0x38;
	[tilespmem:$0xCD20] =	vst v63  }
0x12: {  	_ =	swait.ge [sflag:s30], $0x10  }
0x13: {  	[sflag:s30] =	ssyncset.done $0x0  }
0x14: {  	[sflag:s30] =	ssyncadd.s32 $0xFFFFFFF0  }
0x15: {  	s4 =	simm.s32 $0xCD10;
	s31 =	rddreg [dreg:$0x4]  }
0x16: {  	[tilespmem:s4], [sflag:$0x3] =	stream.linear.gather [hbm4b:s31+s6], $0x10, $0x38;
	[tilespmem:$0xCD20] =	vst v63  }
0x17: {  	_ =	swait.ge [sflag:s30], $0x10  }
0x18: {  	[sflag:s30] =	ssyncset.done $0x0  }
0x19: {  	[sflag:s30] =	ssyncadd.s32 $0xFFFFFFF0  }
0x1a: {  	v2 =	vld [tilespmem:$0xCD00]  }
0x1b: {  	v3 =	vld [tilespmem:$0xCD10];
	_ =	sdelay $0x4  }
0x1c: {  	s28 =	simm.s32 $0x0;
	v2 =	vsel vm0, v2, v3  }
.LBB2_2:
0x1d: {  	s0 =	sshll.u32 s28, $0x5  }
0x1e: {  	s29 =	sadd.s32 s11, s0  }
0x1f: {  	s0 =	smul.u32 $0x14, s29;
	_ =	sdelay $0x1  }
0x20: {  	s3 =	rddreg [dreg:$0x0];
	s0 =	sshrl.u32 s0, $0x3  }
0x21: {  	s0 =	sadd.s32 s3, s0  }
0x22: {  	[tilespmem:s6], [sflag:$0x1] =	stream.linear.gather [hbm4b:s0+s6], $0x80, $0x38;
	[tilespmem:$0xCD20] =	vst v63  }
0x23: {  	s3 =	sadd.s32 $0x10, s0  }
0x24: {  	[tilespmem:s22], [sflag:$0x1] =	stream.linear.gather [hbm4b:s3+s6], $0x80, $0x38;
	[tilespmem:$0xCD20] =	vst v63  }
0x25: {  	s7 =	sadd.s32 $0x20, s0  }
0x26: {  	[tilespmem:s23], [sflag:$0x1] =	stream.linear.gather [hbm4b:s7+s6], $0x80, $0x38;
	[tilespmem:$0xCD20] =	vst v63  }
0x27: {  	s4 =	sadd.s32 $0x30, s0  }
0x28: {  	[tilespmem:s24], [sflag:$0x1] =	stream.linear.gather [hbm4b:s4+s6], $0x80, $0x38;
	[tilespmem:$0xCD20] =	vst v63  }
0x29: {  	s0 =	sadd.s32 $0x40, s0  }
0x2a: {  	[tilespmem:s25], [sflag:$0x1] =	stream.linear.gather [hbm4b:s0+s6], $0x80, $0x38;
	[tilespmem:$0xCD20] =	vst v63  }
0x2b: {  	_ =	swait.ge [sflag:s26], $0x80  }
0x2c: {  	[sflag:s26] =	ssyncset.done $0x0  }
0x2d: {  	[sflag:s26] =	ssyncadd.s32 $0xFFFFFF80  }
0x2e: {  	_ =	swait.ge [sflag:s26], $0x80  }
0x2f: {  	[sflag:s26] =	ssyncset.done $0x0  }
0x30: {  	[sflag:s26] =	ssyncadd.s32 $0xFFFFFF80  }
0x31: {  	_ =	swait.ge [sflag:s26], $0x80  }
0x32: {  	[sflag:s26] =	ssyncset.done $0x0  }
0x33: {  	[sflag:s26] =	ssyncadd.s32 $0xFFFFFF80  }
0x34: {  	_ =	swait.ge [sflag:s26], $0x80  }
0x35: {  	[sflag:s26] =	ssyncset.done $0x0  }
0x36: {  	[sflag:s26] =	ssyncadd.s32 $0xFFFFFF80  }
0x37: {  	_ =	swait.ge [sflag:s26], $0x80  }
0x38: {  	[sflag:s26] =	ssyncset.done $0x0  }
0x39: {  	s7 =	simm.s32 $0x280;
	[sflag:s26] =	ssyncadd.s32 $0xFFFFFF80  }
0x3a: {  	[tilespmem:s7], [sflag:$0x1] =	stream.indirect.gather [hbm4b:s8+s22], $0x10, s6, s22, $0xb8;
	[tilespmem:$0xCD20] =	vst v63  }
0x3b: {  	s3 =	simm.s32 $0x2A80  }
0x3c: {  	[tilespmem:s3], [sflag:$0x1] =	stream.indirect.gather [hbm4b:s9+s22], $0x10, s6, s22, $0xb8;
	[tilespmem:$0xCD20] =	vst v63  }
0x3d: {  	s4 =	simm.s32 $0x5280  }
0x3e: {  	[tilespmem:s4], [sflag:$0x1] =	stream.indirect.gather [hbm4b:s10+s22], $0x20, s6, s22, $0xb8;
	[tilespmem:$0xCD20] =	vst v63  }
0x3f: {  	s30 =	simm.s32 $0xA280  }
0x40: {  	[tilespmem:s30], [sflag:$0x1] =	stream.indirect.gather [hbm4b:s2+s22], $0x1, s6, s22, $0xb8;
	[tilespmem:$0xCD20] =	vst v63  }
0x41: {  	s7 =	simm.s32 $0xA80  }
0x42: {  	[tilespmem:s7], [sflag:$0x1] =	stream.indirect.gather [hbm4b:s8+s22], $0x10, s22, s22, $0xb8;
	[tilespmem:$0xCD20] =	vst v63  }
0x43: {  	s3 =	simm.s32 $0x3280  }
0x44: {  	[tilespmem:s3], [sflag:$0x1] =	stream.indirect.gather [hbm4b:s9+s22], $0x10, s22, s22, $0xb8;
	[tilespmem:$0xCD20] =	vst v63  }
0x45: {  	s4 =	simm.s32 $0x6280  }
0x46: {  	[tilespmem:s4], [sflag:$0x1] =	stream.indirect.gather [hbm4b:s10+s22], $0x20, s22, s22, $0xb8;
	[tilespmem:$0xCD20] =	vst v63  }
0x47: {  	s7 =	simm.s32 $0xA300  }
0x48: {  	[tilespmem:s7], [sflag:$0x1] =	stream.indirect.gather [hbm4b:s2+s22], $0x1, s22, s22, $0xb8;
	[tilespmem:$0xCD20] =	vst v63  }
0x49: {  	s3 =	simm.s32 $0x1280  }
0x4a: {  	[tilespmem:s3], [sflag:$0x1] =	stream.indirect.gather [hbm4b:s8+s22], $0x10, s23, s22, $0xb8;
	[tilespmem:$0xCD20] =	vst v63  }
0x4b: {  	s4 =	simm.s32 $0x3A80  }
0x4c: {  	[tilespmem:s4], [sflag:$0x1] =	stream.indirect.gather [hbm4b:s9+s22], $0x10, s23, s22, $0xb8;
	[tilespmem:$0xCD20] =	vst v63  }
0x4d: {  	s7 =	simm.s32 $0x7280  }
0x4e: {  	[tilespmem:s7], [sflag:$0x1] =	stream.indirect.gather [hbm4b:s10+s22], $0x20, s23, s22, $0xb8;
	[tilespmem:$0xCD20] =	vst v63  }
0x4f: {  	s3 =	simm.s32 $0xA380  }
0x50: {  	[tilespmem:s3], [sflag:$0x1] =	stream.indirect.gather [hbm4b:s2+s22], $0x1, s23, s22, $0xb8;
	[tilespmem:$0xCD20] =	vst v63  }
0x51: {  	s4 =	simm.s32 $0x1A80  }
0x52: {  	[tilespmem:s4], [sflag:$0x1] =	stream.indirect.gather [hbm4b:s8+s22], $0x10, s24, s22, $0xb8;
	[tilespmem:$0xCD20] =	vst v63  }
0x53: {  	s7 =	simm.s32 $0x4280  }
0x54: {  	[tilespmem:s7], [sflag:$0x1] =	stream.indirect.gather [hbm4b:s9+s22], $0x10, s24, s22, $0xb8;
	[tilespmem:$0xCD20] =	vst v63  }
0x55: {  	s3 =	simm.s32 $0x8280  }
0x56: {  	[tilespmem:s3], [sflag:$0x1] =	stream.indirect.gather [hbm4b:s10+s22], $0x20, s24, s22, $0xb8;
	[tilespmem:$0xCD20] =	vst v63  }
0x57: {  	s4 =	simm.s32 $0xA400  }
0x58: {  	[tilespmem:s4], [sflag:$0x1] =	stream.indirect.gather [hbm4b:s2+s22], $0x1, s24, s22, $0xb8;
	[tilespmem:$0xCD20] =	vst v63  }
0x59: {  	s7 =	simm.s32 $0x2280  }
0x5a: {  	[tilespmem:s7], [sflag:$0x1] =	stream.indirect.gather [hbm4b:s8+s22], $0x10, s25, s22, $0xb8;
	[tilespmem:$0xCD20] =	vst v63  }
0x5b: {  	s3 =	simm.s32 $0x4A80  }
0x5c: {  	[tilespmem:s3], [sflag:$0x1] =	stream.indirect.gather [hbm4b:s9+s22], $0x10, s25, s22, $0xb8;
	[tilespmem:$0xCD20] =	vst v63  }
0x5d: {  	s4 =	simm.s32 $0x9280  }
0x5e: {  	[tilespmem:s4], [sflag:$0x1] =	stream.indirect.gather [hbm4b:s10+s22], $0x20, s25, s22, $0xb8;
	[tilespmem:$0xCD20] =	vst v63  }
0x5f: {  	s7 =	simm.s32 $0xA480  }
0x60: {  	[tilespmem:s7], [sflag:$0x1] =	stream.indirect.gather [hbm4b:s2+s22], $0x1, s25, s22, $0xb8;
	[tilespmem:$0xCD20] =	vst v63  }
0x61: {  	_ =	swait.ge [sflag:s26], $0x800  }
0x62: {  	[sflag:s26] =	ssyncset.done $0x0  }
0x63: {  	[sflag:s26] =	ssyncadd.s32 $0xFFFFF800  }
0x64: {  	_ =	swait.ge [sflag:s26], $0x800  }
0x65: {  	[sflag:s26] =	ssyncset.done $0x0  }
0x66: {  	[sflag:s26] =	ssyncadd.s32 $0xFFFFF800  }
0x67: {  	_ =	swait.ge [sflag:s26], $0x1000  }
0x68: {  	[sflag:s26] =	ssyncset.done $0x0  }
0x69: {  	[sflag:s26] =	ssyncadd.s32 $0xFFFFF000  }
0x6a: {  	_ =	swait.ge [sflag:s26], $0x80  }
0x6b: {  	[sflag:s26] =	ssyncset.done $0x0  }
0x6c: {  	[sflag:s26] =	ssyncadd.s32 $0xFFFFFF80  }
0x6d: {  	_ =	swait.ge [sflag:s26], $0x800  }
0x6e: {  	[sflag:s26] =	ssyncset.done $0x0  }
0x6f: {  	[sflag:s26] =	ssyncadd.s32 $0xFFFFF800  }
0x70: {  	_ =	swait.ge [sflag:s26], $0x800  }
0x71: {  	[sflag:s26] =	ssyncset.done $0x0  }
0x72: {  	[sflag:s26] =	ssyncadd.s32 $0xFFFFF800  }
0x73: {  	_ =	swait.ge [sflag:s26], $0x1000  }
0x74: {  	[sflag:s26] =	ssyncset.done $0x0  }
0x75: {  	[sflag:s26] =	ssyncadd.s32 $0xFFFFF000  }
0x76: {  	_ =	swait.ge [sflag:s26], $0x80  }
0x77: {  	[sflag:s26] =	ssyncset.done $0x0  }
0x78: {  	[sflag:s26] =	ssyncadd.s32 $0xFFFFFF80  }
0x79: {  	_ =	swait.ge [sflag:s26], $0x800  }
0x7a: {  	[sflag:s26] =	ssyncset.done $0x0  }
0x7b: {  	[sflag:s26] =	ssyncadd.s32 $0xFFFFF800  }
0x7c: {  	_ =	swait.ge [sflag:s26], $0x800  }
0x7d: {  	[sflag:s26] =	ssyncset.done $0x0  }
0x7e: {  	[sflag:s26] =	ssyncadd.s32 $0xFFFFF800  }
0x7f: {  	_ =	swait.ge [sflag:s26], $0x1000  }
0x80: {  	[sflag:s26] =	ssyncset.done $0x0  }
0x81: {  	[sflag:s26] =	ssyncadd.s32 $0xFFFFF000  }
0x82: {  	_ =	swait.ge [sflag:s26], $0x80  }
0x83: {  	[sflag:s26] =	ssyncset.done $0x0  }
0x84: {  	[sflag:s26] =	ssyncadd.s32 $0xFFFFFF80  }
0x85: {  	_ =	swait.ge [sflag:s26], $0x800  }
0x86: {  	[sflag:s26] =	ssyncset.done $0x0  }
0x87: {  	[sflag:s26] =	ssyncadd.s32 $0xFFFFF800  }
0x88: {  	_ =	swait.ge [sflag:s26], $0x800  }
0x89: {  	[sflag:s26] =	ssyncset.done $0x0  }
0x8a: {  	[sflag:s26] =	ssyncadd.s32 $0xFFFFF800  }
0x8b: {  	_ =	swait.ge [sflag:s26], $0x1000  }
0x8c: {  	[sflag:s26] =	ssyncset.done $0x0  }
0x8d: {  	[sflag:s26] =	ssyncadd.s32 $0xFFFFF000  }
0x8e: {  	_ =	swait.ge [sflag:s26], $0x80  }
0x8f: {  	[sflag:s26] =	ssyncset.done $0x0  }
0x90: {  	[sflag:s26] =	ssyncadd.s32 $0xFFFFFF80  }
0x91: {  	_ =	swait.ge [sflag:s26], $0x800  }
0x92: {  	[sflag:s26] =	ssyncset.done $0x0  }
0x93: {  	[sflag:s26] =	ssyncadd.s32 $0xFFFFF800  }
0x94: {  	_ =	swait.ge [sflag:s26], $0x800  }
0x95: {  	[sflag:s26] =	ssyncset.done $0x0  }
0x96: {  	[sflag:s26] =	ssyncadd.s32 $0xFFFFF800  }
0x97: {  	_ =	swait.ge [sflag:s26], $0x1000  }
0x98: {  	[sflag:s26] =	ssyncset.done $0x0  }
0x99: {  	[sflag:s26] =	ssyncadd.s32 $0xFFFFF000  }
0x9a: {  	_ =	swait.ge [sflag:s26], $0x80  }
0x9b: {  	[sflag:s26] =	ssyncset.done $0x0  }
0x9c: {  	[sflag:s26] =	ssyncadd.s32 $0xFFFFFF80  }
0x9d: {  	v3 =	vld [tilespmem:s30+$0x0];
	_ =	sdelay $0x4  }
0x9e: {  	v3 =	vsub.f32 $0.0e+00, v3;
	_ =	sdelay $0x1  }
0x9f: {  	v3 =	vmul.f32 $1.442695020e+00, v3;
	_ =	sdelay $0x1  }
0xa0: {  	(erf) = vpow2.f32 v3;
	_ =	sdelay $0x8  }
0xa1: {  	v3 =	vpop (erf)  }
0xa2: {  	v3 =	vadd.f32 $1.000000000e+00, v3;
	_ =	sdelay $0x1  }
0xa3: {  	s31 =	simm.s32 $0x5380;
	(erf) = vrcp.f32 v3  }
0xa4: {  	v4 =	vld [tilespmem:s31+$0xFFFFFF00]  }
0xa5: {  	v3 =	vld [tilespmem:s31+$0xFFFFFF10];
	_ =	sdelay $0x3  }
0xa6: {  	s0 =	simm.s32 $0xF0  }
0xa7: {  	v6 =	vld [tilespmem:s0+$0x190];
	v4 =	vmul.f32 v4, v2;
	v7 =	vmul.f32 v3, v2;
	_ =	sdelay $0x1  }
0xa8: {  	v5 =	vld [tilespmem:s0+$0x2990];
	v9 =	vperm.xlane v4, v0;
	v8 =	vperm.xlane v7, v0;
	v3 =	vpop (erf)  }
0xa9: {  	v11 =	vbroadcast v3, $0x0  }
0xaa: {  	v4 =	vadd.f32 v9, v4;
	v7 =	vadd.f32 v8, v7  }
0xab: {  	v6 =	vmul.f32 v6, v11  }
0xac: {  	v4 =	vperm.xlane v4, v1;
	v7 =	vperm.xlane v7, v1  }
0xad: {  	v5 =	vadd.f32 v5, v6  }
0xae: {  	v4 =	vsel vm1, v4, v7  }
0xaf: {  	v5 =	vadd.f32 v5, v4;
	_ =	sdelay $0x1  }
0xb0: {  	[tilespmem:s0+$0xA410] =	vst v5  }
0xb1: {  	v5 =	vld [tilespmem:s31+$0xFFFFFF30]  }
0xb2: {  	v7 =	vld [tilespmem:s31+$0xFFFFFF20];
	_ =	sdelay $0x4  }
0xb3: {  	v15 =	vld [tilespmem:s0+$0x1A0];
	v5 =	vmul.f32 v5, v2;
	v7 =	vmul.f32 v7, v2;
	_ =	sdelay $0x1  }
0xb4: {  	v19 =	vld [tilespmem:s0+$0x29A0];
	v20 =	vperm.xlane v5, v0;
	v21 =	vperm.xlane v7, v0  }
0xb5: {  	v22 =	vbroadcast v3, $0x1  }
0xb6: {  	v5 =	vadd.f32 v20, v5;
	v7 =	vadd.f32 v21, v7  }
0xb7: {  	v15 =	vmul.f32 v15, v22  }
0xb8: {  	v7 =	vperm.xlane v7, v1;
	v5 =	vperm.xlane v5, v1  }
0xb9: {  	v15 =	vadd.f32 v19, v15  }
0xba: {  	v5 =	vsel vm1, v7, v5  }
0xbb: {  	v15 =	vadd.f32 v15, v5;
	_ =	sdelay $0x1  }
0xbc: {  	[tilespmem:s0+$0xA420] =	vst v15  }
0xbd: {  	v15 =	vld [tilespmem:s31+$0xFFFFFF40]  }
0xbe: {  	v42 =	vld [tilespmem:s31+$0xFFFFFF50];
	_ =	sdelay $0x4  }
0xbf: {  	v13 =	vld [tilespmem:s0+$0x1B0];
	v15 =	vmul.f32 v15, v2;
	v19 =	vmul.f32 v42, v2;
	_ =	sdelay $0x1  }
0xc0: {  	v43 =	vld [tilespmem:s0+$0x29B0];
	v44 =	vperm.xlane v15, v0;
	v45 =	vperm.xlane v19, v0  }
0xc1: {  	v23 =	vbroadcast v3, $0x2  }
0xc2: {  	v15 =	vadd.f32 v44, v15;
	v19 =	vadd.f32 v45, v19  }
0xc3: {  	v13 =	vmul.f32 v13, v23  }
0xc4: {  	v15 =	vperm.xlane v15, v1;
	v19 =	vperm.xlane v19, v1  }
0xc5: {  	v13 =	vadd.f32 v43, v13  }
0xc6: {  	v15 =	vsel vm1, v15, v19  }
0xc7: {  	v13 =	vadd.f32 v13, v15;
	_ =	sdelay $0x1  }
0xc8: {  	[tilespmem:s0+$0xA430] =	vst v13  }
0xc9: {  	v13 =	vld [tilespmem:s31+$0xFFFFFF70]  }
0xca: {  	v46 =	vld [tilespmem:s31+$0xFFFFFF60];
	_ =	sdelay $0x4  }
0xcb: {  	v14 =	vld [tilespmem:s0+$0x1C0];
	v13 =	vmul.f32 v13, v2;
	v15 =	vmul.f32 v46, v2;
	_ =	sdelay $0x1  }
0xcc: {  	v47 =	vld [tilespmem:s0+$0x29C0];
	v48 =	vperm.xlane v13, v0;
	v49 =	vperm.xlane v15, v0  }
0xcd: {  	v50 =	vbroadcast v3, $0x3  }
0xce: {  	v13 =	vadd.f32 v48, v13;
	v15 =	vadd.f32 v49, v15  }
0xcf: {  	v14 =	vmul.f32 v14, v50  }
0xd0: {  	v15 =	vperm.xlane v15, v1;
	v13 =	vperm.xlane v13, v1  }
0xd1: {  	v14 =	vadd.f32 v47, v14  }
0xd2: {  	v13 =	vsel vm1, v15, v13  }
0xd3: {  	v13 =	vadd.f32 v14, v13;
	_ =	sdelay $0x1  }
0xd4: {  	[tilespmem:s0+$0xA440] =	vst v13  }
0xd5: {  	v13 =	vld [tilespmem:s31+$0xFFFFFF90]  }
0xd6: {  	v51 =	vld [tilespmem:s31+$0xFFFFFF80];
	_ =	sdelay $0x4  }
0xd7: {  	v16 =	vld [tilespmem:s0+$0x1D0];
	v13 =	vmul.f32 v13, v2;
	v14 =	vmul.f32 v51, v2;
	_ =	sdelay $0x1  }
0xd8: {  	v52 =	vld [tilespmem:s0+$0x29D0];
	v53 =	vperm.xlane v13, v0;
	v54 =	vperm.xlane v14, v0  }
0xd9: {  	v55 =	vbroadcast v3, $0x4  }
0xda: {  	v13 =	vadd.f32 v53, v13;
	v14 =	vadd.f32 v54, v14  }
0xdb: {  	v16 =	vmul.f32 v16, v55  }
0xdc: {  	v13 =	vperm.xlane v13, v1;
	v14 =	vperm.xlane v14, v1  }
0xdd: {  	v15 =	vadd.f32 v52, v16  }
0xde: {  	v13 =	vsel vm1, v14, v13  }
0xdf: {  	v13 =	vadd.f32 v15, v13;
	_ =	sdelay $0x1  }
0xe0: {  	[tilespmem:s0+$0xA450] =	vst v13  }
0xe1: {  	v13 =	vld [tilespmem:s31+$0xFFFFFFB0]  }
0xe2: {  	v56 =	vld [tilespmem:s31+$0xFFFFFFA0];
	_ =	sdelay $0x4  }
0xe3: {  	v12 =	vld [tilespmem:s0+$0x1E0];
	v13 =	vmul.f32 v13, v2;
	v14 =	vmul.f32 v56, v2;
	_ =	sdelay $0x1  }
0xe4: {  	v57 =	vld [tilespmem:s0+$0x29E0];
	v58 =	vperm.xlane v13, v0;
	v59 =	vperm.xlane v14, v0  }
0xe5: {  	v60 =	vbroadcast v3, $0x5  }
0xe6: {  	v13 =	vadd.f32 v58, v13;
	v14 =	vadd.f32 v59, v14  }
0xe7: {  	v12 =	vmul.f32 v12, v60  }
0xe8: {  	v14 =	vperm.xlane v14, v1;
	v13 =	vperm.xlane v13, v1  }
0xe9: {  	v12 =	vadd.f32 v57, v12  }
0xea: {  	v13 =	vsel vm1, v14, v13  }
0xeb: {  	v12 =	vadd.f32 v12, v13;
	_ =	sdelay $0x1  }
0xec: {  	[tilespmem:s0+$0xA460] =	vst v12  }
0xed: {  	v12 =	vld [tilespmem:s31+$0xFFFFFFC0]  }
0xee: {  	v61 =	vld [tilespmem:s31+$0xFFFFFFD0];
	_ =	sdelay $0x4  }
0xef: {  	v18 =	vld [tilespmem:s0+$0x1F0];
	v12 =	vmul.f32 v12, v2;
	v13 =	vmul.f32 v61, v2;
	_ =	sdelay $0x1  }
0xf0: {  	v62 =	vld [tilespmem:s0+$0x29F0];
	v63 =	vperm.xlane v12, v0;
	v21 =	vperm.xlane v13, v0  }
0xf1: {  	v22 =	vbroadcast v3, $0x6  }
0xf2: {  	v12 =	vadd.f32 v63, v12;
	v13 =	vadd.f32 v21, v13  }
0xf3: {  	v23 =	vmul.f32 v18, v22  }
0xf4: {  	v12 =	vperm.xlane v12, v1;
	v13 =	vperm.xlane v13, v1  }
0xf5: {  	v14 =	vadd.f32 v62, v23  }
0xf6: {  	v12 =	vsel vm1, v12, v13  }
0xf7: {  	v12 =	vadd.f32 v14, v12;
	_ =	sdelay $0x1  }
0xf8: {  	[tilespmem:s0+$0xA470] =	vst v12  }
0xf9: {  	v12 =	vld [tilespmem:s31+$0xFFFFFFF0]  }
0xfa: {  	v24 =	vld [tilespmem:s31+$0xFFFFFFE0];
	_ =	sdelay $0x4  }
0xfb: {  	v17 =	vld [tilespmem:s0+$0x200];
	v12 =	vmul.f32 v12, v2;
	v13 =	vmul.f32 v24, v2;
	_ =	sdelay $0x1  }
0xfc: {  	v25 =	vld [tilespmem:s0+$0x2A00];
	v26 =	vperm.xlane v12, v0;
	v27 =	vperm.xlane v13, v0  }
0xfd: {  	v28 =	vbroadcast v3, $0x7  }
0xfe: {  	v12 =	vadd.f32 v26, v12;
	v13 =	vadd.f32 v27, v13  }
0xff: {  	v29 =	vmul.f32 v17, v28  }
0x100: {  	v12 =	vperm.xlane v12, v1;
	v13 =	vperm.xlane v13, v1  }
0x101: {  	v14 =	vadd.f32 v25, v29  }
0x102: {  	v12 =	vsel vm1, v13, v12  }
0x103: {  	v12 =	vadd.f32 v14, v12;
	_ =	sdelay $0x1  }
0x104: {  	[tilespmem:s0+$0xA480] =	vst v12  }
0x105: {  	v12 =	vld [tilespmem:s31+$0x10]  }
0x106: {  	v30 =	vld [tilespmem:s31+$0x0];
	_ =	sdelay $0x4  }
0x107: {  	v41 =	vld [tilespmem:s0+$0x210];
	v12 =	vmul.f32 v12, v2;
	v13 =	vmul.f32 v30, v2;
	_ =	sdelay $0x1  }
0x108: {  	v31 =	vld [tilespmem:s0+$0x2A10];
	v32 =	vperm.xlane v12, v0;
	v33 =	vperm.xlane v13, v0  }
0x109: {  	v34 =	vbroadcast v3, $0x8  }
0x10a: {  	v12 =	vadd.f32 v32, v12;
	v13 =	vadd.f32 v33, v13  }
0x10b: {  	v11 =	vmul.f32 v41, v34  }
0x10c: {  	v13 =	vperm.xlane v13, v1;
	v12 =	vperm.xlane v12, v1  }
0x10d: {  	v11 =	vadd.f32 v31, v11  }
0x10e: {  	v12 =	vsel vm1, v13, v12  }
0x10f: {  	v11 =	vadd.f32 v11, v12;
	_ =	sdelay $0x1  }
0x110: {  	[tilespmem:s0+$0xA490] =	vst v11  }
0x111: {  	v11 =	vld [tilespmem:s31+$0x20]  }
0x112: {  	v35 =	vld [tilespmem:s31+$0x30];
	_ =	sdelay $0x4  }
0x113: {  	v10 =	vld [tilespmem:s0+$0x220];
	v11 =	vmul.f32 v11, v2;
	v12 =	vmul.f32 v35, v2;
	_ =	sdelay $0x1  }
0x114: {  	v36 =	vld [tilespmem:s0+$0x2A20];
	v37 =	vperm.xlane v11, v0;
	v38 =	vperm.xlane v12, v0  }
0x115: {  	v39 =	vbroadcast v3, $0x9  }
0x116: {  	v11 =	vadd.f32 v37, v11;
	v12 =	vadd.f32 v38, v12  }
0x117: {  	v10 =	vmul.f32 v10, v39  }
0x118: {  	v11 =	vperm.xlane v11, v1;
	v12 =	vperm.xlane v12, v1  }
0x119: {  	v10 =	vadd.f32 v36, v10  }
0x11a: {  	v11 =	vsel vm1, v11, v12  }
0x11b: {  	v10 =	vadd.f32 v10, v11;
	_ =	sdelay $0x1  }
0x11c: {  	[tilespmem:s0+$0xA4A0] =	vst v10  }
0x11d: {  	v10 =	vld [tilespmem:s31+$0x40]  }
0x11e: {  	v40 =	vld [tilespmem:s31+$0x50];
	_ =	sdelay $0x4  }
0x11f: {  	v9 =	vld [tilespmem:s0+$0x230];
	v10 =	vmul.f32 v10, v2;
	v11 =	vmul.f32 v40, v2;
	_ =	sdelay $0x1  }
0x120: {  	v41 =	vld [tilespmem:s0+$0x2A30];
	v42 =	vperm.xlane v10, v0;
	v43 =	vperm.xlane v11, v0  }
0x121: {  	v44 =	vbroadcast v3, $0xA  }
0x122: {  	v10 =	vadd.f32 v42, v10;
	v11 =	vadd.f32 v43, v11  }
0x123: {  	v9 =	vmul.f32 v9, v44  }
0x124: {  	v10 =	vperm.xlane v10, v1;
	v11 =	vperm.xlane v11, v1  }
0x125: {  	v9 =	vadd.f32 v41, v9  }
0x126: {  	v10 =	vsel vm1, v10, v11  }
0x127: {  	v9 =	vadd.f32 v9, v10;
	_ =	sdelay $0x1  }
0x128: {  	[tilespmem:s0+$0xA4B0] =	vst v9  }
0x129: {  	v9 =	vld [tilespmem:s31+$0x60]  }
0x12a: {  	v45 =	vld [tilespmem:s31+$0x70];
	_ =	sdelay $0x4  }
0x12b: {  	v8 =	vld [tilespmem:s0+$0x240];
	v9 =	vmul.f32 v9, v2;
	v10 =	vmul.f32 v45, v2;
	_ =	sdelay $0x1  }
0x12c: {  	v46 =	vld [tilespmem:s0+$0x2A40];
	v47 =	vperm.xlane v9, v0;
	v48 =	vperm.xlane v10, v0  }
0x12d: {  	v49 =	vbroadcast v3, $0xB  }
0x12e: {  	v9 =	vadd.f32 v47, v9;
	v10 =	vadd.f32 v48, v10  }
0x12f: {  	v8 =	vmul.f32 v8, v49  }
0x130: {  	v9 =	vperm.xlane v9, v1;
	v10 =	vperm.xlane v10, v1  }
0x131: {  	v8 =	vadd.f32 v46, v8  }
0x132: {  	v9 =	vsel vm1, v9, v10  }
0x133: {  	v8 =	vadd.f32 v8, v9;
	_ =	sdelay $0x1  }
0x134: {  	[tilespmem:s0+$0xA4C0] =	vst v8  }
0x135: {  	v8 =	vld [tilespmem:s31+$0x80]  }
0x136: {  	v50 =	vld [tilespmem:s31+$0x90];
	_ =	sdelay $0x4  }
0x137: {  	v6 =	vld [tilespmem:s0+$0x250];
	v8 =	vmul.f32 v8, v2;
	v9 =	vmul.f32 v50, v2;
	_ =	sdelay $0x1  }
0x138: {  	v51 =	vld [tilespmem:s0+$0x2A50];
	v52 =	vperm.xlane v8, v0;
	v53 =	vperm.xlane v9, v0  }
0x139: {  	v54 =	vbroadcast v3, $0xC  }
0x13a: {  	v8 =	vadd.f32 v52, v8;
	v9 =	vadd.f32 v53, v9  }
0x13b: {  	v6 =	vmul.f32 v6, v54  }
0x13c: {  	v8 =	vperm.xlane v8, v1;
	v9 =	vperm.xlane v9, v1  }
0x13d: {  	v6 =	vadd.f32 v51, v6  }
0x13e: {  	v8 =	vsel vm1, v8, v9  }
0x13f: {  	v6 =	vadd.f32 v6, v8;
	_ =	sdelay $0x1  }
0x140: {  	[tilespmem:s0+$0xA4D0] =	vst v6  }
0x141: {  	v6 =	vld [tilespmem:s31+$0xB0]  }
0x142: {  	v55 =	vld [tilespmem:s31+$0xA0];
	_ =	sdelay $0x4  }
0x143: {  	v7 =	vld [tilespmem:s0+$0x260];
	v6 =	vmul.f32 v6, v2;
	v8 =	vmul.f32 v55, v2;
	_ =	sdelay $0x1  }
0x144: {  	v58 =	vld [tilespmem:s0+$0x2A60];
	v56 =	vperm.xlane v6, v0;
	v57 =	vperm.xlane v8, v0  }
0x145: {  	v59 =	vbroadcast v3, $0xD  }
0x146: {  	v6 =	vadd.f32 v56, v6;
	v8 =	vadd.f32 v57, v8  }
0x147: {  	v7 =	vmul.f32 v7, v59  }
0x148: {  	v8 =	vperm.xlane v8, v1;
	v6 =	vperm.xlane v6, v1  }
0x149: {  	v7 =	vadd.f32 v58, v7  }
0x14a: {  	v6 =	vsel vm1, v8, v6  }
0x14b: {  	v6 =	vadd.f32 v7, v6;
	_ =	sdelay $0x1  }
0x14c: {  	[tilespmem:s0+$0xA4E0] =	vst v6  }
0x14d: {  	v6 =	vld [tilespmem:s31+$0xC0]  }
0x14e: {  	v7 =	vld [tilespmem:s31+$0xD0];
	_ =	sdelay $0x4  }
0x14f: {  	v4 =	vld [tilespmem:s0+$0x270];
	v6 =	vmul.f32 v6, v2;
	v7 =	vmul.f32 v7, v2;
	_ =	sdelay $0x1  }
0x150: {  	v61 =	vld [tilespmem:s0+$0x2A70];
	v60 =	vperm.xlane v6, v0;
	v62 =	vperm.xlane v7, v0  }
0x151: {  	v63 =	vbroadcast v3, $0xE  }
0x152: {  	v5 =	vld [tilespmem:s0+$0x280];
	v6 =	vadd.f32 v60, v6;
	v7 =	vadd.f32 v62, v7  }
0x153: {  	v4 =	vmul.f32 v4, v63  }
0x154: {  	v6 =	vperm.xlane v6, v1;
	v7 =	vperm.xlane v7, v1  }
0x155: {  	v3 =	vbroadcast v3, $0xF;
	v4 =	vadd.f32 v61, v4  }
0x156: {  	v6 =	vsel vm1, v6, v7  }
0x157: {  	s3 =	simm.s32 $0x5380;
	s7 =	simm.s32 $0x7C0;
	v3 =	vmul.f32 v5, v3;
	v4 =	vadd.f32 v4, v6  }
.LBB2_3:
0x158: {  	p0 =	sne.s32 s7, $0x9FC0;
	s30 =	sadd.s32 $0x10, s30;
	s31 =	sadd.s32 $0x200, s31  }
0x159: {  	s4 =	smov.u32 s7;
	s7 =	sadd.s32 $0x400, s7;
	[tilespmem:s0+$0xA4F0] =	vst v4  }
0x15a: {  	v4 =	vld [tilespmem:s3+$0xE0]  }
0x15b: {  	v5 =	vld [tilespmem:s3+$0xF0];
	s3 =	smov.u32 s31;
	_ =	sdelay $0x3  }
0x15c: {  	v4 =	vmul.f32 v4, v2  }
0x15d: {  	v5 =	vmul.f32 v5, v2;
	v6 =	vld [tilespmem:s0+$0x2A80]  }
0x15e: {  	v7 =	vperm.xlane v4, v0  }
0x15f: {  	v8 =	vperm.xlane v5, v0  }
0x160: {  	v4 =	vadd.f32 v7, v4  }
0x161: {  	v5 =	vadd.f32 v8, v5  }
0x162: {  	v4 =	vperm.xlane v4, v1;
	v3 =	vadd.f32 v6, v3  }
0x163: {  	v5 =	vperm.xlane v5, v1;
	_ =	sdelay $0x1  }
0x164: {  	v4 =	vsel vm1, v4, v5  }
0x165: {  	v3 =	vadd.f32 v3, v4;
	_ =	sdelay $0x1  }
0x166: {  	[tilespmem:s0+$0xA500] =	vst v3  }
0x167: {  	v3 =	vld [tilespmem:s30+$0x0];
	_ =	sdelay $0x4  }
0x168: {  	v3 =	vsub.f32 $0.0e+00, v3;
	_ =	sdelay $0x1  }
0x169: {  	v3 =	vmul.f32 $1.442695020e+00, v3;
	_ =	sdelay $0x1  }
0x16a: {  	(erf) = vpow2.f32 v3;
	_ =	sdelay $0x8  }
0x16b: {  	v3 =	vld [tilespmem:s31+$0xFFFFFF10];
	v4 =	vpop (erf)  }
0x16c: {  	v4 =	vadd.f32 $1.000000000e+00, v4;
	v5 =	vld [tilespmem:s31+$0xFFFFFF00];
	_ =	sdelay $0x1  }
0x16d: {  	(erf) = vrcp.f32 v4;
	_ =	sdelay $0x1  }
0x16e: {  	s0 =	sshra.s32 s4, $0x2;
	v3 =	vmul.f32 v3, v2  }
0x16f: {  	v4 =	vmul.f32 v5, v2;
	v5 =	vld [tilespmem:s0+$0x1E0]  }
0x170: {  	v6 =	vperm.xlane v3, v0;
	v7 =	vld [tilespmem:s0+$0x2990]  }
0x171: {  	v8 =	vperm.xlane v4, v0;
	v15 =	vld [tilespmem:s0+$0x1B0]  }
0x172: {  	v3 =	vadd.f32 v6, v3;
	v6 =	vld [tilespmem:s0+$0x190]  }
0x173: {  	v4 =	vadd.f32 v8, v4;
	v8 =	vld [tilespmem:s0+$0x1C0]  }
0x174: {  	v9 =	vld [tilespmem:s0+$0x1A0]  }
0x175: {  	v3 =	vperm.xlane v3, v1;
	v4 =	vperm.xlane v4, v1;
	v10 =	vld [tilespmem:s0+$0x1D0];
	v16 =	vpop (erf)  }
0x176: {  	v11 =	vbroadcast v16, $0x0;
	v12 =	vbroadcast v16, $0x3;
	v17 =	vld [tilespmem:s0+$0x220]  }
0x177: {  	v13 =	vbroadcast v16, $0x5;
	v3 =	vsel vm1, v4, v3;
	v4 =	vbroadcast v16, $0x1;
	v18 =	vld [tilespmem:s0+$0x200]  }
0x178: {  	v6 =	vmul.f32 v6, v11;
	v11 =	vbroadcast v16, $0x4;
	v19 =	vld [tilespmem:s0+$0x1F0]  }
0x179: {  	v21 =	vmul.f32 v8, v12;
	v20 =	vmul.f32 v9, v4;
	v4 =	vld [tilespmem:s0+$0x210]  }
0x17a: {  	v13 =	vmul.f32 v5, v13;
	v6 =	vadd.f32 v7, v6;
	v14 =	vmul.f32 v10, v11;
	v5 =	vld [tilespmem:s0+$0x250]  }
0x17b: {  	v8 =	vbroadcast v16, $0x7;
	v7 =	vbroadcast v16, $0x6;
	v22 =	vld [tilespmem:s0+$0x240]  }
0x17c: {  	v9 =	vbroadcast v16, $0x9;
	v3 =	vadd.f32 v6, v3;
	v6 =	vbroadcast v16, $0x8;
	v23 =	vld [tilespmem:s0+$0x230]  }
0x17d: {  	v11 =	vmul.f32 v18, v8;
	v12 =	vmul.f32 v19, v7;
	v18 =	vld [tilespmem:s0+$0x270]  }
0x17e: {  	v9 =	vmul.f32 v17, v9;
	[tilespmem:s0+$0xA410] =	vst v3;
	v10 =	vmul.f32 v4, v6;
	v3 =	vld [tilespmem:s0+$0x260]  }
0x17f: {  	v7 =	vbroadcast v16, $0xB;
	v6 =	vbroadcast v16, $0xA;
	v4 =	vld [tilespmem:s31+$0xFFFFFF30]  }
0x180: {  	v24 =	vbroadcast v16, $0xD;
	v19 =	vbroadcast v16, $0xC;
	v17 =	vld [tilespmem:s31+$0xFFFFFF20]  }
0x181: {  	v7 =	vmul.f32 v22, v7;
	v8 =	vmul.f32 v23, v6  }
0x182: {  	v22 =	vbroadcast v16, $0x2;
	v6 =	vmul.f32 v5, v19  }
0x183: {  	v5 =	vmul.f32 v3, v24;
	v3 =	vbroadcast v16, $0xE;
	v19 =	vld [tilespmem:s0+$0x280]  }
0x184: {  	v15 =	vmul.f32 v15, v22;
	v23 =	vmul.f32 v4, v2  }
0x185: {  	v17 =	vmul.f32 v17, v2;
	v22 =	vld [tilespmem:s0+$0x29A0];
	v4 =	vmul.f32 v18, v3  }
0x186: {  	v16 =	vbroadcast v16, $0xF;
	v3 =	vperm.xlane v23, v0  }
0x187: {  	v18 =	vperm.xlane v17, v0  }
0x188: {  	v23 =	vadd.f32 v3, v23;
	v3 =	vmul.f32 v19, v16  }
0x189: {  	v16 =	vadd.f32 v18, v17  }
0x18a: {  	v17 =	vadd.f32 v22, v20  }
0x18b: {  	v18 =	vperm.xlane v23, v1;
	v16 =	vperm.xlane v16, v1;
	_ =	sdelay $0x1  }
0x18c: {  	v16 =	vsel vm1, v16, v18  }
0x18d: {  	v16 =	vadd.f32 v17, v16;
	_ =	sdelay $0x1  }
0x18e: {  	[tilespmem:s0+$0xA420] =	vst v16  }
0x18f: {  	v16 =	vld [tilespmem:s31+$0xFFFFFF40]  }
0x190: {  	v17 =	vld [tilespmem:s31+$0xFFFFFF50]  }
0x191: {  	v18 =	vld [tilespmem:s0+$0x29B0];
	_ =	sdelay $0x2  }
0x192: {  	v16 =	vmul.f32 v16, v2  }
0x193: {  	v17 =	vmul.f32 v17, v2  }
0x194: {  	v19 =	vperm.xlane v16, v0;
	v15 =	vadd.f32 v18, v15  }
0x195: {  	v18 =	vperm.xlane v17, v0  }
0x196: {  	v16 =	vadd.f32 v19, v16  }
0x197: {  	v17 =	vadd.f32 v18, v17  }
0x198: {  	v16 =	vperm.xlane v16, v1  }
0x199: {  	v17 =	vperm.xlane v17, v1;
	_ =	sdelay $0x1  }
0x19a: {  	v16 =	vsel vm1, v16, v17  }
0x19b: {  	v15 =	vadd.f32 v15, v16;
	_ =	sdelay $0x1  }
0x19c: {  	[tilespmem:s0+$0xA430] =	vst v15  }
0x19d: {  	v15 =	vld [tilespmem:s31+$0xFFFFFF70]  }
0x19e: {  	v16 =	vld [tilespmem:s31+$0xFFFFFF60];
	_ =	sdelay $0x3  }
0x19f: {  	v15 =	vmul.f32 v15, v2  }
0x1a0: {  	v16 =	vmul.f32 v16, v2;
	v17 =	vld [tilespmem:s0+$0x29C0]  }
0x1a1: {  	v18 =	vperm.xlane v15, v0  }
0x1a2: {  	v19 =	vperm.xlane v16, v0  }
0x1a3: {  	v15 =	vadd.f32 v18, v15  }
0x1a4: {  	v16 =	vadd.f32 v19, v16  }
0x1a5: {  	v17 =	vadd.f32 v17, v21  }
0x1a6: {  	v15 =	vperm.xlane v15, v1;
	v16 =	vperm.xlane v16, v1;
	_ =	sdelay $0x1  }
0x1a7: {  	v15 =	vsel vm1, v16, v15  }
0x1a8: {  	v15 =	vadd.f32 v17, v15;
	_ =	sdelay $0x1  }
0x1a9: {  	[tilespmem:s0+$0xA440] =	vst v15  }
0x1aa: {  	v15 =	vld [tilespmem:s31+$0xFFFFFF90]  }
0x1ab: {  	v16 =	vld [tilespmem:s31+$0xFFFFFF80];
	_ =	sdelay $0x3  }
0x1ac: {  	v15 =	vmul.f32 v15, v2  }
0x1ad: {  	v16 =	vmul.f32 v16, v2;
	v17 =	vld [tilespmem:s0+$0x29D0]  }
0x1ae: {  	v18 =	vperm.xlane v15, v0  }
0x1af: {  	v19 =	vperm.xlane v16, v0  }
0x1b0: {  	v15 =	vadd.f32 v18, v15  }
0x1b1: {  	v16 =	vadd.f32 v19, v16  }
0x1b2: {  	v15 =	vperm.xlane v15, v1;
	v14 =	vadd.f32 v17, v14  }
0x1b3: {  	v16 =	vperm.xlane v16, v1;
	_ =	sdelay $0x1  }
0x1b4: {  	v15 =	vsel vm1, v16, v15  }
0x1b5: {  	v14 =	vadd.f32 v14, v15;
	_ =	sdelay $0x1  }
0x1b6: {  	[tilespmem:s0+$0xA450] =	vst v14  }
0x1b7: {  	v14 =	vld [tilespmem:s31+$0xFFFFFFB0]  }
0x1b8: {  	v15 =	vld [tilespmem:s31+$0xFFFFFFA0];
	_ =	sdelay $0x3  }
0x1b9: {  	v14 =	vmul.f32 v14, v2  }
0x1ba: {  	v15 =	vmul.f32 v15, v2;
	v16 =	vld [tilespmem:s0+$0x29E0]  }
0x1bb: {  	v17 =	vperm.xlane v14, v0  }
0x1bc: {  	v18 =	vperm.xlane v15, v0  }
0x1bd: {  	v14 =	vadd.f32 v17, v14  }
0x1be: {  	v15 =	vadd.f32 v18, v15  }
0x1bf: {  	v13 =	vadd.f32 v16, v13  }
0x1c0: {  	v14 =	vperm.xlane v14, v1;
	v15 =	vperm.xlane v15, v1;
	_ =	sdelay $0x1  }
0x1c1: {  	v14 =	vsel vm1, v15, v14  }
0x1c2: {  	v13 =	vadd.f32 v13, v14;
	_ =	sdelay $0x1  }
0x1c3: {  	[tilespmem:s0+$0xA460] =	vst v13  }
0x1c4: {  	v13 =	vld [tilespmem:s31+$0xFFFFFFC0]  }
0x1c5: {  	v14 =	vld [tilespmem:s31+$0xFFFFFFD0];
	_ =	sdelay $0x3  }
0x1c6: {  	v13 =	vmul.f32 v13, v2  }
0x1c7: {  	v14 =	vmul.f32 v14, v2;
	v15 =	vld [tilespmem:s0+$0x29F0]  }
0x1c8: {  	v16 =	vperm.xlane v13, v0  }
0x1c9: {  	v17 =	vperm.xlane v14, v0  }
0x1ca: {  	v13 =	vadd.f32 v16, v13  }
0x1cb: {  	v14 =	vadd.f32 v17, v14  }
0x1cc: {  	v13 =	vperm.xlane v13, v1;
	v12 =	vadd.f32 v15, v12  }
0x1cd: {  	v14 =	vperm.xlane v14, v1;
	_ =	sdelay $0x1  }
0x1ce: {  	v13 =	vsel vm1, v13, v14  }
0x1cf: {  	v12 =	vadd.f32 v12, v13;
	_ =	sdelay $0x1  }
0x1d0: {  	[tilespmem:s0+$0xA470] =	vst v12  }
0x1d1: {  	v12 =	vld [tilespmem:s31+$0xFFFFFFF0]  }
0x1d2: {  	v13 =	vld [tilespmem:s31+$0xFFFFFFE0];
	_ =	sdelay $0x3  }
0x1d3: {  	v12 =	vmul.f32 v12, v2  }
0x1d4: {  	v13 =	vmul.f32 v13, v2;
	v14 =	vld [tilespmem:s0+$0x2A00]  }
0x1d5: {  	v15 =	vperm.xlane v12, v0  }
0x1d6: {  	v16 =	vperm.xlane v13, v0  }
0x1d7: {  	v12 =	vadd.f32 v15, v12  }
0x1d8: {  	v13 =	vadd.f32 v16, v13  }
0x1d9: {  	v12 =	vperm.xlane v12, v1;
	v11 =	vadd.f32 v14, v11  }
0x1da: {  	v13 =	vperm.xlane v13, v1;
	_ =	sdelay $0x1  }
0x1db: {  	v12 =	vsel vm1, v13, v12  }
0x1dc: {  	v11 =	vadd.f32 v11, v12;
	_ =	sdelay $0x1  }
0x1dd: {  	[tilespmem:s0+$0xA480] =	vst v11  }
0x1de: {  	v11 =	vld [tilespmem:s31+$0x10]  }
0x1df: {  	v12 =	vld [tilespmem:s31+$0x0];
	_ =	sdelay $0x3  }
0x1e0: {  	v11 =	vmul.f32 v11, v2  }
0x1e1: {  	v12 =	vmul.f32 v12, v2;
	v13 =	vld [tilespmem:s0+$0x2A10]  }
0x1e2: {  	v14 =	vperm.xlane v11, v0  }
0x1e3: {  	v15 =	vperm.xlane v12, v0  }
0x1e4: {  	v11 =	vadd.f32 v14, v11  }
0x1e5: {  	v12 =	vadd.f32 v15, v12  }
0x1e6: {  	v10 =	vadd.f32 v13, v10  }
0x1e7: {  	v11 =	vperm.xlane v11, v1;
	v12 =	vperm.xlane v12, v1;
	_ =	sdelay $0x1  }
0x1e8: {  	v11 =	vsel vm1, v12, v11  }
0x1e9: {  	v10 =	vadd.f32 v10, v11;
	_ =	sdelay $0x1  }
0x1ea: {  	[tilespmem:s0+$0xA490] =	vst v10  }
0x1eb: {  	v10 =	vld [tilespmem:s31+$0x20]  }
0x1ec: {  	v11 =	vld [tilespmem:s31+$0x30];
	_ =	sdelay $0x3  }
0x1ed: {  	v10 =	vmul.f32 v10, v2  }
0x1ee: {  	v11 =	vmul.f32 v11, v2;
	v12 =	vld [tilespmem:s0+$0x2A20]  }
0x1ef: {  	v13 =	vperm.xlane v10, v0  }
0x1f0: {  	v14 =	vperm.xlane v11, v0  }
0x1f1: {  	v10 =	vadd.f32 v13, v10  }
0x1f2: {  	v11 =	vadd.f32 v14, v11  }
0x1f3: {  	v9 =	vadd.f32 v12, v9  }
0x1f4: {  	v10 =	vperm.xlane v10, v1;
	v11 =	vperm.xlane v11, v1;
	_ =	sdelay $0x1  }
0x1f5: {  	v10 =	vsel vm1, v10, v11  }
0x1f6: {  	v9 =	vadd.f32 v9, v10;
	_ =	sdelay $0x1  }
0x1f7: {  	[tilespmem:s0+$0xA4A0] =	vst v9  }
0x1f8: {  	v9 =	vld [tilespmem:s31+$0x40]  }
0x1f9: {  	v10 =	vld [tilespmem:s31+$0x50];
	_ =	sdelay $0x3  }
0x1fa: {  	v9 =	vmul.f32 v9, v2  }
0x1fb: {  	v10 =	vmul.f32 v10, v2;
	v11 =	vld [tilespmem:s0+$0x2A30]  }
0x1fc: {  	v12 =	vperm.xlane v9, v0  }
0x1fd: {  	v13 =	vperm.xlane v10, v0  }
0x1fe: {  	v9 =	vadd.f32 v12, v9  }
0x1ff: {  	v10 =	vadd.f32 v13, v10  }
0x200: {  	v9 =	vperm.xlane v9, v1;
	v8 =	vadd.f32 v11, v8  }
0x201: {  	v10 =	vperm.xlane v10, v1;
	_ =	sdelay $0x1  }
0x202: {  	v9 =	vsel vm1, v9, v10  }
0x203: {  	v8 =	vadd.f32 v8, v9;
	_ =	sdelay $0x1  }
0x204: {  	[tilespmem:s0+$0xA4B0] =	vst v8  }
0x205: {  	v8 =	vld [tilespmem:s31+$0x60]  }
0x206: {  	v9 =	vld [tilespmem:s31+$0x70];
	_ =	sdelay $0x3  }
0x207: {  	v8 =	vmul.f32 v8, v2  }
0x208: {  	v9 =	vmul.f32 v9, v2;
	v10 =	vld [tilespmem:s0+$0x2A40]  }
0x209: {  	v11 =	vperm.xlane v8, v0  }
0x20a: {  	v12 =	vperm.xlane v9, v0  }
0x20b: {  	v8 =	vadd.f32 v11, v8  }
0x20c: {  	v9 =	vadd.f32 v12, v9  }
0x20d: {  	v8 =	vperm.xlane v8, v1;
	v7 =	vadd.f32 v10, v7  }
0x20e: {  	v9 =	vperm.xlane v9, v1;
	_ =	sdelay $0x1  }
0x20f: {  	v8 =	vsel vm1, v8, v9  }
0x210: {  	v7 =	vadd.f32 v7, v8;
	_ =	sdelay $0x1  }
0x211: {  	[tilespmem:s0+$0xA4C0] =	vst v7  }
0x212: {  	v7 =	vld [tilespmem:s31+$0x80]  }
0x213: {  	v8 =	vld [tilespmem:s31+$0x90];
	_ =	sdelay $0x3  }
0x214: {  	v7 =	vmul.f32 v7, v2  }
0x215: {  	v8 =	vmul.f32 v8, v2;
	v9 =	vld [tilespmem:s0+$0x2A50]  }
0x216: {  	v10 =	vperm.xlane v7, v0  }
0x217: {  	v11 =	vperm.xlane v8, v0  }
0x218: {  	v7 =	vadd.f32 v10, v7  }
0x219: {  	v8 =	vadd.f32 v11, v8  }
0x21a: {  	v7 =	vperm.xlane v7, v1;
	v6 =	vadd.f32 v9, v6  }
0x21b: {  	v8 =	vperm.xlane v8, v1;
	_ =	sdelay $0x1  }
0x21c: {  	v7 =	vsel vm1, v7, v8  }
0x21d: {  	v6 =	vadd.f32 v6, v7;
	_ =	sdelay $0x1  }
0x21e: {  	[tilespmem:s0+$0xA4D0] =	vst v6  }
0x21f: {  	v6 =	vld [tilespmem:s31+$0xB0]  }
0x220: {  	v7 =	vld [tilespmem:s31+$0xA0];
	_ =	sdelay $0x3  }
0x221: {  	v6 =	vmul.f32 v6, v2  }
0x222: {  	v7 =	vmul.f32 v7, v2  }
0x223: {  	v8 =	vperm.xlane v6, v0  }
0x224: {  	v9 =	vperm.xlane v7, v0;
	v10 =	vld [tilespmem:s0+$0x2A60]  }
0x225: {  	v6 =	vadd.f32 v8, v6  }
0x226: {  	v7 =	vadd.f32 v9, v7;
	_ =	sdelay $0x1  }
0x227: {  	v6 =	vperm.xlane v6, v1;
	v7 =	vperm.xlane v7, v1  }
0x228: {  	v5 =	vadd.f32 v10, v5  }
0x229: {  	v6 =	vsel vm1, v7, v6  }
0x22a: {  	v5 =	vadd.f32 v5, v6;
	_ =	sdelay $0x1  }
0x22b: {  	[tilespmem:s0+$0xA4E0] =	vst v5  }
0x22c: {  	v5 =	vld [tilespmem:s31+$0xC0]  }
0x22d: {  	v6 =	vld [tilespmem:s31+$0xD0];
	_ =	sdelay $0x3  }
0x22e: {  	v5 =	vmul.f32 v5, v2  }
0x22f: {  	v6 =	vmul.f32 v6, v2  }
0x230: {  	v7 =	vperm.xlane v5, v0;
	v8 =	vld [tilespmem:s0+$0x2A70]  }
0x231: {  	v9 =	vperm.xlane v6, v0  }
0x232: {  	v5 =	vadd.f32 v7, v5  }
0x233: {  	v6 =	vadd.f32 v9, v6  }
.Ltmp0:
0x234: {  	v5 =	vperm.xlane v5, v1;
	(pc) =	sbr.rel @p0 .LBB2_3-.Ltmp0, $3  }
0x235: {  	v6 =	vperm.xlane v6, v1;
	v4 =	vadd.f32 v8, v4;
	_ =	sdelay $0x1  }
0x236: {  	v5 =	vsel vm1, v5, v6  }
0x237: {  	v4 =	vadd.f32 v4, v5  }
0x238: {  	_ = 	snop  }
0x239: {  	[tilespmem:s0+$0xA4F0] =	vst v4  }
0x23a: {  	v4 =	vld [tilespmem:s3+$0xE0]  }
0x23b: {  	v5 =	vld [tilespmem:s3+$0xF0];
	_ =	sdelay $0x4  }
0x23c: {  	v4 =	vmul.f32 v4, v2;
	v5 =	vmul.f32 v5, v2;
	_ =	sdelay $0x1  }
0x23d: {  	v6 =	vld [tilespmem:s0+$0x2A80];
	v7 =	vperm.xlane v4, v0;
	v8 =	vperm.xlane v5, v0;
	_ =	sdelay $0x1  }
0x23e: {  	v4 =	vadd.f32 v7, v4;
	v5 =	vadd.f32 v8, v5;
	_ =	sdelay $0x1  }
0x23f: {  	v4 =	vperm.xlane v4, v1;
	v5 =	vperm.xlane v5, v1  }
0x240: {  	v3 =	vadd.f32 v6, v3  }
0x241: {  	v4 =	vsel vm1, v4, v5  }
0x242: {  	s3 =	smul.u32 $0x28, s29;
	v3 =	vadd.f32 v3, v4;
	_ =	sdelay $0x1  }
0x243: {  	s4 =	simm.s32 $0xA500;
	s7 =	sadd.s32 s5, s3;
	[tilespmem:s0+$0xA500] =	vst v3  }
0x244: {  	[hbm4b:s7+s6] =	stream.linear.scatter [tilespmem:s4], [sflag:$0x2], $0x140, $0x38;
	[tilespmem:$0xCD20] =	vst v63  }
0x245: {  	s31 =	simm.s32 $0xA640;
	s30 =	sadd.s32 s3, s12  }
0x246: {  	[hbm4b:s30+s6] =	stream.linear.scatter [tilespmem:s31], [sflag:$0x2], $0x140, $0x38;
	[tilespmem:$0xCD20] =	vst v63  }
0x247: {  	s4 =	sadd.s32 s3, s13;
	s7 =	simm.s32 $0xA780  }
0x248: {  	[hbm4b:s4+s6] =	stream.linear.scatter [tilespmem:s7], [sflag:$0x2], $0x140, $0x38;
	[tilespmem:$0xCD20] =	vst v63  }
0x249: {  	s30 =	sadd.s32 s3, s14;
	s31 =	simm.s32 $0xA8C0  }
0x24a: {  	[hbm4b:s30+s6] =	stream.linear.scatter [tilespmem:s31], [sflag:$0x2], $0x140, $0x38;
	[tilespmem:$0xCD20] =	vst v63  }
0x24b: {  	s4 =	sadd.s32 s3, s15;
	s7 =	simm.s32 $0xAA00  }
0x24c: {  	[hbm4b:s4+s6] =	stream.linear.scatter [tilespmem:s7], [sflag:$0x2], $0x140, $0x38;
	[tilespmem:$0xCD20] =	vst v63  }
0x24d: {  	s30 =	sadd.s32 s3, s16;
	s31 =	simm.s32 $0xAB40  }
0x24e: {  	[hbm4b:s30+s6] =	stream.linear.scatter [tilespmem:s31], [sflag:$0x2], $0x140, $0x38;
	[tilespmem:$0xCD20] =	vst v63  }
0x24f: {  	s7 =	sadd.s32 s3, s17;
	s30 =	smul.u32 $0x140, s29;
	s31 =	simm.s32 $0xAC80  }
0x250: {  	[hbm4b:s7+s6] =	stream.linear.scatter [tilespmem:s31], [sflag:$0x2], $0x140, $0x38;
	[tilespmem:$0xCD20] =	vst v63  }
0x251: {  	s4 =	sshrl.u32 s30, $0x3  }
0x252: {  	s0 =	sadd.s32 s5, s4  }
0x253: {  	s29 =	simm.s32 $0xADC0;
	s7 =	sadd.s32 $0x118, s0  }
0x254: {  	[hbm4b:s7+s6] =	stream.linear.scatter [tilespmem:s29], [sflag:$0x2], $0x140, $0x38;
	[tilespmem:$0xCD20] =	vst v63  }
0x255: {  	s31 =	simm.s32 $0xAF00;
	s30 =	sadd.s32 $0x140, s0  }
0x256: {  	[hbm4b:s30+s6] =	stream.linear.scatter [tilespmem:s31], [sflag:$0x2], $0x140, $0x38;
	[tilespmem:$0xCD20] =	vst v63  }
0x257: {  	s7 =	sadd.s32 $0x168, s0;
	s29 =	simm.s32 $0xB040  }
0x258: {  	[hbm4b:s7+s6] =	stream.linear.scatter [tilespmem:s29], [sflag:$0x2], $0x140, $0x38;
	[tilespmem:$0xCD20] =	vst v63  }
0x259: {  	s30 =	sadd.s32 $0x190, s0;
	s31 =	simm.s32 $0xB180  }
0x25a: {  	[hbm4b:s30+s6] =	stream.linear.scatter [tilespmem:s31], [sflag:$0x2], $0x140, $0x38;
	[tilespmem:$0xCD20] =	vst v63  }
0x25b: {  	s7 =	sadd.s32 $0x1B8, s0;
	s29 =	simm.s32 $0xB2C0  }
0x25c: {  	[hbm4b:s7+s6] =	stream.linear.scatter [tilespmem:s29], [sflag:$0x2], $0x140, $0x38;
	[tilespmem:$0xCD20] =	vst v63  }
0x25d: {  	s30 =	sadd.s32 $0x1E0, s0;
	s31 =	simm.s32 $0xB400  }
0x25e: {  	[hbm4b:s30+s6] =	stream.linear.scatter [tilespmem:s31], [sflag:$0x2], $0x140, $0x38;
	[tilespmem:$0xCD20] =	vst v63  }
0x25f: {  	s7 =	sadd.s32 $0x208, s0;
	s29 =	simm.s32 $0xB540  }
0x260: {  	[hbm4b:s7+s6] =	stream.linear.scatter [tilespmem:s29], [sflag:$0x2], $0x140, $0x38;
	[tilespmem:$0xCD20] =	vst v63  }
0x261: {  	s30 =	sadd.s32 $0x230, s0;
	s31 =	simm.s32 $0xB680  }
0x262: {  	[hbm4b:s30+s6] =	stream.linear.scatter [tilespmem:s31], [sflag:$0x2], $0x140, $0x38;
	[tilespmem:$0xCD20] =	vst v63  }
0x263: {  	s7 =	sadd.s32 $0x258, s0;
	s29 =	simm.s32 $0xB7C0  }
0x264: {  	[hbm4b:s7+s6] =	stream.linear.scatter [tilespmem:s29], [sflag:$0x2], $0x140, $0x38;
	[tilespmem:$0xCD20] =	vst v63  }
0x265: {  	s30 =	sadd.s32 $0x280, s0;
	s31 =	simm.s32 $0xB900  }
0x266: {  	[hbm4b:s30+s6] =	stream.linear.scatter [tilespmem:s31], [sflag:$0x2], $0x140, $0x38;
	[tilespmem:$0xCD20] =	vst v63  }
0x267: {  	s7 =	sadd.s32 $0x2A8, s0;
	s29 =	simm.s32 $0xBA40  }
0x268: {  	[hbm4b:s7+s6] =	stream.linear.scatter [tilespmem:s29], [sflag:$0x2], $0x140, $0x38;
	[tilespmem:$0xCD20] =	vst v63  }
0x269: {  	s30 =	sadd.s32 $0x2D0, s0;
	s31 =	simm.s32 $0xBB80  }
0x26a: {  	[hbm4b:s30+s6] =	stream.linear.scatter [tilespmem:s31], [sflag:$0x2], $0x140, $0x38;
	[tilespmem:$0xCD20] =	vst v63  }
0x26b: {  	s7 =	sadd.s32 $0x2F8, s0;
	s29 =	simm.s32 $0xBCC0  }
0x26c: {  	[hbm4b:s7+s6] =	stream.linear.scatter [tilespmem:s29], [sflag:$0x2], $0x140, $0x38;
	[tilespmem:$0xCD20] =	vst v63  }
0x26d: {  	s30 =	sadd.s32 $0x320, s0;
	s31 =	simm.s32 $0xBE00  }
0x26e: {  	[hbm4b:s30+s6] =	stream.linear.scatter [tilespmem:s31], [sflag:$0x2], $0x140, $0x38;
	[tilespmem:$0xCD20] =	vst v63  }
0x26f: {  	s7 =	sadd.s32 $0x348, s0;
	s29 =	simm.s32 $0xBF40  }
0x270: {  	[hbm4b:s7+s6] =	stream.linear.scatter [tilespmem:s29], [sflag:$0x2], $0x140, $0x38;
	[tilespmem:$0xCD20] =	vst v63  }
0x271: {  	s30 =	sadd.s32 $0x370, s0;
	s31 =	simm.s32 $0xC080  }
0x272: {  	[hbm4b:s30+s6] =	stream.linear.scatter [tilespmem:s31], [sflag:$0x2], $0x140, $0x38;
	[tilespmem:$0xCD20] =	vst v63  }
0x273: {  	s7 =	sadd.s32 $0x398, s0;
	s29 =	simm.s32 $0xC1C0  }
0x274: {  	[hbm4b:s7+s6] =	stream.linear.scatter [tilespmem:s29], [sflag:$0x2], $0x140, $0x38;
	[tilespmem:$0xCD20] =	vst v63  }
0x275: {  	s30 =	sadd.s32 $0x3C0, s0;
	s31 =	simm.s32 $0xC300  }
0x276: {  	[hbm4b:s30+s6] =	stream.linear.scatter [tilespmem:s31], [sflag:$0x2], $0x140, $0x38;
	[tilespmem:$0xCD20] =	vst v63  }
0x277: {  	s7 =	sadd.s32 $0x3E8, s0;
	s29 =	simm.s32 $0xC440  }
0x278: {  	[hbm4b:s7+s6] =	stream.linear.scatter [tilespmem:s29], [sflag:$0x2], $0x140, $0x38;
	[tilespmem:$0xCD20] =	vst v63  }
0x279: {  	s30 =	sadd.s32 $0x410, s0;
	s31 =	simm.s32 $0xC580  }
0x27a: {  	[hbm4b:s30+s6] =	stream.linear.scatter [tilespmem:s31], [sflag:$0x2], $0x140, $0x38;
	[tilespmem:$0xCD20] =	vst v63  }
0x27b: {  	s4 =	sadd.s32 $0x438, s0;
	s7 =	simm.s32 $0xC6C0  }
0x27c: {  	[hbm4b:s4+s6] =	stream.linear.scatter [tilespmem:s7], [sflag:$0x2], $0x140, $0x38;
	[tilespmem:$0xCD20] =	vst v63  }
0x27d: {  	s29 =	sadd.s32 $0x460, s0  }
0x27e: {  	[hbm4b:s29+s6] =	stream.linear.scatter [tilespmem:s19], [sflag:$0x2], $0x140, $0x38;
	[tilespmem:$0xCD20] =	vst v63  }
0x27f: {  	s30 =	sadd.s32 $0x488, s0  }
0x280: {  	[hbm4b:s30+s6] =	stream.linear.scatter [tilespmem:s21], [sflag:$0x2], $0x140, $0x38;
	[tilespmem:$0xCD20] =	vst v63  }
0x281: {  	s31 =	sadd.s32 $0x4B0, s0  }
0x282: {  	[hbm4b:s31+s6] =	stream.linear.scatter [tilespmem:s18], [sflag:$0x2], $0x140, $0x38;
	[tilespmem:$0xCD20] =	vst v63  }
0x283: {  	s0 =	sadd.s32 $0x4D8, s0  }
0x284: {  	[hbm4b:s0+s6] =	stream.linear.scatter [tilespmem:s20], [sflag:$0x2], $0x140, $0x38;
	[tilespmem:$0xCD20] =	vst v63  }
0x285: {  	_ =	swait.ge [sflag:s1], $0x140  }
0x286: {  	[sflag:s1] =	ssyncset.done $0x0  }
0x287: {  	[sflag:s1] =	ssyncadd.s32 $0xFFFFFEC0  }
0x288: {  	_ =	swait.ge [sflag:s1], $0x140  }
0x289: {  	[sflag:s1] =	ssyncset.done $0x0  }
0x28a: {  	[sflag:s1] =	ssyncadd.s32 $0xFFFFFEC0  }
0x28b: {  	_ =	swait.ge [sflag:s1], $0x140  }
0x28c: {  	[sflag:s1] =	ssyncset.done $0x0  }
0x28d: {  	[sflag:s1] =	ssyncadd.s32 $0xFFFFFEC0  }
0x28e: {  	_ =	swait.ge [sflag:s1], $0x140  }
0x28f: {  	[sflag:s1] =	ssyncset.done $0x0  }
0x290: {  	[sflag:s1] =	ssyncadd.s32 $0xFFFFFEC0  }
0x291: {  	_ =	swait.ge [sflag:s1], $0x140  }
0x292: {  	[sflag:s1] =	ssyncset.done $0x0  }
0x293: {  	[sflag:s1] =	ssyncadd.s32 $0xFFFFFEC0  }
0x294: {  	_ =	swait.ge [sflag:s1], $0x140  }
0x295: {  	[sflag:s1] =	ssyncset.done $0x0  }
0x296: {  	[sflag:s1] =	ssyncadd.s32 $0xFFFFFEC0  }
0x297: {  	_ =	swait.ge [sflag:s1], $0x140  }
0x298: {  	[sflag:s1] =	ssyncset.done $0x0  }
0x299: {  	[sflag:s1] =	ssyncadd.s32 $0xFFFFFEC0  }
0x29a: {  	_ =	swait.ge [sflag:s1], $0x140  }
0x29b: {  	[sflag:s1] =	ssyncset.done $0x0  }
0x29c: {  	[sflag:s1] =	ssyncadd.s32 $0xFFFFFEC0  }
0x29d: {  	_ =	swait.ge [sflag:s1], $0x140  }
0x29e: {  	[sflag:s1] =	ssyncset.done $0x0  }
0x29f: {  	[sflag:s1] =	ssyncadd.s32 $0xFFFFFEC0  }
0x2a0: {  	_ =	swait.ge [sflag:s1], $0x140  }
0x2a1: {  	[sflag:s1] =	ssyncset.done $0x0  }
0x2a2: {  	[sflag:s1] =	ssyncadd.s32 $0xFFFFFEC0  }
0x2a3: {  	_ =	swait.ge [sflag:s1], $0x140  }
0x2a4: {  	[sflag:s1] =	ssyncset.done $0x0  }
0x2a5: {  	[sflag:s1] =	ssyncadd.s32 $0xFFFFFEC0  }
0x2a6: {  	_ =	swait.ge [sflag:s1], $0x140  }
0x2a7: {  	[sflag:s1] =	ssyncset.done $0x0  }
0x2a8: {  	[sflag:s1] =	ssyncadd.s32 $0xFFFFFEC0  }
0x2a9: {  	_ =	swait.ge [sflag:s1], $0x140  }
0x2aa: {  	[sflag:s1] =	ssyncset.done $0x0  }
0x2ab: {  	[sflag:s1] =	ssyncadd.s32 $0xFFFFFEC0  }
0x2ac: {  	_ =	swait.ge [sflag:s1], $0x140  }
0x2ad: {  	[sflag:s1] =	ssyncset.done $0x0  }
0x2ae: {  	[sflag:s1] =	ssyncadd.s32 $0xFFFFFEC0  }
0x2af: {  	_ =	swait.ge [sflag:s1], $0x140  }
0x2b0: {  	[sflag:s1] =	ssyncset.done $0x0  }
0x2b1: {  	[sflag:s1] =	ssyncadd.s32 $0xFFFFFEC0  }
0x2b2: {  	_ =	swait.ge [sflag:s1], $0x140  }
0x2b3: {  	[sflag:s1] =	ssyncset.done $0x0  }
0x2b4: {  	[sflag:s1] =	ssyncadd.s32 $0xFFFFFEC0  }
0x2b5: {  	_ =	swait.ge [sflag:s1], $0x140  }
0x2b6: {  	[sflag:s1] =	ssyncset.done $0x0  }
0x2b7: {  	[sflag:s1] =	ssyncadd.s32 $0xFFFFFEC0  }
0x2b8: {  	_ =	swait.ge [sflag:s1], $0x140  }
0x2b9: {  	[sflag:s1] =	ssyncset.done $0x0  }
0x2ba: {  	[sflag:s1] =	ssyncadd.s32 $0xFFFFFEC0  }
0x2bb: {  	_ =	swait.ge [sflag:s1], $0x140  }
0x2bc: {  	[sflag:s1] =	ssyncset.done $0x0  }
0x2bd: {  	[sflag:s1] =	ssyncadd.s32 $0xFFFFFEC0  }
0x2be: {  	_ =	swait.ge [sflag:s1], $0x140  }
0x2bf: {  	[sflag:s1] =	ssyncset.done $0x0  }
0x2c0: {  	[sflag:s1] =	ssyncadd.s32 $0xFFFFFEC0  }
0x2c1: {  	_ =	swait.ge [sflag:s1], $0x140  }
0x2c2: {  	[sflag:s1] =	ssyncset.done $0x0  }
0x2c3: {  	[sflag:s1] =	ssyncadd.s32 $0xFFFFFEC0  }
0x2c4: {  	_ =	swait.ge [sflag:s1], $0x140  }
0x2c5: {  	[sflag:s1] =	ssyncset.done $0x0  }
0x2c6: {  	[sflag:s1] =	ssyncadd.s32 $0xFFFFFEC0  }
0x2c7: {  	_ =	swait.ge [sflag:s1], $0x140  }
0x2c8: {  	[sflag:s1] =	ssyncset.done $0x0  }
0x2c9: {  	[sflag:s1] =	ssyncadd.s32 $0xFFFFFEC0  }
0x2ca: {  	_ =	swait.ge [sflag:s1], $0x140  }
0x2cb: {  	[sflag:s1] =	ssyncset.done $0x0  }
0x2cc: {  	[sflag:s1] =	ssyncadd.s32 $0xFFFFFEC0  }
0x2cd: {  	_ =	swait.ge [sflag:s1], $0x140  }
0x2ce: {  	[sflag:s1] =	ssyncset.done $0x0  }
0x2cf: {  	[sflag:s1] =	ssyncadd.s32 $0xFFFFFEC0  }
0x2d0: {  	_ =	swait.ge [sflag:s1], $0x140  }
0x2d1: {  	[sflag:s1] =	ssyncset.done $0x0  }
0x2d2: {  	[sflag:s1] =	ssyncadd.s32 $0xFFFFFEC0  }
0x2d3: {  	_ =	swait.ge [sflag:s1], $0x140  }
0x2d4: {  	[sflag:s1] =	ssyncset.done $0x0  }
0x2d5: {  	[sflag:s1] =	ssyncadd.s32 $0xFFFFFEC0  }
0x2d6: {  	_ =	swait.ge [sflag:s1], $0x140  }
0x2d7: {  	[sflag:s1] =	ssyncset.done $0x0  }
0x2d8: {  	[sflag:s1] =	ssyncadd.s32 $0xFFFFFEC0  }
0x2d9: {  	_ =	swait.ge [sflag:s1], $0x140  }
0x2da: {  	[sflag:s1] =	ssyncset.done $0x0  }
0x2db: {  	[sflag:s1] =	ssyncadd.s32 $0xFFFFFEC0  }
0x2dc: {  	_ =	swait.ge [sflag:s1], $0x140  }
0x2dd: {  	[sflag:s1] =	ssyncset.done $0x0  }
0x2de: {  	s28 =	sadd.s32 $0x1, s28;
	[sflag:s1] =	ssyncadd.s32 $0xFFFFFEC0  }
0x2df: {  	p0 =	sne.s32 s28, $0x10;
	_ =	swait.ge [sflag:s1], $0x140  }
.Ltmp1:
0x2e0: {  	[sflag:s1] =	ssyncset.done $0x0;
	(pc) =	sbr.rel @p0 .LBB2_2-.Ltmp1, $4  }
0x2e1: {  	[sflag:s1] =	ssyncadd.s32 $0xFFFFFEC0  }
0x2e2: {  	_ =	swait.ge [sflag:s1], $0x140  }
0x2e3: {  	[sflag:s1] =	ssyncset.done $0x0  }
0x2e4: {  	[sflag:s1] =	ssyncadd.s32 $0xFFFFFEC0  }
0x2e5: {  	s3 =	rddreg [dreg:$0x8]  }
0x2e6: {  	s0 =	rddreg [dreg:$0x7];
	s3 =	sadd.s32 $0x1, s3  }
0x2e7: {  	p0 =	sne.s32 s3, s0  }
.Ltmp2:
0x2e8: {  	_ = 	snop;
	(pc) =	sbr.rel @p0 .LBB2_1-.Ltmp2, $1  }
0x2e9: {  	_ =	sdelay $0x3  }
0x2ea: {  	_ =	sfence.sel $0x180000  }
0x2eb: {  	[bflag:$0x0] =	sbarrier.arrive $0xFFFF  }
0x2ec: {  	_ =	strace $0x90000047  }
0x2ed: {  	s0 =	stileid.u32;
	[bflag:$0x2] =	sbarrier.arrive $0xFFFF  }
0x2ee: {  	p0 =	sne.s32 s0, $0x0;
	s0 =	rddreg [dreg:$0x6]  }
0x2ef: {  	s0 =	sadd.s32 @!p0 $0x100000, s0  }
0x2f0: {  	[sflag:s0] =	ssyncadd.tile.s32 @!p0 $0x1;
	_ =	shalt  }
.Lfunc_end2:
_tile_overlayer_lowered:
.L_overlay_start_2:
0x2f1: {  	(tag) =	ssettag $0x2  }
0x2f2: {  	s0 =	rddreg [dreg:$0x0];
	s2 =	stileid.u32  }
0x2f3: {  	s1 =	rddreg [dreg:$0x1];
	p0 =	sne.s32 s2, $0x0  }
0x2f4: {  	s3 =	rddreg [dreg:$0x2];
	[bflag:$0x3] =	sbarrier.arrive $0xFFFF;
	s2 =	simm.s32 @!p0 $0x1C03  }
0x2f5: {  	[timem:s3], [sflag:s2] =	dma.local @!p0 [hbm:s0], s1  }
0x2f6: {  	s0 =	simm.s32 @!p0 $0x3  }
0x2f7: {  	_ =	swait.ge @!p0 [sflag:s0], s1  }
0x2f8: {  	s1 =	ssub.s32 @!p0 $0x0, s1;
	[sflag:s0] =	ssyncset.done @!p0 $0x0  }
0x2f9: {  	[sflag:s0] =	ssyncadd.s32 @!p0 s1  }
0x2fa: {  	[bflag:$0x3] =	sbarrier.arrive $0xFFFF  }
0x2fb: {  	_ =	shalt  }

</sc_bundles>
